<compile_context>
chip_gen: v7x
topology: tpu7x:2x2x1
jax: 0.10.2.dev20260603
libtpu: 0.0.44.dev20260713+nightly
codegen_flags: <defaults>
</compile_context>

<pallas_src>
import functools

import jax
import jax.numpy as jnp
from jax import lax
from jax.experimental import pallas as pl
from jax.experimental.pallas import tpu as pltpu
from jax.experimental.pallas import tpu_sc as plsc

N = 10000
D = 256
E = 160000
BM = 512
NP = 10240
NCORE = 2
NTILE = 16
RPT = NP // NTILE
CHUNK = 128
CHUNK_P = 64
E_PAD = 163840
NCH_DEG = E_PAD // (NCORE * NTILE * CHUNK)
NCH_PROP = E_PAD // (NTILE * CHUNK_P)
NCH_S = NCH_PROP // 2
HALF = D // 2


@functools.cache
def _sc_mesh():
    return plsc.VectorSubcoreMesh(
        core_axis_name="c", subcore_axis_name="s",
        num_cores=NCORE, num_subcores=NTILE)


def _deg_body(src_hbm, dst_hbm, z1_hbm, cnt_hbm, loop_hbm,
              srcv, dstv, onesv, lbuf, cnt_sh, loop_sh):
    c = lax.axis_index("c")
    s = lax.axis_index("s")
    t = c * NTILE + s
    pltpu.sync_copy(src_hbm.at[t // 2, pl.ds((t % 2) * NCH_DEG, NCH_DEG)], srcv)
    pltpu.sync_copy(dst_hbm.at[t // 2, pl.ds((t % 2) * NCH_DEG, NCH_DEG)], dstv)
    r0 = s * RPT
    pltpu.sync_copy(z1_hbm, cnt_sh.at[pl.ds(r0, RPT)])
    pltpu.sync_copy(z1_hbm, loop_sh.at[pl.ds(r0, RPT)])
    for k in range(CHUNK // 16):
        onesv[pl.ds(k * 16, 16)] = jnp.full((16,), 1.0, jnp.float32)
    plsc.subcore_barrier()

    @pl.loop(0, NCH_DEG)
    def _chunk(j):
        for k in range(CHUNK // 16):
            sv = srcv[j, pl.ds(k * 16, 16)]
            dv = dstv[j, pl.ds(k * 16, 16)]
            lbuf[pl.ds(k * 16, 16)] = jnp.where(sv == dv, 1.0, 0.0)
        pltpu.sync_copy(onesv, cnt_sh.at[dstv.at[j]], add=True)
        pltpu.sync_copy(lbuf, loop_sh.at[dstv.at[j]], add=True)

    plsc.subcore_barrier()
    pltpu.sync_copy(cnt_sh.at[pl.ds(r0, RPT)], cnt_hbm.at[c, pl.ds(r0, RPT)])
    pltpu.sync_copy(loop_sh.at[pl.ds(r0, RPT)], loop_hbm.at[c, pl.ds(r0, RPT)])


@functools.cache
def _deg_call():
    return pl.kernel(
        _deg_body,
        out_type=[jax.ShapeDtypeStruct((NCORE, NP), jnp.float32),
                  jax.ShapeDtypeStruct((NCORE, NP), jnp.float32)],
        mesh=_sc_mesh(),
        scratch_types=[
            pltpu.VMEM((NCH_DEG, CHUNK), jnp.int32),
            pltpu.VMEM((NCH_DEG, CHUNK), jnp.int32),
            pltpu.VMEM((CHUNK,), jnp.float32),
            pltpu.VMEM((CHUNK,), jnp.float32),
            pltpu.VMEM_SHARED((NP,), jnp.float32),
            pltpu.VMEM_SHARED((NP,), jnp.float32),
        ],
    )


def _prop_body(y_hbm, src_hbm, dst_hbm, z2_hbm, out_hbm,
               idxv, dstv, bufa, bufb, sema, semb, semi0, semi1, acc_sh):
    c = lax.axis_index("c")
    s = lax.axis_index("s")
    pltpu.sync_copy(src_hbm.at[s], idxv)
    r0 = s * RPT
    pltpu.sync_copy(z2_hbm, acc_sh.at[pl.ds(r0, RPT)])
    plsc.subcore_barrier()

    coff = c * HALF

    def _startg(g, buf, sem):
        pltpu.async_copy(
            y_hbm.at[idxv.at[g], pl.ds(coff, HALF)], buf, sem)

    def _waitg(g, buf, sem):
        pltpu.make_async_copy(
            y_hbm.at[idxv.at[g], pl.ds(coff, HALF)], buf, sem).wait()

    def _starti(g, p, sem):
        pltpu.async_copy(dst_hbm.at[s, g], dstv.at[p], sem)

    def _waiti(g, p, sem):
        pltpu.make_async_copy(dst_hbm.at[s, g], dstv.at[p], sem).wait()

    _starti(0, 0, semi0)
    _startg(0, bufa, sema)

    @pl.loop(0, NCH_S // 2)
    def _pair(gg):
        g0 = 2 * gg
        _starti(g0 + 1, 1, semi1)
        _startg(g0 + 1, bufb, semb)
        _waitg(g0, bufa, sema)
        _waiti(g0, 0, semi0)
        pltpu.sync_copy(bufa, acc_sh.at[dstv.at[0]], add=True)

        @pl.when(gg < NCH_S // 2 - 1)
        def _():
            _starti(g0 + 2, 0, semi0)
            _startg(g0 + 2, bufa, sema)

        _waitg(g0 + 1, bufb, semb)
        _waiti(g0 + 1, 1, semi1)
        pltpu.sync_copy(bufb, acc_sh.at[dstv.at[1]], add=True)

    plsc.subcore_barrier()
    pltpu.sync_copy(acc_sh.at[pl.ds(r0, RPT)], out_hbm.at[c, pl.ds(r0, RPT)])


@functools.cache
def _prop_call():
    return pl.kernel(
        _prop_body,
        out_type=jax.ShapeDtypeStruct((NCORE, NP, HALF), jnp.float32),
        mesh=_sc_mesh(),
        scratch_types=[
            pltpu.VMEM((NCH_S, 2 * CHUNK_P), jnp.int32),
            pltpu.VMEM((2, 2 * CHUNK_P), jnp.int32),
            pltpu.VMEM((2 * CHUNK_P, HALF), jnp.float32),
            pltpu.VMEM((2 * CHUNK_P, HALF), jnp.float32),
            pltpu.SemaphoreType.DMA,
            pltpu.SemaphoreType.DMA,
            pltpu.SemaphoreType.DMA,
            pltpu.SemaphoreType.DMA,
            pltpu.VMEM_SHARED((NP, HALF), jnp.float32),
        ],
    )


def _mm1_body(x_ref, w_ref, xw_ref):
    xw_ref[...] = jnp.dot(x_ref[...], w_ref[...],
                          preferred_element_type=jnp.float32)


def _scale_body(xw_ref, cnt_ref, loop_ref, eye_ref, y_ref, d_ref, dw_ref,
                di_ref):
    eye = eye_ref[...]
    cnt = lax.dot_general(eye, cnt_ref[0:1] + cnt_ref[1:2],
                          (((1,), (1,)), ((), ())),
                          preferred_element_type=jnp.float32)
    lc = lax.dot_general(eye, loop_ref[0:1] + loop_ref[1:2],
                         (((1,), (1,)), ((), ())),
                         preferred_element_type=jnp.float32)
    wl = jnp.where(lc == 0.0, 1.0, 0.0)
    deg = cnt + wl
    d = lax.rsqrt(deg)
    d_ref[...] = d
    dw_ref[...] = d * d * wl
    di_ref[...] = jnp.sqrt(deg)
    y_ref[...] = xw_ref[...] * d


def _mid_body(acc_ref, y1_ref, d_ref, dw_ref, di_ref, b_ref, w2_ref, y_ref):
    d = d_ref[...]
    agg = jnp.concatenate([acc_ref[0], acc_ref[1]], axis=1)
    xw = y1_ref[...] * di_ref[...]
    h = agg * d + xw * dw_ref[...] + b_ref[...]
    h = jnp.maximum(h, 0.0)
    hw = jnp.dot(h, w2_ref[...], preferred_element_type=jnp.float32)
    y_ref[...] = hw * d


def _final_body(acc_ref, y2_ref, d_ref, dw_ref, di_ref, b_ref, out_ref):
    agg = jnp.concatenate([acc_ref[0], acc_ref[1]], axis=1)
    o = (agg * d_ref[...]
         + (y2_ref[...] * di_ref[...]) * dw_ref[...] + b_ref[...])
    m = jnp.max(o, axis=1, keepdims=True)
    e = jnp.exp(o - m)
    out_ref[...] = e / jnp.sum(e, axis=1, keepdims=True)


_spec_rows = pl.BlockSpec((BM, D), lambda i: (i, 0))
_spec_w = pl.BlockSpec((D, D), lambda i: (0, 0))
_spec_hist = pl.BlockSpec((2, BM), lambda i: (0, i))
_spec_col = pl.BlockSpec((BM, 1), lambda i: (i, 0))
_spec_cat = pl.BlockSpec((2, BM, HALF), lambda i: (0, i, 0))
_spec_b = pl.BlockSpec((1, D), lambda i: (0, 0))
_spec_eye = pl.BlockSpec((BM, BM), lambda i: (0, 0))

_col_shape = jax.ShapeDtypeStruct((NP, 1), jnp.float32)

_mm1 = pl.pallas_call(
    _mm1_body,
    grid=(NP // BM,),
    in_specs=[_spec_rows, _spec_w],
    out_specs=_spec_rows,
    out_shape=jax.ShapeDtypeStruct((NP, D), jnp.float32),
)

_scale = pl.pallas_call(
    _scale_body,
    grid=(NP // BM,),
    in_specs=[_spec_rows, _spec_hist, _spec_hist, _spec_eye],
    out_specs=[_spec_rows, _spec_col, _spec_col, _spec_col],
    out_shape=[jax.ShapeDtypeStruct((NP, D), jnp.float32),
               _col_shape, _col_shape, _col_shape],
)

_mid = pl.pallas_call(
    _mid_body,
    grid=(NP // BM,),
    in_specs=[_spec_cat, _spec_rows, _spec_col, _spec_col, _spec_col,
              _spec_b, _spec_w],
    out_specs=_spec_rows,
    out_shape=jax.ShapeDtypeStruct((NP, D), jnp.float32),
)

_final = pl.pallas_call(
    _final_body,
    grid=(NP // BM,),
    in_specs=[_spec_cat, _spec_rows, _spec_col, _spec_col, _spec_col,
              _spec_b],
    out_specs=_spec_rows,
    out_shape=jax.ShapeDtypeStruct((N, D), jnp.float32),
)


@jax.jit
def kernel(x, edge_index, W1, b1, W2, b2):
    src = edge_index[0]
    dst = edge_index[1]
    npad = E_PAD - E
    padr = (jnp.arange(npad, dtype=jnp.int32) % (NP - N)) + N
    srcp = jnp.concatenate([src, padr])
    dstp = jnp.concatenate([dst, padr])
    src_prop = srcp.reshape(NTILE, NCH_S, 2 * CHUNK_P)
    dst_prop = dstp.reshape(NTILE, NCH_S, 2 * CHUNK_P)
    z1 = jnp.zeros((RPT,), jnp.float32)
    z2 = jnp.zeros((RPT, HALF), jnp.float32)

    cntp, loopp = _deg_call()(src_prop, dst_prop, z1)

    xw1 = _mm1(x, W1)
    y1, d3, dw3, di3 = _scale(xw1, cntp, loopp, jnp.eye(BM, dtype=jnp.float32))
    acc1 = _prop_call()(y1, src_prop, dst_prop, z2)
    y2 = _mid(acc1, y1, d3, dw3, di3, b1.reshape(1, D), W2)
    acc2 = _prop_call()(y2, src_prop, dst_prop, z2)
    return _final(acc2, y2, d3, dw3, di3, b2.reshape(1, D))

# --- scband reference (transcript-rebuilt; emitter-appended) ---
"""Pipeline reference for scband-my-gcn-36344013259389 (READ-ONLY COPY).

The authoritative reference and input builder live on the scoring server;
editing this copy changes nothing except your own understanding.
"""

import jax, jax.numpy as jnp
import numpy as np

N = 10000
E = 160000
D = 256
H = 256
O = 256


def glorot(key, shape):
    fan_in, fan_out = shape[0], shape[1]
    limit = np.sqrt(6.0 / (fan_in + fan_out))
    return jax.random.uniform(key, shape, dtype=jnp.float32, minval=-limit, maxval=limit)


def setup_inputs(seed: int = 0) -> dict:
    key = jax.random.key(seed)
    k1, k2, k3, k4 = jax.random.split(key, 4)
    x = jax.random.normal(k1, (N, D), dtype=jnp.float32)
    edge_index = jax.random.randint(k2, (2, E), 0, N, dtype=jnp.int32)
    W1 = glorot(k3, (D, H))
    b1 = jnp.zeros((H,), dtype=jnp.float32)
    W2 = glorot(k4, (H, O))
    b2 = jnp.zeros((O,), dtype=jnp.float32)
    return {"x": x, "edge_index": edge_index, "W1": W1, "b1": b1, "W2": W2, "b2": b2}


def gcn_conv(x, src, dst, W, b):
    # x = self.lin(x)
    x = x @ W
    n = x.shape[0]
    # add_remaining_self_loops: append a self loop only for nodes that lack one.
    # Static-shape equivalent: weight each appended loop by w_loop in {0,1}.
    is_loop = (src == dst).astype(jnp.float32)
    loop_cnt = jnp.zeros((n,), jnp.float32).at[dst].add(is_loop)
    w_loop = (loop_cnt == 0).astype(jnp.float32)
    # degree over dst (i) including the remaining self loops
    deg = jnp.zeros((n,), jnp.float32).at[dst].add(1.0) + w_loop
    deg_inv_sqrt = deg ** -0.5
    deg_inv_sqrt = jnp.where(jnp.isinf(deg_inv_sqrt), 0.0, deg_inv_sqrt)
    # message: x_j * (norm_j * norm_i); aggregate: scatter-add over dst
    norm = deg_inv_sqrt[src] * deg_inv_sqrt[dst]
    out = jnp.zeros_like(x).at[dst].add(x[src] * norm[:, None])
    # contributions of the appended self loops
    out = out + x * (deg_inv_sqrt * deg_inv_sqrt * w_loop)[:, None]
    return out + b


def reference(x, edge_index, W1, b1, W2, b2):
    # eval mode: dropout(p=0.6, training=False) is identity
    src = edge_index[0]
    dst = edge_index[1]
    h = gcn_conv(x, src, dst, W1, b1)
    h = jax.nn.relu(h)
    h = gcn_conv(h, src, dst, W2, b2)
    return jax.nn.softmax(h, axis=-1)

if __name__ == "__main__":
    import jax
    _d = setup_inputs()
    print(jax.jit(kernel)(*tuple(_d.values())))

</pallas_src>

<mosaic_0001>
#map = affine_map<(d0, d1) -> (0, 0)>
#map1 = affine_map<(d0, d1) -> (0, 0, 0)>
module attributes {stable_mosaic.version = 14 : i64} {
  func.func @_prop_body(%arg0: i32, %arg1: i32, %arg2: memref<10240x256xf32, #tpu.memory_space<hbm>>, %arg3: memref<16x80x128xi32, #tpu.memory_space<hbm>>, %arg4: memref<16x80x128xi32, #tpu.memory_space<hbm>>, %arg5: memref<640x128xf32, #tpu.memory_space<hbm>>, %arg6: memref<2x10240x128xf32, #tpu.memory_space<hbm>>, %arg7: memref<80x128xi32, #tpu.memory_space<vmem>>, %arg8: memref<2x128xi32, #tpu.memory_space<vmem>>, %arg9: memref<128x128xf32, #tpu.memory_space<vmem>>, %arg10: memref<128x128xf32, #tpu.memory_space<vmem>>, %arg11: memref<!tpu.dma_semaphore, #tpu.memory_space<semaphore_mem>>, %arg12: memref<!tpu.dma_semaphore, #tpu.memory_space<semaphore_mem>>, %arg13: memref<!tpu.dma_semaphore, #tpu.memory_space<semaphore_mem>>, %arg14: memref<!tpu.dma_semaphore, #tpu.memory_space<semaphore_mem>>, %arg15: memref<10240x128xf32, #tpu.memory_space<vmem_shared>>) attributes {dimension_semantics = [#tpu.dimension_semantics<core_parallel>, #tpu.dimension_semantics<subcore_parallel>], iteration_bounds = array<i64: 2, 16>, scalar_prefetch = 0 : i64, scratch_operands = 9 : i64, tpu.core_type = #tpu.core_type<sc_vector_subcore>, window_params = [{transform_indices = #map}, {transform_indices = #map1}, {transform_indices = #map1}, {transform_indices = #map}, {transform_indices = #map1}]} {
    "tpu.region"() ({
      %run_scoped3A = tpu.sem_alloc : memref<!tpu.dma_semaphore, #tpu.memory_space<semaphore_mem>>
      %dma_start3A_27 = arith.constant 0 : i32
      %dma_start3A_28 = arith.constant 0 : i32
      %dma_start3A_29 = tpu.memref_slice %arg3[%arg1, %dma_start3A_27, %dma_start3A_28] : memref<16x80x128xi32, #tpu.memory_space<hbm>> -> memref<1x80x128xi32, #tpu.memory_space<hbm>>
      %dma_start3A_30 = tpu.memref_squeeze %dma_start3A_29 : memref<1x80x128xi32, #tpu.memory_space<hbm>> -> memref<80x128xi32, #tpu.memory_space<hbm>>
      %dma_start3A_31 = arith.constant 0 : i32
      %dma_start3A_32 = arith.constant 0 : i32
      %dma_start3A_33 = tpu.memref_slice %arg3[%arg1, %dma_start3A_31, %dma_start3A_32] : memref<16x80x128xi32, #tpu.memory_space<hbm>> -> memref<1x80x128xi32, #tpu.memory_space<hbm>>
      %dma_start3A_34 = tpu.memref_squeeze %dma_start3A_33 : memref<1x80x128xi32, #tpu.memory_space<hbm>> -> memref<80x128xi32, #tpu.memory_space<hbm>>
      tpu.enqueue_dma source(%dma_start3A_34 : memref<80x128xi32, #tpu.memory_space<hbm>>) target(%arg7 : memref<80x128xi32, #tpu.memory_space<vmem>>) target_semaphore(%run_scoped3A : memref<!tpu.dma_semaphore, #tpu.memory_space<semaphore_mem>>)
      %dma_wait3A = arith.constant 0 : i32
      %dma_wait3A_35 = arith.constant 0 : i32
      %dma_wait3A_36 = tpu.memref_slice %arg3[%arg1, %dma_wait3A, %dma_wait3A_35] : memref<16x80x128xi32, #tpu.memory_space<hbm>> -> memref<1x80x128xi32, #tpu.memory_space<hbm>>
      %dma_wait3A_37 = tpu.memref_squeeze %dma_wait3A_36 : memref<1x80x128xi32, #tpu.memory_space<hbm>> -> memref<80x128xi32, #tpu.memory_space<hbm>>
      %dma_wait3A_38 = arith.constant 0 : i32
      %dma_wait3A_39 = arith.constant 0 : i32
      %dma_wait3A_40 = tpu.memref_slice %arg3[%arg1, %dma_wait3A_38, %dma_wait3A_39] : memref<16x80x128xi32, #tpu.memory_space<hbm>> -> memref<1x80x128xi32, #tpu.memory_space<hbm>>
      %dma_wait3A_41 = tpu.memref_squeeze %dma_wait3A_40 : memref<1x80x128xi32, #tpu.memory_space<hbm>> -> memref<80x128xi32, #tpu.memory_space<hbm>>
      tpu.wait_dma2 semaphore(%run_scoped3A : memref<!tpu.dma_semaphore, #tpu.memory_space<semaphore_mem>>) src(%dma_wait3A_41 : memref<80x128xi32, #tpu.memory_space<hbm>>) dst(%arg7 : memref<80x128xi32, #tpu.memory_space<vmem>>)
      tpu.yield
    }) : () -> ()
    %mul3A = arith.constant 640 : i32
    %mul3A_0 = arith.muli %arg1, %mul3A : i32
    "tpu.region"() ({
      %run_scoped3A = tpu.sem_alloc : memref<!tpu.dma_semaphore, #tpu.memory_space<semaphore_mem>>
      %dma_start3A_27 = arith.constant 0 : i32
      %dma_start3A_28 = tpu.memref_slice %arg15[%mul3A_0, %dma_start3A_27] : memref<10240x128xf32, #tpu.memory_space<vmem_shared>> -> memref<640x128xf32, #tpu.memory_space<vmem_shared>>
      tpu.enqueue_dma source(%arg5 : memref<640x128xf32, #tpu.memory_space<hbm>>) target(%dma_start3A_28 : memref<640x128xf32, #tpu.memory_space<vmem_shared>>) target_semaphore(%run_scoped3A : memref<!tpu.dma_semaphore, #tpu.memory_space<semaphore_mem>>)
      %dma_wait3A = arith.constant 0 : i32
      %dma_wait3A_29 = tpu.memref_slice %arg15[%mul3A_0, %dma_wait3A] : memref<10240x128xf32, #tpu.memory_space<vmem_shared>> -> memref<640x128xf32, #tpu.memory_space<vmem_shared>>
      tpu.wait_dma2 semaphore(%run_scoped3A : memref<!tpu.dma_semaphore, #tpu.memory_space<semaphore_mem>>) src(%arg5 : memref<640x128xf32, #tpu.memory_space<hbm>>) dst(%dma_wait3A_29 : memref<640x128xf32, #tpu.memory_space<vmem_shared>>)
      tpu.yield
    }) : () -> ()
    %barrier3A = arith.constant 0 : index
    tpu.barrier barrier_id(%barrier3A)
    %mul3A_1 = arith.constant 128 : i32
    %mul3A_2 = arith.muli %arg0, %mul3A_1 : i32
    %dma_start3A = arith.constant 0 : i32
    %dma_start3A_3 = arith.constant 0 : i32
    %dma_start3A_4 = arith.constant 0 : i32
    %dma_start3A_5 = tpu.memref_slice %arg8[%dma_start3A_3, %dma_start3A_4] : memref<2x128xi32, #tpu.memory_space<vmem>> -> memref<1x128xi32, #tpu.memory_space<vmem>>
    %dma_start3A_6 = tpu.memref_squeeze %dma_start3A_5 : memref<1x128xi32, #tpu.memory_space<vmem>> -> memref<128xi32, #tpu.memory_space<vmem>>
    %dma_start3A_7 = arith.constant 0 : i32
    %dma_start3A_8 = tpu.memref_slice %arg4[%arg1, %dma_start3A, %dma_start3A_7] : memref<16x80x128xi32, #tpu.memory_space<hbm>> -> memref<1x1x128xi32, #tpu.memory_space<hbm>>
    %dma_start3A_9 = tpu.memref_squeeze %dma_start3A_8 : memref<1x1x128xi32, #tpu.memory_space<hbm>> -> memref<128xi32, #tpu.memory_space<hbm>>
    %dma_start3A_10 = arith.constant 0 : i32
    %dma_start3A_11 = tpu.memref_slice %arg8[%dma_start3A_3, %dma_start3A_10] : memref<2x128xi32, #tpu.memory_space<vmem>> -> memref<1x128xi32, #tpu.memory_space<vmem>>
    %dma_start3A_12 = tpu.memref_squeeze %dma_start3A_11 : memref<1x128xi32, #tpu.memory_space<vmem>> -> memref<128xi32, #tpu.memory_space<vmem>>
    %dma_start3A_13 = arith.constant 0 : i32
    %dma_start3A_14 = tpu.memref_slice %arg4[%arg1, %dma_start3A, %dma_start3A_13] : memref<16x80x128xi32, #tpu.memory_space<hbm>> -> memref<1x1x128xi32, #tpu.memory_space<hbm>>
    %dma_start3A_15 = tpu.memref_squeeze %dma_start3A_14 : memref<1x1x128xi32, #tpu.memory_space<hbm>> -> memref<128xi32, #tpu.memory_space<hbm>>
    tpu.enqueue_dma source(%dma_start3A_15 : memref<128xi32, #tpu.memory_space<hbm>>) target(%dma_start3A_12 : memref<128xi32, #tpu.memory_space<vmem>>) target_semaphore(%arg13 : memref<!tpu.dma_semaphore, #tpu.memory_space<semaphore_mem>>)
    %dma_start3A_16 = arith.constant 0 : i32
    %dma_start3A_17 = arith.constant 0 : i32
    %dma_start3A_18 = tpu.memref_slice %arg7[%dma_start3A_16, %dma_start3A_17] : memref<80x128xi32, #tpu.memory_space<vmem>> -> memref<1x128xi32, #tpu.memory_space<vmem>>
    %dma_start3A_19 = tpu.memref_squeeze %dma_start3A_18 : memref<1x128xi32, #tpu.memory_space<vmem>> -> memref<128xi32, #tpu.memory_space<vmem>>
    %dma_start3A_20 = arith.constant 0 : i32
    %dma_start3A_21 = tpu.memref_slice %arg2[%dma_start3A_20, %mul3A_2] : memref<10240x256xf32, #tpu.memory_space<hbm>> -> memref<10240x128xf32, #tpu.memory_space<hbm>>
    tpu.enqueue_indirect_dma source(%dma_start3A_21 : memref<10240x128xf32, #tpu.memory_space<hbm>>) target(%arg9 : memref<128x128xf32, #tpu.memory_space<vmem>>) offsets(%dma_start3A_19 : memref<128xi32, #tpu.memory_space<vmem>>) semaphore(%arg11 : memref<!tpu.dma_semaphore, #tpu.memory_space<semaphore_mem>>)
    %scan3A = arith.constant 0 : i32
    %scan3A_22 = arith.constant 40 : i32
    %scan3A_23 = arith.addi %scan3A, %scan3A_22 : i32
    %scan3A_24 = arith.constant 1 : i32
    scf.for %scan3A_27 = %scan3A to %scan3A_23 step %scan3A_24  : i32 {
      %mul3A_28 = arith.constant 1 : i32
      %mul3A_29 = arith.muli %scan3A_27, %mul3A_28 : i32
      %add3A = arith.constant 0 : i32
      %add3A_30 = arith.addi %add3A, %mul3A_29 : i32
      %mul3A_31 = arith.constant 2 : i32
      %mul3A_32 = arith.muli %mul3A_31, %add3A_30 : i32
      %add3A_33 = arith.constant 1 : i32
      %add3A_34 = arith.addi %mul3A_32, %add3A_33 : i32
      %dma_start3A_35 = arith.constant 1 : i32
      %dma_start3A_36 = arith.constant 0 : i32
      %dma_start3A_37 = tpu.memref_slice %arg8[%dma_start3A_35, %dma_start3A_36] : memref<2x128xi32, #tpu.memory_space<vmem>> -> memref<1x128xi32, #tpu.memory_space<vmem>>
      %dma_start3A_38 = tpu.memref_squeeze %dma_start3A_37 : memref<1x128xi32, #tpu.memory_space<vmem>> -> memref<128xi32, #tpu.memory_space<vmem>>
      %dma_start3A_39 = arith.constant 0 : i32
      %dma_start3A_40 = tpu.memref_slice %arg4[%arg1, %add3A_34, %dma_start3A_39] : memref<16x80x128xi32, #tpu.memory_space<hbm>> -> memref<1x1x128xi32, #tpu.memory_space<hbm>>
      %dma_start3A_41 = tpu.memref_squeeze %dma_start3A_40 : memref<1x1x128xi32, #tpu.memory_space<hbm>> -> memref<128xi32, #tpu.memory_space<hbm>>
      %dma_start3A_42 = arith.constant 0 : i32
      %dma_start3A_43 = tpu.memref_slice %arg8[%dma_start3A_35, %dma_start3A_42] : memref<2x128xi32, #tpu.memory_space<vmem>> -> memref<1x128xi32, #tpu.memory_space<vmem>>
      %dma_start3A_44 = tpu.memref_squeeze %dma_start3A_43 : memref<1x128xi32, #tpu.memory_space<vmem>> -> memref<128xi32, #tpu.memory_space<vmem>>
      %dma_start3A_45 = arith.constant 0 : i32
      %dma_start3A_46 = tpu.memref_slice %arg4[%arg1, %add3A_34, %dma_start3A_45] : memref<16x80x128xi32, #tpu.memory_space<hbm>> -> memref<1x1x128xi32, #tpu.memory_space<hbm>>
      %dma_start3A_47 = tpu.memref_squeeze %dma_start3A_46 : memref<1x1x128xi32, #tpu.memory_space<hbm>> -> memref<128xi32, #tpu.memory_space<hbm>>
      tpu.enqueue_dma source(%dma_start3A_47 : memref<128xi32, #tpu.memory_space<hbm>>) target(%dma_start3A_44 : memref<128xi32, #tpu.memory_space<vmem>>) target_semaphore(%arg14 : memref<!tpu.dma_semaphore, #tpu.memory_space<semaphore_mem>>)
      %add3A_48 = arith.constant 1 : i32
      %add3A_49 = arith.addi %mul3A_32, %add3A_48 : i32
      %dma_start3A_50 = arith.constant 0 : i32
      %dma_start3A_51 = tpu.memref_slice %arg7[%add3A_49, %dma_start3A_50] : memref<80x128xi32, #tpu.memory_space<vmem>> -> memref<1x128xi32, #tpu.memory_space<vmem>>
      %dma_start3A_52 = tpu.memref_squeeze %dma_start3A_51 : memref<1x128xi32, #tpu.memory_space<vmem>> -> memref<128xi32, #tpu.memory_space<vmem>>
      %dma_start3A_53 = arith.constant 0 : i32
      %dma_start3A_54 = tpu.memref_slice %arg2[%dma_start3A_53, %mul3A_2] : memref<10240x256xf32, #tpu.memory_space<hbm>> -> memref<10240x128xf32, #tpu.memory_space<hbm>>
      tpu.enqueue_indirect_dma source(%dma_start3A_54 : memref<10240x128xf32, #tpu.memory_space<hbm>>) target(%arg10 : memref<128x128xf32, #tpu.memory_space<vmem>>) offsets(%dma_start3A_52 : memref<128xi32, #tpu.memory_space<vmem>>) semaphore(%arg12 : memref<!tpu.dma_semaphore, #tpu.memory_space<semaphore_mem>>)
      %dma_wait3A = arith.constant 0 : i32
      %dma_wait3A_55 = tpu.memref_slice %arg7[%mul3A_32, %dma_wait3A] : memref<80x128xi32, #tpu.memory_space<vmem>> -> memref<1x128xi32, #tpu.memory_space<vmem>>
      %dma_wait3A_56 = tpu.memref_squeeze %dma_wait3A_55 : memref<1x128xi32, #tpu.memory_space<vmem>> -> memref<128xi32, #tpu.memory_space<vmem>>
      %dma_wait3A_57 = arith.constant 0 : i32
      %dma_wait3A_58 = tpu.memref_slice %arg2[%dma_wait3A_57, %mul3A_2] : memref<10240x256xf32, #tpu.memory_space<hbm>> -> memref<10240x128xf32, #tpu.memory_space<hbm>>
      tpu.wait_indirect_dma semaphore(%arg11 : memref<!tpu.dma_semaphore, #tpu.memory_space<semaphore_mem>>) src(%dma_wait3A_58 : memref<10240x128xf32, #tpu.memory_space<hbm>>) dst(%arg9 : memref<128x128xf32, #tpu.memory_space<vmem>>)
      %dma_wait3A_59 = arith.constant 0 : i32
      %dma_wait3A_60 = arith.constant 0 : i32
      %dma_wait3A_61 = tpu.memref_slice %arg8[%dma_wait3A_59, %dma_wait3A_60] : memref<2x128xi32, #tpu.memory_space<vmem>> -> memref<1x128xi32, #tpu.memory_space<vmem>>
      %dma_wait3A_62 = tpu.memref_squeeze %dma_wait3A_61 : memref<1x128xi32, #tpu.memory_space<vmem>> -> memref<128xi32, #tpu.memory_space<vmem>>
      %dma_wait3A_63 = arith.constant 0 : i32
      %dma_wait3A_64 = tpu.memref_slice %arg4[%arg1, %mul3A_32, %dma_wait3A_63] : memref<16x80x128xi32, #tpu.memory_space<hbm>> -> memref<1x1x128xi32, #tpu.memory_space<hbm>>
      %dma_wait3A_65 = tpu.memref_squeeze %dma_wait3A_64 : memref<1x1x128xi32, #tpu.memory_space<hbm>> -> memref<128xi32, #tpu.memory_space<hbm>>
      %dma_wait3A_66 = arith.constant 0 : i32
      %dma_wait3A_67 = tpu.memref_slice %arg8[%dma_wait3A_59, %dma_wait3A_66] : memref<2x128xi32, #tpu.memory_space<vmem>> -> memref<1x128xi32, #tpu.memory_space<vmem>>
      %dma_wait3A_68 = tpu.memref_squeeze %dma_wait3A_67 : memref<1x128xi32, #tpu.memory_space<vmem>> -> memref<128xi32, #tpu.memory_space<vmem>>
      %dma_wait3A_69 = arith.constant 0 : i32
      %dma_wait3A_70 = tpu.memref_slice %arg4[%arg1, %mul3A_32, %dma_wait3A_69] : memref<16x80x128xi32, #tpu.memory_space<hbm>> -> memref<1x1x128xi32, #tpu.memory_space<hbm>>
      %dma_wait3A_71 = tpu.memref_squeeze %dma_wait3A_70 : memref<1x1x128xi32, #tpu.memory_space<hbm>> -> memref<128xi32, #tpu.memory_space<hbm>>
      tpu.wait_dma2 semaphore(%arg13 : memref<!tpu.dma_semaphore, #tpu.memory_space<semaphore_mem>>) src(%dma_wait3A_71 : memref<128xi32, #tpu.memory_space<hbm>>) dst(%dma_wait3A_68 : memref<128xi32, #tpu.memory_space<vmem>>)
      %run_scoped3A = arith.constant 0 : i32
      "tpu.region"() ({
        %run_scoped3A_97 = tpu.sem_alloc : memref<!tpu.dma_semaphore, #tpu.memory_space<semaphore_mem>>
        %dma_start3A_98 = arith.constant 0 : i32
        %dma_start3A_99 = tpu.memref_slice %arg8[%run_scoped3A, %dma_start3A_98] : memref<2x128xi32, #tpu.memory_space<vmem>> -> memref<1x128xi32, #tpu.memory_space<vmem>>
        %dma_start3A_100 = tpu.memref_squeeze %dma_start3A_99 : memref<1x128xi32, #tpu.memory_space<vmem>> -> memref<128xi32, #tpu.memory_space<vmem>>
        %dma_start3A_101 = arith.constant 0 : i32
        %dma_start3A_102 = arith.constant 0 : i32
        %dma_start3A_103 = tpu.memref_slice %arg15[%dma_start3A_101, %dma_start3A_102] : memref<10240x128xf32, #tpu.memory_space<vmem_shared>> -> memref<10240x128xf32, #tpu.memory_space<vmem_shared>>
        tpu.enqueue_indirect_dma source(%arg9 : memref<128x128xf32, #tpu.memory_space<vmem>>) target(%dma_start3A_103 : memref<10240x128xf32, #tpu.memory_space<vmem_shared>>) offsets(%dma_start3A_100 : memref<128xi32, #tpu.memory_space<vmem>>) semaphore(%run_scoped3A_97 : memref<!tpu.dma_semaphore, #tpu.memory_space<semaphore_mem>>) {add = true}
        %dma_wait3A_104 = arith.constant 0 : i32
        %dma_wait3A_105 = tpu.memref_slice %arg8[%run_scoped3A, %dma_wait3A_104] : memref<2x128xi32, #tpu.memory_space<vmem>> -> memref<1x128xi32, #tpu.memory_space<vmem>>
        %dma_wait3A_106 = tpu.memref_squeeze %dma_wait3A_105 : memref<1x128xi32, #tpu.memory_space<vmem>> -> memref<128xi32, #tpu.memory_space<vmem>>
        %dma_wait3A_107 = arith.constant 0 : i32
        %dma_wait3A_108 = arith.constant 0 : i32
        %dma_wait3A_109 = tpu.memref_slice %arg15[%dma_wait3A_107, %dma_wait3A_108] : memref<10240x128xf32, #tpu.memory_space<vmem_shared>> -> memref<10240x128xf32, #tpu.memory_space<vmem_shared>>
        tpu.wait_indirect_dma semaphore(%run_scoped3A_97 : memref<!tpu.dma_semaphore, #tpu.memory_space<semaphore_mem>>) src(%arg9 : memref<128x128xf32, #tpu.memory_space<vmem>>) dst(%dma_wait3A_109 : memref<10240x128xf32, #tpu.memory_space<vmem_shared>>)
        tpu.yield
      }) : () -> ()
      %lt3A = arith.constant 39 : i32
      %lt3A_72 = arith.cmpi slt, %add3A_30, %lt3A : i32
      %convert_element_type3A = arith.extui %lt3A_72 : i1 to i32
      %cond3A = arith.constant 0 : i32
      %cond3A_73 = arith.cmpi ne, %convert_element_type3A, %cond3A : i32
      scf.if %cond3A_73 {
        %add3A_97 = arith.constant 2 : i32
        %add3A_98 = arith.addi %mul3A_32, %add3A_97 : i32
        %dma_start3A_99 = arith.constant 0 : i32
        %dma_start3A_100 = arith.constant 0 : i32
        %dma_start3A_101 = tpu.memref_slice %arg8[%dma_start3A_99, %dma_start3A_100] : memref<2x128xi32, #tpu.memory_space<vmem>> -> memref<1x128xi32, #tpu.memory_space<vmem>>
        %dma_start3A_102 = tpu.memref_squeeze %dma_start3A_101 : memref<1x128xi32, #tpu.memory_space<vmem>> -> memref<128xi32, #tpu.memory_space<vmem>>
        %dma_start3A_103 = arith.constant 0 : i32
        %dma_start3A_104 = tpu.memref_slice %arg4[%arg1, %add3A_98, %dma_start3A_103] : memref<16x80x128xi32, #tpu.memory_space<hbm>> -> memref<1x1x128xi32, #tpu.memory_space<hbm>>
        %dma_start3A_105 = tpu.memref_squeeze %dma_start3A_104 : memref<1x1x128xi32, #tpu.memory_space<hbm>> -> memref<128xi32, #tpu.memory_space<hbm>>
        %dma_start3A_106 = arith.constant 0 : i32
        %dma_start3A_107 = tpu.memref_slice %arg8[%dma_start3A_99, %dma_start3A_106] : memref<2x128xi32, #tpu.memory_space<vmem>> -> memref<1x128xi32, #tpu.memory_space<vmem>>
        %dma_start3A_108 = tpu.memref_squeeze %dma_start3A_107 : memref<1x128xi32, #tpu.memory_space<vmem>> -> memref<128xi32, #tpu.memory_space<vmem>>
        %dma_start3A_109 = arith.constant 0 : i32
        %dma_start3A_110 = tpu.memref_slice %arg4[%arg1, %add3A_98, %dma_start3A_109] : memref<16x80x128xi32, #tpu.memory_space<hbm>> -> memref<1x1x128xi32, #tpu.memory_space<hbm>>
        %dma_start3A_111 = tpu.memref_squeeze %dma_start3A_110 : memref<1x1x128xi32, #tpu.memory_space<hbm>> -> memref<128xi32, #tpu.memory_space<hbm>>
        tpu.enqueue_dma source(%dma_start3A_111 : memref<128xi32, #tpu.memory_space<hbm>>) target(%dma_start3A_108 : memref<128xi32, #tpu.memory_space<vmem>>) target_semaphore(%arg13 : memref<!tpu.dma_semaphore, #tpu.memory_space<semaphore_mem>>)
        %add3A_112 = arith.constant 2 : i32
        %add3A_113 = arith.addi %mul3A_32, %add3A_112 : i32
        %dma_start3A_114 = arith.constant 0 : i32
        %dma_start3A_115 = tpu.memref_slice %arg7[%add3A_113, %dma_start3A_114] : memref<80x128xi32, #tpu.memory_space<vmem>> -> memref<1x128xi32, #tpu.memory_space<vmem>>
        %dma_start3A_116 = tpu.memref_squeeze %dma_start3A_115 : memref<1x128xi32, #tpu.memory_space<vmem>> -> memref<128xi32, #tpu.memory_space<vmem>>
        %dma_start3A_117 = arith.constant 0 : i32
        %dma_start3A_118 = tpu.memref_slice %arg2[%dma_start3A_117, %mul3A_2] : memref<10240x256xf32, #tpu.memory_space<hbm>> -> memref<10240x128xf32, #tpu.memory_space<hbm>>
        tpu.enqueue_indirect_dma source(%dma_start3A_118 : memref<10240x128xf32, #tpu.memory_space<hbm>>) target(%arg9 : memref<128x128xf32, #tpu.memory_space<vmem>>) offsets(%dma_start3A_116 : memref<128xi32, #tpu.memory_space<vmem>>) semaphore(%arg11 : memref<!tpu.dma_semaphore, #tpu.memory_space<semaphore_mem>>)
      } else {
      }
      %add3A_74 = arith.constant 1 : i32
      %add3A_75 = arith.addi %mul3A_32, %add3A_74 : i32
      %dma_wait3A_76 = arith.constant 0 : i32
      %dma_wait3A_77 = tpu.memref_slice %arg7[%add3A_75, %dma_wait3A_76] : memref<80x128xi32, #tpu.memory_space<vmem>> -> memref<1x128xi32, #tpu.memory_space<vmem>>
      %dma_wait3A_78 = tpu.memref_squeeze %dma_wait3A_77 : memref<1x128xi32, #tpu.memory_space<vmem>> -> memref<128xi32, #tpu.memory_space<vmem>>
      %dma_wait3A_79 = arith.constant 0 : i32
      %dma_wait3A_80 = tpu.memref_slice %arg2[%dma_wait3A_79, %mul3A_2] : memref<10240x256xf32, #tpu.memory_space<hbm>> -> memref<10240x128xf32, #tpu.memory_space<hbm>>
      tpu.wait_indirect_dma semaphore(%arg12 : memref<!tpu.dma_semaphore, #tpu.memory_space<semaphore_mem>>) src(%dma_wait3A_80 : memref<10240x128xf32, #tpu.memory_space<hbm>>) dst(%arg10 : memref<128x128xf32, #tpu.memory_space<vmem>>)
      %add3A_81 = arith.constant 1 : i32
      %add3A_82 = arith.addi %mul3A_32, %add3A_81 : i32
      %dma_wait3A_83 = arith.constant 1 : i32
      %dma_wait3A_84 = arith.constant 0 : i32
      %dma_wait3A_85 = tpu.memref_slice %arg8[%dma_wait3A_83, %dma_wait3A_84] : memref<2x128xi32, #tpu.memory_space<vmem>> -> memref<1x128xi32, #tpu.memory_space<vmem>>
      %dma_wait3A_86 = tpu.memref_squeeze %dma_wait3A_85 : memref<1x128xi32, #tpu.memory_space<vmem>> -> memref<128xi32, #tpu.memory_space<vmem>>
      %dma_wait3A_87 = arith.constant 0 : i32
      %dma_wait3A_88 = tpu.memref_slice %arg4[%arg1, %add3A_82, %dma_wait3A_87] : memref<16x80x128xi32, #tpu.memory_space<hbm>> -> memref<1x1x128xi32, #tpu.memory_space<hbm>>
      %dma_wait3A_89 = tpu.memref_squeeze %dma_wait3A_88 : memref<1x1x128xi32, #tpu.memory_space<hbm>> -> memref<128xi32, #tpu.memory_space<hbm>>
      %dma_wait3A_90 = arith.constant 0 : i32
      %dma_wait3A_91 = tpu.memref_slice %arg8[%dma_wait3A_83, %dma_wait3A_90] : memref<2x128xi32, #tpu.memory_space<vmem>> -> memref<1x128xi32, #tpu.memory_space<vmem>>
      %dma_wait3A_92 = tpu.memref_squeeze %dma_wait3A_91 : memref<1x128xi32, #tpu.memory_space<vmem>> -> memref<128xi32, #tpu.memory_space<vmem>>
      %dma_wait3A_93 = arith.constant 0 : i32
      %dma_wait3A_94 = tpu.memref_slice %arg4[%arg1, %add3A_82, %dma_wait3A_93] : memref<16x80x128xi32, #tpu.memory_space<hbm>> -> memref<1x1x128xi32, #tpu.memory_space<hbm>>
      %dma_wait3A_95 = tpu.memref_squeeze %dma_wait3A_94 : memref<1x1x128xi32, #tpu.memory_space<hbm>> -> memref<128xi32, #tpu.memory_space<hbm>>
      tpu.wait_dma2 semaphore(%arg14 : memref<!tpu.dma_semaphore, #tpu.memory_space<semaphore_mem>>) src(%dma_wait3A_95 : memref<128xi32, #tpu.memory_space<hbm>>) dst(%dma_wait3A_92 : memref<128xi32, #tpu.memory_space<vmem>>)
      %run_scoped3A_96 = arith.constant 1 : i32
      "tpu.region"() ({
        %run_scoped3A_97 = tpu.sem_alloc : memref<!tpu.dma_semaphore, #tpu.memory_space<semaphore_mem>>
        %dma_start3A_98 = arith.constant 0 : i32
        %dma_start3A_99 = tpu.memref_slice %arg8[%run_scoped3A_96, %dma_start3A_98] : memref<2x128xi32, #tpu.memory_space<vmem>> -> memref<1x128xi32, #tpu.memory_space<vmem>>
        %dma_start3A_100 = tpu.memref_squeeze %dma_start3A_99 : memref<1x128xi32, #tpu.memory_space<vmem>> -> memref<128xi32, #tpu.memory_space<vmem>>
        %dma_start3A_101 = arith.constant 0 : i32
        %dma_start3A_102 = arith.constant 0 : i32
        %dma_start3A_103 = tpu.memref_slice %arg15[%dma_start3A_101, %dma_start3A_102] : memref<10240x128xf32, #tpu.memory_space<vmem_shared>> -> memref<10240x128xf32, #tpu.memory_space<vmem_shared>>
        tpu.enqueue_indirect_dma source(%arg10 : memref<128x128xf32, #tpu.memory_space<vmem>>) target(%dma_start3A_103 : memref<10240x128xf32, #tpu.memory_space<vmem_shared>>) offsets(%dma_start3A_100 : memref<128xi32, #tpu.memory_space<vmem>>) semaphore(%run_scoped3A_97 : memref<!tpu.dma_semaphore, #tpu.memory_space<semaphore_mem>>) {add = true}
        %dma_wait3A_104 = arith.constant 0 : i32
        %dma_wait3A_105 = tpu.memref_slice %arg8[%run_scoped3A_96, %dma_wait3A_104] : memref<2x128xi32, #tpu.memory_space<vmem>> -> memref<1x128xi32, #tpu.memory_space<vmem>>
        %dma_wait3A_106 = tpu.memref_squeeze %dma_wait3A_105 : memref<1x128xi32, #tpu.memory_space<vmem>> -> memref<128xi32, #tpu.memory_space<vmem>>
        %dma_wait3A_107 = arith.constant 0 : i32
        %dma_wait3A_108 = arith.constant 0 : i32
        %dma_wait3A_109 = tpu.memref_slice %arg15[%dma_wait3A_107, %dma_wait3A_108] : memref<10240x128xf32, #tpu.memory_space<vmem_shared>> -> memref<10240x128xf32, #tpu.memory_space<vmem_shared>>
        tpu.wait_indirect_dma semaphore(%run_scoped3A_97 : memref<!tpu.dma_semaphore, #tpu.memory_space<semaphore_mem>>) src(%arg10 : memref<128x128xf32, #tpu.memory_space<vmem>>) dst(%dma_wait3A_109 : memref<10240x128xf32, #tpu.memory_space<vmem_shared>>)
        tpu.yield
      }) : () -> ()
    }
    %scan3A_25 = arith.constant 40 : i32
    %barrier3A_26 = arith.constant 0 : index
    tpu.barrier barrier_id(%barrier3A_26)
    "tpu.region"() ({
      %run_scoped3A = tpu.sem_alloc : memref<!tpu.dma_semaphore, #tpu.memory_space<semaphore_mem>>
      %dma_start3A_27 = arith.constant 0 : i32
      %dma_start3A_28 = tpu.memref_slice %arg6[%arg0, %mul3A_0, %dma_start3A_27] : memref<2x10240x128xf32, #tpu.memory_space<hbm>> -> memref<1x640x128xf32, #tpu.memory_space<hbm>>
      %dma_start3A_29 = tpu.memref_squeeze %dma_start3A_28 : memref<1x640x128xf32, #tpu.memory_space<hbm>> -> memref<640x128xf32, #tpu.memory_space<hbm>>
      %dma_start3A_30 = arith.constant 0 : i32
      %dma_start3A_31 = tpu.memref_slice %arg15[%mul3A_0, %dma_start3A_30] : memref<10240x128xf32, #tpu.memory_space<vmem_shared>> -> memref<640x128xf32, #tpu.memory_space<vmem_shared>>
      tpu.enqueue_dma source(%dma_start3A_31 : memref<640x128xf32, #tpu.memory_space<vmem_shared>>) target(%dma_start3A_29 : memref<640x128xf32, #tpu.memory_space<hbm>>) target_semaphore(%run_scoped3A : memref<!tpu.dma_semaphore, #tpu.memory_space<semaphore_mem>>)
      %dma_wait3A = arith.constant 0 : i32
      %dma_wait3A_32 = tpu.memref_slice %arg6[%arg0, %mul3A_0, %dma_wait3A] : memref<2x10240x128xf32, #tpu.memory_space<hbm>> -> memref<1x640x128xf32, #tpu.memory_space<hbm>>
      %dma_wait3A_33 = tpu.memref_squeeze %dma_wait3A_32 : memref<1x640x128xf32, #tpu.memory_space<hbm>> -> memref<640x128xf32, #tpu.memory_space<hbm>>
      %dma_wait3A_34 = arith.constant 0 : i32
      %dma_wait3A_35 = tpu.memref_slice %arg15[%mul3A_0, %dma_wait3A_34] : memref<10240x128xf32, #tpu.memory_space<vmem_shared>> -> memref<640x128xf32, #tpu.memory_space<vmem_shared>>
      tpu.wait_dma2 semaphore(%run_scoped3A : memref<!tpu.dma_semaphore, #tpu.memory_space<semaphore_mem>>) src(%dma_wait3A_35 : memref<640x128xf32, #tpu.memory_space<vmem_shared>>) dst(%dma_wait3A_33 : memref<640x128xf32, #tpu.memory_space<hbm>>)
      tpu.yield
    }) : () -> ()
    return
  }
}

#map = affine_map<(d0, d1) -> (0, 0, 0)>
#map1 = affine_map<(d0, d1) -> (0)>
#map2 = affine_map<(d0, d1) -> (0, 0)>
module attributes {stable_mosaic.version = 14 : i64} {
  func.func @_deg_body(%arg0: i32, %arg1: i32, %arg2: memref<16x80x128xi32, #tpu.memory_space<hbm>>, %arg3: memref<16x80x128xi32, #tpu.memory_space<hbm>>, %arg4: memref<640xf32, #tpu.memory_space<hbm>>, %arg5: memref<2x10240xf32, #tpu.memory_space<hbm>>, %arg6: memref<2x10240xf32, #tpu.memory_space<hbm>>, %arg7: memref<40x128xi32, #tpu.memory_space<vmem>>, %arg8: memref<40x128xi32, #tpu.memory_space<vmem>>, %arg9: memref<128xf32, #tpu.memory_space<vmem>>, %arg10: memref<128xf32, #tpu.memory_space<vmem>>, %arg11: memref<10240xf32, #tpu.memory_space<vmem_shared>>, %arg12: memref<10240xf32, #tpu.memory_space<vmem_shared>>) attributes {dimension_semantics = [#tpu.dimension_semantics<core_parallel>, #tpu.dimension_semantics<subcore_parallel>], iteration_bounds = array<i64: 2, 16>, scalar_prefetch = 0 : i64, scratch_operands = 6 : i64, tpu.core_type = #tpu.core_type<sc_vector_subcore>, window_params = [{transform_indices = #map}, {transform_indices = #map}, {transform_indices = #map1}, {transform_indices = #map2}, {transform_indices = #map2}]} {
    %mul3A = arith.constant 16 : i32
    %mul3A_0 = arith.muli %arg0, %mul3A : i32
    %add3A = arith.addi %mul3A_0, %arg1 : i32
    %jit3A = arith.constant 2 : i32
    %div3A = arith.divsi %add3A, %jit3A : i32
    %sign3A = arith.constant 0 : i32
    %sign3A_1 = arith.cmpi sgt, %add3A, %sign3A : i32
    %sign3A_2 = arith.extui %sign3A_1 : i1 to i32
    %sign3A_3 = arith.constant 0 : i32
    %sign3A_4 = arith.cmpi slt, %add3A, %sign3A_3 : i32
    %sign3A_5 = arith.extui %sign3A_4 : i1 to i32
    %sign3A_6 = arith.subi %sign3A_2, %sign3A_5 : i32
    %sign3A_7 = arith.constant 0 : i32
    %sign3A_8 = arith.cmpi sgt, %jit3A, %sign3A_7 : i32
    %sign3A_9 = arith.extui %sign3A_8 : i1 to i32
    %sign3A_10 = arith.constant 0 : i32
    %sign3A_11 = arith.cmpi slt, %jit3A, %sign3A_10 : i32
    %sign3A_12 = arith.extui %sign3A_11 : i1 to i32
    %sign3A_13 = arith.subi %sign3A_9, %sign3A_12 : i32
    %ne3A = arith.cmpi ne, %sign3A_6, %sign3A_13 : i32
    %rem3A = arith.remsi %add3A, %jit3A : i32
    %ne3A_14 = arith.constant 0 : i32
    %ne3A_15 = arith.cmpi ne, %rem3A, %ne3A_14 : i32
    %and3A = arith.andi %ne3A, %ne3A_15 : i1
    %sub3A = arith.constant 1 : i32
    %sub3A_16 = arith.subi %div3A, %sub3A : i32
    %select_n3A = arith.select %and3A, %sub3A_16, %div3A : i32
    %jit3A_17 = arith.constant 2 : i32
    %eq3A = arith.constant 0 : i32
    %eq3A_18 = arith.cmpi eq, %jit3A_17, %eq3A : i32
    %jit3A_19 = arith.constant 1 : i32
    %select_n3A_20 = arith.select %eq3A_18, %jit3A_19, %jit3A_17 : i32
    %rem3A_21 = arith.remsi %add3A, %select_n3A_20 : i32
    %ne3A_22 = arith.constant 0 : i32
    %ne3A_23 = arith.cmpi ne, %rem3A_21, %ne3A_22 : i32
    %lt3A = arith.constant 0 : i32
    %lt3A_24 = arith.cmpi slt, %rem3A_21, %lt3A : i32
    %lt3A_25 = arith.constant 0 : i32
    %lt3A_26 = arith.cmpi slt, %select_n3A_20, %lt3A_25 : i32
    %ne3A_27 = arith.xori %lt3A_24, %lt3A_26 : i1
    %and3A_28 = arith.andi %ne3A_27, %ne3A_23 : i1
    %add3A_29 = arith.addi %rem3A_21, %select_n3A_20 : i32
    %select_n3A_30 = arith.select %and3A_28, %add3A_29, %rem3A_21 : i32
    %mul3A_31 = arith.constant 40 : i32
    %mul3A_32 = arith.muli %select_n3A_30, %mul3A_31 : i32
    "tpu.region"() ({
      %run_scoped3A = tpu.sem_alloc : memref<!tpu.dma_semaphore, #tpu.memory_space<semaphore_mem>>
      %dma_start3A = arith.constant 0 : i32
      %dma_start3A_128 = tpu.memref_slice %arg2[%select_n3A, %mul3A_32, %dma_start3A] : memref<16x80x128xi32, #tpu.memory_space<hbm>> -> memref<1x40x128xi32, #tpu.memory_space<hbm>>
      %dma_start3A_129 = tpu.memref_squeeze %dma_start3A_128 : memref<1x40x128xi32, #tpu.memory_space<hbm>> -> memref<40x128xi32, #tpu.memory_space<hbm>>
      %dma_start3A_130 = arith.constant 0 : i32
      %dma_start3A_131 = tpu.memref_slice %arg2[%select_n3A, %mul3A_32, %dma_start3A_130] : memref<16x80x128xi32, #tpu.memory_space<hbm>> -> memref<1x40x128xi32, #tpu.memory_space<hbm>>
      %dma_start3A_132 = tpu.memref_squeeze %dma_start3A_131 : memref<1x40x128xi32, #tpu.memory_space<hbm>> -> memref<40x128xi32, #tpu.memory_space<hbm>>
      tpu.enqueue_dma source(%dma_start3A_132 : memref<40x128xi32, #tpu.memory_space<hbm>>) target(%arg7 : memref<40x128xi32, #tpu.memory_space<vmem>>) target_semaphore(%run_scoped3A : memref<!tpu.dma_semaphore, #tpu.memory_space<semaphore_mem>>)
      %dma_wait3A = arith.constant 0 : i32
      %dma_wait3A_133 = tpu.memref_slice %arg2[%select_n3A, %mul3A_32, %dma_wait3A] : memref<16x80x128xi32, #tpu.memory_space<hbm>> -> memref<1x40x128xi32, #tpu.memory_space<hbm>>
      %dma_wait3A_134 = tpu.memref_squeeze %dma_wait3A_133 : memref<1x40x128xi32, #tpu.memory_space<hbm>> -> memref<40x128xi32, #tpu.memory_space<hbm>>
      %dma_wait3A_135 = arith.constant 0 : i32
      %dma_wait3A_136 = tpu.memref_slice %arg2[%select_n3A, %mul3A_32, %dma_wait3A_135] : memref<16x80x128xi32, #tpu.memory_space<hbm>> -> memref<1x40x128xi32, #tpu.memory_space<hbm>>
      %dma_wait3A_137 = tpu.memref_squeeze %dma_wait3A_136 : memref<1x40x128xi32, #tpu.memory_space<hbm>> -> memref<40x128xi32, #tpu.memory_space<hbm>>
      tpu.wait_dma2 semaphore(%run_scoped3A : memref<!tpu.dma_semaphore, #tpu.memory_space<semaphore_mem>>) src(%dma_wait3A_137 : memref<40x128xi32, #tpu.memory_space<hbm>>) dst(%arg7 : memref<40x128xi32, #tpu.memory_space<vmem>>)
      tpu.yield
    }) : () -> ()
    %jit3A_33 = arith.constant 2 : i32
    %div3A_34 = arith.divsi %add3A, %jit3A_33 : i32
    %sign3A_35 = arith.constant 0 : i32
    %sign3A_36 = arith.cmpi sgt, %add3A, %sign3A_35 : i32
    %sign3A_37 = arith.extui %sign3A_36 : i1 to i32
    %sign3A_38 = arith.constant 0 : i32
    %sign3A_39 = arith.cmpi slt, %add3A, %sign3A_38 : i32
    %sign3A_40 = arith.extui %sign3A_39 : i1 to i32
    %sign3A_41 = arith.subi %sign3A_37, %sign3A_40 : i32
    %sign3A_42 = arith.constant 0 : i32
    %sign3A_43 = arith.cmpi sgt, %jit3A_33, %sign3A_42 : i32
    %sign3A_44 = arith.extui %sign3A_43 : i1 to i32
    %sign3A_45 = arith.constant 0 : i32
    %sign3A_46 = arith.cmpi slt, %jit3A_33, %sign3A_45 : i32
    %sign3A_47 = arith.extui %sign3A_46 : i1 to i32
    %sign3A_48 = arith.subi %sign3A_44, %sign3A_47 : i32
    %ne3A_49 = arith.cmpi ne, %sign3A_41, %sign3A_48 : i32
    %rem3A_50 = arith.remsi %add3A, %jit3A_33 : i32
    %ne3A_51 = arith.constant 0 : i32
    %ne3A_52 = arith.cmpi ne, %rem3A_50, %ne3A_51 : i32
    %and3A_53 = arith.andi %ne3A_49, %ne3A_52 : i1
    %sub3A_54 = arith.constant 1 : i32
    %sub3A_55 = arith.subi %div3A_34, %sub3A_54 : i32
    %select_n3A_56 = arith.select %and3A_53, %sub3A_55, %div3A_34 : i32
    %jit3A_57 = arith.constant 2 : i32
    %eq3A_58 = arith.constant 0 : i32
    %eq3A_59 = arith.cmpi eq, %jit3A_57, %eq3A_58 : i32
    %jit3A_60 = arith.constant 1 : i32
    %select_n3A_61 = arith.select %eq3A_59, %jit3A_60, %jit3A_57 : i32
    %rem3A_62 = arith.remsi %add3A, %select_n3A_61 : i32
    %ne3A_63 = arith.constant 0 : i32
    %ne3A_64 = arith.cmpi ne, %rem3A_62, %ne3A_63 : i32
    %lt3A_65 = arith.constant 0 : i32
    %lt3A_66 = arith.cmpi slt, %rem3A_62, %lt3A_65 : i32
    %lt3A_67 = arith.constant 0 : i32
    %lt3A_68 = arith.cmpi slt, %select_n3A_61, %lt3A_67 : i32
    %ne3A_69 = arith.xori %lt3A_66, %lt3A_68 : i1
    %and3A_70 = arith.andi %ne3A_69, %ne3A_64 : i1
    %add3A_71 = arith.addi %rem3A_62, %select_n3A_61 : i32
    %select_n3A_72 = arith.select %and3A_70, %add3A_71, %rem3A_62 : i32
    %mul3A_73 = arith.constant 40 : i32
    %mul3A_74 = arith.muli %select_n3A_72, %mul3A_73 : i32
    "tpu.region"() ({
      %run_scoped3A = tpu.sem_alloc : memref<!tpu.dma_semaphore, #tpu.memory_space<semaphore_mem>>
      %dma_start3A = arith.constant 0 : i32
      %dma_start3A_128 = tpu.memref_slice %arg3[%select_n3A_56, %mul3A_74, %dma_start3A] : memref<16x80x128xi32, #tpu.memory_space<hbm>> -> memref<1x40x128xi32, #tpu.memory_space<hbm>>
      %dma_start3A_129 = tpu.memref_squeeze %dma_start3A_128 : memref<1x40x128xi32, #tpu.memory_space<hbm>> -> memref<40x128xi32, #tpu.memory_space<hbm>>
      %dma_start3A_130 = arith.constant 0 : i32
      %dma_start3A_131 = tpu.memref_slice %arg3[%select_n3A_56, %mul3A_74, %dma_start3A_130] : memref<16x80x128xi32, #tpu.memory_space<hbm>> -> memref<1x40x128xi32, #tpu.memory_space<hbm>>
      %dma_start3A_132 = tpu.memref_squeeze %dma_start3A_131 : memref<1x40x128xi32, #tpu.memory_space<hbm>> -> memref<40x128xi32, #tpu.memory_space<hbm>>
      tpu.enqueue_dma source(%dma_start3A_132 : memref<40x128xi32, #tpu.memory_space<hbm>>) target(%arg8 : memref<40x128xi32, #tpu.memory_space<vmem>>) target_semaphore(%run_scoped3A : memref<!tpu.dma_semaphore, #tpu.memory_space<semaphore_mem>>)
      %dma_wait3A = arith.constant 0 : i32
      %dma_wait3A_133 = tpu.memref_slice %arg3[%select_n3A_56, %mul3A_74, %dma_wait3A] : memref<16x80x128xi32, #tpu.memory_space<hbm>> -> memref<1x40x128xi32, #tpu.memory_space<hbm>>
      %dma_wait3A_134 = tpu.memref_squeeze %dma_wait3A_133 : memref<1x40x128xi32, #tpu.memory_space<hbm>> -> memref<40x128xi32, #tpu.memory_space<hbm>>
      %dma_wait3A_135 = arith.constant 0 : i32
      %dma_wait3A_136 = tpu.memref_slice %arg3[%select_n3A_56, %mul3A_74, %dma_wait3A_135] : memref<16x80x128xi32, #tpu.memory_space<hbm>> -> memref<1x40x128xi32, #tpu.memory_space<hbm>>
      %dma_wait3A_137 = tpu.memref_squeeze %dma_wait3A_136 : memref<1x40x128xi32, #tpu.memory_space<hbm>> -> memref<40x128xi32, #tpu.memory_space<hbm>>
      tpu.wait_dma2 semaphore(%run_scoped3A : memref<!tpu.dma_semaphore, #tpu.memory_space<semaphore_mem>>) src(%dma_wait3A_137 : memref<40x128xi32, #tpu.memory_space<hbm>>) dst(%arg8 : memref<40x128xi32, #tpu.memory_space<vmem>>)
      tpu.yield
    }) : () -> ()
    %mul3A_75 = arith.constant 640 : i32
    %mul3A_76 = arith.muli %arg1, %mul3A_75 : i32
    "tpu.region"() ({
      %run_scoped3A = tpu.sem_alloc : memref<!tpu.dma_semaphore, #tpu.memory_space<semaphore_mem>>
      %dma_start3A = tpu.memref_slice %arg11[%mul3A_76] : memref<10240xf32, #tpu.memory_space<vmem_shared>> -> memref<640xf32, #tpu.memory_space<vmem_shared>>
      tpu.enqueue_dma source(%arg4 : memref<640xf32, #tpu.memory_space<hbm>>) target(%dma_start3A : memref<640xf32, #tpu.memory_space<vmem_shared>>) target_semaphore(%run_scoped3A : memref<!tpu.dma_semaphore, #tpu.memory_space<semaphore_mem>>)
      %dma_wait3A = tpu.memref_slice %arg11[%mul3A_76] : memref<10240xf32, #tpu.memory_space<vmem_shared>> -> memref<640xf32, #tpu.memory_space<vmem_shared>>
      tpu.wait_dma2 semaphore(%run_scoped3A : memref<!tpu.dma_semaphore, #tpu.memory_space<semaphore_mem>>) src(%arg4 : memref<640xf32, #tpu.memory_space<hbm>>) dst(%dma_wait3A : memref<640xf32, #tpu.memory_space<vmem_shared>>)
      tpu.yield
    }) : () -> ()
    "tpu.region"() ({
      %run_scoped3A = tpu.sem_alloc : memref<!tpu.dma_semaphore, #tpu.memory_space<semaphore_mem>>
      %dma_start3A = tpu.memref_slice %arg12[%mul3A_76] : memref<10240xf32, #tpu.memory_space<vmem_shared>> -> memref<640xf32, #tpu.memory_space<vmem_shared>>
      tpu.enqueue_dma source(%arg4 : memref<640xf32, #tpu.memory_space<hbm>>) target(%dma_start3A : memref<640xf32, #tpu.memory_space<vmem_shared>>) target_semaphore(%run_scoped3A : memref<!tpu.dma_semaphore, #tpu.memory_space<semaphore_mem>>)
      %dma_wait3A = tpu.memref_slice %arg12[%mul3A_76] : memref<10240xf32, #tpu.memory_space<vmem_shared>> -> memref<640xf32, #tpu.memory_space<vmem_shared>>
      tpu.wait_dma2 semaphore(%run_scoped3A : memref<!tpu.dma_semaphore, #tpu.memory_space<semaphore_mem>>) src(%arg4 : memref<640xf32, #tpu.memory_space<hbm>>) dst(%dma_wait3A : memref<640xf32, #tpu.memory_space<vmem_shared>>)
      tpu.yield
    }) : () -> ()
    %broadcast_in_dim3A = arith.constant 1.000000e+00 : f32
    %broadcast_in_dim3A_77 = vector.broadcast %broadcast_in_dim3A : f32 to vector<16xf32>
    %swap3A = arith.constant 0 : index
    %swap3A_78 = tpu.vector_load %arg9[%swap3A] {strides = array<i32>} : memref<128xf32, #tpu.memory_space<vmem>>, vector<16xf32>,
    %swap3A_79 = vector.shape_cast %swap3A_78 : vector<16xf32> to vector<16xf32>
    %swap3A_80 = vector.shape_cast %broadcast_in_dim3A_77 : vector<16xf32> to vector<16xf32>
    tpu.vector_store %arg9[%swap3A], %swap3A_80 {strides = array<i32>} : memref<128xf32, #tpu.memory_space<vmem>>, vector<16xf32>,
    %broadcast_in_dim3A_81 = arith.constant 1.000000e+00 : f32
    %broadcast_in_dim3A_82 = vector.broadcast %broadcast_in_dim3A_81 : f32 to vector<16xf32>
    %swap3A_83 = arith.constant 16 : index
    %swap3A_84 = tpu.vector_load %arg9[%swap3A_83] {strides = array<i32>} : memref<128xf32, #tpu.memory_space<vmem>>, vector<16xf32>,
    %swap3A_85 = vector.shape_cast %swap3A_84 : vector<16xf32> to vector<16xf32>
    %swap3A_86 = vector.shape_cast %broadcast_in_dim3A_82 : vector<16xf32> to vector<16xf32>
    tpu.vector_store %arg9[%swap3A_83], %swap3A_86 {strides = array<i32>} : memref<128xf32, #tpu.memory_space<vmem>>, vector<16xf32>,
    %broadcast_in_dim3A_87 = arith.constant 1.000000e+00 : f32
    %broadcast_in_dim3A_88 = vector.broadcast %broadcast_in_dim3A_87 : f32 to vector<16xf32>
    %swap3A_89 = arith.constant 32 : index
    %swap3A_90 = tpu.vector_load %arg9[%swap3A_89] {strides = array<i32>} : memref<128xf32, #tpu.memory_space<vmem>>, vector<16xf32>,
    %swap3A_91 = vector.shape_cast %swap3A_90 : vector<16xf32> to vector<16xf32>
    %swap3A_92 = vector.shape_cast %broadcast_in_dim3A_88 : vector<16xf32> to vector<16xf32>
    tpu.vector_store %arg9[%swap3A_89], %swap3A_92 {strides = array<i32>} : memref<128xf32, #tpu.memory_space<vmem>>, vector<16xf32>,
    %broadcast_in_dim3A_93 = arith.constant 1.000000e+00 : f32
    %broadcast_in_dim3A_94 = vector.broadcast %broadcast_in_dim3A_93 : f32 to vector<16xf32>
    %swap3A_95 = arith.constant 48 : index
    %swap3A_96 = tpu.vector_load %arg9[%swap3A_95] {strides = array<i32>} : memref<128xf32, #tpu.memory_space<vmem>>, vector<16xf32>,
    %swap3A_97 = vector.shape_cast %swap3A_96 : vector<16xf32> to vector<16xf32>
    %swap3A_98 = vector.shape_cast %broadcast_in_dim3A_94 : vector<16xf32> to vector<16xf32>
    tpu.vector_store %arg9[%swap3A_95], %swap3A_98 {strides = array<i32>} : memref<128xf32, #tpu.memory_space<vmem>>, vector<16xf32>,
    %broadcast_in_dim3A_99 = arith.constant 1.000000e+00 : f32
    %broadcast_in_dim3A_100 = vector.broadcast %broadcast_in_dim3A_99 : f32 to vector<16xf32>
    %swap3A_101 = arith.constant 64 : index
    %swap3A_102 = tpu.vector_load %arg9[%swap3A_101] {strides = array<i32>} : memref<128xf32, #tpu.memory_space<vmem>>, vector<16xf32>,
    %swap3A_103 = vector.shape_cast %swap3A_102 : vector<16xf32> to vector<16xf32>
    %swap3A_104 = vector.shape_cast %broadcast_in_dim3A_100 : vector<16xf32> to vector<16xf32>
    tpu.vector_store %arg9[%swap3A_101], %swap3A_104 {strides = array<i32>} : memref<128xf32, #tpu.memory_space<vmem>>, vector<16xf32>,
    %broadcast_in_dim3A_105 = arith.constant 1.000000e+00 : f32
    %broadcast_in_dim3A_106 = vector.broadcast %broadcast_in_dim3A_105 : f32 to vector<16xf32>
    %swap3A_107 = arith.constant 80 : index
    %swap3A_108 = tpu.vector_load %arg9[%swap3A_107] {strides = array<i32>} : memref<128xf32, #tpu.memory_space<vmem>>, vector<16xf32>,
    %swap3A_109 = vector.shape_cast %swap3A_108 : vector<16xf32> to vector<16xf32>
    %swap3A_110 = vector.shape_cast %broadcast_in_dim3A_106 : vector<16xf32> to vector<16xf32>
    tpu.vector_store %arg9[%swap3A_107], %swap3A_110 {strides = array<i32>} : memref<128xf32, #tpu.memory_space<vmem>>, vector<16xf32>,
    %broadcast_in_dim3A_111 = arith.constant 1.000000e+00 : f32
    %broadcast_in_dim3A_112 = vector.broadcast %broadcast_in_dim3A_111 : f32 to vector<16xf32>
    %swap3A_113 = arith.constant 96 : index
    %swap3A_114 = tpu.vector_load %arg9[%swap3A_113] {strides = array<i32>} : memref<128xf32, #tpu.memory_space<vmem>>, vector<16xf32>,
    %swap3A_115 = vector.shape_cast %swap3A_114 : vector<16xf32> to vector<16xf32>
    %swap3A_116 = vector.shape_cast %broadcast_in_dim3A_112 : vector<16xf32> to vector<16xf32>
    tpu.vector_store %arg9[%swap3A_113], %swap3A_116 {strides = array<i32>} : memref<128xf32, #tpu.memory_space<vmem>>, vector<16xf32>,
    %broadcast_in_dim3A_117 = arith.constant 1.000000e+00 : f32
    %broadcast_in_dim3A_118 = vector.broadcast %broadcast_in_dim3A_117 : f32 to vector<16xf32>
    %swap3A_119 = arith.constant 112 : index
    %swap3A_120 = tpu.vector_load %arg9[%swap3A_119] {strides = array<i32>} : memref<128xf32, #tpu.memory_space<vmem>>, vector<16xf32>,
    %swap3A_121 = vector.shape_cast %swap3A_120 : vector<16xf32> to vector<16xf32>
    %swap3A_122 = vector.shape_cast %broadcast_in_dim3A_118 : vector<16xf32> to vector<16xf32>
    tpu.vector_store %arg9[%swap3A_119], %swap3A_122 {strides = array<i32>} : memref<128xf32, #tpu.memory_space<vmem>>, vector<16xf32>,
    %barrier3A = arith.constant 0 : index
    tpu.barrier barrier_id(%barrier3A)
    %scan3A = arith.constant 0 : i32
    %scan3A_123 = arith.constant 40 : i32
    %scan3A_124 = arith.addi %scan3A, %scan3A_123 : i32
    %scan3A_125 = arith.constant 1 : i32
    scf.for %scan3A_128 = %scan3A to %scan3A_124 step %scan3A_125  : i32 {
      %mul3A_129 = arith.constant 1 : i32
      %mul3A_130 = arith.muli %scan3A_128, %mul3A_129 : i32
      %add3A_131 = arith.constant 0 : i32
      %add3A_132 = arith.addi %add3A_131, %mul3A_130 : i32
      %get3A = arith.index_cast %add3A_132 : i32 to index
      %get3A_133 = arith.constant 0 : index
      %get3A_134 = tpu.vector_load %arg7[%get3A, %get3A_133] {strides = array<i32>} : memref<40x128xi32, #tpu.memory_space<vmem>>, vector<1x16xi32>,
      %get3A_135 = vector.shape_cast %get3A_134 : vector<1x16xi32> to vector<16xi32>
      %get3A_136 = arith.index_cast %add3A_132 : i32 to index
      %get3A_137 = arith.constant 0 : index
      %get3A_138 = tpu.vector_load %arg8[%get3A_136, %get3A_137] {strides = array<i32>} : memref<40x128xi32, #tpu.memory_space<vmem>>, vector<1x16xi32>,
      %get3A_139 = vector.shape_cast %get3A_138 : vector<1x16xi32> to vector<16xi32>
      %eq3A_140 = arith.cmpi eq, %get3A_135, %get3A_139 : vector<16xi32>
      %jit3A_141 = arith.constant 1.000000e+00 : f32
      %jit3A_142 = arith.constant 0.000000e+00 : f32
      %broadcast_in_dim3A_143 = vector.broadcast %jit3A_141 : f32 to vector<16xf32>
      %broadcast_in_dim3A_144 = vector.broadcast %jit3A_142 : f32 to vector<16xf32>
      %select_n3A_145 = arith.select %eq3A_140, %broadcast_in_dim3A_143, %broadcast_in_dim3A_144 : vector<16xi1>, vector<16xf32>
      %swap3A_146 = arith.constant 0 : index
      %swap3A_147 = tpu.vector_load %arg10[%swap3A_146] {strides = array<i32>} : memref<128xf32, #tpu.memory_space<vmem>>, vector<16xf32>,
      %swap3A_148 = vector.shape_cast %swap3A_147 : vector<16xf32> to vector<16xf32>
      %swap3A_149 = vector.shape_cast %select_n3A_145 : vector<16xf32> to vector<16xf32>
      tpu.vector_store %arg10[%swap3A_146], %swap3A_149 {strides = array<i32>} : memref<128xf32, #tpu.memory_space<vmem>>, vector<16xf32>,
      %get3A_150 = arith.index_cast %add3A_132 : i32 to index
      %get3A_151 = arith.constant 16 : index
      %get3A_152 = tpu.vector_load %arg7[%get3A_150, %get3A_151] {strides = array<i32>} : memref<40x128xi32, #tpu.memory_space<vmem>>, vector<1x16xi32>,
      %get3A_153 = vector.shape_cast %get3A_152 : vector<1x16xi32> to vector<16xi32>
      %get3A_154 = arith.index_cast %add3A_132 : i32 to index
      %get3A_155 = arith.constant 16 : index
      %get3A_156 = tpu.vector_load %arg8[%get3A_154, %get3A_155] {strides = array<i32>} : memref<40x128xi32, #tpu.memory_space<vmem>>, vector<1x16xi32>,
      %get3A_157 = vector.shape_cast %get3A_156 : vector<1x16xi32> to vector<16xi32>
      %eq3A_158 = arith.cmpi eq, %get3A_153, %get3A_157 : vector<16xi32>
      %jit3A_159 = arith.constant 1.000000e+00 : f32
      %jit3A_160 = arith.constant 0.000000e+00 : f32
      %broadcast_in_dim3A_161 = vector.broadcast %jit3A_159 : f32 to vector<16xf32>
      %broadcast_in_dim3A_162 = vector.broadcast %jit3A_160 : f32 to vector<16xf32>
      %select_n3A_163 = arith.select %eq3A_158, %broadcast_in_dim3A_161, %broadcast_in_dim3A_162 : vector<16xi1>, vector<16xf32>
      %swap3A_164 = arith.constant 16 : index
      %swap3A_165 = tpu.vector_load %arg10[%swap3A_164] {strides = array<i32>} : memref<128xf32, #tpu.memory_space<vmem>>, vector<16xf32>,
      %swap3A_166 = vector.shape_cast %swap3A_165 : vector<16xf32> to vector<16xf32>
      %swap3A_167 = vector.shape_cast %select_n3A_163 : vector<16xf32> to vector<16xf32>
      tpu.vector_store %arg10[%swap3A_164], %swap3A_167 {strides = array<i32>} : memref<128xf32, #tpu.memory_space<vmem>>, vector<16xf32>,
      %get3A_168 = arith.index_cast %add3A_132 : i32 to index
      %get3A_169 = arith.constant 32 : index
      %get3A_170 = tpu.vector_load %arg7[%get3A_168, %get3A_169] {strides = array<i32>} : memref<40x128xi32, #tpu.memory_space<vmem>>, vector<1x16xi32>,
      %get3A_171 = vector.shape_cast %get3A_170 : vector<1x16xi32> to vector<16xi32>
      %get3A_172 = arith.index_cast %add3A_132 : i32 to index
      %get3A_173 = arith.constant 32 : index
      %get3A_174 = tpu.vector_load %arg8[%get3A_172, %get3A_173] {strides = array<i32>} : memref<40x128xi32, #tpu.memory_space<vmem>>, vector<1x16xi32>,
      %get3A_175 = vector.shape_cast %get3A_174 : vector<1x16xi32> to vector<16xi32>
      %eq3A_176 = arith.cmpi eq, %get3A_171, %get3A_175 : vector<16xi32>
      %jit3A_177 = arith.constant 1.000000e+00 : f32
      %jit3A_178 = arith.constant 0.000000e+00 : f32
      %broadcast_in_dim3A_179 = vector.broadcast %jit3A_177 : f32 to vector<16xf32>
      %broadcast_in_dim3A_180 = vector.broadcast %jit3A_178 : f32 to vector<16xf32>
      %select_n3A_181 = arith.select %eq3A_176, %broadcast_in_dim3A_179, %broadcast_in_dim3A_180 : vector<16xi1>, vector<16xf32>
      %swap3A_182 = arith.constant 32 : index
      %swap3A_183 = tpu.vector_load %arg10[%swap3A_182] {strides = array<i32>} : memref<128xf32, #tpu.memory_space<vmem>>, vector<16xf32>,
      %swap3A_184 = vector.shape_cast %swap3A_183 : vector<16xf32> to vector<16xf32>
      %swap3A_185 = vector.shape_cast %select_n3A_181 : vector<16xf32> to vector<16xf32>
      tpu.vector_store %arg10[%swap3A_182], %swap3A_185 {strides = array<i32>} : memref<128xf32, #tpu.memory_space<vmem>>, vector<16xf32>,
      %get3A_186 = arith.index_cast %add3A_132 : i32 to index
      %get3A_187 = arith.constant 48 : index
      %get3A_188 = tpu.vector_load %arg7[%get3A_186, %get3A_187] {strides = array<i32>} : memref<40x128xi32, #tpu.memory_space<vmem>>, vector<1x16xi32>,
      %get3A_189 = vector.shape_cast %get3A_188 : vector<1x16xi32> to vector<16xi32>
      %get3A_190 = arith.index_cast %add3A_132 : i32 to index
      %get3A_191 = arith.constant 48 : index
      %get3A_192 = tpu.vector_load %arg8[%get3A_190, %get3A_191] {strides = array<i32>} : memref<40x128xi32, #tpu.memory_space<vmem>>, vector<1x16xi32>,
      %get3A_193 = vector.shape_cast %get3A_192 : vector<1x16xi32> to vector<16xi32>
      %eq3A_194 = arith.cmpi eq, %get3A_189, %get3A_193 : vector<16xi32>
      %jit3A_195 = arith.constant 1.000000e+00 : f32
      %jit3A_196 = arith.constant 0.000000e+00 : f32
      %broadcast_in_dim3A_197 = vector.broadcast %jit3A_195 : f32 to vector<16xf32>
      %broadcast_in_dim3A_198 = vector.broadcast %jit3A_196 : f32 to vector<16xf32>
      %select_n3A_199 = arith.select %eq3A_194, %broadcast_in_dim3A_197, %broadcast_in_dim3A_198 : vector<16xi1>, vector<16xf32>
      %swap3A_200 = arith.constant 48 : index
      %swap3A_201 = tpu.vector_load %arg10[%swap3A_200] {strides = array<i32>} : memref<128xf32, #tpu.memory_space<vmem>>, vector<16xf32>,
      %swap3A_202 = vector.shape_cast %swap3A_201 : vector<16xf32> to vector<16xf32>
      %swap3A_203 = vector.shape_cast %select_n3A_199 : vector<16xf32> to vector<16xf32>
      tpu.vector_store %arg10[%swap3A_200], %swap3A_203 {strides = array<i32>} : memref<128xf32, #tpu.memory_space<vmem>>, vector<16xf32>,
      %get3A_204 = arith.index_cast %add3A_132 : i32 to index
      %get3A_205 = arith.constant 64 : index
      %get3A_206 = tpu.vector_load %arg7[%get3A_204, %get3A_205] {strides = array<i32>} : memref<40x128xi32, #tpu.memory_space<vmem>>, vector<1x16xi32>,
      %get3A_207 = vector.shape_cast %get3A_206 : vector<1x16xi32> to vector<16xi32>
      %get3A_208 = arith.index_cast %add3A_132 : i32 to index
      %get3A_209 = arith.constant 64 : index
      %get3A_210 = tpu.vector_load %arg8[%get3A_208, %get3A_209] {strides = array<i32>} : memref<40x128xi32, #tpu.memory_space<vmem>>, vector<1x16xi32>,
      %get3A_211 = vector.shape_cast %get3A_210 : vector<1x16xi32> to vector<16xi32>
      %eq3A_212 = arith.cmpi eq, %get3A_207, %get3A_211 : vector<16xi32>
      %jit3A_213 = arith.constant 1.000000e+00 : f32
      %jit3A_214 = arith.constant 0.000000e+00 : f32
      %broadcast_in_dim3A_215 = vector.broadcast %jit3A_213 : f32 to vector<16xf32>
      %broadcast_in_dim3A_216 = vector.broadcast %jit3A_214 : f32 to vector<16xf32>
      %select_n3A_217 = arith.select %eq3A_212, %broadcast_in_dim3A_215, %broadcast_in_dim3A_216 : vector<16xi1>, vector<16xf32>
      %swap3A_218 = arith.constant 64 : index
      %swap3A_219 = tpu.vector_load %arg10[%swap3A_218] {strides = array<i32>} : memref<128xf32, #tpu.memory_space<vmem>>, vector<16xf32>,
      %swap3A_220 = vector.shape_cast %swap3A_219 : vector<16xf32> to vector<16xf32>
      %swap3A_221 = vector.shape_cast %select_n3A_217 : vector<16xf32> to vector<16xf32>
      tpu.vector_store %arg10[%swap3A_218], %swap3A_221 {strides = array<i32>} : memref<128xf32, #tpu.memory_space<vmem>>, vector<16xf32>,
      %get3A_222 = arith.index_cast %add3A_132 : i32 to index
      %get3A_223 = arith.constant 80 : index
      %get3A_224 = tpu.vector_load %arg7[%get3A_222, %get3A_223] {strides = array<i32>} : memref<40x128xi32, #tpu.memory_space<vmem>>, vector<1x16xi32>,
      %get3A_225 = vector.shape_cast %get3A_224 : vector<1x16xi32> to vector<16xi32>
      %get3A_226 = arith.index_cast %add3A_132 : i32 to index
      %get3A_227 = arith.constant 80 : index
      %get3A_228 = tpu.vector_load %arg8[%get3A_226, %get3A_227] {strides = array<i32>} : memref<40x128xi32, #tpu.memory_space<vmem>>, vector<1x16xi32>,
      %get3A_229 = vector.shape_cast %get3A_228 : vector<1x16xi32> to vector<16xi32>
      %eq3A_230 = arith.cmpi eq, %get3A_225, %get3A_229 : vector<16xi32>
      %jit3A_231 = arith.constant 1.000000e+00 : f32
      %jit3A_232 = arith.constant 0.000000e+00 : f32
      %broadcast_in_dim3A_233 = vector.broadcast %jit3A_231 : f32 to vector<16xf32>
      %broadcast_in_dim3A_234 = vector.broadcast %jit3A_232 : f32 to vector<16xf32>
      %select_n3A_235 = arith.select %eq3A_230, %broadcast_in_dim3A_233, %broadcast_in_dim3A_234 : vector<16xi1>, vector<16xf32>
      %swap3A_236 = arith.constant 80 : index
      %swap3A_237 = tpu.vector_load %arg10[%swap3A_236] {strides = array<i32>} : memref<128xf32, #tpu.memory_space<vmem>>, vector<16xf32>,
      %swap3A_238 = vector.shape_cast %swap3A_237 : vector<16xf32> to vector<16xf32>
      %swap3A_239 = vector.shape_cast %select_n3A_235 : vector<16xf32> to vector<16xf32>
      tpu.vector_store %arg10[%swap3A_236], %swap3A_239 {strides = array<i32>} : memref<128xf32, #tpu.memory_space<vmem>>, vector<16xf32>,
      %get3A_240 = arith.index_cast %add3A_132 : i32 to index
      %get3A_241 = arith.constant 96 : index
      %get3A_242 = tpu.vector_load %arg7[%get3A_240, %get3A_241] {strides = array<i32>} : memref<40x128xi32, #tpu.memory_space<vmem>>, vector<1x16xi32>,
      %get3A_243 = vector.shape_cast %get3A_242 : vector<1x16xi32> to vector<16xi32>
      %get3A_244 = arith.index_cast %add3A_132 : i32 to index
      %get3A_245 = arith.constant 96 : index
      %get3A_246 = tpu.vector_load %arg8[%get3A_244, %get3A_245] {strides = array<i32>} : memref<40x128xi32, #tpu.memory_space<vmem>>, vector<1x16xi32>,
      %get3A_247 = vector.shape_cast %get3A_246 : vector<1x16xi32> to vector<16xi32>
      %eq3A_248 = arith.cmpi eq, %get3A_243, %get3A_247 : vector<16xi32>
      %jit3A_249 = arith.constant 1.000000e+00 : f32
      %jit3A_250 = arith.constant 0.000000e+00 : f32
      %broadcast_in_dim3A_251 = vector.broadcast %jit3A_249 : f32 to vector<16xf32>
      %broadcast_in_dim3A_252 = vector.broadcast %jit3A_250 : f32 to vector<16xf32>
      %select_n3A_253 = arith.select %eq3A_248, %broadcast_in_dim3A_251, %broadcast_in_dim3A_252 : vector<16xi1>, vector<16xf32>
      %swap3A_254 = arith.constant 96 : index
      %swap3A_255 = tpu.vector_load %arg10[%swap3A_254] {strides = array<i32>} : memref<128xf32, #tpu.memory_space<vmem>>, vector<16xf32>,
      %swap3A_256 = vector.shape_cast %swap3A_255 : vector<16xf32> to vector<16xf32>
      %swap3A_257 = vector.shape_cast %select_n3A_253 : vector<16xf32> to vector<16xf32>
      tpu.vector_store %arg10[%swap3A_254], %swap3A_257 {strides = array<i32>} : memref<128xf32, #tpu.memory_space<vmem>>, vector<16xf32>,
      %get3A_258 = arith.index_cast %add3A_132 : i32 to index
      %get3A_259 = arith.constant 112 : index
      %get3A_260 = tpu.vector_load %arg7[%get3A_258, %get3A_259] {strides = array<i32>} : memref<40x128xi32, #tpu.memory_space<vmem>>, vector<1x16xi32>,
      %get3A_261 = vector.shape_cast %get3A_260 : vector<1x16xi32> to vector<16xi32>
      %get3A_262 = arith.index_cast %add3A_132 : i32 to index
      %get3A_263 = arith.constant 112 : index
      %get3A_264 = tpu.vector_load %arg8[%get3A_262, %get3A_263] {strides = array<i32>} : memref<40x128xi32, #tpu.memory_space<vmem>>, vector<1x16xi32>,
      %get3A_265 = vector.shape_cast %get3A_264 : vector<1x16xi32> to vector<16xi32>
      %eq3A_266 = arith.cmpi eq, %get3A_261, %get3A_265 : vector<16xi32>
      %jit3A_267 = arith.constant 1.000000e+00 : f32
      %jit3A_268 = arith.constant 0.000000e+00 : f32
      %broadcast_in_dim3A_269 = vector.broadcast %jit3A_267 : f32 to vector<16xf32>
      %broadcast_in_dim3A_270 = vector.broadcast %jit3A_268 : f32 to vector<16xf32>
      %select_n3A_271 = arith.select %eq3A_266, %broadcast_in_dim3A_269, %broadcast_in_dim3A_270 : vector<16xi1>, vector<16xf32>
      %swap3A_272 = arith.constant 112 : index
      %swap3A_273 = tpu.vector_load %arg10[%swap3A_272] {strides = array<i32>} : memref<128xf32, #tpu.memory_space<vmem>>, vector<16xf32>,
      %swap3A_274 = vector.shape_cast %swap3A_273 : vector<16xf32> to vector<16xf32>
      %swap3A_275 = vector.shape_cast %select_n3A_271 : vector<16xf32> to vector<16xf32>
      tpu.vector_store %arg10[%swap3A_272], %swap3A_275 {strides = array<i32>} : memref<128xf32, #tpu.memory_space<vmem>>, vector<16xf32>,
      "tpu.region"() ({
        %run_scoped3A = tpu.sem_alloc : memref<!tpu.dma_semaphore, #tpu.memory_space<semaphore_mem>>
        %dma_start3A = arith.constant 0 : i32
        %dma_start3A_276 = tpu.memref_slice %arg8[%add3A_132, %dma_start3A] : memref<40x128xi32, #tpu.memory_space<vmem>> -> memref<1x128xi32, #tpu.memory_space<vmem>>
        %dma_start3A_277 = tpu.memref_squeeze %dma_start3A_276 : memref<1x128xi32, #tpu.memory_space<vmem>> -> memref<128xi32, #tpu.memory_space<vmem>>
        %dma_start3A_278 = arith.constant 0 : i32
        %dma_start3A_279 = tpu.memref_slice %arg11[%dma_start3A_278] : memref<10240xf32, #tpu.memory_space<vmem_shared>> -> memref<10240xf32, #tpu.memory_space<vmem_shared>>
        tpu.enqueue_indirect_dma source(%arg9 : memref<128xf32, #tpu.memory_space<vmem>>) target(%dma_start3A_279 : memref<10240xf32, #tpu.memory_space<vmem_shared>>) offsets(%dma_start3A_277 : memref<128xi32, #tpu.memory_space<vmem>>) semaphore(%run_scoped3A : memref<!tpu.dma_semaphore, #tpu.memory_space<semaphore_mem>>) {add = true}
        %dma_wait3A = arith.constant 0 : i32
        %dma_wait3A_280 = tpu.memref_slice %arg8[%add3A_132, %dma_wait3A] : memref<40x128xi32, #tpu.memory_space<vmem>> -> memref<1x128xi32, #tpu.memory_space<vmem>>
        %dma_wait3A_281 = tpu.memref_squeeze %dma_wait3A_280 : memref<1x128xi32, #tpu.memory_space<vmem>> -> memref<128xi32, #tpu.memory_space<vmem>>
        %dma_wait3A_282 = arith.constant 0 : i32
        %dma_wait3A_283 = tpu.memref_slice %arg11[%dma_wait3A_282] : memref<10240xf32, #tpu.memory_space<vmem_shared>> -> memref<10240xf32, #tpu.memory_space<vmem_shared>>
        tpu.wait_indirect_dma semaphore(%run_scoped3A : memref<!tpu.dma_semaphore, #tpu.memory_space<semaphore_mem>>) src(%arg9 : memref<128xf32, #tpu.memory_space<vmem>>) dst(%dma_wait3A_283 : memref<10240xf32, #tpu.memory_space<vmem_shared>>)
        tpu.yield
      }) : () -> ()
      "tpu.region"() ({
        %run_scoped3A = tpu.sem_alloc : memref<!tpu.dma_semaphore, #tpu.memory_space<semaphore_mem>>
        %dma_start3A = arith.constant 0 : i32
        %dma_start3A_276 = tpu.memref_slice %arg8[%add3A_132, %dma_start3A] : memref<40x128xi32, #tpu.memory_space<vmem>> -> memref<1x128xi32, #tpu.memory_space<vmem>>
        %dma_start3A_277 = tpu.memref_squeeze %dma_start3A_276 : memref<1x128xi32, #tpu.memory_space<vmem>> -> memref<128xi32, #tpu.memory_space<vmem>>
        %dma_start3A_278 = arith.constant 0 : i32
        %dma_start3A_279 = tpu.memref_slice %arg12[%dma_start3A_278] : memref<10240xf32, #tpu.memory_space<vmem_shared>> -> memref<10240xf32, #tpu.memory_space<vmem_shared>>
        tpu.enqueue_indirect_dma source(%arg10 : memref<128xf32, #tpu.memory_space<vmem>>) target(%dma_start3A_279 : memref<10240xf32, #tpu.memory_space<vmem_shared>>) offsets(%dma_start3A_277 : memref<128xi32, #tpu.memory_space<vmem>>) semaphore(%run_scoped3A : memref<!tpu.dma_semaphore, #tpu.memory_space<semaphore_mem>>) {add = true}
        %dma_wait3A = arith.constant 0 : i32
        %dma_wait3A_280 = tpu.memref_slice %arg8[%add3A_132, %dma_wait3A] : memref<40x128xi32, #tpu.memory_space<vmem>> -> memref<1x128xi32, #tpu.memory_space<vmem>>
        %dma_wait3A_281 = tpu.memref_squeeze %dma_wait3A_280 : memref<1x128xi32, #tpu.memory_space<vmem>> -> memref<128xi32, #tpu.memory_space<vmem>>
        %dma_wait3A_282 = arith.constant 0 : i32
        %dma_wait3A_283 = tpu.memref_slice %arg12[%dma_wait3A_282] : memref<10240xf32, #tpu.memory_space<vmem_shared>> -> memref<10240xf32, #tpu.memory_space<vmem_shared>>
        tpu.wait_indirect_dma semaphore(%run_scoped3A : memref<!tpu.dma_semaphore, #tpu.memory_space<semaphore_mem>>) src(%arg10 : memref<128xf32, #tpu.memory_space<vmem>>) dst(%dma_wait3A_283 : memref<10240xf32, #tpu.memory_space<vmem_shared>>)
        tpu.yield
      }) : () -> ()
    }
    %scan3A_126 = arith.constant 40 : i32
    %barrier3A_127 = arith.constant 0 : index
    tpu.barrier barrier_id(%barrier3A_127)
    "tpu.region"() ({
      %run_scoped3A = tpu.sem_alloc : memref<!tpu.dma_semaphore, #tpu.memory_space<semaphore_mem>>
      %dma_start3A = tpu.memref_slice %arg5[%arg0, %mul3A_76] : memref<2x10240xf32, #tpu.memory_space<hbm>> -> memref<1x640xf32, #tpu.memory_space<hbm>>
      %dma_start3A_128 = tpu.memref_squeeze %dma_start3A : memref<1x640xf32, #tpu.memory_space<hbm>> -> memref<640xf32, #tpu.memory_space<hbm>>
      %dma_start3A_129 = tpu.memref_slice %arg11[%mul3A_76] : memref<10240xf32, #tpu.memory_space<vmem_shared>> -> memref<640xf32, #tpu.memory_space<vmem_shared>>
      tpu.enqueue_dma source(%dma_start3A_129 : memref<640xf32, #tpu.memory_space<vmem_shared>>) target(%dma_start3A_128 : memref<640xf32, #tpu.memory_space<hbm>>) target_semaphore(%run_scoped3A : memref<!tpu.dma_semaphore, #tpu.memory_space<semaphore_mem>>)
      %dma_wait3A = tpu.memref_slice %arg5[%arg0, %mul3A_76] : memref<2x10240xf32, #tpu.memory_space<hbm>> -> memref<1x640xf32, #tpu.memory_space<hbm>>
      %dma_wait3A_130 = tpu.memref_squeeze %dma_wait3A : memref<1x640xf32, #tpu.memory_space<hbm>> -> memref<640xf32, #tpu.memory_space<hbm>>
      %dma_wait3A_131 = tpu.memref_slice %arg11[%mul3A_76] : memref<10240xf32, #tpu.memory_space<vmem_shared>> -> memref<640xf32, #tpu.memory_space<vmem_shared>>
      tpu.wait_dma2 semaphore(%run_scoped3A : memref<!tpu.dma_semaphore, #tpu.memory_space<semaphore_mem>>) src(%dma_wait3A_131 : memref<640xf32, #tpu.memory_space<vmem_shared>>) dst(%dma_wait3A_130 : memref<640xf32, #tpu.memory_space<hbm>>)
      tpu.yield
    }) : () -> ()
    "tpu.region"() ({
      %run_scoped3A = tpu.sem_alloc : memref<!tpu.dma_semaphore, #tpu.memory_space<semaphore_mem>>
      %dma_start3A = tpu.memref_slice %arg6[%arg0, %mul3A_76] : memref<2x10240xf32, #tpu.memory_space<hbm>> -> memref<1x640xf32, #tpu.memory_space<hbm>>
      %dma_start3A_128 = tpu.memref_squeeze %dma_start3A : memref<1x640xf32, #tpu.memory_space<hbm>> -> memref<640xf32, #tpu.memory_space<hbm>>
      %dma_start3A_129 = tpu.memref_slice %arg12[%mul3A_76] : memref<10240xf32, #tpu.memory_space<vmem_shared>> -> memref<640xf32, #tpu.memory_space<vmem_shared>>
      tpu.enqueue_dma source(%dma_start3A_129 : memref<640xf32, #tpu.memory_space<vmem_shared>>) target(%dma_start3A_128 : memref<640xf32, #tpu.memory_space<hbm>>) target_semaphore(%run_scoped3A : memref<!tpu.dma_semaphore, #tpu.memory_space<semaphore_mem>>)
      %dma_wait3A = tpu.memref_slice %arg6[%arg0, %mul3A_76] : memref<2x10240xf32, #tpu.memory_space<hbm>> -> memref<1x640xf32, #tpu.memory_space<hbm>>
      %dma_wait3A_130 = tpu.memref_squeeze %dma_wait3A : memref<1x640xf32, #tpu.memory_space<hbm>> -> memref<640xf32, #tpu.memory_space<hbm>>
      %dma_wait3A_131 = tpu.memref_slice %arg12[%mul3A_76] : memref<10240xf32, #tpu.memory_space<vmem_shared>> -> memref<640xf32, #tpu.memory_space<vmem_shared>>
      tpu.wait_dma2 semaphore(%run_scoped3A : memref<!tpu.dma_semaphore, #tpu.memory_space<semaphore_mem>>) src(%dma_wait3A_131 : memref<640xf32, #tpu.memory_space<vmem_shared>>) dst(%dma_wait3A_130 : memref<640xf32, #tpu.memory_space<hbm>>)
      tpu.yield
    }) : () -> ()
    return
  }
}

#map = affine_map<(d0, d1) -> (0, 0)>
#map1 = affine_map<(d0, d1) -> (0, 0, 0)>
module attributes {stable_mosaic.version = 14 : i64} {
  func.func @_prop_body(%arg0: i32, %arg1: i32, %arg2: memref<10240x256xf32, #tpu.memory_space<hbm>>, %arg3: memref<16x80x128xi32, #tpu.memory_space<hbm>>, %arg4: memref<16x80x128xi32, #tpu.memory_space<hbm>>, %arg5: memref<640x128xf32, #tpu.memory_space<hbm>>, %arg6: memref<2x10240x128xf32, #tpu.memory_space<hbm>>, %arg7: memref<80x128xi32, #tpu.memory_space<vmem>>, %arg8: memref<2x128xi32, #tpu.memory_space<vmem>>, %arg9: memref<128x128xf32, #tpu.memory_space<vmem>>, %arg10: memref<128x128xf32, #tpu.memory_space<vmem>>, %arg11: memref<!tpu.dma_semaphore, #tpu.memory_space<semaphore_mem>>, %arg12: memref<!tpu.dma_semaphore, #tpu.memory_space<semaphore_mem>>, %arg13: memref<!tpu.dma_semaphore, #tpu.memory_space<semaphore_mem>>, %arg14: memref<!tpu.dma_semaphore, #tpu.memory_space<semaphore_mem>>, %arg15: memref<10240x128xf32, #tpu.memory_space<vmem_shared>>) attributes {dimension_semantics = [#tpu.dimension_semantics<core_parallel>, #tpu.dimension_semantics<subcore_parallel>], iteration_bounds = array<i64: 2, 16>, scalar_prefetch = 0 : i64, scratch_operands = 9 : i64, tpu.core_type = #tpu.core_type<sc_vector_subcore>, window_params = [{transform_indices = #map}, {transform_indices = #map1}, {transform_indices = #map1}, {transform_indices = #map}, {transform_indices = #map1}]} {
    "tpu.region"() ({
      %run_scoped3A = tpu.sem_alloc : memref<!tpu.dma_semaphore, #tpu.memory_space<semaphore_mem>>
      %dma_start3A_27 = arith.constant 0 : i32
      %dma_start3A_28 = arith.constant 0 : i32
      %dma_start3A_29 = tpu.memref_slice %arg3[%arg1, %dma_start3A_27, %dma_start3A_28] : memref<16x80x128xi32, #tpu.memory_space<hbm>> -> memref<1x80x128xi32, #tpu.memory_space<hbm>>
      %dma_start3A_30 = tpu.memref_squeeze %dma_start3A_29 : memref<1x80x128xi32, #tpu.memory_space<hbm>> -> memref<80x128xi32, #tpu.memory_space<hbm>>
      %dma_start3A_31 = arith.constant 0 : i32
      %dma_start3A_32 = arith.constant 0 : i32
      %dma_start3A_33 = tpu.memref_slice %arg3[%arg1, %dma_start3A_31, %dma_start3A_32] : memref<16x80x128xi32, #tpu.memory_space<hbm>> -> memref<1x80x128xi32, #tpu.memory_space<hbm>>
      %dma_start3A_34 = tpu.memref_squeeze %dma_start3A_33 : memref<1x80x128xi32, #tpu.memory_space<hbm>> -> memref<80x128xi32, #tpu.memory_space<hbm>>
      tpu.enqueue_dma source(%dma_start3A_34 : memref<80x128xi32, #tpu.memory_space<hbm>>) target(%arg7 : memref<80x128xi32, #tpu.memory_space<vmem>>) target_semaphore(%run_scoped3A : memref<!tpu.dma_semaphore, #tpu.memory_space<semaphore_mem>>)
      %dma_wait3A = arith.constant 0 : i32
      %dma_wait3A_35 = arith.constant 0 : i32
      %dma_wait3A_36 = tpu.memref_slice %arg3[%arg1, %dma_wait3A, %dma_wait3A_35] : memref<16x80x128xi32, #tpu.memory_space<hbm>> -> memref<1x80x128xi32, #tpu.memory_space<hbm>>
      %dma_wait3A_37 = tpu.memref_squeeze %dma_wait3A_36 : memref<1x80x128xi32, #tpu.memory_space<hbm>> -> memref<80x128xi32, #tpu.memory_space<hbm>>
      %dma_wait3A_38 = arith.constant 0 : i32
      %dma_wait3A_39 = arith.constant 0 : i32
      %dma_wait3A_40 = tpu.memref_slice %arg3[%arg1, %dma_wait3A_38, %dma_wait3A_39] : memref<16x80x128xi32, #tpu.memory_space<hbm>> -> memref<1x80x128xi32, #tpu.memory_space<hbm>>
      %dma_wait3A_41 = tpu.memref_squeeze %dma_wait3A_40 : memref<1x80x128xi32, #tpu.memory_space<hbm>> -> memref<80x128xi32, #tpu.memory_space<hbm>>
      tpu.wait_dma2 semaphore(%run_scoped3A : memref<!tpu.dma_semaphore, #tpu.memory_space<semaphore_mem>>) src(%dma_wait3A_41 : memref<80x128xi32, #tpu.memory_space<hbm>>) dst(%arg7 : memref<80x128xi32, #tpu.memory_space<vmem>>)
      tpu.yield
    }) : () -> ()
    %mul3A = arith.constant 640 : i32
    %mul3A_0 = arith.muli %arg1, %mul3A : i32
    "tpu.region"() ({
      %run_scoped3A = tpu.sem_alloc : memref<!tpu.dma_semaphore, #tpu.memory_space<semaphore_mem>>
      %dma_start3A_27 = arith.constant 0 : i32
      %dma_start3A_28 = tpu.memref_slice %arg15[%mul3A_0, %dma_start3A_27] : memref<10240x128xf32, #tpu.memory_space<vmem_shared>> -> memref<640x128xf32, #tpu.memory_space<vmem_shared>>
      tpu.enqueue_dma source(%arg5 : memref<640x128xf32, #tpu.memory_space<hbm>>) target(%dma_start3A_28 : memref<640x128xf32, #tpu.memory_space<vmem_shared>>) target_semaphore(%run_scoped3A : memref<!tpu.dma_semaphore, #tpu.memory_space<semaphore_mem>>)
      %dma_wait3A = arith.constant 0 : i32
      %dma_wait3A_29 = tpu.memref_slice %arg15[%mul3A_0, %dma_wait3A] : memref<10240x128xf32, #tpu.memory_space<vmem_shared>> -> memref<640x128xf32, #tpu.memory_space<vmem_shared>>
      tpu.wait_dma2 semaphore(%run_scoped3A : memref<!tpu.dma_semaphore, #tpu.memory_space<semaphore_mem>>) src(%arg5 : memref<640x128xf32, #tpu.memory_space<hbm>>) dst(%dma_wait3A_29 : memref<640x128xf32, #tpu.memory_space<vmem_shared>>)
      tpu.yield
    }) : () -> ()
    %barrier3A = arith.constant 0 : index
    tpu.barrier barrier_id(%barrier3A)
    %mul3A_1 = arith.constant 128 : i32
    %mul3A_2 = arith.muli %arg0, %mul3A_1 : i32
    %dma_start3A = arith.constant 0 : i32
    %dma_start3A_3 = arith.constant 0 : i32
    %dma_start3A_4 = arith.constant 0 : i32
    %dma_start3A_5 = tpu.memref_slice %arg8[%dma_start3A_3, %dma_start3A_4] : memref<2x128xi32, #tpu.memory_space<vmem>> -> memref<1x128xi32, #tpu.memory_space<vmem>>
    %dma_start3A_6 = tpu.memref_squeeze %dma_start3A_5 : memref<1x128xi32, #tpu.memory_space<vmem>> -> memref<128xi32, #tpu.memory_space<vmem>>
    %dma_start3A_7 = arith.constant 0 : i32
    %dma_start3A_8 = tpu.memref_slice %arg4[%arg1, %dma_start3A, %dma_start3A_7] : memref<16x80x128xi32, #tpu.memory_space<hbm>> -> memref<1x1x128xi32, #tpu.memory_space<hbm>>
    %dma_start3A_9 = tpu.memref_squeeze %dma_start3A_8 : memref<1x1x128xi32, #tpu.memory_space<hbm>> -> memref<128xi32, #tpu.memory_space<hbm>>
    %dma_start3A_10 = arith.constant 0 : i32
    %dma_start3A_11 = tpu.memref_slice %arg8[%dma_start3A_3, %dma_start3A_10] : memref<2x128xi32, #tpu.memory_space<vmem>> -> memref<1x128xi32, #tpu.memory_space<vmem>>
    %dma_start3A_12 = tpu.memref_squeeze %dma_start3A_11 : memref<1x128xi32, #tpu.memory_space<vmem>> -> memref<128xi32, #tpu.memory_space<vmem>>
    %dma_start3A_13 = arith.constant 0 : i32
    %dma_start3A_14 = tpu.memref_slice %arg4[%arg1, %dma_start3A, %dma_start3A_13] : memref<16x80x128xi32, #tpu.memory_space<hbm>> -> memref<1x1x128xi32, #tpu.memory_space<hbm>>
    %dma_start3A_15 = tpu.memref_squeeze %dma_start3A_14 : memref<1x1x128xi32, #tpu.memory_space<hbm>> -> memref<128xi32, #tpu.memory_space<hbm>>
    tpu.enqueue_dma source(%dma_start3A_15 : memref<128xi32, #tpu.memory_space<hbm>>) target(%dma_start3A_12 : memref<128xi32, #tpu.memory_space<vmem>>) target_semaphore(%arg13 : memref<!tpu.dma_semaphore, #tpu.memory_space<semaphore_mem>>)
    %dma_start3A_16 = arith.constant 0 : i32
    %dma_start3A_17 = arith.constant 0 : i32
    %dma_start3A_18 = tpu.memref_slice %arg7[%dma_start3A_16, %dma_start3A_17] : memref<80x128xi32, #tpu.memory_space<vmem>> -> memref<1x128xi32, #tpu.memory_space<vmem>>
    %dma_start3A_19 = tpu.memref_squeeze %dma_start3A_18 : memref<1x128xi32, #tpu.memory_space<vmem>> -> memref<128xi32, #tpu.memory_space<vmem>>
    %dma_start3A_20 = arith.constant 0 : i32
    %dma_start3A_21 = tpu.memref_slice %arg2[%dma_start3A_20, %mul3A_2] : memref<10240x256xf32, #tpu.memory_space<hbm>> -> memref<10240x128xf32, #tpu.memory_space<hbm>>
    tpu.enqueue_indirect_dma source(%dma_start3A_21 : memref<10240x128xf32, #tpu.memory_space<hbm>>) target(%arg9 : memref<128x128xf32, #tpu.memory_space<vmem>>) offsets(%dma_start3A_19 : memref<128xi32, #tpu.memory_space<vmem>>) semaphore(%arg11 : memref<!tpu.dma_semaphore, #tpu.memory_space<semaphore_mem>>)
    %scan3A = arith.constant 0 : i32
    %scan3A_22 = arith.constant 40 : i32
    %scan3A_23 = arith.addi %scan3A, %scan3A_22 : i32
    %scan3A_24 = arith.constant 1 : i32
    scf.for %scan3A_27 = %scan3A to %scan3A_23 step %scan3A_24  : i32 {
      %mul3A_28 = arith.constant 1 : i32
      %mul3A_29 = arith.muli %scan3A_27, %mul3A_28 : i32
      %add3A = arith.constant 0 : i32
      %add3A_30 = arith.addi %add3A, %mul3A_29 : i32
      %mul3A_31 = arith.constant 2 : i32
      %mul3A_32 = arith.muli %mul3A_31, %add3A_30 : i32
      %add3A_33 = arith.constant 1 : i32
      %add3A_34 = arith.addi %mul3A_32, %add3A_33 : i32
      %dma_start3A_35 = arith.constant 1 : i32
      %dma_start3A_36 = arith.constant 0 : i32
      %dma_start3A_37 = tpu.memref_slice %arg8[%dma_start3A_35, %dma_start3A_36] : memref<2x128xi32, #tpu.memory_space<vmem>> -> memref<1x128xi32, #tpu.memory_space<vmem>>
      %dma_start3A_38 = tpu.memref_squeeze %dma_start3A_37 : memref<1x128xi32, #tpu.memory_space<vmem>> -> memref<128xi32, #tpu.memory_space<vmem>>
      %dma_start3A_39 = arith.constant 0 : i32
      %dma_start3A_40 = tpu.memref_slice %arg4[%arg1, %add3A_34, %dma_start3A_39] : memref<16x80x128xi32, #tpu.memory_space<hbm>> -> memref<1x1x128xi32, #tpu.memory_space<hbm>>
      %dma_start3A_41 = tpu.memref_squeeze %dma_start3A_40 : memref<1x1x128xi32, #tpu.memory_space<hbm>> -> memref<128xi32, #tpu.memory_space<hbm>>
      %dma_start3A_42 = arith.constant 0 : i32
      %dma_start3A_43 = tpu.memref_slice %arg8[%dma_start3A_35, %dma_start3A_42] : memref<2x128xi32, #tpu.memory_space<vmem>> -> memref<1x128xi32, #tpu.memory_space<vmem>>
      %dma_start3A_44 = tpu.memref_squeeze %dma_start3A_43 : memref<1x128xi32, #tpu.memory_space<vmem>> -> memref<128xi32, #tpu.memory_space<vmem>>
      %dma_start3A_45 = arith.constant 0 : i32
      %dma_start3A_46 = tpu.memref_slice %arg4[%arg1, %add3A_34, %dma_start3A_45] : memref<16x80x128xi32, #tpu.memory_space<hbm>> -> memref<1x1x128xi32, #tpu.memory_space<hbm>>
      %dma_start3A_47 = tpu.memref_squeeze %dma_start3A_46 : memref<1x1x128xi32, #tpu.memory_space<hbm>> -> memref<128xi32, #tpu.memory_space<hbm>>
      tpu.enqueue_dma source(%dma_start3A_47 : memref<128xi32, #tpu.memory_space<hbm>>) target(%dma_start3A_44 : memref<128xi32, #tpu.memory_space<vmem>>) target_semaphore(%arg14 : memref<!tpu.dma_semaphore, #tpu.memory_space<semaphore_mem>>)
      %add3A_48 = arith.constant 1 : i32
      %add3A_49 = arith.addi %mul3A_32, %add3A_48 : i32
      %dma_start3A_50 = arith.constant 0 : i32
      %dma_start3A_51 = tpu.memref_slice %arg7[%add3A_49, %dma_start3A_50] : memref<80x128xi32, #tpu.memory_space<vmem>> -> memref<1x128xi32, #tpu.memory_space<vmem>>
      %dma_start3A_52 = tpu.memref_squeeze %dma_start3A_51 : memref<1x128xi32, #tpu.memory_space<vmem>> -> memref<128xi32, #tpu.memory_space<vmem>>
      %dma_start3A_53 = arith.constant 0 : i32
      %dma_start3A_54 = tpu.memref_slice %arg2[%dma_start3A_53, %mul3A_2] : memref<10240x256xf32, #tpu.memory_space<hbm>> -> memref<10240x128xf32, #tpu.memory_space<hbm>>
      tpu.enqueue_indirect_dma source(%dma_start3A_54 : memref<10240x128xf32, #tpu.memory_space<hbm>>) target(%arg10 : memref<128x128xf32, #tpu.memory_space<vmem>>) offsets(%dma_start3A_52 : memref<128xi32, #tpu.memory_space<vmem>>) semaphore(%arg12 : memref<!tpu.dma_semaphore, #tpu.memory_space<semaphore_mem>>)
      %dma_wait3A = arith.constant 0 : i32
      %dma_wait3A_55 = tpu.memref_slice %arg7[%mul3A_32, %dma_wait3A] : memref<80x128xi32, #tpu.memory_space<vmem>> -> memref<1x128xi32, #tpu.memory_space<vmem>>
      %dma_wait3A_56 = tpu.memref_squeeze %dma_wait3A_55 : memref<1x128xi32, #tpu.memory_space<vmem>> -> memref<128xi32, #tpu.memory_space<vmem>>
      %dma_wait3A_57 = arith.constant 0 : i32
      %dma_wait3A_58 = tpu.memref_slice %arg2[%dma_wait3A_57, %mul3A_2] : memref<10240x256xf32, #tpu.memory_space<hbm>> -> memref<10240x128xf32, #tpu.memory_space<hbm>>
      tpu.wait_indirect_dma semaphore(%arg11 : memref<!tpu.dma_semaphore, #tpu.memory_space<semaphore_mem>>) src(%dma_wait3A_58 : memref<10240x128xf32, #tpu.memory_space<hbm>>) dst(%arg9 : memref<128x128xf32, #tpu.memory_space<vmem>>)
      %dma_wait3A_59 = arith.constant 0 : i32
      %dma_wait3A_60 = arith.constant 0 : i32
      %dma_wait3A_61 = tpu.memref_slice %arg8[%dma_wait3A_59, %dma_wait3A_60] : memref<2x128xi32, #tpu.memory_space<vmem>> -> memref<1x128xi32, #tpu.memory_space<vmem>>
      %dma_wait3A_62 = tpu.memref_squeeze %dma_wait3A_61 : memref<1x128xi32, #tpu.memory_space<vmem>> -> memref<128xi32, #tpu.memory_space<vmem>>
      %dma_wait3A_63 = arith.constant 0 : i32
      %dma_wait3A_64 = tpu.memref_slice %arg4[%arg1, %mul3A_32, %dma_wait3A_63] : memref<16x80x128xi32, #tpu.memory_space<hbm>> -> memref<1x1x128xi32, #tpu.memory_space<hbm>>
      %dma_wait3A_65 = tpu.memref_squeeze %dma_wait3A_64 : memref<1x1x128xi32, #tpu.memory_space<hbm>> -> memref<128xi32, #tpu.memory_space<hbm>>
      %dma_wait3A_66 = arith.constant 0 : i32
      %dma_wait3A_67 = tpu.memref_slice %arg8[%dma_wait3A_59, %dma_wait3A_66] : memref<2x128xi32, #tpu.memory_space<vmem>> -> memref<1x128xi32, #tpu.memory_space<vmem>>
      %dma_wait3A_68 = tpu.memref_squeeze %dma_wait3A_67 : memref<1x128xi32, #tpu.memory_space<vmem>> -> memref<128xi32, #tpu.memory_space<vmem>>
      %dma_wait3A_69 = arith.constant 0 : i32
      %dma_wait3A_70 = tpu.memref_slice %arg4[%arg1, %mul3A_32, %dma_wait3A_69] : memref<16x80x128xi32, #tpu.memory_space<hbm>> -> memref<1x1x128xi32, #tpu.memory_space<hbm>>
      %dma_wait3A_71 = tpu.memref_squeeze %dma_wait3A_70 : memref<1x1x128xi32, #tpu.memory_space<hbm>> -> memref<128xi32, #tpu.memory_space<hbm>>
      tpu.wait_dma2 semaphore(%arg13 : memref<!tpu.dma_semaphore, #tpu.memory_space<semaphore_mem>>) src(%dma_wait3A_71 : memref<128xi32, #tpu.memory_space<hbm>>) dst(%dma_wait3A_68 : memref<128xi32, #tpu.memory_space<vmem>>)
      %run_scoped3A = arith.constant 0 : i32
      "tpu.region"() ({
        %run_scoped3A_97 = tpu.sem_alloc : memref<!tpu.dma_semaphore, #tpu.memory_space<semaphore_mem>>
        %dma_start3A_98 = arith.constant 0 : i32
        %dma_start3A_99 = tpu.memref_slice %arg8[%run_scoped3A, %dma_start3A_98] : memref<2x128xi32, #tpu.memory_space<vmem>> -> memref<1x128xi32, #tpu.memory_space<vmem>>
        %dma_start3A_100 = tpu.memref_squeeze %dma_start3A_99 : memref<1x128xi32, #tpu.memory_space<vmem>> -> memref<128xi32, #tpu.memory_space<vmem>>
        %dma_start3A_101 = arith.constant 0 : i32
        %dma_start3A_102 = arith.constant 0 : i32
        %dma_start3A_103 = tpu.memref_slice %arg15[%dma_start3A_101, %dma_start3A_102] : memref<10240x128xf32, #tpu.memory_space<vmem_shared>> -> memref<10240x128xf32, #tpu.memory_space<vmem_shared>>
        tpu.enqueue_indirect_dma source(%arg9 : memref<128x128xf32, #tpu.memory_space<vmem>>) target(%dma_start3A_103 : memref<10240x128xf32, #tpu.memory_space<vmem_shared>>) offsets(%dma_start3A_100 : memref<128xi32, #tpu.memory_space<vmem>>) semaphore(%run_scoped3A_97 : memref<!tpu.dma_semaphore, #tpu.memory_space<semaphore_mem>>) {add = true}
        %dma_wait3A_104 = arith.constant 0 : i32
        %dma_wait3A_105 = tpu.memref_slice %arg8[%run_scoped3A, %dma_wait3A_104] : memref<2x128xi32, #tpu.memory_space<vmem>> -> memref<1x128xi32, #tpu.memory_space<vmem>>
        %dma_wait3A_106 = tpu.memref_squeeze %dma_wait3A_105 : memref<1x128xi32, #tpu.memory_space<vmem>> -> memref<128xi32, #tpu.memory_space<vmem>>
        %dma_wait3A_107 = arith.constant 0 : i32
        %dma_wait3A_108 = arith.constant 0 : i32
        %dma_wait3A_109 = tpu.memref_slice %arg15[%dma_wait3A_107, %dma_wait3A_108] : memref<10240x128xf32, #tpu.memory_space<vmem_shared>> -> memref<10240x128xf32, #tpu.memory_space<vmem_shared>>
        tpu.wait_indirect_dma semaphore(%run_scoped3A_97 : memref<!tpu.dma_semaphore, #tpu.memory_space<semaphore_mem>>) src(%arg9 : memref<128x128xf32, #tpu.memory_space<vmem>>) dst(%dma_wait3A_109 : memref<10240x128xf32, #tpu.memory_space<vmem_shared>>)
        tpu.yield
      }) : () -> ()
      %lt3A = arith.constant 39 : i32
      %lt3A_72 = arith.cmpi slt, %add3A_30, %lt3A : i32
      %convert_element_type3A = arith.extui %lt3A_72 : i1 to i32
      %cond3A = arith.constant 0 : i32
      %cond3A_73 = arith.cmpi ne, %convert_element_type3A, %cond3A : i32
      scf.if %cond3A_73 {
        %add3A_97 = arith.constant 2 : i32
        %add3A_98 = arith.addi %mul3A_32, %add3A_97 : i32
        %dma_start3A_99 = arith.constant 0 : i32
        %dma_start3A_100 = arith.constant 0 : i32
        %dma_start3A_101 = tpu.memref_slice %arg8[%dma_start3A_99, %dma_start3A_100] : memref<2x128xi32, #tpu.memory_space<vmem>> -> memref<1x128xi32, #tpu.memory_space<vmem>>
        %dma_start3A_102 = tpu.memref_squeeze %dma_start3A_101 : memref<1x128xi32, #tpu.memory_space<vmem>> -> memref<128xi32, #tpu.memory_space<vmem>>
        %dma_start3A_103 = arith.constant 0 : i32
        %dma_start3A_104 = tpu.memref_slice %arg4[%arg1, %add3A_98, %dma_start3A_103] : memref<16x80x128xi32, #tpu.memory_space<hbm>> -> memref<1x1x128xi32, #tpu.memory_space<hbm>>
        %dma_start3A_105 = tpu.memref_squeeze %dma_start3A_104 : memref<1x1x128xi32, #tpu.memory_space<hbm>> -> memref<128xi32, #tpu.memory_space<hbm>>
        %dma_start3A_106 = arith.constant 0 : i32
        %dma_start3A_107 = tpu.memref_slice %arg8[%dma_start3A_99, %dma_start3A_106] : memref<2x128xi32, #tpu.memory_space<vmem>> -> memref<1x128xi32, #tpu.memory_space<vmem>>
        %dma_start3A_108 = tpu.memref_squeeze %dma_start3A_107 : memref<1x128xi32, #tpu.memory_space<vmem>> -> memref<128xi32, #tpu.memory_space<vmem>>
        %dma_start3A_109 = arith.constant 0 : i32
        %dma_start3A_110 = tpu.memref_slice %arg4[%arg1, %add3A_98, %dma_start3A_109] : memref<16x80x128xi32, #tpu.memory_space<hbm>> -> memref<1x1x128xi32, #tpu.memory_space<hbm>>
        %dma_start3A_111 = tpu.memref_squeeze %dma_start3A_110 : memref<1x1x128xi32, #tpu.memory_space<hbm>> -> memref<128xi32, #tpu.memory_space<hbm>>
        tpu.enqueue_dma source(%dma_start3A_111 : memref<128xi32, #tpu.memory_space<hbm>>) target(%dma_start3A_108 : memref<128xi32, #tpu.memory_space<vmem>>) target_semaphore(%arg13 : memref<!tpu.dma_semaphore, #tpu.memory_space<semaphore_mem>>)
        %add3A_112 = arith.constant 2 : i32
        %add3A_113 = arith.addi %mul3A_32, %add3A_112 : i32
        %dma_start3A_114 = arith.constant 0 : i32
        %dma_start3A_115 = tpu.memref_slice %arg7[%add3A_113, %dma_start3A_114] : memref<80x128xi32, #tpu.memory_space<vmem>> -> memref<1x128xi32, #tpu.memory_space<vmem>>
        %dma_start3A_116 = tpu.memref_squeeze %dma_start3A_115 : memref<1x128xi32, #tpu.memory_space<vmem>> -> memref<128xi32, #tpu.memory_space<vmem>>
        %dma_start3A_117 = arith.constant 0 : i32
        %dma_start3A_118 = tpu.memref_slice %arg2[%dma_start3A_117, %mul3A_2] : memref<10240x256xf32, #tpu.memory_space<hbm>> -> memref<10240x128xf32, #tpu.memory_space<hbm>>
        tpu.enqueue_indirect_dma source(%dma_start3A_118 : memref<10240x128xf32, #tpu.memory_space<hbm>>) target(%arg9 : memref<128x128xf32, #tpu.memory_space<vmem>>) offsets(%dma_start3A_116 : memref<128xi32, #tpu.memory_space<vmem>>) semaphore(%arg11 : memref<!tpu.dma_semaphore, #tpu.memory_space<semaphore_mem>>)
      } else {
      }
      %add3A_74 = arith.constant 1 : i32
      %add3A_75 = arith.addi %mul3A_32, %add3A_74 : i32
      %dma_wait3A_76 = arith.constant 0 : i32
      %dma_wait3A_77 = tpu.memref_slice %arg7[%add3A_75, %dma_wait3A_76] : memref<80x128xi32, #tpu.memory_space<vmem>> -> memref<1x128xi32, #tpu.memory_space<vmem>>
      %dma_wait3A_78 = tpu.memref_squeeze %dma_wait3A_77 : memref<1x128xi32, #tpu.memory_space<vmem>> -> memref<128xi32, #tpu.memory_space<vmem>>
      %dma_wait3A_79 = arith.constant 0 : i32
      %dma_wait3A_80 = tpu.memref_slice %arg2[%dma_wait3A_79, %mul3A_2] : memref<10240x256xf32, #tpu.memory_space<hbm>> -> memref<10240x128xf32, #tpu.memory_space<hbm>>
      tpu.wait_indirect_dma semaphore(%arg12 : memref<!tpu.dma_semaphore, #tpu.memory_space<semaphore_mem>>) src(%dma_wait3A_80 : memref<10240x128xf32, #tpu.memory_space<hbm>>) dst(%arg10 : memref<128x128xf32, #tpu.memory_space<vmem>>)
      %add3A_81 = arith.constant 1 : i32
      %add3A_82 = arith.addi %mul3A_32, %add3A_81 : i32
      %dma_wait3A_83 = arith.constant 1 : i32
      %dma_wait3A_84 = arith.constant 0 : i32
      %dma_wait3A_85 = tpu.memref_slice %arg8[%dma_wait3A_83, %dma_wait3A_84] : memref<2x128xi32, #tpu.memory_space<vmem>> -> memref<1x128xi32, #tpu.memory_space<vmem>>
      %dma_wait3A_86 = tpu.memref_squeeze %dma_wait3A_85 : memref<1x128xi32, #tpu.memory_space<vmem>> -> memref<128xi32, #tpu.memory_space<vmem>>
      %dma_wait3A_87 = arith.constant 0 : i32
      %dma_wait3A_88 = tpu.memref_slice %arg4[%arg1, %add3A_82, %dma_wait3A_87] : memref<16x80x128xi32, #tpu.memory_space<hbm>> -> memref<1x1x128xi32, #tpu.memory_space<hbm>>
      %dma_wait3A_89 = tpu.memref_squeeze %dma_wait3A_88 : memref<1x1x128xi32, #tpu.memory_space<hbm>> -> memref<128xi32, #tpu.memory_space<hbm>>
      %dma_wait3A_90 = arith.constant 0 : i32
      %dma_wait3A_91 = tpu.memref_slice %arg8[%dma_wait3A_83, %dma_wait3A_90] : memref<2x128xi32, #tpu.memory_space<vmem>> -> memref<1x128xi32, #tpu.memory_space<vmem>>
      %dma_wait3A_92 = tpu.memref_squeeze %dma_wait3A_91 : memref<1x128xi32, #tpu.memory_space<vmem>> -> memref<128xi32, #tpu.memory_space<vmem>>
      %dma_wait3A_93 = arith.constant 0 : i32
      %dma_wait3A_94 = tpu.memref_slice %arg4[%arg1, %add3A_82, %dma_wait3A_93] : memref<16x80x128xi32, #tpu.memory_space<hbm>> -> memref<1x1x128xi32, #tpu.memory_space<hbm>>
      %dma_wait3A_95 = tpu.memref_squeeze %dma_wait3A_94 : memref<1x1x128xi32, #tpu.memory_space<hbm>> -> memref<128xi32, #tpu.memory_space<hbm>>
      tpu.wait_dma2 semaphore(%arg14 : memref<!tpu.dma_semaphore, #tpu.memory_space<semaphore_mem>>) src(%dma_wait3A_95 : memref<128xi32, #tpu.memory_space<hbm>>) dst(%dma_wait3A_92 : memref<128xi32, #tpu.memory_space<vmem>>)
      %run_scoped3A_96 = arith.constant 1 : i32
      "tpu.region"() ({
        %run_scoped3A_97 = tpu.sem_alloc : memref<!tpu.dma_semaphore, #tpu.memory_space<semaphore_mem>>
        %dma_start3A_98 = arith.constant 0 : i32
        %dma_start3A_99 = tpu.memref_slice %arg8[%run_scoped3A_96, %dma_start3A_98] : memref<2x128xi32, #tpu.memory_space<vmem>> -> memref<1x128xi32, #tpu.memory_space<vmem>>
        %dma_start3A_100 = tpu.memref_squeeze %dma_start3A_99 : memref<1x128xi32, #tpu.memory_space<vmem>> -> memref<128xi32, #tpu.memory_space<vmem>>
        %dma_start3A_101 = arith.constant 0 : i32
        %dma_start3A_102 = arith.constant 0 : i32
        %dma_start3A_103 = tpu.memref_slice %arg15[%dma_start3A_101, %dma_start3A_102] : memref<10240x128xf32, #tpu.memory_space<vmem_shared>> -> memref<10240x128xf32, #tpu.memory_space<vmem_shared>>
        tpu.enqueue_indirect_dma source(%arg10 : memref<128x128xf32, #tpu.memory_space<vmem>>) target(%dma_start3A_103 : memref<10240x128xf32, #tpu.memory_space<vmem_shared>>) offsets(%dma_start3A_100 : memref<128xi32, #tpu.memory_space<vmem>>) semaphore(%run_scoped3A_97 : memref<!tpu.dma_semaphore, #tpu.memory_space<semaphore_mem>>) {add = true}
        %dma_wait3A_104 = arith.constant 0 : i32
        %dma_wait3A_105 = tpu.memref_slice %arg8[%run_scoped3A_96, %dma_wait3A_104] : memref<2x128xi32, #tpu.memory_space<vmem>> -> memref<1x128xi32, #tpu.memory_space<vmem>>
        %dma_wait3A_106 = tpu.memref_squeeze %dma_wait3A_105 : memref<1x128xi32, #tpu.memory_space<vmem>> -> memref<128xi32, #tpu.memory_space<vmem>>
        %dma_wait3A_107 = arith.constant 0 : i32
        %dma_wait3A_108 = arith.constant 0 : i32
        %dma_wait3A_109 = tpu.memref_slice %arg15[%dma_wait3A_107, %dma_wait3A_108] : memref<10240x128xf32, #tpu.memory_space<vmem_shared>> -> memref<10240x128xf32, #tpu.memory_space<vmem_shared>>
        tpu.wait_indirect_dma semaphore(%run_scoped3A_97 : memref<!tpu.dma_semaphore, #tpu.memory_space<semaphore_mem>>) src(%arg10 : memref<128x128xf32, #tpu.memory_space<vmem>>) dst(%dma_wait3A_109 : memref<10240x128xf32, #tpu.memory_space<vmem_shared>>)
        tpu.yield
      }) : () -> ()
    }
    %scan3A_25 = arith.constant 40 : i32
    %barrier3A_26 = arith.constant 0 : index
    tpu.barrier barrier_id(%barrier3A_26)
    "tpu.region"() ({
      %run_scoped3A = tpu.sem_alloc : memref<!tpu.dma_semaphore, #tpu.memory_space<semaphore_mem>>
      %dma_start3A_27 = arith.constant 0 : i32
      %dma_start3A_28 = tpu.memref_slice %arg6[%arg0, %mul3A_0, %dma_start3A_27] : memref<2x10240x128xf32, #tpu.memory_space<hbm>> -> memref<1x640x128xf32, #tpu.memory_space<hbm>>
      %dma_start3A_29 = tpu.memref_squeeze %dma_start3A_28 : memref<1x640x128xf32, #tpu.memory_space<hbm>> -> memref<640x128xf32, #tpu.memory_space<hbm>>
      %dma_start3A_30 = arith.constant 0 : i32
      %dma_start3A_31 = tpu.memref_slice %arg15[%mul3A_0, %dma_start3A_30] : memref<10240x128xf32, #tpu.memory_space<vmem_shared>> -> memref<640x128xf32, #tpu.memory_space<vmem_shared>>
      tpu.enqueue_dma source(%dma_start3A_31 : memref<640x128xf32, #tpu.memory_space<vmem_shared>>) target(%dma_start3A_29 : memref<640x128xf32, #tpu.memory_space<hbm>>) target_semaphore(%run_scoped3A : memref<!tpu.dma_semaphore, #tpu.memory_space<semaphore_mem>>)
      %dma_wait3A = arith.constant 0 : i32
      %dma_wait3A_32 = tpu.memref_slice %arg6[%arg0, %mul3A_0, %dma_wait3A] : memref<2x10240x128xf32, #tpu.memory_space<hbm>> -> memref<1x640x128xf32, #tpu.memory_space<hbm>>
      %dma_wait3A_33 = tpu.memref_squeeze %dma_wait3A_32 : memref<1x640x128xf32, #tpu.memory_space<hbm>> -> memref<640x128xf32, #tpu.memory_space<hbm>>
      %dma_wait3A_34 = arith.constant 0 : i32
      %dma_wait3A_35 = tpu.memref_slice %arg15[%mul3A_0, %dma_wait3A_34] : memref<10240x128xf32, #tpu.memory_space<vmem_shared>> -> memref<640x128xf32, #tpu.memory_space<vmem_shared>>
      tpu.wait_dma2 semaphore(%run_scoped3A : memref<!tpu.dma_semaphore, #tpu.memory_space<semaphore_mem>>) src(%dma_wait3A_35 : memref<640x128xf32, #tpu.memory_space<vmem_shared>>) dst(%dma_wait3A_33 : memref<640x128xf32, #tpu.memory_space<hbm>>)
      tpu.yield
    }) : () -> ()
    return
  }
}

module attributes {stable_mosaic.version = 14 : i64} {
  func.func @_mm1_body(%arg0: i32, %arg1: memref<512x256xf32, #tpu.memory_space<vmem>>, %arg2: memref<256x256xf32, #tpu.memory_space<vmem>>, %arg3: memref<512x256xf32, #tpu.memory_space<vmem>>) attributes {dimension_semantics = [#tpu.dimension_semantics<arbitrary>], iteration_bounds = array<i64: 20>, scalar_prefetch = 0 : i64, scratch_operands = 0 : i64, tpu.core_type = #tpu.core_type<tc>, window_params = [{transform_indices = @transform_0, window_bounds = array<i64: 512, 256>}, {pipeline_mode = #tpu.pipeline_mode<synchronous>, transform_indices = @transform_1, window_bounds = array<i64: 256, 256>}, {transform_indices = @transform_2, window_bounds = array<i64: 512, 256>}]} {
    %get3A = arith.constant 0 : index
    %get3A_0 = arith.constant 0 : index
    %get3A_1 = vector.load %arg1[%get3A, %get3A_0] : memref<512x256xf32, #tpu.memory_space<vmem>>, vector<512x256xf32>
    %get3A_2 = arith.constant 0 : index
    %get3A_3 = arith.constant 0 : index
    %get3A_4 = vector.load %arg2[%get3A_2, %get3A_3] : memref<256x256xf32, #tpu.memory_space<vmem>>, vector<256x256xf32>
    %dot_general3A = arith.constant dense<0.000000e+00> : vector<512x256xf32>
    %dot_general3A_5 = tpu.matmul %get3A_1, %get3A_4, %dot_general3A {dimension_numbers = #tpu.dot_dimension_numbers<[1], [0], [0], [1], [0, 0, 1, 1], [], []>, transpose_lhs_hint = false} : vector<512x256xf32>, vector<256x256xf32>, vector<512x256xf32> -> vector<512x256xf32>
    %swap3A = arith.constant 0 : index
    %swap3A_6 = arith.constant 0 : index
    %swap3A_7 = vector.load %arg3[%swap3A, %swap3A_6] : memref<512x256xf32, #tpu.memory_space<vmem>>, vector<512x256xf32>
    tpu.vector_store %arg3[%swap3A, %swap3A_6], %dot_general3A_5 {strides = array<i32>} : memref<512x256xf32, #tpu.memory_space<vmem>>, vector<512x256xf32>,
    return
  }
  func.func @transform_0(%arg0: i32) -> (i32, i32) {
    %c0_i32 = arith.constant 0 : i32
    %c0_i32_0 = arith.constant 0 : i32
    return %arg0, %c0_i32 : i32, i32
  }
  func.func @transform_1(%arg0: i32) -> (i32, i32) {
    %c0_i32 = arith.constant 0 : i32
    %c0_i32_0 = arith.constant 0 : i32
    %c0_i32_1 = arith.constant 0 : i32
    return %c0_i32, %c0_i32_0 : i32, i32
  }
  func.func @transform_2(%arg0: i32) -> (i32, i32) {
    %c0_i32 = arith.constant 0 : i32
    %c0_i32_0 = arith.constant 0 : i32
    return %arg0, %c0_i32 : i32, i32
  }
}

module attributes {stable_mosaic.version = 14 : i64} {
  func.func @_scale_body(%arg0: i32, %arg1: memref<512x256xf32, #tpu.memory_space<vmem>>, %arg2: memref<2x512xf32, #tpu.memory_space<vmem>>, %arg3: memref<2x512xf32, #tpu.memory_space<vmem>>, %arg4: memref<512x512xf32, #tpu.memory_space<vmem>>, %arg5: memref<512x256xf32, #tpu.memory_space<vmem>>, %arg6: memref<512x1xf32, #tpu.memory_space<vmem>>, %arg7: memref<512x1xf32, #tpu.memory_space<vmem>>, %arg8: memref<512x1xf32, #tpu.memory_space<vmem>>) attributes {dimension_semantics = [#tpu.dimension_semantics<arbitrary>], iteration_bounds = array<i64: 20>, scalar_prefetch = 0 : i64, scratch_operands = 0 : i64, tpu.core_type = #tpu.core_type<tc>, window_params = [{transform_indices = @transform_0, window_bounds = array<i64: 512, 256>}, {transform_indices = @transform_1, window_bounds = array<i64: 2, 512>}, {transform_indices = @transform_2, window_bounds = array<i64: 2, 512>}, {pipeline_mode = #tpu.pipeline_mode<synchronous>, transform_indices = @transform_3, window_bounds = array<i64: 512, 512>}, {transform_indices = @transform_4, window_bounds = array<i64: 512, 256>}, {transform_indices = @transform_5, window_bounds = array<i64: 512, 1>}, {transform_indices = @transform_6, window_bounds = array<i64: 512, 1>}, {transform_indices = @transform_7, window_bounds = array<i64: 512, 1>}]} {
    %get3A = arith.constant 0 : index
    %get3A_0 = arith.constant 0 : index
    %get3A_1 = vector.load %arg4[%get3A, %get3A_0] : memref<512x512xf32, #tpu.memory_space<vmem>>, vector<512x512xf32>
    %get3A_2 = arith.constant 0 : index
    %get3A_3 = arith.constant 0 : index
    %get3A_4 = vector.load %arg2[%get3A_2, %get3A_3] : memref<2x512xf32, #tpu.memory_space<vmem>>, vector<1x512xf32>
    %get3A_5 = arith.constant 1 : index
    %get3A_6 = arith.constant 0 : index
    %get3A_7 = vector.load %arg2[%get3A_5, %get3A_6] : memref<2x512xf32, #tpu.memory_space<vmem>>, vector<1x512xf32>
    %add3A = arith.addf %get3A_4, %get3A_7 : vector<1x512xf32>
    %dot_general3A = arith.constant dense<0.000000e+00> : vector<512x1xf32>
    %dot_general3A_8 = tpu.matmul %get3A_1, %add3A, %dot_general3A {dimension_numbers = #tpu.dot_dimension_numbers<[1], [1], [0], [0], [0, 0, 1, 0], [], []>, transpose_lhs_hint = false} : vector<512x512xf32>, vector<1x512xf32>, vector<512x1xf32> -> vector<512x1xf32>
    %get3A_9 = arith.constant 0 : index
    %get3A_10 = arith.constant 0 : index
    %get3A_11 = vector.load %arg3[%get3A_9, %get3A_10] : memref<2x512xf32, #tpu.memory_space<vmem>>, vector<1x512xf32>
    %get3A_12 = arith.constant 1 : index
    %get3A_13 = arith.constant 0 : index
    %get3A_14 = vector.load %arg3[%get3A_12, %get3A_13] : memref<2x512xf32, #tpu.memory_space<vmem>>, vector<1x512xf32>
    %add3A_15 = arith.addf %get3A_11, %get3A_14 : vector<1x512xf32>
    %dot_general3A_16 = arith.constant dense<0.000000e+00> : vector<512x1xf32>
    %dot_general3A_17 = tpu.matmul %get3A_1, %add3A_15, %dot_general3A_16 {dimension_numbers = #tpu.dot_dimension_numbers<[1], [1], [0], [0], [0, 0, 1, 0], [], []>, transpose_lhs_hint = false} : vector<512x512xf32>, vector<1x512xf32>, vector<512x1xf32> -> vector<512x1xf32>
    %eq3A = arith.constant 0.000000e+00 : f32
    %eq3A_18 = vector.broadcast %eq3A : f32 to vector<512x1xf32>
    %eq3A_19 = arith.cmpf oeq, %dot_general3A_17, %eq3A_18 : vector<512x1xf32>
    %jit3A = arith.constant 1.000000e+00 : f32
    %jit3A_20 = arith.constant 0.000000e+00 : f32
    %broadcast_in_dim3A = vector.broadcast %jit3A : f32 to vector<512x1xf32>
    %broadcast_in_dim3A_21 = vector.broadcast %jit3A_20 : f32 to vector<512x1xf32>
    %select_n3A = arith.select %eq3A_19, %broadcast_in_dim3A, %broadcast_in_dim3A_21 : vector<512x1xi1>, vector<512x1xf32>
    %add3A_22 = arith.addf %dot_general3A_8, %select_n3A : vector<512x1xf32>
    %rsqrt3A = math.rsqrt %add3A_22 : vector<512x1xf32>
    %swap3A = arith.constant 0 : index
    %swap3A_23 = arith.constant 0 : index
    %swap3A_24 = vector.load %arg6[%swap3A, %swap3A_23] : memref<512x1xf32, #tpu.memory_space<vmem>>, vector<512x1xf32>
    tpu.vector_store %arg6[%swap3A, %swap3A_23], %rsqrt3A {strides = array<i32>} : memref<512x1xf32, #tpu.memory_space<vmem>>, vector<512x1xf32>,
    %mul3A = arith.mulf %rsqrt3A, %rsqrt3A : vector<512x1xf32>
    %mul3A_25 = arith.mulf %mul3A, %select_n3A : vector<512x1xf32>
    %swap3A_26 = arith.constant 0 : index
    %swap3A_27 = arith.constant 0 : index
    %swap3A_28 = vector.load %arg7[%swap3A_26, %swap3A_27] : memref<512x1xf32, #tpu.memory_space<vmem>>, vector<512x1xf32>
    tpu.vector_store %arg7[%swap3A_26, %swap3A_27], %mul3A_25 {strides = array<i32>} : memref<512x1xf32, #tpu.memory_space<vmem>>, vector<512x1xf32>,
    %sqrt3A = math.sqrt %add3A_22 : vector<512x1xf32>
    %swap3A_29 = arith.constant 0 : index
    %swap3A_30 = arith.constant 0 : index
    %swap3A_31 = vector.load %arg8[%swap3A_29, %swap3A_30] : memref<512x1xf32, #tpu.memory_space<vmem>>, vector<512x1xf32>
    tpu.vector_store %arg8[%swap3A_29, %swap3A_30], %sqrt3A {strides = array<i32>} : memref<512x1xf32, #tpu.memory_space<vmem>>, vector<512x1xf32>,
    %get3A_32 = arith.constant 0 : index
    %get3A_33 = arith.constant 0 : index
    %get3A_34 = vector.load %arg1[%get3A_32, %get3A_33] : memref<512x256xf32, #tpu.memory_space<vmem>>, vector<512x256xf32>
    %mul3A_35 = vector.broadcast %rsqrt3A : vector<512x1xf32> to vector<512x256xf32>
    %mul3A_36 = arith.mulf %get3A_34, %mul3A_35 : vector<512x256xf32>
    %swap3A_37 = arith.constant 0 : index
    %swap3A_38 = arith.constant 0 : index
    %swap3A_39 = vector.load %arg5[%swap3A_37, %swap3A_38] : memref<512x256xf32, #tpu.memory_space<vmem>>, vector<512x256xf32>
    tpu.vector_store %arg5[%swap3A_37, %swap3A_38], %mul3A_36 {strides = array<i32>} : memref<512x256xf32, #tpu.memory_space<vmem>>, vector<512x256xf32>,
    return
  }
  func.func @transform_0(%arg0: i32) -> (i32, i32) {
    %c0_i32 = arith.constant 0 : i32
    %c0_i32_0 = arith.constant 0 : i32
    return %arg0, %c0_i32 : i32, i32
  }
  func.func @transform_1(%arg0: i32) -> (i32, i32) {
    %c0_i32 = arith.constant 0 : i32
    %c0_i32_0 = arith.constant 0 : i32
    return %c0_i32, %arg0 : i32, i32
  }
  func.func @transform_2(%arg0: i32) -> (i32, i32) {
    %c0_i32 = arith.constant 0 : i32
    %c0_i32_0 = arith.constant 0 : i32
    return %c0_i32, %arg0 : i32, i32
  }
  func.func @transform_3(%arg0: i32) -> (i32, i32) {
    %c0_i32 = arith.constant 0 : i32
    %c0_i32_0 = arith.constant 0 : i32
    %c0_i32_1 = arith.constant 0 : i32
    return %c0_i32, %c0_i32_0 : i32, i32
  }
  func.func @transform_4(%arg0: i32) -> (i32, i32) {
    %c0_i32 = arith.constant 0 : i32
    %c0_i32_0 = arith.constant 0 : i32
    return %arg0, %c0_i32 : i32, i32
  }
  func.func @transform_5(%arg0: i32) -> (i32, i32) {
    %c0_i32 = arith.constant 0 : i32
    %c0_i32_0 = arith.constant 0 : i32
    return %arg0, %c0_i32 : i32, i32
  }
  func.func @transform_6(%arg0: i32) -> (i32, i32) {
    %c0_i32 = arith.constant 0 : i32
    %c0_i32_0 = arith.constant 0 : i32
    return %arg0, %c0_i32 : i32, i32
  }
  func.func @transform_7(%arg0: i32) -> (i32, i32) {
    %c0_i32 = arith.constant 0 : i32
    %c0_i32_0 = arith.constant 0 : i32
    return %arg0, %c0_i32 : i32, i32
  }
}

module attributes {stable_mosaic.version = 14 : i64} {
  func.func @_mid_body(%arg0: i32, %arg1: memref<2x512x128xf32, #tpu.memory_space<vmem>>, %arg2: memref<512x256xf32, #tpu.memory_space<vmem>>, %arg3: memref<512x1xf32, #tpu.memory_space<vmem>>, %arg4: memref<512x1xf32, #tpu.memory_space<vmem>>, %arg5: memref<512x1xf32, #tpu.memory_space<vmem>>, %arg6: memref<1x256xf32, #tpu.memory_space<vmem>>, %arg7: memref<256x256xf32, #tpu.memory_space<vmem>>, %arg8: memref<512x256xf32, #tpu.memory_space<vmem>>) attributes {dimension_semantics = [#tpu.dimension_semantics<arbitrary>], iteration_bounds = array<i64: 20>, scalar_prefetch = 0 : i64, scratch_operands = 0 : i64, tpu.core_type = #tpu.core_type<tc>, window_params = [{transform_indices = @transform_0, window_bounds = array<i64: 2, 512, 128>}, {transform_indices = @transform_1, window_bounds = array<i64: 512, 256>}, {transform_indices = @transform_2, window_bounds = array<i64: 512, 1>}, {transform_indices = @transform_3, window_bounds = array<i64: 512, 1>}, {transform_indices = @transform_4, window_bounds = array<i64: 512, 1>}, {pipeline_mode = #tpu.pipeline_mode<synchronous>, transform_indices = @transform_5, window_bounds = array<i64: 1, 256>}, {pipeline_mode = #tpu.pipeline_mode<synchronous>, transform_indices = @transform_6, window_bounds = array<i64: 256, 256>}, {transform_indices = @transform_7, window_bounds = array<i64: 512, 256>}]} {
    %get3A = arith.constant 0 : index
    %get3A_0 = arith.constant 0 : index
    %get3A_1 = vector.load %arg3[%get3A, %get3A_0] : memref<512x1xf32, #tpu.memory_space<vmem>>, vector<512x1xf32>
    %get3A_2 = arith.constant 0 : index
    %get3A_3 = arith.constant 0 : index
    %get3A_4 = arith.constant 0 : index
    %get3A_5 = vector.load %arg1[%get3A_2, %get3A_3, %get3A_4] : memref<2x512x128xf32, #tpu.memory_space<vmem>>, vector<1x512x128xf32>
    %get3A_6 = vector.shape_cast %get3A_5 : vector<1x512x128xf32> to vector<512x128xf32>
    %get3A_7 = arith.constant 1 : index
    %get3A_8 = arith.constant 0 : index
    %get3A_9 = arith.constant 0 : index
    %get3A_10 = vector.load %arg1[%get3A_7, %get3A_8, %get3A_9] : memref<2x512x128xf32, #tpu.memory_space<vmem>>, vector<1x512x128xf32>
    %get3A_11 = vector.shape_cast %get3A_10 : vector<1x512x128xf32> to vector<512x128xf32>
    %concatenate3A = tpu.concatenate %get3A_6, %get3A_11 in 1 : vector<512x128xf32>, vector<512x128xf32> -> vector<512x256xf32>
    %get3A_12 = arith.constant 0 : index
    %get3A_13 = arith.constant 0 : index
    %get3A_14 = vector.load %arg2[%get3A_12, %get3A_13] : memref<512x256xf32, #tpu.memory_space<vmem>>, vector<512x256xf32>
    %get3A_15 = arith.constant 0 : index
    %get3A_16 = arith.constant 0 : index
    %get3A_17 = vector.load %arg5[%get3A_15, %get3A_16] : memref<512x1xf32, #tpu.memory_space<vmem>>, vector<512x1xf32>
    %mul3A = vector.broadcast %get3A_17 : vector<512x1xf32> to vector<512x256xf32>
    %mul3A_18 = arith.mulf %get3A_14, %mul3A : vector<512x256xf32>
    %mul3A_19 = vector.broadcast %get3A_1 : vector<512x1xf32> to vector<512x256xf32>
    %mul3A_20 = arith.mulf %concatenate3A, %mul3A_19 : vector<512x256xf32>
    %get3A_21 = arith.constant 0 : index
    %get3A_22 = arith.constant 0 : index
    %get3A_23 = vector.load %arg4[%get3A_21, %get3A_22] : memref<512x1xf32, #tpu.memory_space<vmem>>, vector<512x1xf32>
    %mul3A_24 = vector.broadcast %get3A_23 : vector<512x1xf32> to vector<512x256xf32>
    %mul3A_25 = arith.mulf %mul3A_18, %mul3A_24 : vector<512x256xf32>
    %add3A = arith.addf %mul3A_20, %mul3A_25 : vector<512x256xf32>
    %get3A_26 = arith.constant 0 : index
    %get3A_27 = arith.constant 0 : index
    %get3A_28 = vector.load %arg6[%get3A_26, %get3A_27] : memref<1x256xf32, #tpu.memory_space<vmem>>, vector<1x256xf32>
    %add3A_29 = vector.broadcast %get3A_28 : vector<1x256xf32> to vector<512x256xf32>
    %add3A_30 = arith.addf %add3A, %add3A_29 : vector<512x256xf32>
    %max3A = arith.constant 0.000000e+00 : f32
    %max3A_31 = vector.broadcast %max3A : f32 to vector<512x256xf32>
    %max3A_32 = arith.maximumf %add3A_30, %max3A_31 : vector<512x256xf32>
    %get3A_33 = arith.constant 0 : index
    %get3A_34 = arith.constant 0 : index
    %get3A_35 = vector.load %arg7[%get3A_33, %get3A_34] : memref<256x256xf32, #tpu.memory_space<vmem>>, vector<256x256xf32>
    %dot_general3A = arith.constant dense<0.000000e+00> : vector<512x256xf32>
    %dot_general3A_36 = tpu.matmul %max3A_32, %get3A_35, %dot_general3A {dimension_numbers = #tpu.dot_dimension_numbers<[1], [0], [0], [1], [0, 0, 1, 1], [], []>, transpose_lhs_hint = false} : vector<512x256xf32>, vector<256x256xf32>, vector<512x256xf32> -> vector<512x256xf32>
    %mul3A_37 = vector.broadcast %get3A_1 : vector<512x1xf32> to vector<512x256xf32>
    %mul3A_38 = arith.mulf %dot_general3A_36, %mul3A_37 : vector<512x256xf32>
    %swap3A = arith.constant 0 : index
    %swap3A_39 = arith.constant 0 : index
    %swap3A_40 = vector.load %arg8[%swap3A, %swap3A_39] : memref<512x256xf32, #tpu.memory_space<vmem>>, vector<512x256xf32>
    tpu.vector_store %arg8[%swap3A, %swap3A_39], %mul3A_38 {strides = array<i32>} : memref<512x256xf32, #tpu.memory_space<vmem>>, vector<512x256xf32>,
    return
  }
  func.func @transform_0(%arg0: i32) -> (i32, i32, i32) {
    %c0_i32 = arith.constant 0 : i32
    %c0_i32_0 = arith.constant 0 : i32
    %c0_i32_1 = arith.constant 0 : i32
    return %c0_i32, %arg0, %c0_i32_0 : i32, i32, i32
  }
  func.func @transform_1(%arg0: i32) -> (i32, i32) {
    %c0_i32 = arith.constant 0 : i32
    %c0_i32_0 = arith.constant 0 : i32
    return %arg0, %c0_i32 : i32, i32
  }
  func.func @transform_2(%arg0: i32) -> (i32, i32) {
    %c0_i32 = arith.constant 0 : i32
    %c0_i32_0 = arith.constant 0 : i32
    return %arg0, %c0_i32 : i32, i32
  }
  func.func @transform_3(%arg0: i32) -> (i32, i32) {
    %c0_i32 = arith.constant 0 : i32
    %c0_i32_0 = arith.constant 0 : i32
    return %arg0, %c0_i32 : i32, i32
  }
  func.func @transform_4(%arg0: i32) -> (i32, i32) {
    %c0_i32 = arith.constant 0 : i32
    %c0_i32_0 = arith.constant 0 : i32
    return %arg0, %c0_i32 : i32, i32
  }
  func.func @transform_5(%arg0: i32) -> (i32, i32) {
    %c0_i32 = arith.constant 0 : i32
    %c0_i32_0 = arith.constant 0 : i32
    %c0_i32_1 = arith.constant 0 : i32
    return %c0_i32, %c0_i32_0 : i32, i32
  }
  func.func @transform_6(%arg0: i32) -> (i32, i32) {
    %c0_i32 = arith.constant 0 : i32
    %c0_i32_0 = arith.constant 0 : i32
    %c0_i32_1 = arith.constant 0 : i32
    return %c0_i32, %c0_i32_0 : i32, i32
  }
  func.func @transform_7(%arg0: i32) -> (i32, i32) {
    %c0_i32 = arith.constant 0 : i32
    %c0_i32_0 = arith.constant 0 : i32
    return %arg0, %c0_i32 : i32, i32
  }
}

module attributes {stable_mosaic.version = 14 : i64} {
  func.func @_final_body(%arg0: i32, %arg1: memref<2x512x128xf32, #tpu.memory_space<vmem>>, %arg2: memref<512x256xf32, #tpu.memory_space<vmem>>, %arg3: memref<512x1xf32, #tpu.memory_space<vmem>>, %arg4: memref<512x1xf32, #tpu.memory_space<vmem>>, %arg5: memref<512x1xf32, #tpu.memory_space<vmem>>, %arg6: memref<1x256xf32, #tpu.memory_space<vmem>>, %arg7: memref<512x256xf32, #tpu.memory_space<vmem>>) attributes {dimension_semantics = [#tpu.dimension_semantics<arbitrary>], iteration_bounds = array<i64: 20>, scalar_prefetch = 0 : i64, scratch_operands = 0 : i64, tpu.core_type = #tpu.core_type<tc>, window_params = [{transform_indices = @transform_0, window_bounds = array<i64: 2, 512, 128>}, {transform_indices = @transform_1, window_bounds = array<i64: 512, 256>}, {transform_indices = @transform_2, window_bounds = array<i64: 512, 1>}, {transform_indices = @transform_3, window_bounds = array<i64: 512, 1>}, {transform_indices = @transform_4, window_bounds = array<i64: 512, 1>}, {pipeline_mode = #tpu.pipeline_mode<synchronous>, transform_indices = @transform_5, window_bounds = array<i64: 1, 256>}, {transform_indices = @transform_6, window_bounds = array<i64: 512, 256>}]} {
    %get3A = arith.constant 0 : index
    %get3A_0 = arith.constant 0 : index
    %get3A_1 = arith.constant 0 : index
    %get3A_2 = vector.load %arg1[%get3A, %get3A_0, %get3A_1] : memref<2x512x128xf32, #tpu.memory_space<vmem>>, vector<1x512x128xf32>
    %get3A_3 = vector.shape_cast %get3A_2 : vector<1x512x128xf32> to vector<512x128xf32>
    %get3A_4 = arith.constant 1 : index
    %get3A_5 = arith.constant 0 : index
    %get3A_6 = arith.constant 0 : index
    %get3A_7 = vector.load %arg1[%get3A_4, %get3A_5, %get3A_6] : memref<2x512x128xf32, #tpu.memory_space<vmem>>, vector<1x512x128xf32>
    %get3A_8 = vector.shape_cast %get3A_7 : vector<1x512x128xf32> to vector<512x128xf32>
    %concatenate3A = tpu.concatenate %get3A_3, %get3A_8 in 1 : vector<512x128xf32>, vector<512x128xf32> -> vector<512x256xf32>
    %get3A_9 = arith.constant 0 : index
    %get3A_10 = arith.constant 0 : index
    %get3A_11 = vector.load %arg3[%get3A_9, %get3A_10] : memref<512x1xf32, #tpu.memory_space<vmem>>, vector<512x1xf32>
    %mul3A = vector.broadcast %get3A_11 : vector<512x1xf32> to vector<512x256xf32>
    %mul3A_12 = arith.mulf %concatenate3A, %mul3A : vector<512x256xf32>
    %get3A_13 = arith.constant 0 : index
    %get3A_14 = arith.constant 0 : index
    %get3A_15 = vector.load %arg2[%get3A_13, %get3A_14] : memref<512x256xf32, #tpu.memory_space<vmem>>, vector<512x256xf32>
    %get3A_16 = arith.constant 0 : index
    %get3A_17 = arith.constant 0 : index
    %get3A_18 = vector.load %arg5[%get3A_16, %get3A_17] : memref<512x1xf32, #tpu.memory_space<vmem>>, vector<512x1xf32>
    %mul3A_19 = vector.broadcast %get3A_18 : vector<512x1xf32> to vector<512x256xf32>
    %mul3A_20 = arith.mulf %get3A_15, %mul3A_19 : vector<512x256xf32>
    %get3A_21 = arith.constant 0 : index
    %get3A_22 = arith.constant 0 : index
    %get3A_23 = vector.load %arg4[%get3A_21, %get3A_22] : memref<512x1xf32, #tpu.memory_space<vmem>>, vector<512x1xf32>
    %mul3A_24 = vector.broadcast %get3A_23 : vector<512x1xf32> to vector<512x256xf32>
    %mul3A_25 = arith.mulf %mul3A_20, %mul3A_24 : vector<512x256xf32>
    %add3A = arith.addf %mul3A_12, %mul3A_25 : vector<512x256xf32>
    %get3A_26 = arith.constant 0 : index
    %get3A_27 = arith.constant 0 : index
    %get3A_28 = vector.load %arg6[%get3A_26, %get3A_27] : memref<1x256xf32, #tpu.memory_space<vmem>>, vector<1x256xf32>
    %add3A_29 = vector.broadcast %get3A_28 : vector<1x256xf32> to vector<512x256xf32>
    %add3A_30 = arith.addf %add3A, %add3A_29 : vector<512x256xf32>
    %reduce_max3A = arith.constant dense<0xFF800000> : vector<512xf32>
    %reduce_max3A_31 = vector.multi_reduction <maximumf>, %add3A_30, %reduce_max3A [1] : vector<512x256xf32> to vector<512xf32>
    %broadcast_in_dim3A = vector.shape_cast %reduce_max3A_31 : vector<512xf32> to vector<512x1xf32>
    %sub3A = vector.broadcast %broadcast_in_dim3A : vector<512x1xf32> to vector<512x256xf32>
    %sub3A_32 = arith.subf %add3A_30, %sub3A : vector<512x256xf32>
    %exp3A = math.exp %sub3A_32 : vector<512x256xf32>
    %reduce_sum3A = arith.constant dense<0.000000e+00> : vector<512xf32>
    %reduce_sum3A_33 = vector.multi_reduction <add>, %exp3A, %reduce_sum3A [1] : vector<512x256xf32> to vector<512xf32>
    %broadcast_in_dim3A_34 = vector.shape_cast %reduce_sum3A_33 : vector<512xf32> to vector<512x1xf32>
    %div3A = vector.broadcast %broadcast_in_dim3A_34 : vector<512x1xf32> to vector<512x256xf32>
    %div3A_35 = arith.divf %exp3A, %div3A : vector<512x256xf32>
    %swap3A = arith.constant 0 : index
    %swap3A_36 = arith.constant 0 : index
    %swap3A_37 = vector.load %arg7[%swap3A, %swap3A_36] : memref<512x256xf32, #tpu.memory_space<vmem>>, vector<512x256xf32>
    tpu.vector_store %arg7[%swap3A, %swap3A_36], %div3A_35 {strides = array<i32>} : memref<512x256xf32, #tpu.memory_space<vmem>>, vector<512x256xf32>,
    return
  }
  func.func @transform_0(%arg0: i32) -> (i32, i32, i32) {
    %c0_i32 = arith.constant 0 : i32
    %c0_i32_0 = arith.constant 0 : i32
    %c0_i32_1 = arith.constant 0 : i32
    return %c0_i32, %arg0, %c0_i32_0 : i32, i32, i32
  }
  func.func @transform_1(%arg0: i32) -> (i32, i32) {
    %c0_i32 = arith.constant 0 : i32
    %c0_i32_0 = arith.constant 0 : i32
    return %arg0, %c0_i32 : i32, i32
  }
  func.func @transform_2(%arg0: i32) -> (i32, i32) {
    %c0_i32 = arith.constant 0 : i32
    %c0_i32_0 = arith.constant 0 : i32
    return %arg0, %c0_i32 : i32, i32
  }
  func.func @transform_3(%arg0: i32) -> (i32, i32) {
    %c0_i32 = arith.constant 0 : i32
    %c0_i32_0 = arith.constant 0 : i32
    return %arg0, %c0_i32 : i32, i32
  }
  func.func @transform_4(%arg0: i32) -> (i32, i32) {
    %c0_i32 = arith.constant 0 : i32
    %c0_i32_0 = arith.constant 0 : i32
    return %arg0, %c0_i32 : i32, i32
  }
  func.func @transform_5(%arg0: i32) -> (i32, i32) {
    %c0_i32 = arith.constant 0 : i32
    %c0_i32_0 = arith.constant 0 : i32
    %c0_i32_1 = arith.constant 0 : i32
    return %c0_i32, %c0_i32_0 : i32, i32
  }
  func.func @transform_6(%arg0: i32) -> (i32, i32) {
    %c0_i32 = arith.constant 0 : i32
    %c0_i32_0 = arith.constant 0 : i32
    return %arg0, %c0_i32 : i32, i32
  }
}

</mosaic_0001>

<sc_bundles>
// kernel: kernel.12.cloned.1.call-start
scs
__scs_entry_jumppad:
0x0: {  	(pc) =	sbr.rel $0x88, $3  }
0x1: {  	(tag) =	ssettag $0x0;
	lr =	simm.s32 $0x1  }
0x2: {  	[smem:$0x3F9B] =	sst lr;
	_ =	strace $0xD0000000  }
0x3: {  	_ = 	snop  }
0x4: {  	_ = 	snop  }
0x5: {  	_ = 	snop  }
0x6: {  	_ = 	snop  }
0x7: {  	_ = 	snop  }
__scs_overlays_trampoline_lowered:
0x8: {  	[smem:$0x3FAA] =	sst s0  }
0x9: {  	[smem:$0x3FAB] =	sst s1  }
0xa: {  	[smem:$0x3FAC] =	sst s2  }
0xb: {  	[smem:$0x3FAD] =	sst s3  }
0xc: {  	[smem:$0x3FAE] =	sst s4  }
0xd: {  	[smem:$0x3FAF] =	sst s5  }
0xe: {  	[smem:$0x3FB0] =	sst s6  }
0xf: {  	[smem:$0x3FB1] =	sst s7  }
0x10: {  	[smem:$0x3FB2] =	sst s8  }
0x11: {  	[smem:$0x3FB3] =	sst s9;
	s0 =	simm.s32 @!p0 $0x0  }
0x12: {  	s1 =	sld [smem:$0x3F99];
	s0 =	simm.s32 @p0 $0x1  }
0x13: {  	[smem:$0x3FB4] =	sst s0;
	s0 =	simm.s32 @!p1 $0x0  }
0x14: {  	s2 =	sld [smem:$0x3F98];
	s0 =	simm.s32 @p1 $0x1  }
0x15: {  	[smem:$0x3FB5] =	sst s0;
	s0 =	simm.s32 @!p2 $0x0  }
0x16: {  	s3 =	sld [smem:$0x3FDB];
	s0 =	simm.s32 @p2 $0x1  }
0x17: {  	s4 =	simm.s32 $0x1BF5;
	[smem:$0x3FB7] =	sst s0  }
0x18: {  	s0 =	sld [smem:$0x3F9A];
	_ =	swait.ge [sflag:s4], $0x0  }
0x19: {  	s7 =	sld [smem:$0x3F9B]  }
0x1a: {  	s8 =	sadd.s32 $0xFFFFE003, lr  }
0x1b: {  	s9 =	sadd.s32 $0xFFFFFEF7, lr;
	s5 =	simm.s32 $0xFFFFFFFF;
	p2 =	slt.u32 s8, $0xFFFFF086  }
0x1c: {  	p1 =	slt.u32 s9, $0xF7A;
	s5 =	simm.s32 @!p2 $0x0  }
0x1d: {  	s5 =	simm.s32 @p1 $0x1;
	p0 =	seq.s32 s7, s2  }
0x1e: {  	s7 =	smul.u32 @!p0 $0xF7A, s2;
	p2 =	seq.s32 @!p0 s5, $0x0  }
0x1f: {  	s9 =	smul.u32 $0xF7A, s1;
	s8 =	simm.s32 @!p0 $0x1BF5;
	p2 =	por !p2, p0  }
0x20: {  	[sflag:s8] =	ssyncset.s32 @!p0 $0xFFFFF086;
	s6 =	sadd.s32 @!p0 s3, s7;
	s7 =	simm.s32 @!p0 $0x108  }
0x21: {  	s3 =	sadd.s32 s3, s9;
	s6 =	sadd.s32 @!p0 $0x88, s6;
	s7 =	simm.s32 @p2 $0x1082  }
0x22: {  	[simem:s7], [sflag:s8] =	dma.local @!p0 [hbm:s6], $0xF7A  }
0x23: {  	s9 =	sor.u32 $0xD0000000, s2;
	s6 =	simm.s32 $0x108;
	_ =	swait.ge @!p0 [sflag:s8], $0x0  }
0x24: {  	s3 =	sadd.s32 $0x88, s3;
	s6 =	simm.s32 @!p1 $0x1082;
	[sflag:s4] =	ssyncset.s32 $0xFFFFF086  }
0x25: {  	[simem:s6], [sflag:s4] =	dma.local [hbm:s3], $0xF7A  }
0x26: {  	[smem:$0x3F9B] =	sst s1;
	(tag) =	ssettag s2;
	_ =	strace s9  }
0x27: {  	s1 =	sld [smem:$0x3FAB]  }
0x28: {  	s2 =	sld [smem:$0x3FAC]  }
0x29: {  	s4 =	sld [smem:$0x3FAE]  }
0x2a: {  	p0 =	seq.s32 s5, $0x0;
	s5 =	sld [smem:$0x3FAF]  }
0x2b: {  	s6 =	sld [smem:$0x3FB0]  }
0x2c: {  	s7 =	sld [smem:$0x3FB1]  }
0x2d: {  	s3 =	simm.s32 $0x108;
	s8 =	sld [smem:$0x3FB2]  }
0x2e: {  	s3 =	simm.s32 @!p0 $0x1082;
	s9 =	sld [smem:$0x3FB3]  }
0x2f: {  	lr =	sadd.s32 s0, s3;
	s0 =	sld [smem:$0x3FAA]  }
0x30: {  	s3 =	sld [smem:$0x3FAD]  }
0x31: {  	[smem:$0x3FB6] =	sst s10  }
0x32: {  	s10 =	sld [smem:$0x3FB4];
	_ =	sdelay $0x3  }
0x33: {  	p0 =	seq.s32 s10, $0x1;
	s10 =	sld [smem:$0x3FB6];
	_ =	sdelay $0x3  }
0x34: {  	[smem:$0x3FB6] =	sst s10  }
0x35: {  	s10 =	sld [smem:$0x3FB5];
	_ =	sdelay $0x3  }
0x36: {  	p1 =	seq.s32 s10, $0x1;
	s10 =	sld [smem:$0x3FB6];
	_ =	sdelay $0x3  }
0x37: {  	[smem:$0x3FB6] =	sst s10  }
0x38: {  	s10 =	sld [smem:$0x3FB7]  }
0x39: {  	_ = 	snop;
	(pc) =	sbr.ind lr, $3  }
0x3a: {  	_ = 	snop  }
0x3b: {  	_ = 	snop  }
0x3c: {  	p2 =	seq.s32 s10, $0x1;
	s10 =	sld [smem:$0x3FB6]  }
0x3d: {  	_ =	shalt  }
0x3e: {  	_ =	shalt  }
0x3f: {  	_ =	shalt  }
0x40: {  	_ =	shalt  }
0x41: {  	_ =	shalt  }
0x42: {  	_ =	shalt  }
0x43: {  	_ =	shalt  }
0x44: {  	_ =	shalt  }
0x45: {  	_ =	shalt  }
0x46: {  	_ =	shalt  }
0x47: {  	_ =	shalt  }
0x48: {  	_ =	shalt  }
0x49: {  	_ =	shalt  }
0x4a: {  	_ =	shalt  }
0x4b: {  	_ =	shalt  }
0x4c: {  	_ =	shalt  }
0x4d: {  	_ =	shalt  }
0x4e: {  	_ =	shalt  }
0x4f: {  	_ =	shalt  }
0x50: {  	_ =	shalt  }
0x51: {  	_ =	shalt  }
0x52: {  	_ =	shalt  }
0x53: {  	_ =	shalt  }
0x54: {  	_ =	shalt  }
0x55: {  	_ =	shalt  }
0x56: {  	_ =	shalt  }
0x57: {  	_ =	shalt  }
0x58: {  	_ =	shalt  }
0x59: {  	_ =	shalt  }
0x5a: {  	_ =	shalt  }
0x5b: {  	_ =	shalt  }
0x5c: {  	_ =	shalt  }
0x5d: {  	_ =	shalt  }
0x5e: {  	_ =	shalt  }
0x5f: {  	_ =	shalt  }
0x60: {  	_ =	shalt  }
0x61: {  	_ =	shalt  }
0x62: {  	_ =	shalt  }
0x63: {  	_ =	shalt  }
0x64: {  	_ =	shalt  }
0x65: {  	_ =	shalt  }
0x66: {  	_ =	shalt  }
0x67: {  	_ =	shalt  }
0x68: {  	_ =	shalt  }
0x69: {  	_ =	shalt  }
0x6a: {  	_ =	shalt  }
0x6b: {  	_ =	shalt  }
0x6c: {  	_ =	shalt  }
0x6d: {  	_ =	shalt  }
0x6e: {  	_ =	shalt  }
0x6f: {  	_ =	shalt  }
0x70: {  	_ =	shalt  }
0x71: {  	_ =	shalt  }
0x72: {  	_ =	shalt  }
0x73: {  	_ =	shalt  }
0x74: {  	_ =	shalt  }
0x75: {  	_ =	shalt  }
0x76: {  	_ =	shalt  }
0x77: {  	_ =	shalt  }
0x78: {  	_ =	shalt  }
0x79: {  	_ =	shalt  }
0x7a: {  	_ =	shalt  }
0x7b: {  	_ =	shalt  }
0x7c: {  	_ =	shalt  }
0x7d: {  	_ =	shalt  }
0x7e: {  	_ =	shalt  }
0x7f: {  	_ =	shalt  }
0x80: {  	_ =	shalt  }
0x81: {  	_ =	shalt  }
0x82: {  	_ =	shalt  }
0x83: {  	_ =	shalt  }
0x84: {  	_ =	shalt  }
0x85: {  	_ =	shalt  }
0x86: {  	_ =	shalt  }
0x87: {  	_ =	shalt  }
.Lfunc_end0:
.L_simem_size_0:
called_computation.1_lowered:
.L_overlay_start_0:
0x88: {  	s2 =	sld [smem:$0x3FD9]  }
0x89: {  	s3 =	sld [smem:$0x3FFE];
	_ =	sdelay $0x1  }
0x8a: {  	s1 =	srdreg.scid  }
0x8b: {  	s0 =	sand.u32 $0x1, s1  }
0x8c: {  	s17 =	sshll.u32 s0, $0xA;
	s2 =	sadd.s32 s3, s2  }
0x8d: {  	s2 =	sadd.s32 s2, s17  }
0x8e: {  	[smem:$0x3FC2] =	sst s2  }
0x8f: {  	_ = 	snop  }
0x90: {  	s2 =	sld [smem:$0x3FD0];
	(tm) =	ssettm $0x1  }
0x91: {  	s18 =	sld [smem:$0x3FFB];
	_ =	sdelay $0x3  }
0x92: {  	_ =	strace s18  }
0x93: {  	s3 =	sld [smem:$0x3FFC];
	_ =	sdelay $0x3  }
0x94: {  	_ =	strace s3  }
0x95: {  	s3 =	sld [smem:$0x3FFD];
	_ =	sdelay $0x3  }
0x96: {  	_ =	strace s3  }
0x97: {  	_ =	strace $0x8FFFFFFF  }
0x98: {  	s19 =	sld [smem:$0x3FDB];
	_ =	sdelay $0x1  }
0x99: {  	s4 =	simm.s32 $_scs_section_size  }
0x9a: {  	s5 =	simm.s32 $_size__tile_overlayer_lowered;
	s6 =	simm.s32 $_tile_overlayer_lowered  }
0x9b: {  	s22 =	simm.s32 $0x1BFF;
	s21 =	sshll.u32 s6, $0x1;
	s3 =	sadd.s32 s4, s19  }
0x9c: {  	s7 =	simm.s32 $0x0;
	s20 =	sshll.u32 s5, $0x1;
	s5 =	sadd.s32 s21, s3  }
0x9d: {  	[timem:s7], [sflag:s22] =	dma.local [hbm:s5], s20  }
0x9e: {  	_ =	swait.ge [sflag:s22], s20  }
0x9f: {  	s4 =	ssub.s32 $0x0, s20;
	[sflag:s22] =	ssyncset.done $0x0  }
0xa0: {  	[sflag:s22] =	ssyncadd.s32 s4;
	_ =	sdelay $0x1  }
0xa1: {  	s23 =	simm.s32 $0x1B8B  }
0xa2: {  	_ =	swait.ge [sflag:s23], $0x1  }
0xa3: {  	[sflag:s23] =	ssyncset.done $0x0  }
0xa4: {  	s25 =	simm.s32 $0x1B8E;
	s24 =	sld [smem:$0x3FFE];
	[sflag:s23] =	ssyncadd.s32 $0xFFFFFFFF  }
0xa5: {  	s26 =	simm.s32 $execute0_lowered;
	[smem:$0x3FD2] =	sst s25  }
0xa6: {  	s5 =	sshll.u32 s26, $0x1;
	_ =	strace $0x80000049;
	[dreg:$0x1] =	wrdreg $0xFFFFFFFF  }
0xa7: {  	s28 =	simm.s32 $_size_execute0_lowered;
	s3 =	sadd.s32 s3, s5;
	[dreg:$0x0] =	wrdreg $0x0  }
0xa8: {  	s5 =	sshll.u32 s28, $0x1;
	[dreg:$0x2] =	wrdreg s3  }
0xa9: {  	[dreg:$0x3] =	wrdreg s5  }
0xaa: {  	[dreg:$0x4] =	wrdreg $0xC0  }
0xab: {  	_ =	task [dreg:s7], $0x5FFFF  }
0xac: {  	[dreg:$0x1] =	wrdreg $0xFFFFFFFF  }
0xad: {  	[dreg:$0x0] =	wrdreg $0x60  }
0xae: {  	[dreg:$0x2] =	wrdreg s24  }
0xaf: {  	[dreg:$0x3] =	wrdreg s2  }
0xb0: {  	[dreg:$0x4] =	wrdreg $0xA9000  }
0xb1: {  	[dreg:$0x5] =	wrdreg $0x9  }
0xb2: {  	_ =	task.clear_ibuf [dreg:s7], $0x6FFFF;
	_ =	strace $0x90000049  }
0xb3: {  	s29 =	simm.s32 $0x9;
	_ =	strace $0x8000004B  }
0xb4: {  	_ =	swait.ge [sflag:s29], $0x1  }
0xb5: {  	[sflag:s29] =	ssyncadd.s32 $0xFFFFFFFF  }
0xb6: {  	_ =	strace $0x9000004B  }
0xb7: {  	_ =	sfence  }
0xb8: {  	s30 =	sld [smem:$0x0];
	_ =	sdelay $0x2  }
0xb9: {  	s31 =	sshll.u32 s1, $0xD;
	s1 =	sshrl.u32 s1, $0x2  }
0xba: {  	s3 =	sand.u32 $0x4000, s31;
	s1 =	sadd.s32 s1, s30  }
0xbb: {  	s0 =	sor.u32 s3, s0;
	s1 =	sshll.u32 s1, $0x11  }
0xbc: {  	s0 =	sor.u32 s1, s0  }
0xbd: {  	s0 =	sadd.s32 $0x8F2B, s0  }
0xbe: {  	[sflag:s0] =	ssyncadd.remote.s32 $0x1  }
0xbf: {  	_ =	sfence.sel $0xFFFF  }
0xc0: {  	[dreg:$0x0] =	wrdreg $0xFFFFFFFF;
	(pc) =	sbr.abs _section_cstart, $3  }
0xc1: {  	[dreg:$0x1] =	wrdreg $0xFFFFFFFF  }
0xc2: {  	_ =	task.clear_ibuf [dreg:s7], $0x2FFFF;
	_ =	strace $0x9FFFFFFF  }
0xc3: {  	(tm) =	ssettm $0x7FFFFFFF  }
tec
execute0_lowered:
.L_overlay_start_1:
0x0: {  	(tag) =	ssettag $0x1  }
0x1: {  	s0 =	rddreg [dreg:$0x0]  }
0x2: {  	s2 =	rddreg [dreg:$0x1];
	s1 =	srdreg.scid  }
0x3: {  	s11 =	stileid.u32;
	s3 =	rddreg [dreg:$0x2]  }
0x4: {  	s5 =	simm.s32 $0x0;
	s15 =	simm.s32 $0x2800;
	s16 =	simm.s32 $0x2900  }
0x5: {  	s30 =	simm.s32 $0x2880;
	s31 =	simm.s32 $0x6900;
	s18 =	simm.s32 $0xA780  }
0x6: {  	s19 =	simm.s32 $0xA380;
	s28 =	simm.s32 $0xA300;
	s4 =	smul.u32 $0x2800, s11  }
0x7: {  	s29 =	simm.s32 $0xA280;
	s17 =	simm.s32 $0x0;
	s7 =	smul.u32 $0x14000, s11  }
0x8: {  	s1 =	sand.u32 $0x1, s1;
	[smem:$0x7FF] =	sst s5;
	s20 =	smul.u32 $0x50000, s11  }
0x9: {  	s12 =	sadd.s32 $0x6C00, s0;
	s26 =	sshll.u32 s11, $0x6;
	s6 =	smul.u32 $0x140000, s1  }
0xa: {  	_ =	strace $0x8000004A;
	s8 =	sshll.u32 s1, $0x7;
	s1 =	ssub.s32 $0x2, s1  }
0xb: {  	[dreg:$0x4] =	wrdreg s12;
	s12 =	simm.s32 $0x5;
	s13 =	sor.u32 $0x1C05, s26  }
0xc: {  	s26 =	simm.s32 $0xA480;
	s9 =	sshrl.u32 s4, $0x3;
	s8 =	sadd.s32 s8, s0  }
0xd: {  	s21 =	sshrl.u32 s1, $0x1;
	s23 =	sshrl.u32 s20, $0x2;
	s20 =	simm.s32 $0xA700  }
0xe: {  	[dreg:$0x9] =	wrdreg s13;
	s10 =	sadd.s32 s9, s0;
	s6 =	sadd.s32 s7, s6  }
0xf: {  	s1 =	ssub.s32 s1, s21;
	s24 =	sadd.s32 s2, s9;
	s9 =	sadd.s32 $0x58200, s8  }
0x10: {  	s21 =	simm.s32 $0xA680;
	s7 =	simm.s32 $0x80;
	s8 =	simm.s32 $0x2  }
0x11: {  	v0 =	vimm.s32 $0x7;
	s6 =	sshrl.u32 s6, $0x3;
	s22 =	sadd.s32 $0x1C00, s10;
	[dreg:$0x6] =	wrdreg s24  }
0x12: {  	v1 =	vimm.s32 $0x1;
	v2 =	vimm.s32 $0x0;
	v3 =	vlaneseq.u32;
	s25 =	smax.u32 s1, $0x1;
	s24 =	simm.s32 $0xA500;
	s1 =	simm.s32 $0xA880  }
.Ltmp0:
0x13: {  	vm0 =	vmmov $0x1;
	v4 =	vimm.s32 $0x2;
	v5 =	vimm.s32 $0x3;
	s10 =	simm.s32 $0x4;
	[dreg:$0x5] =	wrdreg s22;
	(pc) =	sbr.rel .LBB2_1-.Ltmp0, $4  }
0x14: {  	v6 =	vimm.s32 $0x4;
	v7 =	vimm.s32 $0x5;
	v8 =	vimm.s32 $0x6;
	s0 =	sadd.s32 s6, s0;
	s6 =	sadd.s32 s23, s3;
	[dreg:$0x8] =	wrdreg s25  }
0x15: {  	v9 =	vimm.s32 $0x8;
	v10 =	vimm.s32 $0x9;
	v11 =	vimm.s32 $0xA;
	s22 =	simm.s32 $0xA580;
	s23 =	simm.s32 $0xA600;
	s0 =	sadd.s32 $0xA8200, s0  }
0x16: {  	v12 =	vimm.s32 $0xB;
	v13 =	vimm.s32 $0xC;
	v14 =	vimm.s32 $0xD;
	s25 =	simm.s32 $0xA400;
	s14 =	sshrl.u32 s6, $0x3;
	[dreg:$0x7] =	wrdreg s0  }
0x17: {  	v15 =	vimm.s32 $0xE;
	v16 =	vimm.s32 $0xF;
	v3 =	vmul.u32 $0x8, v3;
	s6 =	simm.s32 $0x3;
	s0 =	simm.s32 $0x1;
	[dreg:$0xa] =	wrdreg s14  }
.LBB2_5:
0x18: {  	[bflag:$0x0] =	sbarrier.arrive $0xFFFF  }
0x19: {  	s11 =	rddreg [dreg:$0x7]  }
0x1a: {  	s13 =	rddreg [dreg:$0x9]  }
0x1b: {  	s14 =	rddreg [dreg:$0xa]  }
0x1c: {  	[hbm:s11], [sflag:s13] =	dma.local [spmem:s14], $0x2800  }
0x1d: {  	_ =	swait.ge [sflag:s12], $0x2800  }
0x1e: {  	s17 =	rddreg [dreg:$0xb]  }
0x1f: {  	s11 =	rddreg [dreg:$0x8];
	s17 =	sadd.s32 $0x1, s17  }
0x20: {  	p0 =	sne.s32 s17, s11  }
.Ltmp1:
0x21: {  	_ = 	snop;
	(pc) =	sbr.rel @!p0 .LBB2_6-.Ltmp1, $3  }
0x22: {  	_ =	sdelay $0x1  }
0x23: {  	[sflag:s12] =	ssyncset.done $0x0  }
0x24: {  	[sflag:s12] =	ssyncadd.s32 $0xFFFFD800  }
.LBB2_1:
0x25: {  	[dreg:$0xb] =	wrdreg s17  }
0x26: {  	s11 =	rddreg [dreg:$0x5]  }
0x27: {  	[tilespmem:s5], [sflag:$0x5] =	stream.linear.gather [hbm4b:s11+s5], $0x2800, $0x38;
	[tilespmem:$0x1E900] =	vst v63  }
0x28: {  	_ =	swait.ge [sflag:s12], $0x2800  }
0x29: {  	[sflag:s12] =	ssyncset.done $0x0  }
0x2a: {  	s17 =	rddreg [dreg:$0x4];
	[sflag:s12] =	ssyncadd.s32 $0xFFFFD800  }
0x2b: {  	[spmem:s14], [sflag:s13] =	dma.local [hbm:s17], $0x2800  }
0x2c: {  	_ =	swait.ge [sflag:s12], $0x2800  }
0x2d: {  	[sflag:s12] =	ssyncset.done $0x0  }
0x2e: {  	[sflag:s12] =	ssyncadd.s32 $0xFFFFD800  }
0x2f: {  	[bflag:$0x0] =	sbarrier.arrive $0xFFFF  }
0x30: {  	s14 =	rddreg [dreg:$0x6]  }
0x31: {  	[tilespmem:s15], [sflag:$0x3] =	stream.linear.gather [hbm4b:s14+s5], $0x80, $0x38;
	[tilespmem:$0x1E900] =	vst v63  }
0x32: {  	v17 =	vld [tilespmem:$0x0];
	_ =	sdelay $0x4  }
0x33: {  	v18 =	vshll.u32 v17, $0x1  }
0x34: {  	v17 =	vand.u32 $0x7, v17;
	v18 =	vand.u32 $0xFFFFFFF0, v18  }
0x35: {  	v17 =	vor.u32 v17, v18  }
0x36: {  	v18 =	vperm.xlane v17, v2;
	_ =	sdelay $0x1  }
0x37: {  	v19 =	vperm.xlane v17, v1;
	v18 =	vadd.s32 v3, v18;
	_ =	sdelay $0x1  }
0x38: {  	v20 =	vperm.xlane v17, v4;
	v19 =	vadd.s32 v3, v19;
	_ =	sdelay $0x1  }
0x39: {  	v21 =	vperm.xlane v17, v5;
	v20 =	vadd.s32 v3, v20  }
0x3a: {  	[tilespmem:s16], [sflag:$0x1] =	stream.indirect_vreg.gather [hbm4b:s9+s5], $0x80, v18, vm0, $0xb8;
	[tilespmem:$0x1E900] =	vst v63  }
0x3b: {  	s17 =	simm.s32 $0x2980;
	v50 =	vperm.xlane v17, v6;
	v18 =	vadd.s32 v3, v21  }
0x3c: {  	[tilespmem:s17], [sflag:$0x1] =	stream.indirect_vreg.gather [hbm4b:s9+s5], $0x80, v19, vm0, $0xb8;
	[tilespmem:$0x1E900] =	vst v63  }
0x3d: {  	s13 =	simm.s32 $0x2A00;
	v51 =	vperm.xlane v17, v7;
	v19 =	vadd.s32 v3, v50  }
0x3e: {  	[tilespmem:s13], [sflag:$0x1] =	stream.indirect_vreg.gather [hbm4b:s9+s5], $0x80, v20, vm0, $0xb8;
	[tilespmem:$0x1E900] =	vst v63  }
0x3f: {  	s14 =	simm.s32 $0x2A80;
	v53 =	vperm.xlane v17, v8;
	v52 =	vadd.s32 v3, v51  }
0x40: {  	[tilespmem:s14], [sflag:$0x1] =	stream.indirect_vreg.gather [hbm4b:s9+s5], $0x80, v18, vm0, $0xb8;
	[tilespmem:$0x1E900] =	vst v63  }
0x41: {  	v54 =	vperm.xlane v17, v0;
	s17 =	simm.s32 $0x2B00;
	v18 =	vadd.s32 v3, v53  }
0x42: {  	[tilespmem:s17], [sflag:$0x1] =	stream.indirect_vreg.gather [hbm4b:s9+s5], $0x80, v19, vm0, $0xb8;
	[tilespmem:$0x1E900] =	vst v63  }
0x43: {  	v55 =	vperm.xlane v17, v9;
	s13 =	simm.s32 $0x2B80;
	v19 =	vadd.s32 v3, v54  }
0x44: {  	[tilespmem:s13], [sflag:$0x1] =	stream.indirect_vreg.gather [hbm4b:s9+s5], $0x80, v52, vm0, $0xb8;
	[tilespmem:$0x1E900] =	vst v63  }
0x45: {  	v57 =	vperm.xlane v17, v10;
	v56 =	vadd.s32 v3, v55;
	s14 =	simm.s32 $0x2C00  }
0x46: {  	[tilespmem:s14], [sflag:$0x1] =	stream.indirect_vreg.gather [hbm4b:s9+s5], $0x80, v18, vm0, $0xb8;
	[tilespmem:$0x1E900] =	vst v63  }
0x47: {  	v58 =	vperm.xlane v17, v11;
	s17 =	simm.s32 $0x2C80;
	v18 =	vadd.s32 v3, v57  }
0x48: {  	[tilespmem:s17], [sflag:$0x1] =	stream.indirect_vreg.gather [hbm4b:s9+s5], $0x80, v19, vm0, $0xb8;
	[tilespmem:$0x1E900] =	vst v63  }
0x49: {  	v59 =	vperm.xlane v17, v12;
	s13 =	simm.s32 $0x2D00;
	v19 =	vadd.s32 v3, v58  }
0x4a: {  	[tilespmem:s13], [sflag:$0x1] =	stream.indirect_vreg.gather [hbm4b:s9+s5], $0x80, v56, vm0, $0xb8;
	[tilespmem:$0x1E900] =	vst v63  }
0x4b: {  	v61 =	vperm.xlane v17, v13;
	v60 =	vadd.s32 v3, v59;
	s14 =	simm.s32 $0x2D80  }
0x4c: {  	[tilespmem:s14], [sflag:$0x1] =	stream.indirect_vreg.gather [hbm4b:s9+s5], $0x80, v18, vm0, $0xb8;
	[tilespmem:$0x1E900] =	vst v63  }
0x4d: {  	v62 =	vperm.xlane v17, v14;
	s17 =	simm.s32 $0x2E00;
	v18 =	vadd.s32 v3, v61  }
0x4e: {  	[tilespmem:s17], [sflag:$0x1] =	stream.indirect_vreg.gather [hbm4b:s9+s5], $0x80, v19, vm0, $0xb8;
	[tilespmem:$0x1E900] =	vst v63  }
0x4f: {  	v63 =	vperm.xlane v17, v15;
	s13 =	simm.s32 $0x2E80;
	v19 =	vadd.s32 v3, v62  }
0x50: {  	[tilespmem:s13], [sflag:$0x1] =	stream.indirect_vreg.gather [hbm4b:s9+s5], $0x80, v60, vm0, $0xb8;
	[tilespmem:$0x1E900] =	vst v63  }
0x51: {  	v17 =	vperm.xlane v17, v16;
	v24 =	vadd.s32 v3, v63;
	s14 =	simm.s32 $0x2F00  }
0x52: {  	[tilespmem:s14], [sflag:$0x1] =	stream.indirect_vreg.gather [hbm4b:s9+s5], $0x80, v18, vm0, $0xb8;
	[tilespmem:$0x1E900] =	vst v63  }
0x53: {  	v17 =	vadd.s32 v3, v17;
	s17 =	simm.s32 $0x2F80  }
0x54: {  	[tilespmem:s17], [sflag:$0x1] =	stream.indirect_vreg.gather [hbm4b:s9+s5], $0x80, v19, vm0, $0xb8;
	[tilespmem:$0x1E900] =	vst v63  }
0x55: {  	s13 =	simm.s32 $0x3000  }
0x56: {  	[tilespmem:s13], [sflag:$0x1] =	stream.indirect_vreg.gather [hbm4b:s9+s5], $0x80, v24, vm0, $0xb8;
	[tilespmem:$0x1E900] =	vst v63  }
0x57: {  	s14 =	simm.s32 $0x3080  }
0x58: {  	[tilespmem:s14], [sflag:$0x1] =	stream.indirect_vreg.gather [hbm4b:s9+s5], $0x80, v17, vm0, $0xb8;
	[tilespmem:$0x1E900] =	vst v63  }
0x59: {  	v17 =	vld [tilespmem:$0x10];
	_ =	sdelay $0x4  }
0x5a: {  	v18 =	vshll.u32 v17, $0x1  }
0x5b: {  	v17 =	vand.u32 $0x7, v17;
	v18 =	vand.u32 $0xFFFFFFF0, v18  }
0x5c: {  	v17 =	vor.u32 v17, v18  }
0x5d: {  	v18 =	vperm.xlane v17, v2;
	_ =	sdelay $0x1  }
0x5e: {  	v19 =	vperm.xlane v17, v1;
	v18 =	vadd.s32 v3, v18;
	_ =	sdelay $0x1  }
0x5f: {  	v25 =	vperm.xlane v17, v4;
	v19 =	vadd.s32 v3, v19;
	_ =	sdelay $0x1  }
0x60: {  	s17 =	simm.s32 $0x3100;
	v26 =	vperm.xlane v17, v5;
	v20 =	vadd.s32 v3, v25  }
0x61: {  	[tilespmem:s17], [sflag:$0x1] =	stream.indirect_vreg.gather [hbm4b:s9+s5], $0x80, v18, vm0, $0xb8;
	[tilespmem:$0x1E900] =	vst v63  }
0x62: {  	s13 =	simm.s32 $0x3180;
	v27 =	vperm.xlane v17, v6;
	v18 =	vadd.s32 v3, v26  }
0x63: {  	[tilespmem:s13], [sflag:$0x1] =	stream.indirect_vreg.gather [hbm4b:s9+s5], $0x80, v19, vm0, $0xb8;
	[tilespmem:$0x1E900] =	vst v63  }
0x64: {  	s14 =	simm.s32 $0x3200;
	v28 =	vperm.xlane v17, v7;
	v19 =	vadd.s32 v3, v27  }
0x65: {  	[tilespmem:s14], [sflag:$0x1] =	stream.indirect_vreg.gather [hbm4b:s9+s5], $0x80, v20, vm0, $0xb8;
	[tilespmem:$0x1E900] =	vst v63  }
0x66: {  	v30 =	vperm.xlane v17, v8;
	v29 =	vadd.s32 v3, v28;
	s17 =	simm.s32 $0x3280  }
0x67: {  	[tilespmem:s17], [sflag:$0x1] =	stream.indirect_vreg.gather [hbm4b:s9+s5], $0x80, v18, vm0, $0xb8;
	[tilespmem:$0x1E900] =	vst v63  }
0x68: {  	v31 =	vperm.xlane v17, v0;
	s13 =	simm.s32 $0x3300;
	v18 =	vadd.s32 v3, v30  }
0x69: {  	[tilespmem:s13], [sflag:$0x1] =	stream.indirect_vreg.gather [hbm4b:s9+s5], $0x80, v19, vm0, $0xb8;
	[tilespmem:$0x1E900] =	vst v63  }
0x6a: {  	v32 =	vperm.xlane v17, v9;
	s14 =	simm.s32 $0x3380;
	v19 =	vadd.s32 v3, v31  }
0x6b: {  	[tilespmem:s14], [sflag:$0x1] =	stream.indirect_vreg.gather [hbm4b:s9+s5], $0x80, v29, vm0, $0xb8;
	[tilespmem:$0x1E900] =	vst v63  }
0x6c: {  	v34 =	vperm.xlane v17, v10;
	v33 =	vadd.s32 v3, v32;
	s17 =	simm.s32 $0x3400  }
0x6d: {  	[tilespmem:s17], [sflag:$0x1] =	stream.indirect_vreg.gather [hbm4b:s9+s5], $0x80, v18, vm0, $0xb8;
	[tilespmem:$0x1E900] =	vst v63  }
0x6e: {  	v35 =	vperm.xlane v17, v11;
	s13 =	simm.s32 $0x3480;
	v18 =	vadd.s32 v3, v34  }
0x6f: {  	[tilespmem:s13], [sflag:$0x1] =	stream.indirect_vreg.gather [hbm4b:s9+s5], $0x80, v19, vm0, $0xb8;
	[tilespmem:$0x1E900] =	vst v63  }
0x70: {  	v36 =	vperm.xlane v17, v12;
	s14 =	simm.s32 $0x3500;
	v19 =	vadd.s32 v3, v35  }
0x71: {  	[tilespmem:s14], [sflag:$0x1] =	stream.indirect_vreg.gather [hbm4b:s9+s5], $0x80, v33, vm0, $0xb8;
	[tilespmem:$0x1E900] =	vst v63  }
0x72: {  	v38 =	vperm.xlane v17, v13;
	v37 =	vadd.s32 v3, v36;
	s17 =	simm.s32 $0x3580  }
0x73: {  	[tilespmem:s17], [sflag:$0x1] =	stream.indirect_vreg.gather [hbm4b:s9+s5], $0x80, v18, vm0, $0xb8;
	[tilespmem:$0x1E900] =	vst v63  }
0x74: {  	v39 =	vperm.xlane v17, v14;
	s13 =	simm.s32 $0x3600;
	v18 =	vadd.s32 v3, v38  }
0x75: {  	[tilespmem:s13], [sflag:$0x1] =	stream.indirect_vreg.gather [hbm4b:s9+s5], $0x80, v19, vm0, $0xb8;
	[tilespmem:$0x1E900] =	vst v63  }
0x76: {  	v40 =	vperm.xlane v17, v15;
	s14 =	simm.s32 $0x3680;
	v19 =	vadd.s32 v3, v39  }
0x77: {  	[tilespmem:s14], [sflag:$0x1] =	stream.indirect_vreg.gather [hbm4b:s9+s5], $0x80, v37, vm0, $0xb8;
	[tilespmem:$0x1E900] =	vst v63  }
0x78: {  	v17 =	vperm.xlane v17, v16;
	v41 =	vadd.s32 v3, v40;
	s17 =	simm.s32 $0x3700  }
0x79: {  	[tilespmem:s17], [sflag:$0x1] =	stream.indirect_vreg.gather [hbm4b:s9+s5], $0x80, v18, vm0, $0xb8;
	[tilespmem:$0x1E900] =	vst v63  }
0x7a: {  	v17 =	vadd.s32 v3, v17;
	s13 =	simm.s32 $0x3780  }
0x7b: {  	[tilespmem:s13], [sflag:$0x1] =	stream.indirect_vreg.gather [hbm4b:s9+s5], $0x80, v19, vm0, $0xb8;
	[tilespmem:$0x1E900] =	vst v63  }
0x7c: {  	s14 =	simm.s32 $0x3800  }
0x7d: {  	[tilespmem:s14], [sflag:$0x1] =	stream.indirect_vreg.gather [hbm4b:s9+s5], $0x80, v41, vm0, $0xb8;
	[tilespmem:$0x1E900] =	vst v63  }
0x7e: {  	s17 =	simm.s32 $0x3880  }
0x7f: {  	[tilespmem:s17], [sflag:$0x1] =	stream.indirect_vreg.gather [hbm4b:s9+s5], $0x80, v17, vm0, $0xb8;
	[tilespmem:$0x1E900] =	vst v63  }
0x80: {  	v17 =	vld [tilespmem:$0x20];
	_ =	sdelay $0x4  }
0x81: {  	v18 =	vshll.u32 v17, $0x1  }
0x82: {  	v17 =	vand.u32 $0x7, v17;
	v18 =	vand.u32 $0xFFFFFFF0, v18  }
0x83: {  	v17 =	vor.u32 v17, v18  }
0x84: {  	v18 =	vperm.xlane v17, v2;
	_ =	sdelay $0x1  }
0x85: {  	v19 =	vperm.xlane v17, v1;
	v18 =	vadd.s32 v3, v18;
	_ =	sdelay $0x1  }
0x86: {  	v42 =	vperm.xlane v17, v4;
	v19 =	vadd.s32 v3, v19;
	_ =	sdelay $0x1  }
0x87: {  	s13 =	simm.s32 $0x3900;
	v43 =	vperm.xlane v17, v5;
	v20 =	vadd.s32 v3, v42  }
0x88: {  	[tilespmem:s13], [sflag:$0x1] =	stream.indirect_vreg.gather [hbm4b:s9+s5], $0x80, v18, vm0, $0xb8;
	[tilespmem:$0x1E900] =	vst v63  }
0x89: {  	s14 =	simm.s32 $0x3980;
	v44 =	vperm.xlane v17, v6;
	v18 =	vadd.s32 v3, v43  }
0x8a: {  	[tilespmem:s14], [sflag:$0x1] =	stream.indirect_vreg.gather [hbm4b:s9+s5], $0x80, v19, vm0, $0xb8;
	[tilespmem:$0x1E900] =	vst v63  }
0x8b: {  	s17 =	simm.s32 $0x3A00;
	v45 =	vperm.xlane v17, v7;
	v19 =	vadd.s32 v3, v44  }
0x8c: {  	[tilespmem:s17], [sflag:$0x1] =	stream.indirect_vreg.gather [hbm4b:s9+s5], $0x80, v20, vm0, $0xb8;
	[tilespmem:$0x1E900] =	vst v63  }
0x8d: {  	v47 =	vperm.xlane v17, v8;
	v46 =	vadd.s32 v3, v45;
	s13 =	simm.s32 $0x3A80  }
0x8e: {  	[tilespmem:s13], [sflag:$0x1] =	stream.indirect_vreg.gather [hbm4b:s9+s5], $0x80, v18, vm0, $0xb8;
	[tilespmem:$0x1E900] =	vst v63  }
0x8f: {  	v48 =	vperm.xlane v17, v0;
	s14 =	simm.s32 $0x3B00;
	v18 =	vadd.s32 v3, v47  }
0x90: {  	[tilespmem:s14], [sflag:$0x1] =	stream.indirect_vreg.gather [hbm4b:s9+s5], $0x80, v19, vm0, $0xb8;
	[tilespmem:$0x1E900] =	vst v63  }
0x91: {  	v49 =	vperm.xlane v17, v9;
	s17 =	simm.s32 $0x3B80;
	v19 =	vadd.s32 v3, v48  }
0x92: {  	[tilespmem:s17], [sflag:$0x1] =	stream.indirect_vreg.gather [hbm4b:s9+s5], $0x80, v46, vm0, $0xb8;
	[tilespmem:$0x1E900] =	vst v63  }
0x93: {  	v51 =	vperm.xlane v17, v10;
	v50 =	vadd.s32 v3, v49;
	s13 =	simm.s32 $0x3C00  }
0x94: {  	[tilespmem:s13], [sflag:$0x1] =	stream.indirect_vreg.gather [hbm4b:s9+s5], $0x80, v18, vm0, $0xb8;
	[tilespmem:$0x1E900] =	vst v63  }
0x95: {  	v52 =	vperm.xlane v17, v11;
	s14 =	simm.s32 $0x3C80;
	v18 =	vadd.s32 v3, v51  }
0x96: {  	[tilespmem:s14], [sflag:$0x1] =	stream.indirect_vreg.gather [hbm4b:s9+s5], $0x80, v19, vm0, $0xb8;
	[tilespmem:$0x1E900] =	vst v63  }
0x97: {  	v53 =	vperm.xlane v17, v12;
	s17 =	simm.s32 $0x3D00;
	v19 =	vadd.s32 v3, v52  }
0x98: {  	[tilespmem:s17], [sflag:$0x1] =	stream.indirect_vreg.gather [hbm4b:s9+s5], $0x80, v50, vm0, $0xb8;
	[tilespmem:$0x1E900] =	vst v63  }
0x99: {  	v55 =	vperm.xlane v17, v13;
	v54 =	vadd.s32 v3, v53;
	s13 =	simm.s32 $0x3D80  }
0x9a: {  	[tilespmem:s13], [sflag:$0x1] =	stream.indirect_vreg.gather [hbm4b:s9+s5], $0x80, v18, vm0, $0xb8;
	[tilespmem:$0x1E900] =	vst v63  }
0x9b: {  	v56 =	vperm.xlane v17, v14;
	s14 =	simm.s32 $0x3E00;
	v18 =	vadd.s32 v3, v55  }
0x9c: {  	[tilespmem:s14], [sflag:$0x1] =	stream.indirect_vreg.gather [hbm4b:s9+s5], $0x80, v19, vm0, $0xb8;
	[tilespmem:$0x1E900] =	vst v63  }
0x9d: {  	v57 =	vperm.xlane v17, v15;
	s17 =	simm.s32 $0x3E80;
	v19 =	vadd.s32 v3, v56  }
0x9e: {  	[tilespmem:s17], [sflag:$0x1] =	stream.indirect_vreg.gather [hbm4b:s9+s5], $0x80, v54, vm0, $0xb8;
	[tilespmem:$0x1E900] =	vst v63  }
0x9f: {  	v17 =	vperm.xlane v17, v16;
	v58 =	vadd.s32 v3, v57;
	s13 =	simm.s32 $0x3F00  }
0xa0: {  	[tilespmem:s13], [sflag:$0x1] =	stream.indirect_vreg.gather [hbm4b:s9+s5], $0x80, v18, vm0, $0xb8;
	[tilespmem:$0x1E900] =	vst v63  }
0xa1: {  	v17 =	vadd.s32 v3, v17;
	s14 =	simm.s32 $0x3F80  }
0xa2: {  	[tilespmem:s14], [sflag:$0x1] =	stream.indirect_vreg.gather [hbm4b:s9+s5], $0x80, v19, vm0, $0xb8;
	[tilespmem:$0x1E900] =	vst v63  }
0xa3: {  	s17 =	simm.s32 $0x4000  }
0xa4: {  	[tilespmem:s17], [sflag:$0x1] =	stream.indirect_vreg.gather [hbm4b:s9+s5], $0x80, v58, vm0, $0xb8;
	[tilespmem:$0x1E900] =	vst v63  }
0xa5: {  	s13 =	simm.s32 $0x4080  }
0xa6: {  	[tilespmem:s13], [sflag:$0x1] =	stream.indirect_vreg.gather [hbm4b:s9+s5], $0x80, v17, vm0, $0xb8;
	[tilespmem:$0x1E900] =	vst v63  }
0xa7: {  	v17 =	vld [tilespmem:$0x30];
	_ =	sdelay $0x4  }
0xa8: {  	v18 =	vshll.u32 v17, $0x1  }
0xa9: {  	v17 =	vand.u32 $0x7, v17;
	v18 =	vand.u32 $0xFFFFFFF0, v18  }
0xaa: {  	v17 =	vor.u32 v17, v18  }
0xab: {  	v18 =	vperm.xlane v17, v2;
	_ =	sdelay $0x1  }
0xac: {  	v19 =	vperm.xlane v17, v1;
	v18 =	vadd.s32 v3, v18;
	_ =	sdelay $0x1  }
0xad: {  	v59 =	vperm.xlane v17, v4;
	v19 =	vadd.s32 v3, v19;
	_ =	sdelay $0x1  }
0xae: {  	s14 =	simm.s32 $0x4100;
	v60 =	vperm.xlane v17, v5;
	v20 =	vadd.s32 v3, v59  }
0xaf: {  	[tilespmem:s14], [sflag:$0x1] =	stream.indirect_vreg.gather [hbm4b:s9+s5], $0x80, v18, vm0, $0xb8;
	[tilespmem:$0x1E900] =	vst v63  }
0xb0: {  	s17 =	simm.s32 $0x4180;
	v61 =	vperm.xlane v17, v6;
	v18 =	vadd.s32 v3, v60  }
0xb1: {  	[tilespmem:s17], [sflag:$0x1] =	stream.indirect_vreg.gather [hbm4b:s9+s5], $0x80, v19, vm0, $0xb8;
	[tilespmem:$0x1E900] =	vst v63  }
0xb2: {  	s13 =	simm.s32 $0x4200;
	v62 =	vperm.xlane v17, v7;
	v19 =	vadd.s32 v3, v61  }
0xb3: {  	[tilespmem:s13], [sflag:$0x1] =	stream.indirect_vreg.gather [hbm4b:s9+s5], $0x80, v20, vm0, $0xb8;
	[tilespmem:$0x1E900] =	vst v63  }
0xb4: {  	v24 =	vperm.xlane v17, v8;
	v63 =	vadd.s32 v3, v62;
	s14 =	simm.s32 $0x4280  }
0xb5: {  	[tilespmem:s14], [sflag:$0x1] =	stream.indirect_vreg.gather [hbm4b:s9+s5], $0x80, v18, vm0, $0xb8;
	[tilespmem:$0x1E900] =	vst v63  }
0xb6: {  	v25 =	vperm.xlane v17, v0;
	s17 =	simm.s32 $0x4300;
	v18 =	vadd.s32 v3, v24  }
0xb7: {  	[tilespmem:s17], [sflag:$0x1] =	stream.indirect_vreg.gather [hbm4b:s9+s5], $0x80, v19, vm0, $0xb8;
	[tilespmem:$0x1E900] =	vst v63  }
0xb8: {  	v26 =	vperm.xlane v17, v9;
	s13 =	simm.s32 $0x4380;
	v19 =	vadd.s32 v3, v25  }
0xb9: {  	[tilespmem:s13], [sflag:$0x1] =	stream.indirect_vreg.gather [hbm4b:s9+s5], $0x80, v63, vm0, $0xb8;
	[tilespmem:$0x1E900] =	vst v63  }
0xba: {  	v28 =	vperm.xlane v17, v10;
	v27 =	vadd.s32 v3, v26;
	s14 =	simm.s32 $0x4400  }
0xbb: {  	[tilespmem:s14], [sflag:$0x1] =	stream.indirect_vreg.gather [hbm4b:s9+s5], $0x80, v18, vm0, $0xb8;
	[tilespmem:$0x1E900] =	vst v63  }
0xbc: {  	v29 =	vperm.xlane v17, v11;
	s17 =	simm.s32 $0x4480;
	v18 =	vadd.s32 v3, v28  }
0xbd: {  	[tilespmem:s17], [sflag:$0x1] =	stream.indirect_vreg.gather [hbm4b:s9+s5], $0x80, v19, vm0, $0xb8;
	[tilespmem:$0x1E900] =	vst v63  }
0xbe: {  	v30 =	vperm.xlane v17, v12;
	s13 =	simm.s32 $0x4500;
	v19 =	vadd.s32 v3, v29  }
0xbf: {  	[tilespmem:s13], [sflag:$0x1] =	stream.indirect_vreg.gather [hbm4b:s9+s5], $0x80, v27, vm0, $0xb8;
	[tilespmem:$0x1E900] =	vst v63  }
0xc0: {  	v32 =	vperm.xlane v17, v13;
	v31 =	vadd.s32 v3, v30;
	s14 =	simm.s32 $0x4580  }
0xc1: {  	[tilespmem:s14], [sflag:$0x1] =	stream.indirect_vreg.gather [hbm4b:s9+s5], $0x80, v18, vm0, $0xb8;
	[tilespmem:$0x1E900] =	vst v63  }
0xc2: {  	v33 =	vperm.xlane v17, v14;
	s17 =	simm.s32 $0x4600;
	v18 =	vadd.s32 v3, v32  }
0xc3: {  	[tilespmem:s17], [sflag:$0x1] =	stream.indirect_vreg.gather [hbm4b:s9+s5], $0x80, v19, vm0, $0xb8;
	[tilespmem:$0x1E900] =	vst v63  }
0xc4: {  	v34 =	vperm.xlane v17, v15;
	s13 =	simm.s32 $0x4680;
	v19 =	vadd.s32 v3, v33  }
0xc5: {  	[tilespmem:s13], [sflag:$0x1] =	stream.indirect_vreg.gather [hbm4b:s9+s5], $0x80, v31, vm0, $0xb8;
	[tilespmem:$0x1E900] =	vst v63  }
0xc6: {  	v17 =	vperm.xlane v17, v16;
	v35 =	vadd.s32 v3, v34;
	s14 =	simm.s32 $0x4700  }
0xc7: {  	[tilespmem:s14], [sflag:$0x1] =	stream.indirect_vreg.gather [hbm4b:s9+s5], $0x80, v18, vm0, $0xb8;
	[tilespmem:$0x1E900] =	vst v63  }
0xc8: {  	v17 =	vadd.s32 v3, v17;
	s17 =	simm.s32 $0x4780  }
0xc9: {  	[tilespmem:s17], [sflag:$0x1] =	stream.indirect_vreg.gather [hbm4b:s9+s5], $0x80, v19, vm0, $0xb8;
	[tilespmem:$0x1E900] =	vst v63  }
0xca: {  	s13 =	simm.s32 $0x4800  }
0xcb: {  	[tilespmem:s13], [sflag:$0x1] =	stream.indirect_vreg.gather [hbm4b:s9+s5], $0x80, v35, vm0, $0xb8;
	[tilespmem:$0x1E900] =	vst v63  }
0xcc: {  	s14 =	simm.s32 $0x4880  }
0xcd: {  	[tilespmem:s14], [sflag:$0x1] =	stream.indirect_vreg.gather [hbm4b:s9+s5], $0x80, v17, vm0, $0xb8;
	[tilespmem:$0x1E900] =	vst v63  }
0xce: {  	v17 =	vld [tilespmem:$0x40];
	_ =	sdelay $0x4  }
0xcf: {  	v18 =	vshll.u32 v17, $0x1  }
0xd0: {  	v17 =	vand.u32 $0x7, v17;
	v18 =	vand.u32 $0xFFFFFFF0, v18  }
0xd1: {  	v17 =	vor.u32 v17, v18  }
0xd2: {  	v18 =	vperm.xlane v17, v2;
	_ =	sdelay $0x1  }
0xd3: {  	v19 =	vperm.xlane v17, v1;
	v18 =	vadd.s32 v3, v18;
	_ =	sdelay $0x1  }
0xd4: {  	v36 =	vperm.xlane v17, v4;
	v19 =	vadd.s32 v3, v19;
	_ =	sdelay $0x1  }
0xd5: {  	s17 =	simm.s32 $0x4900;
	v37 =	vperm.xlane v17, v5;
	v20 =	vadd.s32 v3, v36  }
0xd6: {  	[tilespmem:s17], [sflag:$0x1] =	stream.indirect_vreg.gather [hbm4b:s9+s5], $0x80, v18, vm0, $0xb8;
	[tilespmem:$0x1E900] =	vst v63  }
0xd7: {  	s13 =	simm.s32 $0x4980;
	v38 =	vperm.xlane v17, v6;
	v18 =	vadd.s32 v3, v37  }
0xd8: {  	[tilespmem:s13], [sflag:$0x1] =	stream.indirect_vreg.gather [hbm4b:s9+s5], $0x80, v19, vm0, $0xb8;
	[tilespmem:$0x1E900] =	vst v63  }
0xd9: {  	s14 =	simm.s32 $0x4A00;
	v39 =	vperm.xlane v17, v7;
	v19 =	vadd.s32 v3, v38  }
0xda: {  	[tilespmem:s14], [sflag:$0x1] =	stream.indirect_vreg.gather [hbm4b:s9+s5], $0x80, v20, vm0, $0xb8;
	[tilespmem:$0x1E900] =	vst v63  }
0xdb: {  	v41 =	vperm.xlane v17, v8;
	v40 =	vadd.s32 v3, v39;
	s17 =	simm.s32 $0x4A80  }
0xdc: {  	[tilespmem:s17], [sflag:$0x1] =	stream.indirect_vreg.gather [hbm4b:s9+s5], $0x80, v18, vm0, $0xb8;
	[tilespmem:$0x1E900] =	vst v63  }
0xdd: {  	v42 =	vperm.xlane v17, v0;
	s13 =	simm.s32 $0x4B00;
	v18 =	vadd.s32 v3, v41  }
0xde: {  	[tilespmem:s13], [sflag:$0x1] =	stream.indirect_vreg.gather [hbm4b:s9+s5], $0x80, v19, vm0, $0xb8;
	[tilespmem:$0x1E900] =	vst v63  }
0xdf: {  	v43 =	vperm.xlane v17, v9;
	s14 =	simm.s32 $0x4B80;
	v19 =	vadd.s32 v3, v42  }
0xe0: {  	[tilespmem:s14], [sflag:$0x1] =	stream.indirect_vreg.gather [hbm4b:s9+s5], $0x80, v40, vm0, $0xb8;
	[tilespmem:$0x1E900] =	vst v63  }
0xe1: {  	v45 =	vperm.xlane v17, v10;
	v44 =	vadd.s32 v3, v43;
	s17 =	simm.s32 $0x4C00  }
0xe2: {  	[tilespmem:s17], [sflag:$0x1] =	stream.indirect_vreg.gather [hbm4b:s9+s5], $0x80, v18, vm0, $0xb8;
	[tilespmem:$0x1E900] =	vst v63  }
0xe3: {  	v46 =	vperm.xlane v17, v11;
	s13 =	simm.s32 $0x4C80;
	v18 =	vadd.s32 v3, v45  }
0xe4: {  	[tilespmem:s13], [sflag:$0x1] =	stream.indirect_vreg.gather [hbm4b:s9+s5], $0x80, v19, vm0, $0xb8;
	[tilespmem:$0x1E900] =	vst v63  }
0xe5: {  	v47 =	vperm.xlane v17, v12;
	s14 =	simm.s32 $0x4D00;
	v19 =	vadd.s32 v3, v46  }
0xe6: {  	[tilespmem:s14], [sflag:$0x1] =	stream.indirect_vreg.gather [hbm4b:s9+s5], $0x80, v44, vm0, $0xb8;
	[tilespmem:$0x1E900] =	vst v63  }
0xe7: {  	v49 =	vperm.xlane v17, v13;
	v48 =	vadd.s32 v3, v47;
	s17 =	simm.s32 $0x4D80  }
0xe8: {  	[tilespmem:s17], [sflag:$0x1] =	stream.indirect_vreg.gather [hbm4b:s9+s5], $0x80, v18, vm0, $0xb8;
	[tilespmem:$0x1E900] =	vst v63  }
0xe9: {  	v50 =	vperm.xlane v17, v14;
	s13 =	simm.s32 $0x4E00;
	v18 =	vadd.s32 v3, v49  }
0xea: {  	[tilespmem:s13], [sflag:$0x1] =	stream.indirect_vreg.gather [hbm4b:s9+s5], $0x80, v19, vm0, $0xb8;
	[tilespmem:$0x1E900] =	vst v63  }
0xeb: {  	v51 =	vperm.xlane v17, v15;
	s14 =	simm.s32 $0x4E80;
	v19 =	vadd.s32 v3, v50  }
0xec: {  	[tilespmem:s14], [sflag:$0x1] =	stream.indirect_vreg.gather [hbm4b:s9+s5], $0x80, v48, vm0, $0xb8;
	[tilespmem:$0x1E900] =	vst v63  }
0xed: {  	v17 =	vperm.xlane v17, v16;
	v52 =	vadd.s32 v3, v51;
	s17 =	simm.s32 $0x4F00  }
0xee: {  	[tilespmem:s17], [sflag:$0x1] =	stream.indirect_vreg.gather [hbm4b:s9+s5], $0x80, v18, vm0, $0xb8;
	[tilespmem:$0x1E900] =	vst v63  }
0xef: {  	v17 =	vadd.s32 v3, v17;
	s13 =	simm.s32 $0x4F80  }
0xf0: {  	[tilespmem:s13], [sflag:$0x1] =	stream.indirect_vreg.gather [hbm4b:s9+s5], $0x80, v19, vm0, $0xb8;
	[tilespmem:$0x1E900] =	vst v63  }
0xf1: {  	s14 =	simm.s32 $0x5000  }
0xf2: {  	[tilespmem:s14], [sflag:$0x1] =	stream.indirect_vreg.gather [hbm4b:s9+s5], $0x80, v52, vm0, $0xb8;
	[tilespmem:$0x1E900] =	vst v63  }
0xf3: {  	s17 =	simm.s32 $0x5080  }
0xf4: {  	[tilespmem:s17], [sflag:$0x1] =	stream.indirect_vreg.gather [hbm4b:s9+s5], $0x80, v17, vm0, $0xb8;
	[tilespmem:$0x1E900] =	vst v63  }
0xf5: {  	v17 =	vld [tilespmem:$0x50];
	_ =	sdelay $0x4  }
0xf6: {  	v18 =	vshll.u32 v17, $0x1  }
0xf7: {  	v17 =	vand.u32 $0x7, v17;
	v18 =	vand.u32 $0xFFFFFFF0, v18  }
0xf8: {  	v17 =	vor.u32 v17, v18  }
0xf9: {  	v18 =	vperm.xlane v17, v2;
	_ =	sdelay $0x1  }
0xfa: {  	v19 =	vperm.xlane v17, v1;
	v18 =	vadd.s32 v3, v18;
	_ =	sdelay $0x1  }
0xfb: {  	v53 =	vperm.xlane v17, v4;
	v19 =	vadd.s32 v3, v19;
	_ =	sdelay $0x1  }
0xfc: {  	s13 =	simm.s32 $0x5100;
	v54 =	vperm.xlane v17, v5;
	v20 =	vadd.s32 v3, v53  }
0xfd: {  	[tilespmem:s13], [sflag:$0x1] =	stream.indirect_vreg.gather [hbm4b:s9+s5], $0x80, v18, vm0, $0xb8;
	[tilespmem:$0x1E900] =	vst v63  }
0xfe: {  	s14 =	simm.s32 $0x5180;
	v55 =	vperm.xlane v17, v6;
	v18 =	vadd.s32 v3, v54  }
0xff: {  	[tilespmem:s14], [sflag:$0x1] =	stream.indirect_vreg.gather [hbm4b:s9+s5], $0x80, v19, vm0, $0xb8;
	[tilespmem:$0x1E900] =	vst v63  }
0x100: {  	s17 =	simm.s32 $0x5200;
	v56 =	vperm.xlane v17, v7;
	v19 =	vadd.s32 v3, v55  }
0x101: {  	[tilespmem:s17], [sflag:$0x1] =	stream.indirect_vreg.gather [hbm4b:s9+s5], $0x80, v20, vm0, $0xb8;
	[tilespmem:$0x1E900] =	vst v63  }
0x102: {  	v58 =	vperm.xlane v17, v8;
	v57 =	vadd.s32 v3, v56;
	s13 =	simm.s32 $0x5280  }
0x103: {  	[tilespmem:s13], [sflag:$0x1] =	stream.indirect_vreg.gather [hbm4b:s9+s5], $0x80, v18, vm0, $0xb8;
	[tilespmem:$0x1E900] =	vst v63  }
0x104: {  	v59 =	vperm.xlane v17, v0;
	s14 =	simm.s32 $0x5300;
	v18 =	vadd.s32 v3, v58  }
0x105: {  	[tilespmem:s14], [sflag:$0x1] =	stream.indirect_vreg.gather [hbm4b:s9+s5], $0x80, v19, vm0, $0xb8;
	[tilespmem:$0x1E900] =	vst v63  }
0x106: {  	v60 =	vperm.xlane v17, v9;
	s17 =	simm.s32 $0x5380;
	v19 =	vadd.s32 v3, v59  }
0x107: {  	[tilespmem:s17], [sflag:$0x1] =	stream.indirect_vreg.gather [hbm4b:s9+s5], $0x80, v57, vm0, $0xb8;
	[tilespmem:$0x1E900] =	vst v63  }
0x108: {  	v62 =	vperm.xlane v17, v10;
	v61 =	vadd.s32 v3, v60;
	s13 =	simm.s32 $0x5400  }
0x109: {  	[tilespmem:s13], [sflag:$0x1] =	stream.indirect_vreg.gather [hbm4b:s9+s5], $0x80, v18, vm0, $0xb8;
	[tilespmem:$0x1E900] =	vst v63  }
0x10a: {  	v63 =	vperm.xlane v17, v11;
	s14 =	simm.s32 $0x5480;
	v18 =	vadd.s32 v3, v62  }
0x10b: {  	[tilespmem:s14], [sflag:$0x1] =	stream.indirect_vreg.gather [hbm4b:s9+s5], $0x80, v19, vm0, $0xb8;
	[tilespmem:$0x1E900] =	vst v63  }
0x10c: {  	v24 =	vperm.xlane v17, v12;
	s17 =	simm.s32 $0x5500;
	v19 =	vadd.s32 v3, v63  }
0x10d: {  	[tilespmem:s17], [sflag:$0x1] =	stream.indirect_vreg.gather [hbm4b:s9+s5], $0x80, v61, vm0, $0xb8;
	[tilespmem:$0x1E900] =	vst v63  }
0x10e: {  	v26 =	vperm.xlane v17, v13;
	v25 =	vadd.s32 v3, v24;
	s13 =	simm.s32 $0x5580  }
0x10f: {  	[tilespmem:s13], [sflag:$0x1] =	stream.indirect_vreg.gather [hbm4b:s9+s5], $0x80, v18, vm0, $0xb8;
	[tilespmem:$0x1E900] =	vst v63  }
0x110: {  	v27 =	vperm.xlane v17, v14;
	s14 =	simm.s32 $0x5600;
	v18 =	vadd.s32 v3, v26  }
0x111: {  	[tilespmem:s14], [sflag:$0x1] =	stream.indirect_vreg.gather [hbm4b:s9+s5], $0x80, v19, vm0, $0xb8;
	[tilespmem:$0x1E900] =	vst v63  }
0x112: {  	v28 =	vperm.xlane v17, v15;
	s17 =	simm.s32 $0x5680;
	v19 =	vadd.s32 v3, v27  }
0x113: {  	[tilespmem:s17], [sflag:$0x1] =	stream.indirect_vreg.gather [hbm4b:s9+s5], $0x80, v25, vm0, $0xb8;
	[tilespmem:$0x1E900] =	vst v63  }
0x114: {  	v17 =	vperm.xlane v17, v16;
	v29 =	vadd.s32 v3, v28;
	s13 =	simm.s32 $0x5700  }
0x115: {  	[tilespmem:s13], [sflag:$0x1] =	stream.indirect_vreg.gather [hbm4b:s9+s5], $0x80, v18, vm0, $0xb8;
	[tilespmem:$0x1E900] =	vst v63  }
0x116: {  	v17 =	vadd.s32 v3, v17;
	s14 =	simm.s32 $0x5780  }
0x117: {  	[tilespmem:s14], [sflag:$0x1] =	stream.indirect_vreg.gather [hbm4b:s9+s5], $0x80, v19, vm0, $0xb8;
	[tilespmem:$0x1E900] =	vst v63  }
0x118: {  	s17 =	simm.s32 $0x5800  }
0x119: {  	[tilespmem:s17], [sflag:$0x1] =	stream.indirect_vreg.gather [hbm4b:s9+s5], $0x80, v29, vm0, $0xb8;
	[tilespmem:$0x1E900] =	vst v63  }
0x11a: {  	s13 =	simm.s32 $0x5880  }
0x11b: {  	[tilespmem:s13], [sflag:$0x1] =	stream.indirect_vreg.gather [hbm4b:s9+s5], $0x80, v17, vm0, $0xb8;
	[tilespmem:$0x1E900] =	vst v63  }
0x11c: {  	v17 =	vld [tilespmem:$0x60];
	_ =	sdelay $0x4  }
0x11d: {  	v18 =	vshll.u32 v17, $0x1  }
0x11e: {  	v17 =	vand.u32 $0x7, v17;
	v18 =	vand.u32 $0xFFFFFFF0, v18  }
0x11f: {  	v17 =	vor.u32 v17, v18  }
0x120: {  	v18 =	vperm.xlane v17, v2;
	_ =	sdelay $0x1  }
0x121: {  	v19 =	vperm.xlane v17, v1;
	v18 =	vadd.s32 v3, v18;
	_ =	sdelay $0x1  }
0x122: {  	v30 =	vperm.xlane v17, v4;
	v19 =	vadd.s32 v3, v19;
	_ =	sdelay $0x1  }
0x123: {  	s14 =	simm.s32 $0x5900;
	v31 =	vperm.xlane v17, v5;
	v20 =	vadd.s32 v3, v30  }
0x124: {  	[tilespmem:s14], [sflag:$0x1] =	stream.indirect_vreg.gather [hbm4b:s9+s5], $0x80, v18, vm0, $0xb8;
	[tilespmem:$0x1E900] =	vst v63  }
0x125: {  	s17 =	simm.s32 $0x5980;
	v32 =	vperm.xlane v17, v6;
	v18 =	vadd.s32 v3, v31  }
0x126: {  	[tilespmem:s17], [sflag:$0x1] =	stream.indirect_vreg.gather [hbm4b:s9+s5], $0x80, v19, vm0, $0xb8;
	[tilespmem:$0x1E900] =	vst v63  }
0x127: {  	s13 =	simm.s32 $0x5A00;
	v33 =	vperm.xlane v17, v7;
	v19 =	vadd.s32 v3, v32  }
0x128: {  	[tilespmem:s13], [sflag:$0x1] =	stream.indirect_vreg.gather [hbm4b:s9+s5], $0x80, v20, vm0, $0xb8;
	[tilespmem:$0x1E900] =	vst v63  }
0x129: {  	v35 =	vperm.xlane v17, v8;
	v34 =	vadd.s32 v3, v33;
	s14 =	simm.s32 $0x5A80  }
0x12a: {  	[tilespmem:s14], [sflag:$0x1] =	stream.indirect_vreg.gather [hbm4b:s9+s5], $0x80, v18, vm0, $0xb8;
	[tilespmem:$0x1E900] =	vst v63  }
0x12b: {  	v36 =	vperm.xlane v17, v0;
	s17 =	simm.s32 $0x5B00;
	v18 =	vadd.s32 v3, v35  }
0x12c: {  	[tilespmem:s17], [sflag:$0x1] =	stream.indirect_vreg.gather [hbm4b:s9+s5], $0x80, v19, vm0, $0xb8;
	[tilespmem:$0x1E900] =	vst v63  }
0x12d: {  	v37 =	vperm.xlane v17, v9;
	s13 =	simm.s32 $0x5B80;
	v19 =	vadd.s32 v3, v36  }
0x12e: {  	[tilespmem:s13], [sflag:$0x1] =	stream.indirect_vreg.gather [hbm4b:s9+s5], $0x80, v34, vm0, $0xb8;
	[tilespmem:$0x1E900] =	vst v63  }
0x12f: {  	v39 =	vperm.xlane v17, v10;
	v38 =	vadd.s32 v3, v37;
	s14 =	simm.s32 $0x5C00  }
0x130: {  	[tilespmem:s14], [sflag:$0x1] =	stream.indirect_vreg.gather [hbm4b:s9+s5], $0x80, v18, vm0, $0xb8;
	[tilespmem:$0x1E900] =	vst v63  }
0x131: {  	v40 =	vperm.xlane v17, v11;
	s17 =	simm.s32 $0x5C80;
	v18 =	vadd.s32 v3, v39  }
0x132: {  	[tilespmem:s17], [sflag:$0x1] =	stream.indirect_vreg.gather [hbm4b:s9+s5], $0x80, v19, vm0, $0xb8;
	[tilespmem:$0x1E900] =	vst v63  }
0x133: {  	v41 =	vperm.xlane v17, v12;
	s13 =	simm.s32 $0x5D00;
	v19 =	vadd.s32 v3, v40  }
0x134: {  	[tilespmem:s13], [sflag:$0x1] =	stream.indirect_vreg.gather [hbm4b:s9+s5], $0x80, v38, vm0, $0xb8;
	[tilespmem:$0x1E900] =	vst v63  }
0x135: {  	v43 =	vperm.xlane v17, v13;
	v42 =	vadd.s32 v3, v41;
	s14 =	simm.s32 $0x5D80  }
0x136: {  	[tilespmem:s14], [sflag:$0x1] =	stream.indirect_vreg.gather [hbm4b:s9+s5], $0x80, v18, vm0, $0xb8;
	[tilespmem:$0x1E900] =	vst v63  }
0x137: {  	v44 =	vperm.xlane v17, v14;
	s17 =	simm.s32 $0x5E00;
	v18 =	vadd.s32 v3, v43  }
0x138: {  	[tilespmem:s17], [sflag:$0x1] =	stream.indirect_vreg.gather [hbm4b:s9+s5], $0x80, v19, vm0, $0xb8;
	[tilespmem:$0x1E900] =	vst v63  }
0x139: {  	v45 =	vperm.xlane v17, v15;
	s13 =	simm.s32 $0x5E80;
	v19 =	vadd.s32 v3, v44  }
0x13a: {  	[tilespmem:s13], [sflag:$0x1] =	stream.indirect_vreg.gather [hbm4b:s9+s5], $0x80, v42, vm0, $0xb8;
	[tilespmem:$0x1E900] =	vst v63  }
0x13b: {  	v17 =	vperm.xlane v17, v16;
	v46 =	vadd.s32 v3, v45;
	s14 =	simm.s32 $0x5F00  }
0x13c: {  	[tilespmem:s14], [sflag:$0x1] =	stream.indirect_vreg.gather [hbm4b:s9+s5], $0x80, v18, vm0, $0xb8;
	[tilespmem:$0x1E900] =	vst v63  }
0x13d: {  	v17 =	vadd.s32 v3, v17;
	s17 =	simm.s32 $0x5F80  }
0x13e: {  	[tilespmem:s17], [sflag:$0x1] =	stream.indirect_vreg.gather [hbm4b:s9+s5], $0x80, v19, vm0, $0xb8;
	[tilespmem:$0x1E900] =	vst v63  }
0x13f: {  	s13 =	simm.s32 $0x6000  }
0x140: {  	[tilespmem:s13], [sflag:$0x1] =	stream.indirect_vreg.gather [hbm4b:s9+s5], $0x80, v46, vm0, $0xb8;
	[tilespmem:$0x1E900] =	vst v63  }
0x141: {  	s14 =	simm.s32 $0x6080  }
0x142: {  	[tilespmem:s14], [sflag:$0x1] =	stream.indirect_vreg.gather [hbm4b:s9+s5], $0x80, v17, vm0, $0xb8;
	[tilespmem:$0x1E900] =	vst v63  }
0x143: {  	v17 =	vld [tilespmem:$0x70];
	_ =	sdelay $0x4  }
0x144: {  	v18 =	vshll.u32 v17, $0x1  }
0x145: {  	v17 =	vand.u32 $0x7, v17;
	v18 =	vand.u32 $0xFFFFFFF0, v18  }
0x146: {  	v17 =	vor.u32 v17, v18  }
0x147: {  	v18 =	vperm.xlane v17, v2;
	_ =	sdelay $0x1  }
0x148: {  	v19 =	vperm.xlane v17, v1;
	v18 =	vadd.s32 v3, v18;
	_ =	sdelay $0x1  }
0x149: {  	v47 =	vperm.xlane v17, v4;
	v19 =	vadd.s32 v3, v19;
	_ =	sdelay $0x1  }
0x14a: {  	s17 =	simm.s32 $0x6100;
	v48 =	vperm.xlane v17, v5;
	v20 =	vadd.s32 v3, v47  }
0x14b: {  	[tilespmem:s17], [sflag:$0x1] =	stream.indirect_vreg.gather [hbm4b:s9+s5], $0x80, v18, vm0, $0xb8;
	[tilespmem:$0x1E900] =	vst v63  }
0x14c: {  	s13 =	simm.s32 $0x6180;
	v49 =	vperm.xlane v17, v6;
	v18 =	vadd.s32 v3, v48  }
0x14d: {  	[tilespmem:s13], [sflag:$0x1] =	stream.indirect_vreg.gather [hbm4b:s9+s5], $0x80, v19, vm0, $0xb8;
	[tilespmem:$0x1E900] =	vst v63  }
0x14e: {  	s14 =	simm.s32 $0x6200;
	v50 =	vperm.xlane v17, v7;
	v19 =	vadd.s32 v3, v49  }
0x14f: {  	[tilespmem:s14], [sflag:$0x1] =	stream.indirect_vreg.gather [hbm4b:s9+s5], $0x80, v20, vm0, $0xb8;
	[tilespmem:$0x1E900] =	vst v63  }
0x150: {  	v52 =	vperm.xlane v17, v8;
	v51 =	vadd.s32 v3, v50;
	s17 =	simm.s32 $0x6280  }
0x151: {  	[tilespmem:s17], [sflag:$0x1] =	stream.indirect_vreg.gather [hbm4b:s9+s5], $0x80, v18, vm0, $0xb8;
	[tilespmem:$0x1E900] =	vst v63  }
0x152: {  	v53 =	vperm.xlane v17, v0;
	s13 =	simm.s32 $0x6300;
	v18 =	vadd.s32 v3, v52  }
0x153: {  	[tilespmem:s13], [sflag:$0x1] =	stream.indirect_vreg.gather [hbm4b:s9+s5], $0x80, v19, vm0, $0xb8;
	[tilespmem:$0x1E900] =	vst v63  }
0x154: {  	v54 =	vperm.xlane v17, v9;
	s14 =	simm.s32 $0x6380;
	v19 =	vadd.s32 v3, v53  }
0x155: {  	[tilespmem:s14], [sflag:$0x1] =	stream.indirect_vreg.gather [hbm4b:s9+s5], $0x80, v51, vm0, $0xb8;
	[tilespmem:$0x1E900] =	vst v63  }
0x156: {  	v56 =	vperm.xlane v17, v10;
	v55 =	vadd.s32 v3, v54;
	s17 =	simm.s32 $0x6400  }
0x157: {  	[tilespmem:s17], [sflag:$0x1] =	stream.indirect_vreg.gather [hbm4b:s9+s5], $0x80, v18, vm0, $0xb8;
	[tilespmem:$0x1E900] =	vst v63  }
0x158: {  	v57 =	vperm.xlane v17, v11;
	s13 =	simm.s32 $0x6480;
	v18 =	vadd.s32 v3, v56  }
0x159: {  	[tilespmem:s13], [sflag:$0x1] =	stream.indirect_vreg.gather [hbm4b:s9+s5], $0x80, v19, vm0, $0xb8;
	[tilespmem:$0x1E900] =	vst v63  }
0x15a: {  	v58 =	vperm.xlane v17, v12;
	s14 =	simm.s32 $0x6500;
	v19 =	vadd.s32 v3, v57  }
0x15b: {  	[tilespmem:s14], [sflag:$0x1] =	stream.indirect_vreg.gather [hbm4b:s9+s5], $0x80, v55, vm0, $0xb8;
	[tilespmem:$0x1E900] =	vst v63  }
0x15c: {  	v60 =	vperm.xlane v17, v13;
	v59 =	vadd.s32 v3, v58;
	s17 =	simm.s32 $0x6580  }
0x15d: {  	[tilespmem:s17], [sflag:$0x1] =	stream.indirect_vreg.gather [hbm4b:s9+s5], $0x80, v18, vm0, $0xb8;
	[tilespmem:$0x1E900] =	vst v63  }
0x15e: {  	v61 =	vperm.xlane v17, v14;
	s13 =	simm.s32 $0x6600;
	v18 =	vadd.s32 v3, v60  }
0x15f: {  	[tilespmem:s13], [sflag:$0x1] =	stream.indirect_vreg.gather [hbm4b:s9+s5], $0x80, v19, vm0, $0xb8;
	[tilespmem:$0x1E900] =	vst v63  }
0x160: {  	s14 =	simm.s32 $0x6680;
	v19 =	vadd.s32 v3, v61  }
0x161: {  	v62 =	vperm.xlane v17, v15;
	[tilespmem:s14], [sflag:$0x1] =	stream.indirect_vreg.gather [hbm4b:s9+s5], $0x80, v59, vm0, $0xb8;
	[tilespmem:$0x1E900] =	vst v63  }
0x162: {  	s17 =	simm.s32 $0x6700  }
0x163: {  	v17 =	vperm.xlane v17, v16;
	v63 =	vadd.s32 v3, v62;
	[tilespmem:s17], [sflag:$0x1] =	stream.indirect_vreg.gather [hbm4b:s9+s5], $0x80, v18, vm0, $0xb8;
	[tilespmem:$0x1E900] =	vst v63  }
0x164: {  	s13 =	simm.s32 $0x6780  }
0x165: {  	v17 =	vadd.s32 v3, v17;
	[tilespmem:s13], [sflag:$0x1] =	stream.indirect_vreg.gather [hbm4b:s9+s5], $0x80, v19, vm0, $0xb8;
	[tilespmem:$0x1E900] =	vst v63  }
.Ltmp2:
0x166: {  	_ = 	snop;
	(pc) =	sbr.rel .LBB2_2-.Ltmp2, $4  }
0x167: {  	s14 =	simm.s32 $0x6800  }
0x168: {  	[tilespmem:s14], [sflag:$0x1] =	stream.indirect_vreg.gather [hbm4b:s9+s5], $0x80, v63, vm0, $0xb8;
	[tilespmem:$0x1E900] =	vst v63  }
0x169: {  	s11 =	simm.s32 $0xC0;
	s17 =	simm.s32 $0x6880;
	s13 =	simm.s32 $0x0  }
0x16a: {  	[tilespmem:s17], [sflag:$0x1] =	stream.indirect_vreg.gather [hbm4b:s9+s5], $0x80, v17, vm0, $0xb8;
	[tilespmem:$0x1E900] =	vst v63  }
.LBB2_4:
0x16b: {  	_ =	swait.ge [sflag:s8], $0x4000  }
0x16c: {  	[sflag:s8] =	ssyncset.done $0x0  }
0x16d: {  	[sflag:s8] =	ssyncadd.s32 $0xFFFFC000  }
0x16e: {  	s13 =	sadd.s32 $0x100, s13;
	_ =	swait.ge [sflag:s10], $0x80  }
0x16f: {  	p0 =	sne.s32 s13, $0x2800;
	[sflag:s10] =	ssyncset.done $0x0  }
.Ltmp3:
0x170: {  	[sflag:s10] =	ssyncadd.s32 $0xFFFFFF80;
	(pc) =	sbr.rel @!p0 .LBB2_5-.Ltmp3, $4  }
0x171: {  	[spmem:s3] =	stream.indirect.scatter.add.f32 [tilespmem:s31], [sflag:$0x5], $0x80, s30, s7, $0xb8;
	[tilespmem:$0x1E900] =	vst v63  }
0x172: {  	_ =	swait.ge [sflag:s12], $0x4000  }
0x173: {  	[sflag:s12] =	ssyncset.done $0x0  }
0x174: {  	s11 =	sadd.s32 $0x100, s11;
	[sflag:s12] =	ssyncadd.s32 $0xFFFFC000  }
.LBB2_2:
0x175: {  	s14 =	sand.u32 $0x3C00, s13;
	s17 =	sadd.s32 $0x80, s13  }
0x176: {  	s14 =	sadd.s32 s4, s14;
	s17 =	sand.u32 $0x380, s17  }
0x177: {  	s14 =	sor.u32 s14, s17  }
0x178: {  	s14 =	sshrl.u32 s14, $0x3  }
0x179: {  	s14 =	sadd.s32 s2, s14  }
0x17a: {  	[tilespmem:s30], [sflag:$0x4] =	stream.linear.gather [hbm4b:s14+s5], $0x80, $0x38;
	[tilespmem:$0x1E900] =	vst v63  }
0x17b: {  	v17 =	vld [tilespmem:s11+$0xFFFFFFC0];
	_ =	sdelay $0x4  }
0x17c: {  	v18 =	vshll.u32 v17, $0x1  }
0x17d: {  	v17 =	vand.u32 $0x7, v17;
	v18 =	vand.u32 $0xFFFFFFF0, v18  }
0x17e: {  	v17 =	vor.u32 v17, v18  }
0x17f: {  	v18 =	vperm.xlane v17, v2;
	_ =	sdelay $0x1  }
0x180: {  	v19 =	vperm.xlane v17, v1;
	v18 =	vadd.s32 v3, v18;
	_ =	sdelay $0x1  }
0x181: {  	v20 =	vperm.xlane v17, v4;
	v19 =	vadd.s32 v3, v19;
	_ =	sdelay $0x1  }
0x182: {  	v21 =	vperm.xlane v17, v5;
	v20 =	vadd.s32 v3, v20  }
0x183: {  	[tilespmem:s31], [sflag:$0x2] =	stream.indirect_vreg.gather [hbm4b:s9+s5], $0x80, v18, vm0, $0xb8;
	[tilespmem:$0x1E900] =	vst v63  }
0x184: {  	s17 =	simm.s32 $0x6980;
	v50 =	vperm.xlane v17, v6;
	v18 =	vadd.s32 v3, v21  }
0x185: {  	[tilespmem:s17], [sflag:$0x2] =	stream.indirect_vreg.gather [hbm4b:s9+s5], $0x80, v19, vm0, $0xb8;
	[tilespmem:$0x1E900] =	vst v63  }
0x186: {  	v51 =	vperm.xlane v17, v7;
	v19 =	vadd.s32 v3, v50;
	s17 =	simm.s32 $0x6A00  }
0x187: {  	[tilespmem:s17], [sflag:$0x2] =	stream.indirect_vreg.gather [hbm4b:s9+s5], $0x80, v20, vm0, $0xb8;
	[tilespmem:$0x1E900] =	vst v63  }
0x188: {  	v53 =	vperm.xlane v17, v8;
	v52 =	vadd.s32 v3, v51;
	s17 =	simm.s32 $0x6A80  }
0x189: {  	[tilespmem:s17], [sflag:$0x2] =	stream.indirect_vreg.gather [hbm4b:s9+s5], $0x80, v18, vm0, $0xb8;
	[tilespmem:$0x1E900] =	vst v63  }
0x18a: {  	v54 =	vperm.xlane v17, v0;
	v18 =	vadd.s32 v3, v53;
	s17 =	simm.s32 $0x6B00  }
0x18b: {  	[tilespmem:s17], [sflag:$0x2] =	stream.indirect_vreg.gather [hbm4b:s9+s5], $0x80, v19, vm0, $0xb8;
	[tilespmem:$0x1E900] =	vst v63  }
0x18c: {  	v55 =	vperm.xlane v17, v9;
	v19 =	vadd.s32 v3, v54;
	s17 =	simm.s32 $0x6B80  }
0x18d: {  	[tilespmem:s17], [sflag:$0x2] =	stream.indirect_vreg.gather [hbm4b:s9+s5], $0x80, v52, vm0, $0xb8;
	[tilespmem:$0x1E900] =	vst v63  }
0x18e: {  	v57 =	vperm.xlane v17, v10;
	v56 =	vadd.s32 v3, v55;
	s17 =	simm.s32 $0x6C00  }
0x18f: {  	[tilespmem:s17], [sflag:$0x2] =	stream.indirect_vreg.gather [hbm4b:s9+s5], $0x80, v18, vm0, $0xb8;
	[tilespmem:$0x1E900] =	vst v63  }
0x190: {  	v58 =	vperm.xlane v17, v11;
	v18 =	vadd.s32 v3, v57;
	s17 =	simm.s32 $0x6C80  }
0x191: {  	[tilespmem:s17], [sflag:$0x2] =	stream.indirect_vreg.gather [hbm4b:s9+s5], $0x80, v19, vm0, $0xb8;
	[tilespmem:$0x1E900] =	vst v63  }
0x192: {  	v59 =	vperm.xlane v17, v12;
	v19 =	vadd.s32 v3, v58;
	s17 =	simm.s32 $0x6D00  }
0x193: {  	[tilespmem:s17], [sflag:$0x2] =	stream.indirect_vreg.gather [hbm4b:s9+s5], $0x80, v56, vm0, $0xb8;
	[tilespmem:$0x1E900] =	vst v63  }
0x194: {  	v61 =	vperm.xlane v17, v13;
	v60 =	vadd.s32 v3, v59;
	s17 =	simm.s32 $0x6D80  }
0x195: {  	[tilespmem:s17], [sflag:$0x2] =	stream.indirect_vreg.gather [hbm4b:s9+s5], $0x80, v18, vm0, $0xb8;
	[tilespmem:$0x1E900] =	vst v63  }
0x196: {  	v62 =	vperm.xlane v17, v14;
	v18 =	vadd.s32 v3, v61;
	s17 =	simm.s32 $0x6E00  }
0x197: {  	[tilespmem:s17], [sflag:$0x2] =	stream.indirect_vreg.gather [hbm4b:s9+s5], $0x80, v19, vm0, $0xb8;
	[tilespmem:$0x1E900] =	vst v63  }
0x198: {  	v63 =	vperm.xlane v17, v15;
	v19 =	vadd.s32 v3, v62;
	s17 =	simm.s32 $0x6E80  }
0x199: {  	[tilespmem:s17], [sflag:$0x2] =	stream.indirect_vreg.gather [hbm4b:s9+s5], $0x80, v60, vm0, $0xb8;
	[tilespmem:$0x1E900] =	vst v63  }
0x19a: {  	v17 =	vperm.xlane v17, v16;
	v24 =	vadd.s32 v3, v63;
	s17 =	simm.s32 $0x6F00  }
0x19b: {  	[tilespmem:s17], [sflag:$0x2] =	stream.indirect_vreg.gather [hbm4b:s9+s5], $0x80, v18, vm0, $0xb8;
	[tilespmem:$0x1E900] =	vst v63  }
0x19c: {  	v17 =	vadd.s32 v3, v17;
	s17 =	simm.s32 $0x6F80  }
0x19d: {  	[tilespmem:s17], [sflag:$0x2] =	stream.indirect_vreg.gather [hbm4b:s9+s5], $0x80, v19, vm0, $0xb8;
	[tilespmem:$0x1E900] =	vst v63  }
0x19e: {  	s17 =	simm.s32 $0x7000  }
0x19f: {  	[tilespmem:s17], [sflag:$0x2] =	stream.indirect_vreg.gather [hbm4b:s9+s5], $0x80, v24, vm0, $0xb8;
	[tilespmem:$0x1E900] =	vst v63  }
0x1a0: {  	s17 =	simm.s32 $0x7080  }
0x1a1: {  	[tilespmem:s17], [sflag:$0x2] =	stream.indirect_vreg.gather [hbm4b:s9+s5], $0x80, v17, vm0, $0xb8;
	[tilespmem:$0x1E900] =	vst v63  }
0x1a2: {  	v17 =	vld [tilespmem:s11+$0xFFFFFFD0];
	_ =	sdelay $0x4  }
0x1a3: {  	v18 =	vshll.u32 v17, $0x1  }
0x1a4: {  	v17 =	vand.u32 $0x7, v17;
	v18 =	vand.u32 $0xFFFFFFF0, v18  }
0x1a5: {  	v17 =	vor.u32 v17, v18  }
0x1a6: {  	v18 =	vperm.xlane v17, v2;
	_ =	sdelay $0x1  }
0x1a7: {  	v19 =	vperm.xlane v17, v1;
	v18 =	vadd.s32 v3, v18;
	_ =	sdelay $0x1  }
0x1a8: {  	v25 =	vperm.xlane v17, v4;
	v19 =	vadd.s32 v3, v19;
	_ =	sdelay $0x1  }
0x1a9: {  	s17 =	simm.s32 $0x7100;
	v26 =	vperm.xlane v17, v5;
	v20 =	vadd.s32 v3, v25  }
0x1aa: {  	[tilespmem:s17], [sflag:$0x2] =	stream.indirect_vreg.gather [hbm4b:s9+s5], $0x80, v18, vm0, $0xb8;
	[tilespmem:$0x1E900] =	vst v63  }
0x1ab: {  	v27 =	vperm.xlane v17, v6;
	v18 =	vadd.s32 v3, v26;
	s17 =	simm.s32 $0x7180  }
0x1ac: {  	[tilespmem:s17], [sflag:$0x2] =	stream.indirect_vreg.gather [hbm4b:s9+s5], $0x80, v19, vm0, $0xb8;
	[tilespmem:$0x1E900] =	vst v63  }
0x1ad: {  	v28 =	vperm.xlane v17, v7;
	v19 =	vadd.s32 v3, v27;
	s17 =	simm.s32 $0x7200  }
0x1ae: {  	[tilespmem:s17], [sflag:$0x2] =	stream.indirect_vreg.gather [hbm4b:s9+s5], $0x80, v20, vm0, $0xb8;
	[tilespmem:$0x1E900] =	vst v63  }
0x1af: {  	v30 =	vperm.xlane v17, v8;
	v29 =	vadd.s32 v3, v28;
	s17 =	simm.s32 $0x7280  }
0x1b0: {  	[tilespmem:s17], [sflag:$0x2] =	stream.indirect_vreg.gather [hbm4b:s9+s5], $0x80, v18, vm0, $0xb8;
	[tilespmem:$0x1E900] =	vst v63  }
0x1b1: {  	v31 =	vperm.xlane v17, v0;
	v18 =	vadd.s32 v3, v30;
	s17 =	simm.s32 $0x7300  }
0x1b2: {  	[tilespmem:s17], [sflag:$0x2] =	stream.indirect_vreg.gather [hbm4b:s9+s5], $0x80, v19, vm0, $0xb8;
	[tilespmem:$0x1E900] =	vst v63  }
0x1b3: {  	v32 =	vperm.xlane v17, v9;
	v19 =	vadd.s32 v3, v31;
	s17 =	simm.s32 $0x7380  }
0x1b4: {  	[tilespmem:s17], [sflag:$0x2] =	stream.indirect_vreg.gather [hbm4b:s9+s5], $0x80, v29, vm0, $0xb8;
	[tilespmem:$0x1E900] =	vst v63  }
0x1b5: {  	v34 =	vperm.xlane v17, v10;
	v33 =	vadd.s32 v3, v32;
	s17 =	simm.s32 $0x7400  }
0x1b6: {  	[tilespmem:s17], [sflag:$0x2] =	stream.indirect_vreg.gather [hbm4b:s9+s5], $0x80, v18, vm0, $0xb8;
	[tilespmem:$0x1E900] =	vst v63  }
0x1b7: {  	v35 =	vperm.xlane v17, v11;
	v18 =	vadd.s32 v3, v34;
	s17 =	simm.s32 $0x7480  }
0x1b8: {  	[tilespmem:s17], [sflag:$0x2] =	stream.indirect_vreg.gather [hbm4b:s9+s5], $0x80, v19, vm0, $0xb8;
	[tilespmem:$0x1E900] =	vst v63  }
0x1b9: {  	v36 =	vperm.xlane v17, v12;
	v19 =	vadd.s32 v3, v35;
	s17 =	simm.s32 $0x7500  }
0x1ba: {  	[tilespmem:s17], [sflag:$0x2] =	stream.indirect_vreg.gather [hbm4b:s9+s5], $0x80, v33, vm0, $0xb8;
	[tilespmem:$0x1E900] =	vst v63  }
0x1bb: {  	v38 =	vperm.xlane v17, v13;
	v37 =	vadd.s32 v3, v36;
	s17 =	simm.s32 $0x7580  }
0x1bc: {  	[tilespmem:s17], [sflag:$0x2] =	stream.indirect_vreg.gather [hbm4b:s9+s5], $0x80, v18, vm0, $0xb8;
	[tilespmem:$0x1E900] =	vst v63  }
0x1bd: {  	v39 =	vperm.xlane v17, v14;
	v18 =	vadd.s32 v3, v38;
	s17 =	simm.s32 $0x7600  }
0x1be: {  	[tilespmem:s17], [sflag:$0x2] =	stream.indirect_vreg.gather [hbm4b:s9+s5], $0x80, v19, vm0, $0xb8;
	[tilespmem:$0x1E900] =	vst v63  }
0x1bf: {  	v40 =	vperm.xlane v17, v15;
	v19 =	vadd.s32 v3, v39;
	s17 =	simm.s32 $0x7680  }
0x1c0: {  	[tilespmem:s17], [sflag:$0x2] =	stream.indirect_vreg.gather [hbm4b:s9+s5], $0x80, v37, vm0, $0xb8;
	[tilespmem:$0x1E900] =	vst v63  }
0x1c1: {  	v17 =	vperm.xlane v17, v16;
	v41 =	vadd.s32 v3, v40;
	s17 =	simm.s32 $0x7700  }
0x1c2: {  	[tilespmem:s17], [sflag:$0x2] =	stream.indirect_vreg.gather [hbm4b:s9+s5], $0x80, v18, vm0, $0xb8;
	[tilespmem:$0x1E900] =	vst v63  }
0x1c3: {  	v17 =	vadd.s32 v3, v17;
	s17 =	simm.s32 $0x7780  }
0x1c4: {  	[tilespmem:s17], [sflag:$0x2] =	stream.indirect_vreg.gather [hbm4b:s9+s5], $0x80, v19, vm0, $0xb8;
	[tilespmem:$0x1E900] =	vst v63  }
0x1c5: {  	s17 =	simm.s32 $0x7800  }
0x1c6: {  	[tilespmem:s17], [sflag:$0x2] =	stream.indirect_vreg.gather [hbm4b:s9+s5], $0x80, v41, vm0, $0xb8;
	[tilespmem:$0x1E900] =	vst v63  }
0x1c7: {  	s17 =	simm.s32 $0x7880  }
0x1c8: {  	[tilespmem:s17], [sflag:$0x2] =	stream.indirect_vreg.gather [hbm4b:s9+s5], $0x80, v17, vm0, $0xb8;
	[tilespmem:$0x1E900] =	vst v63  }
0x1c9: {  	v17 =	vld [tilespmem:s11+$0xFFFFFFE0];
	_ =	sdelay $0x4  }
0x1ca: {  	v18 =	vshll.u32 v17, $0x1  }
0x1cb: {  	v17 =	vand.u32 $0x7, v17;
	v18 =	vand.u32 $0xFFFFFFF0, v18  }
0x1cc: {  	v17 =	vor.u32 v17, v18  }
0x1cd: {  	v18 =	vperm.xlane v17, v2;
	_ =	sdelay $0x1  }
0x1ce: {  	v19 =	vperm.xlane v17, v1;
	v18 =	vadd.s32 v3, v18;
	_ =	sdelay $0x1  }
0x1cf: {  	v42 =	vperm.xlane v17, v4;
	v19 =	vadd.s32 v3, v19;
	_ =	sdelay $0x1  }
0x1d0: {  	s17 =	simm.s32 $0x7900;
	v43 =	vperm.xlane v17, v5;
	v20 =	vadd.s32 v3, v42  }
0x1d1: {  	[tilespmem:s17], [sflag:$0x2] =	stream.indirect_vreg.gather [hbm4b:s9+s5], $0x80, v18, vm0, $0xb8;
	[tilespmem:$0x1E900] =	vst v63  }
0x1d2: {  	v44 =	vperm.xlane v17, v6;
	v18 =	vadd.s32 v3, v43;
	s17 =	simm.s32 $0x7980  }
0x1d3: {  	[tilespmem:s17], [sflag:$0x2] =	stream.indirect_vreg.gather [hbm4b:s9+s5], $0x80, v19, vm0, $0xb8;
	[tilespmem:$0x1E900] =	vst v63  }
0x1d4: {  	v45 =	vperm.xlane v17, v7;
	v19 =	vadd.s32 v3, v44;
	s17 =	simm.s32 $0x7A00  }
0x1d5: {  	[tilespmem:s17], [sflag:$0x2] =	stream.indirect_vreg.gather [hbm4b:s9+s5], $0x80, v20, vm0, $0xb8;
	[tilespmem:$0x1E900] =	vst v63  }
0x1d6: {  	v47 =	vperm.xlane v17, v8;
	v46 =	vadd.s32 v3, v45;
	s17 =	simm.s32 $0x7A80  }
0x1d7: {  	[tilespmem:s17], [sflag:$0x2] =	stream.indirect_vreg.gather [hbm4b:s9+s5], $0x80, v18, vm0, $0xb8;
	[tilespmem:$0x1E900] =	vst v63  }
0x1d8: {  	v48 =	vperm.xlane v17, v0;
	v18 =	vadd.s32 v3, v47;
	s17 =	simm.s32 $0x7B00  }
0x1d9: {  	[tilespmem:s17], [sflag:$0x2] =	stream.indirect_vreg.gather [hbm4b:s9+s5], $0x80, v19, vm0, $0xb8;
	[tilespmem:$0x1E900] =	vst v63  }
0x1da: {  	v49 =	vperm.xlane v17, v9;
	v19 =	vadd.s32 v3, v48;
	s17 =	simm.s32 $0x7B80  }
0x1db: {  	[tilespmem:s17], [sflag:$0x2] =	stream.indirect_vreg.gather [hbm4b:s9+s5], $0x80, v46, vm0, $0xb8;
	[tilespmem:$0x1E900] =	vst v63  }
0x1dc: {  	v51 =	vperm.xlane v17, v10;
	v50 =	vadd.s32 v3, v49;
	s17 =	simm.s32 $0x7C00  }
0x1dd: {  	[tilespmem:s17], [sflag:$0x2] =	stream.indirect_vreg.gather [hbm4b:s9+s5], $0x80, v18, vm0, $0xb8;
	[tilespmem:$0x1E900] =	vst v63  }
0x1de: {  	v52 =	vperm.xlane v17, v11;
	v18 =	vadd.s32 v3, v51;
	s17 =	simm.s32 $0x7C80  }
0x1df: {  	[tilespmem:s17], [sflag:$0x2] =	stream.indirect_vreg.gather [hbm4b:s9+s5], $0x80, v19, vm0, $0xb8;
	[tilespmem:$0x1E900] =	vst v63  }
0x1e0: {  	v53 =	vperm.xlane v17, v12;
	v19 =	vadd.s32 v3, v52;
	s17 =	simm.s32 $0x7D00  }
0x1e1: {  	[tilespmem:s17], [sflag:$0x2] =	stream.indirect_vreg.gather [hbm4b:s9+s5], $0x80, v50, vm0, $0xb8;
	[tilespmem:$0x1E900] =	vst v63  }
0x1e2: {  	v55 =	vperm.xlane v17, v13;
	v54 =	vadd.s32 v3, v53;
	s17 =	simm.s32 $0x7D80  }
0x1e3: {  	[tilespmem:s17], [sflag:$0x2] =	stream.indirect_vreg.gather [hbm4b:s9+s5], $0x80, v18, vm0, $0xb8;
	[tilespmem:$0x1E900] =	vst v63  }
0x1e4: {  	v56 =	vperm.xlane v17, v14;
	v18 =	vadd.s32 v3, v55;
	s17 =	simm.s32 $0x7E00  }
0x1e5: {  	[tilespmem:s17], [sflag:$0x2] =	stream.indirect_vreg.gather [hbm4b:s9+s5], $0x80, v19, vm0, $0xb8;
	[tilespmem:$0x1E900] =	vst v63  }
0x1e6: {  	v57 =	vperm.xlane v17, v15;
	v19 =	vadd.s32 v3, v56;
	s17 =	simm.s32 $0x7E80  }
0x1e7: {  	[tilespmem:s17], [sflag:$0x2] =	stream.indirect_vreg.gather [hbm4b:s9+s5], $0x80, v54, vm0, $0xb8;
	[tilespmem:$0x1E900] =	vst v63  }
0x1e8: {  	v17 =	vperm.xlane v17, v16;
	v58 =	vadd.s32 v3, v57;
	s17 =	simm.s32 $0x7F00  }
0x1e9: {  	[tilespmem:s17], [sflag:$0x2] =	stream.indirect_vreg.gather [hbm4b:s9+s5], $0x80, v18, vm0, $0xb8;
	[tilespmem:$0x1E900] =	vst v63  }
0x1ea: {  	v17 =	vadd.s32 v3, v17;
	s17 =	simm.s32 $0x7F80  }
0x1eb: {  	[tilespmem:s17], [sflag:$0x2] =	stream.indirect_vreg.gather [hbm4b:s9+s5], $0x80, v19, vm0, $0xb8;
	[tilespmem:$0x1E900] =	vst v63  }
0x1ec: {  	s17 =	simm.s32 $0x8000  }
0x1ed: {  	[tilespmem:s17], [sflag:$0x2] =	stream.indirect_vreg.gather [hbm4b:s9+s5], $0x80, v58, vm0, $0xb8;
	[tilespmem:$0x1E900] =	vst v63  }
0x1ee: {  	s17 =	simm.s32 $0x8080  }
0x1ef: {  	[tilespmem:s17], [sflag:$0x2] =	stream.indirect_vreg.gather [hbm4b:s9+s5], $0x80, v17, vm0, $0xb8;
	[tilespmem:$0x1E900] =	vst v63  }
0x1f0: {  	v17 =	vld [tilespmem:s11+$0xFFFFFFF0];
	_ =	sdelay $0x4  }
0x1f1: {  	v18 =	vshll.u32 v17, $0x1  }
0x1f2: {  	v17 =	vand.u32 $0x7, v17;
	v18 =	vand.u32 $0xFFFFFFF0, v18  }
0x1f3: {  	v17 =	vor.u32 v17, v18  }
0x1f4: {  	v18 =	vperm.xlane v17, v2;
	_ =	sdelay $0x1  }
0x1f5: {  	v19 =	vperm.xlane v17, v1;
	v18 =	vadd.s32 v3, v18;
	_ =	sdelay $0x1  }
0x1f6: {  	v59 =	vperm.xlane v17, v4;
	v19 =	vadd.s32 v3, v19;
	_ =	sdelay $0x1  }
0x1f7: {  	s17 =	simm.s32 $0x8100;
	v60 =	vperm.xlane v17, v5;
	v20 =	vadd.s32 v3, v59  }
0x1f8: {  	[tilespmem:s17], [sflag:$0x2] =	stream.indirect_vreg.gather [hbm4b:s9+s5], $0x80, v18, vm0, $0xb8;
	[tilespmem:$0x1E900] =	vst v63  }
0x1f9: {  	v61 =	vperm.xlane v17, v6;
	v18 =	vadd.s32 v3, v60;
	s17 =	simm.s32 $0x8180  }
0x1fa: {  	[tilespmem:s17], [sflag:$0x2] =	stream.indirect_vreg.gather [hbm4b:s9+s5], $0x80, v19, vm0, $0xb8;
	[tilespmem:$0x1E900] =	vst v63  }
0x1fb: {  	v62 =	vperm.xlane v17, v7;
	v19 =	vadd.s32 v3, v61;
	s17 =	simm.s32 $0x8200  }
0x1fc: {  	[tilespmem:s17], [sflag:$0x2] =	stream.indirect_vreg.gather [hbm4b:s9+s5], $0x80, v20, vm0, $0xb8;
	[tilespmem:$0x1E900] =	vst v63  }
0x1fd: {  	v24 =	vperm.xlane v17, v8;
	v63 =	vadd.s32 v3, v62;
	s17 =	simm.s32 $0x8280  }
0x1fe: {  	[tilespmem:s17], [sflag:$0x2] =	stream.indirect_vreg.gather [hbm4b:s9+s5], $0x80, v18, vm0, $0xb8;
	[tilespmem:$0x1E900] =	vst v63  }
0x1ff: {  	v25 =	vperm.xlane v17, v0;
	v18 =	vadd.s32 v3, v24;
	s17 =	simm.s32 $0x8300  }
0x200: {  	[tilespmem:s17], [sflag:$0x2] =	stream.indirect_vreg.gather [hbm4b:s9+s5], $0x80, v19, vm0, $0xb8;
	[tilespmem:$0x1E900] =	vst v63  }
0x201: {  	v26 =	vperm.xlane v17, v9;
	v19 =	vadd.s32 v3, v25;
	s17 =	simm.s32 $0x8380  }
0x202: {  	[tilespmem:s17], [sflag:$0x2] =	stream.indirect_vreg.gather [hbm4b:s9+s5], $0x80, v63, vm0, $0xb8;
	[tilespmem:$0x1E900] =	vst v63  }
0x203: {  	v28 =	vperm.xlane v17, v10;
	v27 =	vadd.s32 v3, v26;
	s17 =	simm.s32 $0x8400  }
0x204: {  	[tilespmem:s17], [sflag:$0x2] =	stream.indirect_vreg.gather [hbm4b:s9+s5], $0x80, v18, vm0, $0xb8;
	[tilespmem:$0x1E900] =	vst v63  }
0x205: {  	v29 =	vperm.xlane v17, v11;
	v18 =	vadd.s32 v3, v28;
	s17 =	simm.s32 $0x8480  }
0x206: {  	[tilespmem:s17], [sflag:$0x2] =	stream.indirect_vreg.gather [hbm4b:s9+s5], $0x80, v19, vm0, $0xb8;
	[tilespmem:$0x1E900] =	vst v63  }
0x207: {  	v30 =	vperm.xlane v17, v12;
	v19 =	vadd.s32 v3, v29;
	s17 =	simm.s32 $0x8500  }
0x208: {  	[tilespmem:s17], [sflag:$0x2] =	stream.indirect_vreg.gather [hbm4b:s9+s5], $0x80, v27, vm0, $0xb8;
	[tilespmem:$0x1E900] =	vst v63  }
0x209: {  	v32 =	vperm.xlane v17, v13;
	v31 =	vadd.s32 v3, v30;
	s17 =	simm.s32 $0x8580  }
0x20a: {  	[tilespmem:s17], [sflag:$0x2] =	stream.indirect_vreg.gather [hbm4b:s9+s5], $0x80, v18, vm0, $0xb8;
	[tilespmem:$0x1E900] =	vst v63  }
0x20b: {  	v33 =	vperm.xlane v17, v14;
	v18 =	vadd.s32 v3, v32;
	s17 =	simm.s32 $0x8600  }
0x20c: {  	[tilespmem:s17], [sflag:$0x2] =	stream.indirect_vreg.gather [hbm4b:s9+s5], $0x80, v19, vm0, $0xb8;
	[tilespmem:$0x1E900] =	vst v63  }
0x20d: {  	v34 =	vperm.xlane v17, v15;
	v19 =	vadd.s32 v3, v33;
	s17 =	simm.s32 $0x8680  }
0x20e: {  	[tilespmem:s17], [sflag:$0x2] =	stream.indirect_vreg.gather [hbm4b:s9+s5], $0x80, v31, vm0, $0xb8;
	[tilespmem:$0x1E900] =	vst v63  }
0x20f: {  	v17 =	vperm.xlane v17, v16;
	v35 =	vadd.s32 v3, v34;
	s17 =	simm.s32 $0x8700  }
0x210: {  	[tilespmem:s17], [sflag:$0x2] =	stream.indirect_vreg.gather [hbm4b:s9+s5], $0x80, v18, vm0, $0xb8;
	[tilespmem:$0x1E900] =	vst v63  }
0x211: {  	v17 =	vadd.s32 v3, v17;
	s17 =	simm.s32 $0x8780  }
0x212: {  	[tilespmem:s17], [sflag:$0x2] =	stream.indirect_vreg.gather [hbm4b:s9+s5], $0x80, v19, vm0, $0xb8;
	[tilespmem:$0x1E900] =	vst v63  }
0x213: {  	s17 =	simm.s32 $0x8800  }
0x214: {  	[tilespmem:s17], [sflag:$0x2] =	stream.indirect_vreg.gather [hbm4b:s9+s5], $0x80, v35, vm0, $0xb8;
	[tilespmem:$0x1E900] =	vst v63  }
0x215: {  	s17 =	simm.s32 $0x8880  }
0x216: {  	[tilespmem:s17], [sflag:$0x2] =	stream.indirect_vreg.gather [hbm4b:s9+s5], $0x80, v17, vm0, $0xb8;
	[tilespmem:$0x1E900] =	vst v63  }
0x217: {  	v17 =	vld [tilespmem:s11+$0x0];
	_ =	sdelay $0x4  }
0x218: {  	v18 =	vshll.u32 v17, $0x1  }
0x219: {  	v17 =	vand.u32 $0x7, v17;
	v18 =	vand.u32 $0xFFFFFFF0, v18  }
0x21a: {  	v17 =	vor.u32 v17, v18  }
0x21b: {  	v18 =	vperm.xlane v17, v2;
	_ =	sdelay $0x1  }
0x21c: {  	v19 =	vperm.xlane v17, v1;
	v18 =	vadd.s32 v3, v18;
	_ =	sdelay $0x1  }
0x21d: {  	v36 =	vperm.xlane v17, v4;
	v19 =	vadd.s32 v3, v19;
	_ =	sdelay $0x1  }
0x21e: {  	s17 =	simm.s32 $0x8900;
	v37 =	vperm.xlane v17, v5;
	v20 =	vadd.s32 v3, v36  }
0x21f: {  	[tilespmem:s17], [sflag:$0x2] =	stream.indirect_vreg.gather [hbm4b:s9+s5], $0x80, v18, vm0, $0xb8;
	[tilespmem:$0x1E900] =	vst v63  }
0x220: {  	v38 =	vperm.xlane v17, v6;
	v18 =	vadd.s32 v3, v37;
	s17 =	simm.s32 $0x8980  }
0x221: {  	[tilespmem:s17], [sflag:$0x2] =	stream.indirect_vreg.gather [hbm4b:s9+s5], $0x80, v19, vm0, $0xb8;
	[tilespmem:$0x1E900] =	vst v63  }
0x222: {  	v39 =	vperm.xlane v17, v7;
	v19 =	vadd.s32 v3, v38;
	s17 =	simm.s32 $0x8A00  }
0x223: {  	[tilespmem:s17], [sflag:$0x2] =	stream.indirect_vreg.gather [hbm4b:s9+s5], $0x80, v20, vm0, $0xb8;
	[tilespmem:$0x1E900] =	vst v63  }
0x224: {  	v41 =	vperm.xlane v17, v8;
	v40 =	vadd.s32 v3, v39;
	s17 =	simm.s32 $0x8A80  }
0x225: {  	[tilespmem:s17], [sflag:$0x2] =	stream.indirect_vreg.gather [hbm4b:s9+s5], $0x80, v18, vm0, $0xb8;
	[tilespmem:$0x1E900] =	vst v63  }
0x226: {  	v42 =	vperm.xlane v17, v0;
	v18 =	vadd.s32 v3, v41;
	s17 =	simm.s32 $0x8B00  }
0x227: {  	[tilespmem:s17], [sflag:$0x2] =	stream.indirect_vreg.gather [hbm4b:s9+s5], $0x80, v19, vm0, $0xb8;
	[tilespmem:$0x1E900] =	vst v63  }
0x228: {  	v43 =	vperm.xlane v17, v9;
	v19 =	vadd.s32 v3, v42;
	s17 =	simm.s32 $0x8B80  }
0x229: {  	[tilespmem:s17], [sflag:$0x2] =	stream.indirect_vreg.gather [hbm4b:s9+s5], $0x80, v40, vm0, $0xb8;
	[tilespmem:$0x1E900] =	vst v63  }
0x22a: {  	v45 =	vperm.xlane v17, v10;
	v44 =	vadd.s32 v3, v43;
	s17 =	simm.s32 $0x8C00  }
0x22b: {  	[tilespmem:s17], [sflag:$0x2] =	stream.indirect_vreg.gather [hbm4b:s9+s5], $0x80, v18, vm0, $0xb8;
	[tilespmem:$0x1E900] =	vst v63  }
0x22c: {  	v46 =	vperm.xlane v17, v11;
	v18 =	vadd.s32 v3, v45;
	s17 =	simm.s32 $0x8C80  }
0x22d: {  	[tilespmem:s17], [sflag:$0x2] =	stream.indirect_vreg.gather [hbm4b:s9+s5], $0x80, v19, vm0, $0xb8;
	[tilespmem:$0x1E900] =	vst v63  }
0x22e: {  	v47 =	vperm.xlane v17, v12;
	v19 =	vadd.s32 v3, v46;
	s17 =	simm.s32 $0x8D00  }
0x22f: {  	[tilespmem:s17], [sflag:$0x2] =	stream.indirect_vreg.gather [hbm4b:s9+s5], $0x80, v44, vm0, $0xb8;
	[tilespmem:$0x1E900] =	vst v63  }
0x230: {  	v49 =	vperm.xlane v17, v13;
	v48 =	vadd.s32 v3, v47;
	s17 =	simm.s32 $0x8D80  }
0x231: {  	[tilespmem:s17], [sflag:$0x2] =	stream.indirect_vreg.gather [hbm4b:s9+s5], $0x80, v18, vm0, $0xb8;
	[tilespmem:$0x1E900] =	vst v63  }
0x232: {  	v50 =	vperm.xlane v17, v14;
	v18 =	vadd.s32 v3, v49;
	s17 =	simm.s32 $0x8E00  }
0x233: {  	[tilespmem:s17], [sflag:$0x2] =	stream.indirect_vreg.gather [hbm4b:s9+s5], $0x80, v19, vm0, $0xb8;
	[tilespmem:$0x1E900] =	vst v63  }
0x234: {  	v51 =	vperm.xlane v17, v15;
	v19 =	vadd.s32 v3, v50;
	s17 =	simm.s32 $0x8E80  }
0x235: {  	[tilespmem:s17], [sflag:$0x2] =	stream.indirect_vreg.gather [hbm4b:s9+s5], $0x80, v48, vm0, $0xb8;
	[tilespmem:$0x1E900] =	vst v63  }
0x236: {  	v17 =	vperm.xlane v17, v16;
	v52 =	vadd.s32 v3, v51;
	s17 =	simm.s32 $0x8F00  }
0x237: {  	[tilespmem:s17], [sflag:$0x2] =	stream.indirect_vreg.gather [hbm4b:s9+s5], $0x80, v18, vm0, $0xb8;
	[tilespmem:$0x1E900] =	vst v63  }
0x238: {  	v17 =	vadd.s32 v3, v17;
	s17 =	simm.s32 $0x8F80  }
0x239: {  	[tilespmem:s17], [sflag:$0x2] =	stream.indirect_vreg.gather [hbm4b:s9+s5], $0x80, v19, vm0, $0xb8;
	[tilespmem:$0x1E900] =	vst v63  }
0x23a: {  	s17 =	simm.s32 $0x9000  }
0x23b: {  	[tilespmem:s17], [sflag:$0x2] =	stream.indirect_vreg.gather [hbm4b:s9+s5], $0x80, v52, vm0, $0xb8;
	[tilespmem:$0x1E900] =	vst v63  }
0x23c: {  	s17 =	simm.s32 $0x9080  }
0x23d: {  	[tilespmem:s17], [sflag:$0x2] =	stream.indirect_vreg.gather [hbm4b:s9+s5], $0x80, v17, vm0, $0xb8;
	[tilespmem:$0x1E900] =	vst v63  }
0x23e: {  	v17 =	vld [tilespmem:s11+$0x10];
	_ =	sdelay $0x4  }
0x23f: {  	v18 =	vshll.u32 v17, $0x1  }
0x240: {  	v17 =	vand.u32 $0x7, v17;
	v18 =	vand.u32 $0xFFFFFFF0, v18  }
0x241: {  	v17 =	vor.u32 v17, v18  }
0x242: {  	v18 =	vperm.xlane v17, v2;
	_ =	sdelay $0x1  }
0x243: {  	v19 =	vperm.xlane v17, v1;
	v18 =	vadd.s32 v3, v18;
	_ =	sdelay $0x1  }
0x244: {  	v53 =	vperm.xlane v17, v4;
	v19 =	vadd.s32 v3, v19;
	_ =	sdelay $0x1  }
0x245: {  	s17 =	simm.s32 $0x9100;
	v54 =	vperm.xlane v17, v5;
	v20 =	vadd.s32 v3, v53  }
0x246: {  	[tilespmem:s17], [sflag:$0x2] =	stream.indirect_vreg.gather [hbm4b:s9+s5], $0x80, v18, vm0, $0xb8;
	[tilespmem:$0x1E900] =	vst v63  }
0x247: {  	v55 =	vperm.xlane v17, v6;
	v18 =	vadd.s32 v3, v54;
	s17 =	simm.s32 $0x9180  }
0x248: {  	[tilespmem:s17], [sflag:$0x2] =	stream.indirect_vreg.gather [hbm4b:s9+s5], $0x80, v19, vm0, $0xb8;
	[tilespmem:$0x1E900] =	vst v63  }
0x249: {  	v56 =	vperm.xlane v17, v7;
	v19 =	vadd.s32 v3, v55;
	s17 =	simm.s32 $0x9200  }
0x24a: {  	[tilespmem:s17], [sflag:$0x2] =	stream.indirect_vreg.gather [hbm4b:s9+s5], $0x80, v20, vm0, $0xb8;
	[tilespmem:$0x1E900] =	vst v63  }
0x24b: {  	v58 =	vperm.xlane v17, v8;
	v57 =	vadd.s32 v3, v56;
	s17 =	simm.s32 $0x9280  }
0x24c: {  	[tilespmem:s17], [sflag:$0x2] =	stream.indirect_vreg.gather [hbm4b:s9+s5], $0x80, v18, vm0, $0xb8;
	[tilespmem:$0x1E900] =	vst v63  }
0x24d: {  	v59 =	vperm.xlane v17, v0;
	v18 =	vadd.s32 v3, v58;
	s17 =	simm.s32 $0x9300  }
0x24e: {  	[tilespmem:s17], [sflag:$0x2] =	stream.indirect_vreg.gather [hbm4b:s9+s5], $0x80, v19, vm0, $0xb8;
	[tilespmem:$0x1E900] =	vst v63  }
0x24f: {  	v60 =	vperm.xlane v17, v9;
	v19 =	vadd.s32 v3, v59;
	s17 =	simm.s32 $0x9380  }
0x250: {  	[tilespmem:s17], [sflag:$0x2] =	stream.indirect_vreg.gather [hbm4b:s9+s5], $0x80, v57, vm0, $0xb8;
	[tilespmem:$0x1E900] =	vst v63  }
0x251: {  	v62 =	vperm.xlane v17, v10;
	v61 =	vadd.s32 v3, v60;
	s17 =	simm.s32 $0x9400  }
0x252: {  	[tilespmem:s17], [sflag:$0x2] =	stream.indirect_vreg.gather [hbm4b:s9+s5], $0x80, v18, vm0, $0xb8;
	[tilespmem:$0x1E900] =	vst v63  }
0x253: {  	v63 =	vperm.xlane v17, v11;
	v18 =	vadd.s32 v3, v62;
	s17 =	simm.s32 $0x9480  }
0x254: {  	[tilespmem:s17], [sflag:$0x2] =	stream.indirect_vreg.gather [hbm4b:s9+s5], $0x80, v19, vm0, $0xb8;
	[tilespmem:$0x1E900] =	vst v63  }
0x255: {  	v24 =	vperm.xlane v17, v12;
	v19 =	vadd.s32 v3, v63;
	s17 =	simm.s32 $0x9500  }
0x256: {  	[tilespmem:s17], [sflag:$0x2] =	stream.indirect_vreg.gather [hbm4b:s9+s5], $0x80, v61, vm0, $0xb8;
	[tilespmem:$0x1E900] =	vst v63  }
0x257: {  	v26 =	vperm.xlane v17, v13;
	v25 =	vadd.s32 v3, v24;
	s17 =	simm.s32 $0x9580  }
0x258: {  	[tilespmem:s17], [sflag:$0x2] =	stream.indirect_vreg.gather [hbm4b:s9+s5], $0x80, v18, vm0, $0xb8;
	[tilespmem:$0x1E900] =	vst v63  }
0x259: {  	v27 =	vperm.xlane v17, v14;
	v18 =	vadd.s32 v3, v26;
	s17 =	simm.s32 $0x9600  }
0x25a: {  	[tilespmem:s17], [sflag:$0x2] =	stream.indirect_vreg.gather [hbm4b:s9+s5], $0x80, v19, vm0, $0xb8;
	[tilespmem:$0x1E900] =	vst v63  }
0x25b: {  	v28 =	vperm.xlane v17, v15;
	v19 =	vadd.s32 v3, v27;
	s17 =	simm.s32 $0x9680  }
0x25c: {  	[tilespmem:s17], [sflag:$0x2] =	stream.indirect_vreg.gather [hbm4b:s9+s5], $0x80, v25, vm0, $0xb8;
	[tilespmem:$0x1E900] =	vst v63  }
0x25d: {  	v17 =	vperm.xlane v17, v16;
	v29 =	vadd.s32 v3, v28;
	s17 =	simm.s32 $0x9700  }
0x25e: {  	[tilespmem:s17], [sflag:$0x2] =	stream.indirect_vreg.gather [hbm4b:s9+s5], $0x80, v18, vm0, $0xb8;
	[tilespmem:$0x1E900] =	vst v63  }
0x25f: {  	v17 =	vadd.s32 v3, v17;
	s17 =	simm.s32 $0x9780  }
0x260: {  	[tilespmem:s17], [sflag:$0x2] =	stream.indirect_vreg.gather [hbm4b:s9+s5], $0x80, v19, vm0, $0xb8;
	[tilespmem:$0x1E900] =	vst v63  }
0x261: {  	s17 =	simm.s32 $0x9800  }
0x262: {  	[tilespmem:s17], [sflag:$0x2] =	stream.indirect_vreg.gather [hbm4b:s9+s5], $0x80, v29, vm0, $0xb8;
	[tilespmem:$0x1E900] =	vst v63  }
0x263: {  	s17 =	simm.s32 $0x9880  }
0x264: {  	[tilespmem:s17], [sflag:$0x2] =	stream.indirect_vreg.gather [hbm4b:s9+s5], $0x80, v17, vm0, $0xb8;
	[tilespmem:$0x1E900] =	vst v63  }
0x265: {  	v17 =	vld [tilespmem:s11+$0x20];
	_ =	sdelay $0x4  }
0x266: {  	v18 =	vshll.u32 v17, $0x1  }
0x267: {  	v17 =	vand.u32 $0x7, v17;
	v18 =	vand.u32 $0xFFFFFFF0, v18  }
0x268: {  	v17 =	vor.u32 v17, v18  }
0x269: {  	v18 =	vperm.xlane v17, v2;
	_ =	sdelay $0x1  }
0x26a: {  	v19 =	vperm.xlane v17, v1;
	v18 =	vadd.s32 v3, v18;
	_ =	sdelay $0x1  }
0x26b: {  	v30 =	vperm.xlane v17, v4;
	v19 =	vadd.s32 v3, v19;
	_ =	sdelay $0x1  }
0x26c: {  	s17 =	simm.s32 $0x9900;
	v31 =	vperm.xlane v17, v5;
	v20 =	vadd.s32 v3, v30  }
0x26d: {  	[tilespmem:s17], [sflag:$0x2] =	stream.indirect_vreg.gather [hbm4b:s9+s5], $0x80, v18, vm0, $0xb8;
	[tilespmem:$0x1E900] =	vst v63  }
0x26e: {  	v32 =	vperm.xlane v17, v6;
	v18 =	vadd.s32 v3, v31;
	s17 =	simm.s32 $0x9980  }
0x26f: {  	[tilespmem:s17], [sflag:$0x2] =	stream.indirect_vreg.gather [hbm4b:s9+s5], $0x80, v19, vm0, $0xb8;
	[tilespmem:$0x1E900] =	vst v63  }
0x270: {  	v33 =	vperm.xlane v17, v7;
	v19 =	vadd.s32 v3, v32;
	s17 =	simm.s32 $0x9A00  }
0x271: {  	[tilespmem:s17], [sflag:$0x2] =	stream.indirect_vreg.gather [hbm4b:s9+s5], $0x80, v20, vm0, $0xb8;
	[tilespmem:$0x1E900] =	vst v63  }
0x272: {  	v35 =	vperm.xlane v17, v8;
	v34 =	vadd.s32 v3, v33;
	s17 =	simm.s32 $0x9A80  }
0x273: {  	[tilespmem:s17], [sflag:$0x2] =	stream.indirect_vreg.gather [hbm4b:s9+s5], $0x80, v18, vm0, $0xb8;
	[tilespmem:$0x1E900] =	vst v63  }
0x274: {  	v36 =	vperm.xlane v17, v0;
	v18 =	vadd.s32 v3, v35;
	s17 =	simm.s32 $0x9B00  }
0x275: {  	[tilespmem:s17], [sflag:$0x2] =	stream.indirect_vreg.gather [hbm4b:s9+s5], $0x80, v19, vm0, $0xb8;
	[tilespmem:$0x1E900] =	vst v63  }
0x276: {  	v37 =	vperm.xlane v17, v9;
	v19 =	vadd.s32 v3, v36;
	s17 =	simm.s32 $0x9B80  }
0x277: {  	[tilespmem:s17], [sflag:$0x2] =	stream.indirect_vreg.gather [hbm4b:s9+s5], $0x80, v34, vm0, $0xb8;
	[tilespmem:$0x1E900] =	vst v63  }
0x278: {  	v39 =	vperm.xlane v17, v10;
	v38 =	vadd.s32 v3, v37;
	s17 =	simm.s32 $0x9C00  }
0x279: {  	[tilespmem:s17], [sflag:$0x2] =	stream.indirect_vreg.gather [hbm4b:s9+s5], $0x80, v18, vm0, $0xb8;
	[tilespmem:$0x1E900] =	vst v63  }
0x27a: {  	v40 =	vperm.xlane v17, v11;
	v18 =	vadd.s32 v3, v39;
	s17 =	simm.s32 $0x9C80  }
0x27b: {  	[tilespmem:s17], [sflag:$0x2] =	stream.indirect_vreg.gather [hbm4b:s9+s5], $0x80, v19, vm0, $0xb8;
	[tilespmem:$0x1E900] =	vst v63  }
0x27c: {  	v41 =	vperm.xlane v17, v12;
	v19 =	vadd.s32 v3, v40;
	s17 =	simm.s32 $0x9D00  }
0x27d: {  	[tilespmem:s17], [sflag:$0x2] =	stream.indirect_vreg.gather [hbm4b:s9+s5], $0x80, v38, vm0, $0xb8;
	[tilespmem:$0x1E900] =	vst v63  }
0x27e: {  	v43 =	vperm.xlane v17, v13;
	v42 =	vadd.s32 v3, v41;
	s17 =	simm.s32 $0x9D80  }
0x27f: {  	[tilespmem:s17], [sflag:$0x2] =	stream.indirect_vreg.gather [hbm4b:s9+s5], $0x80, v18, vm0, $0xb8;
	[tilespmem:$0x1E900] =	vst v63  }
0x280: {  	v44 =	vperm.xlane v17, v14;
	v18 =	vadd.s32 v3, v43;
	s17 =	simm.s32 $0x9E00  }
0x281: {  	[tilespmem:s17], [sflag:$0x2] =	stream.indirect_vreg.gather [hbm4b:s9+s5], $0x80, v19, vm0, $0xb8;
	[tilespmem:$0x1E900] =	vst v63  }
0x282: {  	v45 =	vperm.xlane v17, v15;
	v19 =	vadd.s32 v3, v44;
	s17 =	simm.s32 $0x9E80  }
0x283: {  	[tilespmem:s17], [sflag:$0x2] =	stream.indirect_vreg.gather [hbm4b:s9+s5], $0x80, v42, vm0, $0xb8;
	[tilespmem:$0x1E900] =	vst v63  }
0x284: {  	v17 =	vperm.xlane v17, v16;
	v46 =	vadd.s32 v3, v45;
	s17 =	simm.s32 $0x9F00  }
0x285: {  	[tilespmem:s17], [sflag:$0x2] =	stream.indirect_vreg.gather [hbm4b:s9+s5], $0x80, v18, vm0, $0xb8;
	[tilespmem:$0x1E900] =	vst v63  }
0x286: {  	v17 =	vadd.s32 v3, v17;
	s17 =	simm.s32 $0x9F80  }
0x287: {  	[tilespmem:s17], [sflag:$0x2] =	stream.indirect_vreg.gather [hbm4b:s9+s5], $0x80, v19, vm0, $0xb8;
	[tilespmem:$0x1E900] =	vst v63  }
0x288: {  	s17 =	simm.s32 $0xA000  }
0x289: {  	[tilespmem:s17], [sflag:$0x2] =	stream.indirect_vreg.gather [hbm4b:s9+s5], $0x80, v46, vm0, $0xb8;
	[tilespmem:$0x1E900] =	vst v63  }
0x28a: {  	s17 =	simm.s32 $0xA080  }
0x28b: {  	[tilespmem:s17], [sflag:$0x2] =	stream.indirect_vreg.gather [hbm4b:s9+s5], $0x80, v17, vm0, $0xb8;
	[tilespmem:$0x1E900] =	vst v63  }
0x28c: {  	v17 =	vld [tilespmem:s11+$0x30];
	_ =	sdelay $0x4  }
0x28d: {  	v18 =	vshll.u32 v17, $0x1  }
0x28e: {  	v17 =	vand.u32 $0x7, v17;
	v18 =	vand.u32 $0xFFFFFFF0, v18  }
0x28f: {  	v17 =	vor.u32 v17, v18  }
0x290: {  	v18 =	vperm.xlane v17, v2;
	_ =	sdelay $0x1  }
0x291: {  	v19 =	vperm.xlane v17, v1;
	v18 =	vadd.s32 v3, v18;
	_ =	sdelay $0x1  }
0x292: {  	v47 =	vperm.xlane v17, v4;
	v19 =	vadd.s32 v3, v19;
	_ =	sdelay $0x1  }
0x293: {  	s17 =	simm.s32 $0xA100;
	v48 =	vperm.xlane v17, v5;
	v20 =	vadd.s32 v3, v47  }
0x294: {  	[tilespmem:s17], [sflag:$0x2] =	stream.indirect_vreg.gather [hbm4b:s9+s5], $0x80, v18, vm0, $0xb8;
	[tilespmem:$0x1E900] =	vst v63  }
0x295: {  	v49 =	vperm.xlane v17, v6;
	v18 =	vadd.s32 v3, v48;
	s17 =	simm.s32 $0xA180  }
0x296: {  	[tilespmem:s17], [sflag:$0x2] =	stream.indirect_vreg.gather [hbm4b:s9+s5], $0x80, v19, vm0, $0xb8;
	[tilespmem:$0x1E900] =	vst v63  }
0x297: {  	v50 =	vperm.xlane v17, v7;
	v19 =	vadd.s32 v3, v49;
	s17 =	simm.s32 $0xA200  }
0x298: {  	[tilespmem:s17], [sflag:$0x2] =	stream.indirect_vreg.gather [hbm4b:s9+s5], $0x80, v20, vm0, $0xb8;
	[tilespmem:$0x1E900] =	vst v63  }
0x299: {  	v52 =	vperm.xlane v17, v8;
	v51 =	vadd.s32 v3, v50  }
0x29a: {  	[tilespmem:s29], [sflag:$0x2] =	stream.indirect_vreg.gather [hbm4b:s9+s5], $0x80, v18, vm0, $0xb8;
	[tilespmem:$0x1E900] =	vst v63  }
0x29b: {  	v53 =	vperm.xlane v17, v0;
	v18 =	vadd.s32 v3, v52  }
0x29c: {  	[tilespmem:s28], [sflag:$0x2] =	stream.indirect_vreg.gather [hbm4b:s9+s5], $0x80, v19, vm0, $0xb8;
	[tilespmem:$0x1E900] =	vst v63  }
0x29d: {  	v54 =	vperm.xlane v17, v9;
	v19 =	vadd.s32 v3, v53  }
0x29e: {  	[tilespmem:s19], [sflag:$0x2] =	stream.indirect_vreg.gather [hbm4b:s9+s5], $0x80, v51, vm0, $0xb8;
	[tilespmem:$0x1E900] =	vst v63  }
0x29f: {  	v56 =	vperm.xlane v17, v10;
	v55 =	vadd.s32 v3, v54  }
0x2a0: {  	[tilespmem:s25], [sflag:$0x2] =	stream.indirect_vreg.gather [hbm4b:s9+s5], $0x80, v18, vm0, $0xb8;
	[tilespmem:$0x1E900] =	vst v63  }
0x2a1: {  	v57 =	vperm.xlane v17, v11;
	v18 =	vadd.s32 v3, v56  }
0x2a2: {  	[tilespmem:s26], [sflag:$0x2] =	stream.indirect_vreg.gather [hbm4b:s9+s5], $0x80, v19, vm0, $0xb8;
	[tilespmem:$0x1E900] =	vst v63  }
0x2a3: {  	v58 =	vperm.xlane v17, v12;
	v19 =	vadd.s32 v3, v57  }
0x2a4: {  	[tilespmem:s24], [sflag:$0x2] =	stream.indirect_vreg.gather [hbm4b:s9+s5], $0x80, v55, vm0, $0xb8;
	[tilespmem:$0x1E900] =	vst v63  }
0x2a5: {  	v60 =	vperm.xlane v17, v13;
	v59 =	vadd.s32 v3, v58  }
0x2a6: {  	[tilespmem:s22], [sflag:$0x2] =	stream.indirect_vreg.gather [hbm4b:s9+s5], $0x80, v18, vm0, $0xb8;
	[tilespmem:$0x1E900] =	vst v63  }
0x2a7: {  	v61 =	vperm.xlane v17, v14;
	v18 =	vadd.s32 v3, v60  }
0x2a8: {  	[tilespmem:s23], [sflag:$0x2] =	stream.indirect_vreg.gather [hbm4b:s9+s5], $0x80, v19, vm0, $0xb8;
	[tilespmem:$0x1E900] =	vst v63  }
0x2a9: {  	v62 =	vperm.xlane v17, v15;
	v19 =	vadd.s32 v3, v61  }
0x2aa: {  	[tilespmem:s21], [sflag:$0x2] =	stream.indirect_vreg.gather [hbm4b:s9+s5], $0x80, v59, vm0, $0xb8;
	[tilespmem:$0x1E900] =	vst v63  }
0x2ab: {  	v17 =	vperm.xlane v17, v16;
	v63 =	vadd.s32 v3, v62  }
0x2ac: {  	[tilespmem:s20], [sflag:$0x2] =	stream.indirect_vreg.gather [hbm4b:s9+s5], $0x80, v18, vm0, $0xb8;
	[tilespmem:$0x1E900] =	vst v63  }
0x2ad: {  	v17 =	vadd.s32 v3, v17  }
0x2ae: {  	[tilespmem:s18], [sflag:$0x2] =	stream.indirect_vreg.gather [hbm4b:s9+s5], $0x80, v19, vm0, $0xb8;
	[tilespmem:$0x1E900] =	vst v63  }
0x2af: {  	s17 =	simm.s32 $0xA800  }
0x2b0: {  	[tilespmem:s17], [sflag:$0x2] =	stream.indirect_vreg.gather [hbm4b:s9+s5], $0x80, v63, vm0, $0xb8;
	[tilespmem:$0x1E900] =	vst v63  }
0x2b1: {  	_ = 	snop  }
0x2b2: {  	[tilespmem:s1], [sflag:$0x2] =	stream.indirect_vreg.gather [hbm4b:s9+s5], $0x80, v17, vm0, $0xb8;
	[tilespmem:$0x1E900] =	vst v63  }
0x2b3: {  	_ =	swait.ge [sflag:s0], $0x4000  }
0x2b4: {  	[sflag:s0] =	ssyncset.done $0x0  }
0x2b5: {  	[sflag:s0] =	ssyncadd.s32 $0xFFFFC000  }
0x2b6: {  	_ =	swait.ge [sflag:s6], $0x80  }
0x2b7: {  	p0 =	seq.s32 s13, $0x2700;
	[sflag:s6] =	ssyncset.done $0x0  }
.Ltmp4:
0x2b8: {  	[sflag:s6] =	ssyncadd.s32 $0xFFFFFF80;
	(pc) =	sbr.rel @p0 .LBB2_4-.Ltmp4, $4  }
0x2b9: {  	[spmem:s3] =	stream.indirect.scatter.add.f32 [tilespmem:s16], [sflag:$0x5], $0x80, s15, s7, $0xb8;
	[tilespmem:$0x1E900] =	vst v63  }
0x2ba: {  	_ =	swait.ge [sflag:s12], $0x4000  }
0x2bb: {  	[sflag:s12] =	ssyncset.done $0x0  }
0x2bc: {  	[sflag:s12] =	ssyncadd.s32 $0xFFFFC000  }
0x2bd: {  	s14 =	sadd.s32 $0x100, s13  }
0x2be: {  	s17 =	sand.u32 $0x7C00, s14  }
0x2bf: {  	s14 =	sand.u32 $0x300, s14;
	s17 =	sadd.s32 s4, s17  }
0x2c0: {  	s14 =	sor.u32 s14, s17  }
0x2c1: {  	s14 =	sshrl.u32 s14, $0x3  }
0x2c2: {  	s14 =	sadd.s32 s2, s14  }
0x2c3: {  	[tilespmem:s15], [sflag:$0x3] =	stream.linear.gather [hbm4b:s14+s5], $0x80, $0x38;
	[tilespmem:$0x1E900] =	vst v63  }
0x2c4: {  	v17 =	vld [tilespmem:s11+$0x40];
	_ =	sdelay $0x4  }
0x2c5: {  	v18 =	vshll.u32 v17, $0x1  }
0x2c6: {  	v17 =	vand.u32 $0x7, v17;
	v18 =	vand.u32 $0xFFFFFFF0, v18  }
0x2c7: {  	v17 =	vor.u32 v17, v18  }
0x2c8: {  	v18 =	vperm.xlane v17, v2;
	_ =	sdelay $0x1  }
0x2c9: {  	v19 =	vperm.xlane v17, v1;
	v18 =	vadd.s32 v3, v18;
	_ =	sdelay $0x1  }
0x2ca: {  	v20 =	vperm.xlane v17, v4;
	v19 =	vadd.s32 v3, v19;
	_ =	sdelay $0x1  }
0x2cb: {  	v21 =	vperm.xlane v17, v5;
	v20 =	vadd.s32 v3, v20  }
0x2cc: {  	[tilespmem:s16], [sflag:$0x1] =	stream.indirect_vreg.gather [hbm4b:s9+s5], $0x80, v18, vm0, $0xb8;
	[tilespmem:$0x1E900] =	vst v63  }
0x2cd: {  	s17 =	simm.s32 $0x2980;
	v50 =	vperm.xlane v17, v6;
	v18 =	vadd.s32 v3, v21  }
0x2ce: {  	[tilespmem:s17], [sflag:$0x1] =	stream.indirect_vreg.gather [hbm4b:s9+s5], $0x80, v19, vm0, $0xb8;
	[tilespmem:$0x1E900] =	vst v63  }
0x2cf: {  	v51 =	vperm.xlane v17, v7;
	v19 =	vadd.s32 v3, v50;
	s17 =	simm.s32 $0x2A00  }
0x2d0: {  	[tilespmem:s17], [sflag:$0x1] =	stream.indirect_vreg.gather [hbm4b:s9+s5], $0x80, v20, vm0, $0xb8;
	[tilespmem:$0x1E900] =	vst v63  }
0x2d1: {  	v53 =	vperm.xlane v17, v8;
	v52 =	vadd.s32 v3, v51;
	s17 =	simm.s32 $0x2A80  }
0x2d2: {  	[tilespmem:s17], [sflag:$0x1] =	stream.indirect_vreg.gather [hbm4b:s9+s5], $0x80, v18, vm0, $0xb8;
	[tilespmem:$0x1E900] =	vst v63  }
0x2d3: {  	v54 =	vperm.xlane v17, v0;
	v18 =	vadd.s32 v3, v53;
	s17 =	simm.s32 $0x2B00  }
0x2d4: {  	[tilespmem:s17], [sflag:$0x1] =	stream.indirect_vreg.gather [hbm4b:s9+s5], $0x80, v19, vm0, $0xb8;
	[tilespmem:$0x1E900] =	vst v63  }
0x2d5: {  	v55 =	vperm.xlane v17, v9;
	v19 =	vadd.s32 v3, v54;
	s17 =	simm.s32 $0x2B80  }
0x2d6: {  	[tilespmem:s17], [sflag:$0x1] =	stream.indirect_vreg.gather [hbm4b:s9+s5], $0x80, v52, vm0, $0xb8;
	[tilespmem:$0x1E900] =	vst v63  }
0x2d7: {  	v57 =	vperm.xlane v17, v10;
	v56 =	vadd.s32 v3, v55;
	s17 =	simm.s32 $0x2C00  }
0x2d8: {  	[tilespmem:s17], [sflag:$0x1] =	stream.indirect_vreg.gather [hbm4b:s9+s5], $0x80, v18, vm0, $0xb8;
	[tilespmem:$0x1E900] =	vst v63  }
0x2d9: {  	v58 =	vperm.xlane v17, v11;
	v18 =	vadd.s32 v3, v57;
	s17 =	simm.s32 $0x2C80  }
0x2da: {  	[tilespmem:s17], [sflag:$0x1] =	stream.indirect_vreg.gather [hbm4b:s9+s5], $0x80, v19, vm0, $0xb8;
	[tilespmem:$0x1E900] =	vst v63  }
0x2db: {  	v59 =	vperm.xlane v17, v12;
	v19 =	vadd.s32 v3, v58;
	s17 =	simm.s32 $0x2D00  }
0x2dc: {  	[tilespmem:s17], [sflag:$0x1] =	stream.indirect_vreg.gather [hbm4b:s9+s5], $0x80, v56, vm0, $0xb8;
	[tilespmem:$0x1E900] =	vst v63  }
0x2dd: {  	v61 =	vperm.xlane v17, v13;
	v60 =	vadd.s32 v3, v59;
	s17 =	simm.s32 $0x2D80  }
0x2de: {  	[tilespmem:s17], [sflag:$0x1] =	stream.indirect_vreg.gather [hbm4b:s9+s5], $0x80, v18, vm0, $0xb8;
	[tilespmem:$0x1E900] =	vst v63  }
0x2df: {  	v62 =	vperm.xlane v17, v14;
	v18 =	vadd.s32 v3, v61;
	s17 =	simm.s32 $0x2E00  }
0x2e0: {  	[tilespmem:s17], [sflag:$0x1] =	stream.indirect_vreg.gather [hbm4b:s9+s5], $0x80, v19, vm0, $0xb8;
	[tilespmem:$0x1E900] =	vst v63  }
0x2e1: {  	v63 =	vperm.xlane v17, v15;
	v19 =	vadd.s32 v3, v62;
	s17 =	simm.s32 $0x2E80  }
0x2e2: {  	[tilespmem:s17], [sflag:$0x1] =	stream.indirect_vreg.gather [hbm4b:s9+s5], $0x80, v60, vm0, $0xb8;
	[tilespmem:$0x1E900] =	vst v63  }
0x2e3: {  	v17 =	vperm.xlane v17, v16;
	v24 =	vadd.s32 v3, v63;
	s17 =	simm.s32 $0x2F00  }
0x2e4: {  	[tilespmem:s17], [sflag:$0x1] =	stream.indirect_vreg.gather [hbm4b:s9+s5], $0x80, v18, vm0, $0xb8;
	[tilespmem:$0x1E900] =	vst v63  }
0x2e5: {  	v17 =	vadd.s32 v3, v17;
	s17 =	simm.s32 $0x2F80  }
0x2e6: {  	[tilespmem:s17], [sflag:$0x1] =	stream.indirect_vreg.gather [hbm4b:s9+s5], $0x80, v19, vm0, $0xb8;
	[tilespmem:$0x1E900] =	vst v63  }
0x2e7: {  	s17 =	simm.s32 $0x3000  }
0x2e8: {  	[tilespmem:s17], [sflag:$0x1] =	stream.indirect_vreg.gather [hbm4b:s9+s5], $0x80, v24, vm0, $0xb8;
	[tilespmem:$0x1E900] =	vst v63  }
0x2e9: {  	s17 =	simm.s32 $0x3080  }
0x2ea: {  	[tilespmem:s17], [sflag:$0x1] =	stream.indirect_vreg.gather [hbm4b:s9+s5], $0x80, v17, vm0, $0xb8;
	[tilespmem:$0x1E900] =	vst v63  }
0x2eb: {  	v17 =	vld [tilespmem:s11+$0x50];
	_ =	sdelay $0x4  }
0x2ec: {  	v18 =	vshll.u32 v17, $0x1  }
0x2ed: {  	v17 =	vand.u32 $0x7, v17;
	v18 =	vand.u32 $0xFFFFFFF0, v18  }
0x2ee: {  	v17 =	vor.u32 v17, v18  }
0x2ef: {  	v18 =	vperm.xlane v17, v2;
	_ =	sdelay $0x1  }
0x2f0: {  	v19 =	vperm.xlane v17, v1;
	v18 =	vadd.s32 v3, v18;
	_ =	sdelay $0x1  }
0x2f1: {  	v25 =	vperm.xlane v17, v4;
	v19 =	vadd.s32 v3, v19;
	_ =	sdelay $0x1  }
0x2f2: {  	s17 =	simm.s32 $0x3100;
	v26 =	vperm.xlane v17, v5;
	v20 =	vadd.s32 v3, v25  }
0x2f3: {  	[tilespmem:s17], [sflag:$0x1] =	stream.indirect_vreg.gather [hbm4b:s9+s5], $0x80, v18, vm0, $0xb8;
	[tilespmem:$0x1E900] =	vst v63  }
0x2f4: {  	v27 =	vperm.xlane v17, v6;
	v18 =	vadd.s32 v3, v26;
	s17 =	simm.s32 $0x3180  }
0x2f5: {  	[tilespmem:s17], [sflag:$0x1] =	stream.indirect_vreg.gather [hbm4b:s9+s5], $0x80, v19, vm0, $0xb8;
	[tilespmem:$0x1E900] =	vst v63  }
0x2f6: {  	v28 =	vperm.xlane v17, v7;
	v19 =	vadd.s32 v3, v27;
	s17 =	simm.s32 $0x3200  }
0x2f7: {  	[tilespmem:s17], [sflag:$0x1] =	stream.indirect_vreg.gather [hbm4b:s9+s5], $0x80, v20, vm0, $0xb8;
	[tilespmem:$0x1E900] =	vst v63  }
0x2f8: {  	v30 =	vperm.xlane v17, v8;
	v29 =	vadd.s32 v3, v28;
	s17 =	simm.s32 $0x3280  }
0x2f9: {  	[tilespmem:s17], [sflag:$0x1] =	stream.indirect_vreg.gather [hbm4b:s9+s5], $0x80, v18, vm0, $0xb8;
	[tilespmem:$0x1E900] =	vst v63  }
0x2fa: {  	v31 =	vperm.xlane v17, v0;
	v18 =	vadd.s32 v3, v30;
	s17 =	simm.s32 $0x3300  }
0x2fb: {  	[tilespmem:s17], [sflag:$0x1] =	stream.indirect_vreg.gather [hbm4b:s9+s5], $0x80, v19, vm0, $0xb8;
	[tilespmem:$0x1E900] =	vst v63  }
0x2fc: {  	v32 =	vperm.xlane v17, v9;
	v19 =	vadd.s32 v3, v31;
	s17 =	simm.s32 $0x3380  }
0x2fd: {  	[tilespmem:s17], [sflag:$0x1] =	stream.indirect_vreg.gather [hbm4b:s9+s5], $0x80, v29, vm0, $0xb8;
	[tilespmem:$0x1E900] =	vst v63  }
0x2fe: {  	v34 =	vperm.xlane v17, v10;
	v33 =	vadd.s32 v3, v32;
	s17 =	simm.s32 $0x3400  }
0x2ff: {  	[tilespmem:s17], [sflag:$0x1] =	stream.indirect_vreg.gather [hbm4b:s9+s5], $0x80, v18, vm0, $0xb8;
	[tilespmem:$0x1E900] =	vst v63  }
0x300: {  	v35 =	vperm.xlane v17, v11;
	v18 =	vadd.s32 v3, v34;
	s17 =	simm.s32 $0x3480  }
0x301: {  	[tilespmem:s17], [sflag:$0x1] =	stream.indirect_vreg.gather [hbm4b:s9+s5], $0x80, v19, vm0, $0xb8;
	[tilespmem:$0x1E900] =	vst v63  }
0x302: {  	v36 =	vperm.xlane v17, v12;
	v19 =	vadd.s32 v3, v35;
	s17 =	simm.s32 $0x3500  }
0x303: {  	[tilespmem:s17], [sflag:$0x1] =	stream.indirect_vreg.gather [hbm4b:s9+s5], $0x80, v33, vm0, $0xb8;
	[tilespmem:$0x1E900] =	vst v63  }
0x304: {  	v38 =	vperm.xlane v17, v13;
	v37 =	vadd.s32 v3, v36;
	s17 =	simm.s32 $0x3580  }
0x305: {  	[tilespmem:s17], [sflag:$0x1] =	stream.indirect_vreg.gather [hbm4b:s9+s5], $0x80, v18, vm0, $0xb8;
	[tilespmem:$0x1E900] =	vst v63  }
0x306: {  	v39 =	vperm.xlane v17, v14;
	v18 =	vadd.s32 v3, v38;
	s17 =	simm.s32 $0x3600  }
0x307: {  	[tilespmem:s17], [sflag:$0x1] =	stream.indirect_vreg.gather [hbm4b:s9+s5], $0x80, v19, vm0, $0xb8;
	[tilespmem:$0x1E900] =	vst v63  }
0x308: {  	v40 =	vperm.xlane v17, v15;
	v19 =	vadd.s32 v3, v39;
	s17 =	simm.s32 $0x3680  }
0x309: {  	[tilespmem:s17], [sflag:$0x1] =	stream.indirect_vreg.gather [hbm4b:s9+s5], $0x80, v37, vm0, $0xb8;
	[tilespmem:$0x1E900] =	vst v63  }
0x30a: {  	v17 =	vperm.xlane v17, v16;
	v41 =	vadd.s32 v3, v40;
	s17 =	simm.s32 $0x3700  }
0x30b: {  	[tilespmem:s17], [sflag:$0x1] =	stream.indirect_vreg.gather [hbm4b:s9+s5], $0x80, v18, vm0, $0xb8;
	[tilespmem:$0x1E900] =	vst v63  }
0x30c: {  	v17 =	vadd.s32 v3, v17;
	s17 =	simm.s32 $0x3780  }
0x30d: {  	[tilespmem:s17], [sflag:$0x1] =	stream.indirect_vreg.gather [hbm4b:s9+s5], $0x80, v19, vm0, $0xb8;
	[tilespmem:$0x1E900] =	vst v63  }
0x30e: {  	s17 =	simm.s32 $0x3800  }
0x30f: {  	[tilespmem:s17], [sflag:$0x1] =	stream.indirect_vreg.gather [hbm4b:s9+s5], $0x80, v41, vm0, $0xb8;
	[tilespmem:$0x1E900] =	vst v63  }
0x310: {  	s17 =	simm.s32 $0x3880  }
0x311: {  	[tilespmem:s17], [sflag:$0x1] =	stream.indirect_vreg.gather [hbm4b:s9+s5], $0x80, v17, vm0, $0xb8;
	[tilespmem:$0x1E900] =	vst v63  }
0x312: {  	v17 =	vld [tilespmem:s11+$0x60];
	_ =	sdelay $0x4  }
0x313: {  	v18 =	vshll.u32 v17, $0x1  }
0x314: {  	v17 =	vand.u32 $0x7, v17;
	v18 =	vand.u32 $0xFFFFFFF0, v18  }
0x315: {  	v17 =	vor.u32 v17, v18  }
0x316: {  	v18 =	vperm.xlane v17, v2;
	_ =	sdelay $0x1  }
0x317: {  	v19 =	vperm.xlane v17, v1;
	v18 =	vadd.s32 v3, v18;
	_ =	sdelay $0x1  }
0x318: {  	v42 =	vperm.xlane v17, v4;
	v19 =	vadd.s32 v3, v19;
	_ =	sdelay $0x1  }
0x319: {  	s17 =	simm.s32 $0x3900;
	v43 =	vperm.xlane v17, v5;
	v20 =	vadd.s32 v3, v42  }
0x31a: {  	[tilespmem:s17], [sflag:$0x1] =	stream.indirect_vreg.gather [hbm4b:s9+s5], $0x80, v18, vm0, $0xb8;
	[tilespmem:$0x1E900] =	vst v63  }
0x31b: {  	v44 =	vperm.xlane v17, v6;
	v18 =	vadd.s32 v3, v43;
	s17 =	simm.s32 $0x3980  }
0x31c: {  	[tilespmem:s17], [sflag:$0x1] =	stream.indirect_vreg.gather [hbm4b:s9+s5], $0x80, v19, vm0, $0xb8;
	[tilespmem:$0x1E900] =	vst v63  }
0x31d: {  	v45 =	vperm.xlane v17, v7;
	v19 =	vadd.s32 v3, v44;
	s17 =	simm.s32 $0x3A00  }
0x31e: {  	[tilespmem:s17], [sflag:$0x1] =	stream.indirect_vreg.gather [hbm4b:s9+s5], $0x80, v20, vm0, $0xb8;
	[tilespmem:$0x1E900] =	vst v63  }
0x31f: {  	v47 =	vperm.xlane v17, v8;
	v46 =	vadd.s32 v3, v45;
	s17 =	simm.s32 $0x3A80  }
0x320: {  	[tilespmem:s17], [sflag:$0x1] =	stream.indirect_vreg.gather [hbm4b:s9+s5], $0x80, v18, vm0, $0xb8;
	[tilespmem:$0x1E900] =	vst v63  }
0x321: {  	v48 =	vperm.xlane v17, v0;
	v18 =	vadd.s32 v3, v47;
	s17 =	simm.s32 $0x3B00  }
0x322: {  	[tilespmem:s17], [sflag:$0x1] =	stream.indirect_vreg.gather [hbm4b:s9+s5], $0x80, v19, vm0, $0xb8;
	[tilespmem:$0x1E900] =	vst v63  }
0x323: {  	v49 =	vperm.xlane v17, v9;
	v19 =	vadd.s32 v3, v48;
	s17 =	simm.s32 $0x3B80  }
0x324: {  	[tilespmem:s17], [sflag:$0x1] =	stream.indirect_vreg.gather [hbm4b:s9+s5], $0x80, v46, vm0, $0xb8;
	[tilespmem:$0x1E900] =	vst v63  }
0x325: {  	v51 =	vperm.xlane v17, v10;
	v50 =	vadd.s32 v3, v49;
	s17 =	simm.s32 $0x3C00  }
0x326: {  	[tilespmem:s17], [sflag:$0x1] =	stream.indirect_vreg.gather [hbm4b:s9+s5], $0x80, v18, vm0, $0xb8;
	[tilespmem:$0x1E900] =	vst v63  }
0x327: {  	v52 =	vperm.xlane v17, v11;
	v18 =	vadd.s32 v3, v51;
	s17 =	simm.s32 $0x3C80  }
0x328: {  	[tilespmem:s17], [sflag:$0x1] =	stream.indirect_vreg.gather [hbm4b:s9+s5], $0x80, v19, vm0, $0xb8;
	[tilespmem:$0x1E900] =	vst v63  }
0x329: {  	v53 =	vperm.xlane v17, v12;
	v19 =	vadd.s32 v3, v52;
	s17 =	simm.s32 $0x3D00  }
0x32a: {  	[tilespmem:s17], [sflag:$0x1] =	stream.indirect_vreg.gather [hbm4b:s9+s5], $0x80, v50, vm0, $0xb8;
	[tilespmem:$0x1E900] =	vst v63  }
0x32b: {  	v55 =	vperm.xlane v17, v13;
	v54 =	vadd.s32 v3, v53;
	s17 =	simm.s32 $0x3D80  }
0x32c: {  	[tilespmem:s17], [sflag:$0x1] =	stream.indirect_vreg.gather [hbm4b:s9+s5], $0x80, v18, vm0, $0xb8;
	[tilespmem:$0x1E900] =	vst v63  }
0x32d: {  	v56 =	vperm.xlane v17, v14;
	v18 =	vadd.s32 v3, v55;
	s17 =	simm.s32 $0x3E00  }
0x32e: {  	[tilespmem:s17], [sflag:$0x1] =	stream.indirect_vreg.gather [hbm4b:s9+s5], $0x80, v19, vm0, $0xb8;
	[tilespmem:$0x1E900] =	vst v63  }
0x32f: {  	v57 =	vperm.xlane v17, v15;
	v19 =	vadd.s32 v3, v56;
	s17 =	simm.s32 $0x3E80  }
0x330: {  	[tilespmem:s17], [sflag:$0x1] =	stream.indirect_vreg.gather [hbm4b:s9+s5], $0x80, v54, vm0, $0xb8;
	[tilespmem:$0x1E900] =	vst v63  }
0x331: {  	v17 =	vperm.xlane v17, v16;
	v58 =	vadd.s32 v3, v57;
	s17 =	simm.s32 $0x3F00  }
0x332: {  	[tilespmem:s17], [sflag:$0x1] =	stream.indirect_vreg.gather [hbm4b:s9+s5], $0x80, v18, vm0, $0xb8;
	[tilespmem:$0x1E900] =	vst v63  }
0x333: {  	v17 =	vadd.s32 v3, v17;
	s17 =	simm.s32 $0x3F80  }
0x334: {  	[tilespmem:s17], [sflag:$0x1] =	stream.indirect_vreg.gather [hbm4b:s9+s5], $0x80, v19, vm0, $0xb8;
	[tilespmem:$0x1E900] =	vst v63  }
0x335: {  	s17 =	simm.s32 $0x4000  }
0x336: {  	[tilespmem:s17], [sflag:$0x1] =	stream.indirect_vreg.gather [hbm4b:s9+s5], $0x80, v58, vm0, $0xb8;
	[tilespmem:$0x1E900] =	vst v63  }
0x337: {  	s17 =	simm.s32 $0x4080  }
0x338: {  	[tilespmem:s17], [sflag:$0x1] =	stream.indirect_vreg.gather [hbm4b:s9+s5], $0x80, v17, vm0, $0xb8;
	[tilespmem:$0x1E900] =	vst v63  }
0x339: {  	v17 =	vld [tilespmem:s11+$0x70];
	_ =	sdelay $0x4  }
0x33a: {  	v18 =	vshll.u32 v17, $0x1  }
0x33b: {  	v17 =	vand.u32 $0x7, v17;
	v18 =	vand.u32 $0xFFFFFFF0, v18  }
0x33c: {  	v17 =	vor.u32 v17, v18  }
0x33d: {  	v18 =	vperm.xlane v17, v2;
	_ =	sdelay $0x1  }
0x33e: {  	v19 =	vperm.xlane v17, v1;
	v18 =	vadd.s32 v3, v18;
	_ =	sdelay $0x1  }
0x33f: {  	v59 =	vperm.xlane v17, v4;
	v19 =	vadd.s32 v3, v19;
	_ =	sdelay $0x1  }
0x340: {  	s17 =	simm.s32 $0x4100;
	v60 =	vperm.xlane v17, v5;
	v20 =	vadd.s32 v3, v59  }
0x341: {  	[tilespmem:s17], [sflag:$0x1] =	stream.indirect_vreg.gather [hbm4b:s9+s5], $0x80, v18, vm0, $0xb8;
	[tilespmem:$0x1E900] =	vst v63  }
0x342: {  	v61 =	vperm.xlane v17, v6;
	v18 =	vadd.s32 v3, v60;
	s17 =	simm.s32 $0x4180  }
0x343: {  	[tilespmem:s17], [sflag:$0x1] =	stream.indirect_vreg.gather [hbm4b:s9+s5], $0x80, v19, vm0, $0xb8;
	[tilespmem:$0x1E900] =	vst v63  }
0x344: {  	v62 =	vperm.xlane v17, v7;
	v19 =	vadd.s32 v3, v61;
	s17 =	simm.s32 $0x4200  }
0x345: {  	[tilespmem:s17], [sflag:$0x1] =	stream.indirect_vreg.gather [hbm4b:s9+s5], $0x80, v20, vm0, $0xb8;
	[tilespmem:$0x1E900] =	vst v63  }
0x346: {  	v24 =	vperm.xlane v17, v8;
	v63 =	vadd.s32 v3, v62;
	s17 =	simm.s32 $0x4280  }
0x347: {  	[tilespmem:s17], [sflag:$0x1] =	stream.indirect_vreg.gather [hbm4b:s9+s5], $0x80, v18, vm0, $0xb8;
	[tilespmem:$0x1E900] =	vst v63  }
0x348: {  	v25 =	vperm.xlane v17, v0;
	v18 =	vadd.s32 v3, v24;
	s17 =	simm.s32 $0x4300  }
0x349: {  	[tilespmem:s17], [sflag:$0x1] =	stream.indirect_vreg.gather [hbm4b:s9+s5], $0x80, v19, vm0, $0xb8;
	[tilespmem:$0x1E900] =	vst v63  }
0x34a: {  	v26 =	vperm.xlane v17, v9;
	v19 =	vadd.s32 v3, v25;
	s17 =	simm.s32 $0x4380  }
0x34b: {  	[tilespmem:s17], [sflag:$0x1] =	stream.indirect_vreg.gather [hbm4b:s9+s5], $0x80, v63, vm0, $0xb8;
	[tilespmem:$0x1E900] =	vst v63  }
0x34c: {  	v28 =	vperm.xlane v17, v10;
	v27 =	vadd.s32 v3, v26;
	s17 =	simm.s32 $0x4400  }
0x34d: {  	[tilespmem:s17], [sflag:$0x1] =	stream.indirect_vreg.gather [hbm4b:s9+s5], $0x80, v18, vm0, $0xb8;
	[tilespmem:$0x1E900] =	vst v63  }
0x34e: {  	v29 =	vperm.xlane v17, v11;
	v18 =	vadd.s32 v3, v28;
	s17 =	simm.s32 $0x4480  }
0x34f: {  	[tilespmem:s17], [sflag:$0x1] =	stream.indirect_vreg.gather [hbm4b:s9+s5], $0x80, v19, vm0, $0xb8;
	[tilespmem:$0x1E900] =	vst v63  }
0x350: {  	v30 =	vperm.xlane v17, v12;
	v19 =	vadd.s32 v3, v29;
	s17 =	simm.s32 $0x4500  }
0x351: {  	[tilespmem:s17], [sflag:$0x1] =	stream.indirect_vreg.gather [hbm4b:s9+s5], $0x80, v27, vm0, $0xb8;
	[tilespmem:$0x1E900] =	vst v63  }
0x352: {  	v32 =	vperm.xlane v17, v13;
	v31 =	vadd.s32 v3, v30;
	s17 =	simm.s32 $0x4580  }
0x353: {  	[tilespmem:s17], [sflag:$0x1] =	stream.indirect_vreg.gather [hbm4b:s9+s5], $0x80, v18, vm0, $0xb8;
	[tilespmem:$0x1E900] =	vst v63  }
0x354: {  	v33 =	vperm.xlane v17, v14;
	v18 =	vadd.s32 v3, v32;
	s17 =	simm.s32 $0x4600  }
0x355: {  	[tilespmem:s17], [sflag:$0x1] =	stream.indirect_vreg.gather [hbm4b:s9+s5], $0x80, v19, vm0, $0xb8;
	[tilespmem:$0x1E900] =	vst v63  }
0x356: {  	v34 =	vperm.xlane v17, v15;
	v19 =	vadd.s32 v3, v33;
	s17 =	simm.s32 $0x4680  }
0x357: {  	[tilespmem:s17], [sflag:$0x1] =	stream.indirect_vreg.gather [hbm4b:s9+s5], $0x80, v31, vm0, $0xb8;
	[tilespmem:$0x1E900] =	vst v63  }
0x358: {  	v17 =	vperm.xlane v17, v16;
	v35 =	vadd.s32 v3, v34;
	s17 =	simm.s32 $0x4700  }
0x359: {  	[tilespmem:s17], [sflag:$0x1] =	stream.indirect_vreg.gather [hbm4b:s9+s5], $0x80, v18, vm0, $0xb8;
	[tilespmem:$0x1E900] =	vst v63  }
0x35a: {  	v17 =	vadd.s32 v3, v17;
	s17 =	simm.s32 $0x4780  }
0x35b: {  	[tilespmem:s17], [sflag:$0x1] =	stream.indirect_vreg.gather [hbm4b:s9+s5], $0x80, v19, vm0, $0xb8;
	[tilespmem:$0x1E900] =	vst v63  }
0x35c: {  	s17 =	simm.s32 $0x4800  }
0x35d: {  	[tilespmem:s17], [sflag:$0x1] =	stream.indirect_vreg.gather [hbm4b:s9+s5], $0x80, v35, vm0, $0xb8;
	[tilespmem:$0x1E900] =	vst v63  }
0x35e: {  	s17 =	simm.s32 $0x4880  }
0x35f: {  	[tilespmem:s17], [sflag:$0x1] =	stream.indirect_vreg.gather [hbm4b:s9+s5], $0x80, v17, vm0, $0xb8;
	[tilespmem:$0x1E900] =	vst v63  }
0x360: {  	v17 =	vld [tilespmem:s11+$0x80];
	_ =	sdelay $0x4  }
0x361: {  	v18 =	vshll.u32 v17, $0x1  }
0x362: {  	v17 =	vand.u32 $0x7, v17;
	v18 =	vand.u32 $0xFFFFFFF0, v18  }
0x363: {  	v17 =	vor.u32 v17, v18  }
0x364: {  	v18 =	vperm.xlane v17, v2;
	_ =	sdelay $0x1  }
0x365: {  	v19 =	vperm.xlane v17, v1;
	v18 =	vadd.s32 v3, v18;
	_ =	sdelay $0x1  }
0x366: {  	v36 =	vperm.xlane v17, v4;
	v19 =	vadd.s32 v3, v19;
	_ =	sdelay $0x1  }
0x367: {  	s17 =	simm.s32 $0x4900;
	v37 =	vperm.xlane v17, v5;
	v20 =	vadd.s32 v3, v36  }
0x368: {  	[tilespmem:s17], [sflag:$0x1] =	stream.indirect_vreg.gather [hbm4b:s9+s5], $0x80, v18, vm0, $0xb8;
	[tilespmem:$0x1E900] =	vst v63  }
0x369: {  	v38 =	vperm.xlane v17, v6;
	v18 =	vadd.s32 v3, v37;
	s17 =	simm.s32 $0x4980  }
0x36a: {  	[tilespmem:s17], [sflag:$0x1] =	stream.indirect_vreg.gather [hbm4b:s9+s5], $0x80, v19, vm0, $0xb8;
	[tilespmem:$0x1E900] =	vst v63  }
0x36b: {  	v39 =	vperm.xlane v17, v7;
	v19 =	vadd.s32 v3, v38;
	s17 =	simm.s32 $0x4A00  }
0x36c: {  	[tilespmem:s17], [sflag:$0x1] =	stream.indirect_vreg.gather [hbm4b:s9+s5], $0x80, v20, vm0, $0xb8;
	[tilespmem:$0x1E900] =	vst v63  }
0x36d: {  	v41 =	vperm.xlane v17, v8;
	v40 =	vadd.s32 v3, v39;
	s17 =	simm.s32 $0x4A80  }
0x36e: {  	[tilespmem:s17], [sflag:$0x1] =	stream.indirect_vreg.gather [hbm4b:s9+s5], $0x80, v18, vm0, $0xb8;
	[tilespmem:$0x1E900] =	vst v63  }
0x36f: {  	v42 =	vperm.xlane v17, v0;
	v18 =	vadd.s32 v3, v41;
	s17 =	simm.s32 $0x4B00  }
0x370: {  	[tilespmem:s17], [sflag:$0x1] =	stream.indirect_vreg.gather [hbm4b:s9+s5], $0x80, v19, vm0, $0xb8;
	[tilespmem:$0x1E900] =	vst v63  }
0x371: {  	v43 =	vperm.xlane v17, v9;
	v19 =	vadd.s32 v3, v42;
	s17 =	simm.s32 $0x4B80  }
0x372: {  	[tilespmem:s17], [sflag:$0x1] =	stream.indirect_vreg.gather [hbm4b:s9+s5], $0x80, v40, vm0, $0xb8;
	[tilespmem:$0x1E900] =	vst v63  }
0x373: {  	v45 =	vperm.xlane v17, v10;
	v44 =	vadd.s32 v3, v43;
	s17 =	simm.s32 $0x4C00  }
0x374: {  	[tilespmem:s17], [sflag:$0x1] =	stream.indirect_vreg.gather [hbm4b:s9+s5], $0x80, v18, vm0, $0xb8;
	[tilespmem:$0x1E900] =	vst v63  }
0x375: {  	v46 =	vperm.xlane v17, v11;
	v18 =	vadd.s32 v3, v45;
	s17 =	simm.s32 $0x4C80  }
0x376: {  	[tilespmem:s17], [sflag:$0x1] =	stream.indirect_vreg.gather [hbm4b:s9+s5], $0x80, v19, vm0, $0xb8;
	[tilespmem:$0x1E900] =	vst v63  }
0x377: {  	v47 =	vperm.xlane v17, v12;
	v19 =	vadd.s32 v3, v46;
	s17 =	simm.s32 $0x4D00  }
0x378: {  	[tilespmem:s17], [sflag:$0x1] =	stream.indirect_vreg.gather [hbm4b:s9+s5], $0x80, v44, vm0, $0xb8;
	[tilespmem:$0x1E900] =	vst v63  }
0x379: {  	v49 =	vperm.xlane v17, v13;
	v48 =	vadd.s32 v3, v47;
	s17 =	simm.s32 $0x4D80  }
0x37a: {  	[tilespmem:s17], [sflag:$0x1] =	stream.indirect_vreg.gather [hbm4b:s9+s5], $0x80, v18, vm0, $0xb8;
	[tilespmem:$0x1E900] =	vst v63  }
0x37b: {  	v50 =	vperm.xlane v17, v14;
	v18 =	vadd.s32 v3, v49;
	s17 =	simm.s32 $0x4E00  }
0x37c: {  	[tilespmem:s17], [sflag:$0x1] =	stream.indirect_vreg.gather [hbm4b:s9+s5], $0x80, v19, vm0, $0xb8;
	[tilespmem:$0x1E900] =	vst v63  }
0x37d: {  	v51 =	vperm.xlane v17, v15;
	v19 =	vadd.s32 v3, v50;
	s17 =	simm.s32 $0x4E80  }
0x37e: {  	[tilespmem:s17], [sflag:$0x1] =	stream.indirect_vreg.gather [hbm4b:s9+s5], $0x80, v48, vm0, $0xb8;
	[tilespmem:$0x1E900] =	vst v63  }
0x37f: {  	v17 =	vperm.xlane v17, v16;
	v52 =	vadd.s32 v3, v51;
	s17 =	simm.s32 $0x4F00  }
0x380: {  	[tilespmem:s17], [sflag:$0x1] =	stream.indirect_vreg.gather [hbm4b:s9+s5], $0x80, v18, vm0, $0xb8;
	[tilespmem:$0x1E900] =	vst v63  }
0x381: {  	v17 =	vadd.s32 v3, v17;
	s17 =	simm.s32 $0x4F80  }
0x382: {  	[tilespmem:s17], [sflag:$0x1] =	stream.indirect_vreg.gather [hbm4b:s9+s5], $0x80, v19, vm0, $0xb8;
	[tilespmem:$0x1E900] =	vst v63  }
0x383: {  	s17 =	simm.s32 $0x5000  }
0x384: {  	[tilespmem:s17], [sflag:$0x1] =	stream.indirect_vreg.gather [hbm4b:s9+s5], $0x80, v52, vm0, $0xb8;
	[tilespmem:$0x1E900] =	vst v63  }
0x385: {  	s17 =	simm.s32 $0x5080  }
0x386: {  	[tilespmem:s17], [sflag:$0x1] =	stream.indirect_vreg.gather [hbm4b:s9+s5], $0x80, v17, vm0, $0xb8;
	[tilespmem:$0x1E900] =	vst v63  }
0x387: {  	v17 =	vld [tilespmem:s11+$0x90];
	_ =	sdelay $0x4  }
0x388: {  	v18 =	vshll.u32 v17, $0x1  }
0x389: {  	v17 =	vand.u32 $0x7, v17;
	v18 =	vand.u32 $0xFFFFFFF0, v18  }
0x38a: {  	v17 =	vor.u32 v17, v18  }
0x38b: {  	v18 =	vperm.xlane v17, v2;
	_ =	sdelay $0x1  }
0x38c: {  	v19 =	vperm.xlane v17, v1;
	v18 =	vadd.s32 v3, v18;
	_ =	sdelay $0x1  }
0x38d: {  	v53 =	vperm.xlane v17, v4;
	v19 =	vadd.s32 v3, v19;
	_ =	sdelay $0x1  }
0x38e: {  	s17 =	simm.s32 $0x5100;
	v54 =	vperm.xlane v17, v5;
	v20 =	vadd.s32 v3, v53  }
0x38f: {  	[tilespmem:s17], [sflag:$0x1] =	stream.indirect_vreg.gather [hbm4b:s9+s5], $0x80, v18, vm0, $0xb8;
	[tilespmem:$0x1E900] =	vst v63  }
0x390: {  	v55 =	vperm.xlane v17, v6;
	v18 =	vadd.s32 v3, v54;
	s17 =	simm.s32 $0x5180  }
0x391: {  	[tilespmem:s17], [sflag:$0x1] =	stream.indirect_vreg.gather [hbm4b:s9+s5], $0x80, v19, vm0, $0xb8;
	[tilespmem:$0x1E900] =	vst v63  }
0x392: {  	v56 =	vperm.xlane v17, v7;
	v19 =	vadd.s32 v3, v55;
	s17 =	simm.s32 $0x5200  }
0x393: {  	[tilespmem:s17], [sflag:$0x1] =	stream.indirect_vreg.gather [hbm4b:s9+s5], $0x80, v20, vm0, $0xb8;
	[tilespmem:$0x1E900] =	vst v63  }
0x394: {  	v58 =	vperm.xlane v17, v8;
	v57 =	vadd.s32 v3, v56;
	s17 =	simm.s32 $0x5280  }
0x395: {  	[tilespmem:s17], [sflag:$0x1] =	stream.indirect_vreg.gather [hbm4b:s9+s5], $0x80, v18, vm0, $0xb8;
	[tilespmem:$0x1E900] =	vst v63  }
0x396: {  	v59 =	vperm.xlane v17, v0;
	v18 =	vadd.s32 v3, v58;
	s17 =	simm.s32 $0x5300  }
0x397: {  	[tilespmem:s17], [sflag:$0x1] =	stream.indirect_vreg.gather [hbm4b:s9+s5], $0x80, v19, vm0, $0xb8;
	[tilespmem:$0x1E900] =	vst v63  }
0x398: {  	v60 =	vperm.xlane v17, v9;
	v19 =	vadd.s32 v3, v59;
	s17 =	simm.s32 $0x5380  }
0x399: {  	[tilespmem:s17], [sflag:$0x1] =	stream.indirect_vreg.gather [hbm4b:s9+s5], $0x80, v57, vm0, $0xb8;
	[tilespmem:$0x1E900] =	vst v63  }
0x39a: {  	v62 =	vperm.xlane v17, v10;
	v61 =	vadd.s32 v3, v60;
	s17 =	simm.s32 $0x5400  }
0x39b: {  	[tilespmem:s17], [sflag:$0x1] =	stream.indirect_vreg.gather [hbm4b:s9+s5], $0x80, v18, vm0, $0xb8;
	[tilespmem:$0x1E900] =	vst v63  }
0x39c: {  	v63 =	vperm.xlane v17, v11;
	v18 =	vadd.s32 v3, v62;
	s17 =	simm.s32 $0x5480  }
0x39d: {  	[tilespmem:s17], [sflag:$0x1] =	stream.indirect_vreg.gather [hbm4b:s9+s5], $0x80, v19, vm0, $0xb8;
	[tilespmem:$0x1E900] =	vst v63  }
0x39e: {  	v24 =	vperm.xlane v17, v12;
	v19 =	vadd.s32 v3, v63;
	s17 =	simm.s32 $0x5500  }
0x39f: {  	[tilespmem:s17], [sflag:$0x1] =	stream.indirect_vreg.gather [hbm4b:s9+s5], $0x80, v61, vm0, $0xb8;
	[tilespmem:$0x1E900] =	vst v63  }
0x3a0: {  	v26 =	vperm.xlane v17, v13;
	v25 =	vadd.s32 v3, v24;
	s17 =	simm.s32 $0x5580  }
0x3a1: {  	[tilespmem:s17], [sflag:$0x1] =	stream.indirect_vreg.gather [hbm4b:s9+s5], $0x80, v18, vm0, $0xb8;
	[tilespmem:$0x1E900] =	vst v63  }
0x3a2: {  	v27 =	vperm.xlane v17, v14;
	v18 =	vadd.s32 v3, v26;
	s17 =	simm.s32 $0x5600  }
0x3a3: {  	[tilespmem:s17], [sflag:$0x1] =	stream.indirect_vreg.gather [hbm4b:s9+s5], $0x80, v19, vm0, $0xb8;
	[tilespmem:$0x1E900] =	vst v63  }
0x3a4: {  	v28 =	vperm.xlane v17, v15;
	v19 =	vadd.s32 v3, v27;
	s17 =	simm.s32 $0x5680  }
0x3a5: {  	[tilespmem:s17], [sflag:$0x1] =	stream.indirect_vreg.gather [hbm4b:s9+s5], $0x80, v25, vm0, $0xb8;
	[tilespmem:$0x1E900] =	vst v63  }
0x3a6: {  	v17 =	vperm.xlane v17, v16;
	v29 =	vadd.s32 v3, v28;
	s17 =	simm.s32 $0x5700  }
0x3a7: {  	[tilespmem:s17], [sflag:$0x1] =	stream.indirect_vreg.gather [hbm4b:s9+s5], $0x80, v18, vm0, $0xb8;
	[tilespmem:$0x1E900] =	vst v63  }
0x3a8: {  	v17 =	vadd.s32 v3, v17;
	s17 =	simm.s32 $0x5780  }
0x3a9: {  	[tilespmem:s17], [sflag:$0x1] =	stream.indirect_vreg.gather [hbm4b:s9+s5], $0x80, v19, vm0, $0xb8;
	[tilespmem:$0x1E900] =	vst v63  }
0x3aa: {  	s17 =	simm.s32 $0x5800  }
0x3ab: {  	[tilespmem:s17], [sflag:$0x1] =	stream.indirect_vreg.gather [hbm4b:s9+s5], $0x80, v29, vm0, $0xb8;
	[tilespmem:$0x1E900] =	vst v63  }
0x3ac: {  	s17 =	simm.s32 $0x5880  }
0x3ad: {  	[tilespmem:s17], [sflag:$0x1] =	stream.indirect_vreg.gather [hbm4b:s9+s5], $0x80, v17, vm0, $0xb8;
	[tilespmem:$0x1E900] =	vst v63  }
0x3ae: {  	v17 =	vld [tilespmem:s11+$0xA0];
	_ =	sdelay $0x4  }
0x3af: {  	v18 =	vshll.u32 v17, $0x1  }
0x3b0: {  	v17 =	vand.u32 $0x7, v17;
	v18 =	vand.u32 $0xFFFFFFF0, v18  }
0x3b1: {  	v17 =	vor.u32 v17, v18  }
0x3b2: {  	v18 =	vperm.xlane v17, v2;
	_ =	sdelay $0x1  }
0x3b3: {  	v19 =	vperm.xlane v17, v1;
	v18 =	vadd.s32 v3, v18;
	_ =	sdelay $0x1  }
0x3b4: {  	v30 =	vperm.xlane v17, v4;
	v19 =	vadd.s32 v3, v19;
	_ =	sdelay $0x1  }
0x3b5: {  	s17 =	simm.s32 $0x5900;
	v31 =	vperm.xlane v17, v5;
	v20 =	vadd.s32 v3, v30  }
0x3b6: {  	[tilespmem:s17], [sflag:$0x1] =	stream.indirect_vreg.gather [hbm4b:s9+s5], $0x80, v18, vm0, $0xb8;
	[tilespmem:$0x1E900] =	vst v63  }
0x3b7: {  	v32 =	vperm.xlane v17, v6;
	v18 =	vadd.s32 v3, v31;
	s17 =	simm.s32 $0x5980  }
0x3b8: {  	[tilespmem:s17], [sflag:$0x1] =	stream.indirect_vreg.gather [hbm4b:s9+s5], $0x80, v19, vm0, $0xb8;
	[tilespmem:$0x1E900] =	vst v63  }
0x3b9: {  	v33 =	vperm.xlane v17, v7;
	v19 =	vadd.s32 v3, v32;
	s17 =	simm.s32 $0x5A00  }
0x3ba: {  	[tilespmem:s17], [sflag:$0x1] =	stream.indirect_vreg.gather [hbm4b:s9+s5], $0x80, v20, vm0, $0xb8;
	[tilespmem:$0x1E900] =	vst v63  }
0x3bb: {  	v35 =	vperm.xlane v17, v8;
	v34 =	vadd.s32 v3, v33;
	s17 =	simm.s32 $0x5A80  }
0x3bc: {  	[tilespmem:s17], [sflag:$0x1] =	stream.indirect_vreg.gather [hbm4b:s9+s5], $0x80, v18, vm0, $0xb8;
	[tilespmem:$0x1E900] =	vst v63  }
0x3bd: {  	v36 =	vperm.xlane v17, v0;
	v18 =	vadd.s32 v3, v35;
	s17 =	simm.s32 $0x5B00  }
0x3be: {  	[tilespmem:s17], [sflag:$0x1] =	stream.indirect_vreg.gather [hbm4b:s9+s5], $0x80, v19, vm0, $0xb8;
	[tilespmem:$0x1E900] =	vst v63  }
0x3bf: {  	v37 =	vperm.xlane v17, v9;
	v19 =	vadd.s32 v3, v36;
	s17 =	simm.s32 $0x5B80  }
0x3c0: {  	[tilespmem:s17], [sflag:$0x1] =	stream.indirect_vreg.gather [hbm4b:s9+s5], $0x80, v34, vm0, $0xb8;
	[tilespmem:$0x1E900] =	vst v63  }
0x3c1: {  	v39 =	vperm.xlane v17, v10;
	v38 =	vadd.s32 v3, v37;
	s17 =	simm.s32 $0x5C00  }
0x3c2: {  	[tilespmem:s17], [sflag:$0x1] =	stream.indirect_vreg.gather [hbm4b:s9+s5], $0x80, v18, vm0, $0xb8;
	[tilespmem:$0x1E900] =	vst v63  }
0x3c3: {  	v40 =	vperm.xlane v17, v11;
	v18 =	vadd.s32 v3, v39;
	s17 =	simm.s32 $0x5C80  }
0x3c4: {  	[tilespmem:s17], [sflag:$0x1] =	stream.indirect_vreg.gather [hbm4b:s9+s5], $0x80, v19, vm0, $0xb8;
	[tilespmem:$0x1E900] =	vst v63  }
0x3c5: {  	v41 =	vperm.xlane v17, v12;
	v19 =	vadd.s32 v3, v40;
	s17 =	simm.s32 $0x5D00  }
0x3c6: {  	[tilespmem:s17], [sflag:$0x1] =	stream.indirect_vreg.gather [hbm4b:s9+s5], $0x80, v38, vm0, $0xb8;
	[tilespmem:$0x1E900] =	vst v63  }
0x3c7: {  	v43 =	vperm.xlane v17, v13;
	v42 =	vadd.s32 v3, v41;
	s17 =	simm.s32 $0x5D80  }
0x3c8: {  	[tilespmem:s17], [sflag:$0x1] =	stream.indirect_vreg.gather [hbm4b:s9+s5], $0x80, v18, vm0, $0xb8;
	[tilespmem:$0x1E900] =	vst v63  }
0x3c9: {  	v44 =	vperm.xlane v17, v14;
	v18 =	vadd.s32 v3, v43;
	s17 =	simm.s32 $0x5E00  }
0x3ca: {  	[tilespmem:s17], [sflag:$0x1] =	stream.indirect_vreg.gather [hbm4b:s9+s5], $0x80, v19, vm0, $0xb8;
	[tilespmem:$0x1E900] =	vst v63  }
0x3cb: {  	v45 =	vperm.xlane v17, v15;
	v19 =	vadd.s32 v3, v44;
	s17 =	simm.s32 $0x5E80  }
0x3cc: {  	[tilespmem:s17], [sflag:$0x1] =	stream.indirect_vreg.gather [hbm4b:s9+s5], $0x80, v42, vm0, $0xb8;
	[tilespmem:$0x1E900] =	vst v63  }
0x3cd: {  	v17 =	vperm.xlane v17, v16;
	v46 =	vadd.s32 v3, v45;
	s17 =	simm.s32 $0x5F00  }
0x3ce: {  	[tilespmem:s17], [sflag:$0x1] =	stream.indirect_vreg.gather [hbm4b:s9+s5], $0x80, v18, vm0, $0xb8;
	[tilespmem:$0x1E900] =	vst v63  }
0x3cf: {  	v17 =	vadd.s32 v3, v17;
	s17 =	simm.s32 $0x5F80  }
0x3d0: {  	[tilespmem:s17], [sflag:$0x1] =	stream.indirect_vreg.gather [hbm4b:s9+s5], $0x80, v19, vm0, $0xb8;
	[tilespmem:$0x1E900] =	vst v63  }
0x3d1: {  	s17 =	simm.s32 $0x6000  }
0x3d2: {  	[tilespmem:s17], [sflag:$0x1] =	stream.indirect_vreg.gather [hbm4b:s9+s5], $0x80, v46, vm0, $0xb8;
	[tilespmem:$0x1E900] =	vst v63  }
0x3d3: {  	s17 =	simm.s32 $0x6080  }
0x3d4: {  	[tilespmem:s17], [sflag:$0x1] =	stream.indirect_vreg.gather [hbm4b:s9+s5], $0x80, v17, vm0, $0xb8;
	[tilespmem:$0x1E900] =	vst v63  }
0x3d5: {  	v17 =	vld [tilespmem:s11+$0xB0];
	_ =	sdelay $0x4  }
0x3d6: {  	v18 =	vshll.u32 v17, $0x1  }
0x3d7: {  	v17 =	vand.u32 $0x7, v17;
	v18 =	vand.u32 $0xFFFFFFF0, v18  }
0x3d8: {  	v17 =	vor.u32 v17, v18  }
0x3d9: {  	v18 =	vperm.xlane v17, v2;
	_ =	sdelay $0x1  }
0x3da: {  	v19 =	vperm.xlane v17, v1;
	v18 =	vadd.s32 v3, v18;
	_ =	sdelay $0x1  }
0x3db: {  	v47 =	vperm.xlane v17, v4;
	v19 =	vadd.s32 v3, v19;
	_ =	sdelay $0x1  }
0x3dc: {  	s17 =	simm.s32 $0x6100;
	v48 =	vperm.xlane v17, v5;
	v20 =	vadd.s32 v3, v47  }
0x3dd: {  	[tilespmem:s17], [sflag:$0x1] =	stream.indirect_vreg.gather [hbm4b:s9+s5], $0x80, v18, vm0, $0xb8;
	[tilespmem:$0x1E900] =	vst v63  }
0x3de: {  	v49 =	vperm.xlane v17, v6;
	v18 =	vadd.s32 v3, v48;
	s17 =	simm.s32 $0x6180  }
0x3df: {  	[tilespmem:s17], [sflag:$0x1] =	stream.indirect_vreg.gather [hbm4b:s9+s5], $0x80, v19, vm0, $0xb8;
	[tilespmem:$0x1E900] =	vst v63  }
0x3e0: {  	v50 =	vperm.xlane v17, v7;
	v19 =	vadd.s32 v3, v49;
	s17 =	simm.s32 $0x6200  }
0x3e1: {  	[tilespmem:s17], [sflag:$0x1] =	stream.indirect_vreg.gather [hbm4b:s9+s5], $0x80, v20, vm0, $0xb8;
	[tilespmem:$0x1E900] =	vst v63  }
0x3e2: {  	v52 =	vperm.xlane v17, v8;
	v51 =	vadd.s32 v3, v50;
	s17 =	simm.s32 $0x6280  }
0x3e3: {  	[tilespmem:s17], [sflag:$0x1] =	stream.indirect_vreg.gather [hbm4b:s9+s5], $0x80, v18, vm0, $0xb8;
	[tilespmem:$0x1E900] =	vst v63  }
0x3e4: {  	v53 =	vperm.xlane v17, v0;
	v18 =	vadd.s32 v3, v52;
	s17 =	simm.s32 $0x6300  }
0x3e5: {  	[tilespmem:s17], [sflag:$0x1] =	stream.indirect_vreg.gather [hbm4b:s9+s5], $0x80, v19, vm0, $0xb8;
	[tilespmem:$0x1E900] =	vst v63  }
0x3e6: {  	v54 =	vperm.xlane v17, v9;
	v19 =	vadd.s32 v3, v53;
	s17 =	simm.s32 $0x6380  }
0x3e7: {  	[tilespmem:s17], [sflag:$0x1] =	stream.indirect_vreg.gather [hbm4b:s9+s5], $0x80, v51, vm0, $0xb8;
	[tilespmem:$0x1E900] =	vst v63  }
0x3e8: {  	v56 =	vperm.xlane v17, v10;
	v55 =	vadd.s32 v3, v54;
	s17 =	simm.s32 $0x6400  }
0x3e9: {  	[tilespmem:s17], [sflag:$0x1] =	stream.indirect_vreg.gather [hbm4b:s9+s5], $0x80, v18, vm0, $0xb8;
	[tilespmem:$0x1E900] =	vst v63  }
0x3ea: {  	v57 =	vperm.xlane v17, v11;
	v18 =	vadd.s32 v3, v56;
	s17 =	simm.s32 $0x6480  }
0x3eb: {  	[tilespmem:s17], [sflag:$0x1] =	stream.indirect_vreg.gather [hbm4b:s9+s5], $0x80, v19, vm0, $0xb8;
	[tilespmem:$0x1E900] =	vst v63  }
0x3ec: {  	v58 =	vperm.xlane v17, v12;
	v19 =	vadd.s32 v3, v57;
	s17 =	simm.s32 $0x6500  }
0x3ed: {  	[tilespmem:s17], [sflag:$0x1] =	stream.indirect_vreg.gather [hbm4b:s9+s5], $0x80, v55, vm0, $0xb8;
	[tilespmem:$0x1E900] =	vst v63  }
0x3ee: {  	v60 =	vperm.xlane v17, v13;
	v59 =	vadd.s32 v3, v58;
	s17 =	simm.s32 $0x6580  }
0x3ef: {  	[tilespmem:s17], [sflag:$0x1] =	stream.indirect_vreg.gather [hbm4b:s9+s5], $0x80, v18, vm0, $0xb8;
	[tilespmem:$0x1E900] =	vst v63  }
0x3f0: {  	v61 =	vperm.xlane v17, v14;
	v18 =	vadd.s32 v3, v60;
	s17 =	simm.s32 $0x6600  }
0x3f1: {  	[tilespmem:s17], [sflag:$0x1] =	stream.indirect_vreg.gather [hbm4b:s9+s5], $0x80, v19, vm0, $0xb8;
	[tilespmem:$0x1E900] =	vst v63  }
0x3f2: {  	v19 =	vadd.s32 v3, v61;
	s17 =	simm.s32 $0x6680  }
0x3f3: {  	v62 =	vperm.xlane v17, v15;
	[tilespmem:s17], [sflag:$0x1] =	stream.indirect_vreg.gather [hbm4b:s9+s5], $0x80, v59, vm0, $0xb8;
	[tilespmem:$0x1E900] =	vst v63  }
0x3f4: {  	s17 =	simm.s32 $0x6700  }
0x3f5: {  	v17 =	vperm.xlane v17, v16;
	v63 =	vadd.s32 v3, v62;
	[tilespmem:s17], [sflag:$0x1] =	stream.indirect_vreg.gather [hbm4b:s9+s5], $0x80, v18, vm0, $0xb8;
	[tilespmem:$0x1E900] =	vst v63  }
0x3f6: {  	s17 =	simm.s32 $0x6780  }
0x3f7: {  	v17 =	vadd.s32 v3, v17;
	[tilespmem:s17], [sflag:$0x1] =	stream.indirect_vreg.gather [hbm4b:s9+s5], $0x80, v19, vm0, $0xb8;
	[tilespmem:$0x1E900] =	vst v63  }
.Ltmp5:
0x3f8: {  	_ = 	snop;
	(pc) =	sbr.rel .LBB2_4-.Ltmp5, $4  }
0x3f9: {  	s17 =	simm.s32 $0x6800  }
0x3fa: {  	[tilespmem:s17], [sflag:$0x1] =	stream.indirect_vreg.gather [hbm4b:s9+s5], $0x80, v63, vm0, $0xb8;
	[tilespmem:$0x1E900] =	vst v63  }
0x3fb: {  	s17 =	simm.s32 $0x6880  }
0x3fc: {  	[tilespmem:s17], [sflag:$0x1] =	stream.indirect_vreg.gather [hbm4b:s9+s5], $0x80, v17, vm0, $0xb8;
	[tilespmem:$0x1E900] =	vst v63  }
.LBB2_6:
0x3fd: {  	_ =	sfence.sel $0x180000  }
0x3fe: {  	[bflag:$0x0] =	sbarrier.arrive $0xFFFF  }
0x3ff: {  	_ =	strace $0x9000004A  }
0x400: {  	s0 =	stileid.u32;
	[bflag:$0x2] =	sbarrier.arrive $0xFFFF  }
0x401: {  	p0 =	sne.s32 s0, $0x0;
	s0 =	rddreg [dreg:$0x3]  }
0x402: {  	s0 =	sadd.s32 @!p0 $0x100000, s0  }
0x403: {  	[sflag:s0] =	ssyncadd.tile.s32 @!p0 $0x1;
	_ =	shalt  }
.Lfunc_end2:
_tile_overlayer_lowered:
.L_overlay_start_2:
0x404: {  	(tag) =	ssettag $0x2  }
0x405: {  	s0 =	rddreg [dreg:$0x0];
	s2 =	stileid.u32  }
0x406: {  	s1 =	rddreg [dreg:$0x1];
	p0 =	sne.s32 s2, $0x0  }
0x407: {  	s3 =	rddreg [dreg:$0x2];
	[bflag:$0x3] =	sbarrier.arrive $0xFFFF;
	s2 =	simm.s32 @!p0 $0x1C05  }
0x408: {  	[timem:s3], [sflag:s2] =	dma.local @!p0 [hbm:s0], s1  }
0x409: {  	s0 =	simm.s32 @!p0 $0x5  }
0x40a: {  	_ =	swait.ge @!p0 [sflag:s0], s1  }
0x40b: {  	s1 =	ssub.s32 @!p0 $0x0, s1;
	[sflag:s0] =	ssyncset.done @!p0 $0x0  }
0x40c: {  	[sflag:s0] =	ssyncadd.s32 @!p0 s1  }
0x40d: {  	[bflag:$0x3] =	sbarrier.arrive $0xFFFF  }
0x40e: {  	_ =	shalt  }

// kernel: kernel.15.cloned.1.call-start
scs
__scs_entry_jumppad:
0x0: {  	(pc) =	sbr.rel $0x88, $3  }
0x1: {  	(tag) =	ssettag $0x0;
	lr =	simm.s32 $0x1  }
0x2: {  	[smem:$0x3F9B] =	sst lr;
	_ =	strace $0xD0000000  }
0x3: {  	_ = 	snop  }
0x4: {  	_ = 	snop  }
0x5: {  	_ = 	snop  }
0x6: {  	_ = 	snop  }
0x7: {  	_ = 	snop  }
__scs_overlays_trampoline_lowered:
0x8: {  	[smem:$0x3FAA] =	sst s0  }
0x9: {  	[smem:$0x3FAB] =	sst s1  }
0xa: {  	[smem:$0x3FAC] =	sst s2  }
0xb: {  	[smem:$0x3FAD] =	sst s3  }
0xc: {  	[smem:$0x3FAE] =	sst s4  }
0xd: {  	[smem:$0x3FAF] =	sst s5  }
0xe: {  	[smem:$0x3FB0] =	sst s6  }
0xf: {  	[smem:$0x3FB1] =	sst s7  }
0x10: {  	[smem:$0x3FB2] =	sst s8  }
0x11: {  	[smem:$0x3FB3] =	sst s9;
	s0 =	simm.s32 @!p0 $0x0  }
0x12: {  	s1 =	sld [smem:$0x3F99];
	s0 =	simm.s32 @p0 $0x1  }
0x13: {  	[smem:$0x3FB4] =	sst s0;
	s0 =	simm.s32 @!p1 $0x0  }
0x14: {  	s2 =	sld [smem:$0x3F98];
	s0 =	simm.s32 @p1 $0x1  }
0x15: {  	[smem:$0x3FB5] =	sst s0;
	s0 =	simm.s32 @!p2 $0x0  }
0x16: {  	s3 =	sld [smem:$0x3FDB];
	s0 =	simm.s32 @p2 $0x1  }
0x17: {  	s4 =	simm.s32 $0x1BF5;
	[smem:$0x3FB7] =	sst s0  }
0x18: {  	s0 =	sld [smem:$0x3F9A];
	_ =	swait.ge [sflag:s4], $0x0  }
0x19: {  	s7 =	sld [smem:$0x3F9B]  }
0x1a: {  	s8 =	sadd.s32 $0xFFFFE003, lr  }
0x1b: {  	s9 =	sadd.s32 $0xFFFFFEF7, lr;
	s5 =	simm.s32 $0xFFFFFFFF;
	p2 =	slt.u32 s8, $0xFFFFF086  }
0x1c: {  	p1 =	slt.u32 s9, $0xF7A;
	s5 =	simm.s32 @!p2 $0x0  }
0x1d: {  	s5 =	simm.s32 @p1 $0x1;
	p0 =	seq.s32 s7, s2  }
0x1e: {  	s7 =	smul.u32 @!p0 $0xF7A, s2;
	p2 =	seq.s32 @!p0 s5, $0x0  }
0x1f: {  	s9 =	smul.u32 $0xF7A, s1;
	s8 =	simm.s32 @!p0 $0x1BF5;
	p2 =	por !p2, p0  }
0x20: {  	[sflag:s8] =	ssyncset.s32 @!p0 $0xFFFFF086;
	s6 =	sadd.s32 @!p0 s3, s7;
	s7 =	simm.s32 @!p0 $0x108  }
0x21: {  	s3 =	sadd.s32 s3, s9;
	s6 =	sadd.s32 @!p0 $0x88, s6;
	s7 =	simm.s32 @p2 $0x1082  }
0x22: {  	[simem:s7], [sflag:s8] =	dma.local @!p0 [hbm:s6], $0xF7A  }
0x23: {  	s9 =	sor.u32 $0xD0000000, s2;
	s6 =	simm.s32 $0x108;
	_ =	swait.ge @!p0 [sflag:s8], $0x0  }
0x24: {  	s3 =	sadd.s32 $0x88, s3;
	s6 =	simm.s32 @!p1 $0x1082;
	[sflag:s4] =	ssyncset.s32 $0xFFFFF086  }
0x25: {  	[simem:s6], [sflag:s4] =	dma.local [hbm:s3], $0xF7A  }
0x26: {  	[smem:$0x3F9B] =	sst s1;
	(tag) =	ssettag s2;
	_ =	strace s9  }
0x27: {  	s1 =	sld [smem:$0x3FAB]  }
0x28: {  	s2 =	sld [smem:$0x3FAC]  }
0x29: {  	s4 =	sld [smem:$0x3FAE]  }
0x2a: {  	p0 =	seq.s32 s5, $0x0;
	s5 =	sld [smem:$0x3FAF]  }
0x2b: {  	s6 =	sld [smem:$0x3FB0]  }
0x2c: {  	s7 =	sld [smem:$0x3FB1]  }
0x2d: {  	s3 =	simm.s32 $0x108;
	s8 =	sld [smem:$0x3FB2]  }
0x2e: {  	s3 =	simm.s32 @!p0 $0x1082;
	s9 =	sld [smem:$0x3FB3]  }
0x2f: {  	lr =	sadd.s32 s0, s3;
	s0 =	sld [smem:$0x3FAA]  }
0x30: {  	s3 =	sld [smem:$0x3FAD]  }
0x31: {  	[smem:$0x3FB6] =	sst s10  }
0x32: {  	s10 =	sld [smem:$0x3FB4];
	_ =	sdelay $0x3  }
0x33: {  	p0 =	seq.s32 s10, $0x1;
	s10 =	sld [smem:$0x3FB6];
	_ =	sdelay $0x3  }
0x34: {  	[smem:$0x3FB6] =	sst s10  }
0x35: {  	s10 =	sld [smem:$0x3FB5];
	_ =	sdelay $0x3  }
0x36: {  	p1 =	seq.s32 s10, $0x1;
	s10 =	sld [smem:$0x3FB6];
	_ =	sdelay $0x3  }
0x37: {  	[smem:$0x3FB6] =	sst s10  }
0x38: {  	s10 =	sld [smem:$0x3FB7]  }
0x39: {  	_ = 	snop;
	(pc) =	sbr.ind lr, $3  }
0x3a: {  	_ = 	snop  }
0x3b: {  	_ = 	snop  }
0x3c: {  	p2 =	seq.s32 s10, $0x1;
	s10 =	sld [smem:$0x3FB6]  }
0x3d: {  	_ =	shalt  }
0x3e: {  	_ =	shalt  }
0x3f: {  	_ =	shalt  }
0x40: {  	_ =	shalt  }
0x41: {  	_ =	shalt  }
0x42: {  	_ =	shalt  }
0x43: {  	_ =	shalt  }
0x44: {  	_ =	shalt  }
0x45: {  	_ =	shalt  }
0x46: {  	_ =	shalt  }
0x47: {  	_ =	shalt  }
0x48: {  	_ =	shalt  }
0x49: {  	_ =	shalt  }
0x4a: {  	_ =	shalt  }
0x4b: {  	_ =	shalt  }
0x4c: {  	_ =	shalt  }
0x4d: {  	_ =	shalt  }
0x4e: {  	_ =	shalt  }
0x4f: {  	_ =	shalt  }
0x50: {  	_ =	shalt  }
0x51: {  	_ =	shalt  }
0x52: {  	_ =	shalt  }
0x53: {  	_ =	shalt  }
0x54: {  	_ =	shalt  }
0x55: {  	_ =	shalt  }
0x56: {  	_ =	shalt  }
0x57: {  	_ =	shalt  }
0x58: {  	_ =	shalt  }
0x59: {  	_ =	shalt  }
0x5a: {  	_ =	shalt  }
0x5b: {  	_ =	shalt  }
0x5c: {  	_ =	shalt  }
0x5d: {  	_ =	shalt  }
0x5e: {  	_ =	shalt  }
0x5f: {  	_ =	shalt  }
0x60: {  	_ =	shalt  }
0x61: {  	_ =	shalt  }
0x62: {  	_ =	shalt  }
0x63: {  	_ =	shalt  }
0x64: {  	_ =	shalt  }
0x65: {  	_ =	shalt  }
0x66: {  	_ =	shalt  }
0x67: {  	_ =	shalt  }
0x68: {  	_ =	shalt  }
0x69: {  	_ =	shalt  }
0x6a: {  	_ =	shalt  }
0x6b: {  	_ =	shalt  }
0x6c: {  	_ =	shalt  }
0x6d: {  	_ =	shalt  }
0x6e: {  	_ =	shalt  }
0x6f: {  	_ =	shalt  }
0x70: {  	_ =	shalt  }
0x71: {  	_ =	shalt  }
0x72: {  	_ =	shalt  }
0x73: {  	_ =	shalt  }
0x74: {  	_ =	shalt  }
0x75: {  	_ =	shalt  }
0x76: {  	_ =	shalt  }
0x77: {  	_ =	shalt  }
0x78: {  	_ =	shalt  }
0x79: {  	_ =	shalt  }
0x7a: {  	_ =	shalt  }
0x7b: {  	_ =	shalt  }
0x7c: {  	_ =	shalt  }
0x7d: {  	_ =	shalt  }
0x7e: {  	_ =	shalt  }
0x7f: {  	_ =	shalt  }
0x80: {  	_ =	shalt  }
0x81: {  	_ =	shalt  }
0x82: {  	_ =	shalt  }
0x83: {  	_ =	shalt  }
0x84: {  	_ =	shalt  }
0x85: {  	_ =	shalt  }
0x86: {  	_ =	shalt  }
0x87: {  	_ =	shalt  }
.Lfunc_end0:
.L_simem_size_0:
called_computation.2_lowered:
.L_overlay_start_0:
0x88: {  	s2 =	sld [smem:$0x3FD9]  }
0x89: {  	s3 =	sld [smem:$0x3FFE];
	_ =	sdelay $0x1  }
0x8a: {  	s1 =	srdreg.scid  }
0x8b: {  	s0 =	sand.u32 $0x1, s1  }
0x8c: {  	s17 =	sshll.u32 s0, $0xA;
	s2 =	sadd.s32 s3, s2  }
0x8d: {  	s2 =	sadd.s32 s2, s17  }
0x8e: {  	[smem:$0x3FC2] =	sst s2  }
0x8f: {  	_ = 	snop  }
0x90: {  	s2 =	sld [smem:$0x3FD0];
	(tm) =	ssettm $0x1  }
0x91: {  	s18 =	sld [smem:$0x3FFB];
	_ =	sdelay $0x3  }
0x92: {  	_ =	strace s18  }
0x93: {  	s3 =	sld [smem:$0x3FFC];
	_ =	sdelay $0x3  }
0x94: {  	_ =	strace s3  }
0x95: {  	s3 =	sld [smem:$0x3FFD];
	_ =	sdelay $0x3  }
0x96: {  	_ =	strace s3  }
0x97: {  	_ =	strace $0x8FFFFFFF  }
0x98: {  	s19 =	sld [smem:$0x3FDB];
	_ =	sdelay $0x1  }
0x99: {  	s4 =	simm.s32 $_scs_section_size  }
0x9a: {  	s5 =	simm.s32 $_size__tile_overlayer_lowered;
	s6 =	simm.s32 $_tile_overlayer_lowered  }
0x9b: {  	s22 =	simm.s32 $0x1BFF;
	s21 =	sshll.u32 s6, $0x1;
	s3 =	sadd.s32 s4, s19  }
0x9c: {  	s7 =	simm.s32 $0x0;
	s20 =	sshll.u32 s5, $0x1;
	s5 =	sadd.s32 s21, s3  }
0x9d: {  	[timem:s7], [sflag:s22] =	dma.local [hbm:s5], s20  }
0x9e: {  	_ =	swait.ge [sflag:s22], s20  }
0x9f: {  	s4 =	ssub.s32 $0x0, s20;
	[sflag:s22] =	ssyncset.done $0x0  }
0xa0: {  	[sflag:s22] =	ssyncadd.s32 s4;
	_ =	sdelay $0x1  }
0xa1: {  	s23 =	simm.s32 $0x1B8B  }
0xa2: {  	_ =	swait.ge [sflag:s23], $0x1  }
0xa3: {  	[sflag:s23] =	ssyncset.done $0x0  }
0xa4: {  	s25 =	simm.s32 $0x1B8E;
	s24 =	sld [smem:$0x3FFE];
	[sflag:s23] =	ssyncadd.s32 $0xFFFFFFFF  }
0xa5: {  	s26 =	simm.s32 $execute0_lowered;
	[smem:$0x3FD2] =	sst s25  }
0xa6: {  	s5 =	sshll.u32 s26, $0x1;
	_ =	strace $0x8000004C;
	[dreg:$0x1] =	wrdreg $0xFFFFFFFF  }
0xa7: {  	s28 =	simm.s32 $_size_execute0_lowered;
	s3 =	sadd.s32 s3, s5;
	[dreg:$0x0] =	wrdreg $0x0  }
0xa8: {  	s5 =	sshll.u32 s28, $0x1;
	[dreg:$0x2] =	wrdreg s3  }
0xa9: {  	[dreg:$0x3] =	wrdreg s5  }
0xaa: {  	[dreg:$0x4] =	wrdreg $0xC0  }
0xab: {  	_ =	task [dreg:s7], $0x5FFFF  }
0xac: {  	[dreg:$0x1] =	wrdreg $0xFFFFFFFF  }
0xad: {  	[dreg:$0x0] =	wrdreg $0x60  }
0xae: {  	[dreg:$0x2] =	wrdreg s24  }
0xaf: {  	[dreg:$0x3] =	wrdreg s2  }
0xb0: {  	[dreg:$0x4] =	wrdreg $0xA9000  }
0xb1: {  	[dreg:$0x5] =	wrdreg $0x9  }
0xb2: {  	_ =	task.clear_ibuf [dreg:s7], $0x6FFFF;
	_ =	strace $0x9000004C  }
0xb3: {  	s29 =	simm.s32 $0x9;
	_ =	strace $0x8000004E  }
0xb4: {  	_ =	swait.ge [sflag:s29], $0x1  }
0xb5: {  	[sflag:s29] =	ssyncadd.s32 $0xFFFFFFFF  }
0xb6: {  	_ =	strace $0x9000004E  }
0xb7: {  	_ =	sfence  }
0xb8: {  	s30 =	sld [smem:$0x0];
	_ =	sdelay $0x2  }
0xb9: {  	s31 =	sshll.u32 s1, $0xD;
	s1 =	sshrl.u32 s1, $0x2  }
0xba: {  	s3 =	sand.u32 $0x4000, s31;
	s1 =	sadd.s32 s1, s30  }
0xbb: {  	s0 =	sor.u32 s3, s0;
	s1 =	sshll.u32 s1, $0x11  }
0xbc: {  	s0 =	sor.u32 s1, s0  }
0xbd: {  	s0 =	sadd.s32 $0x8F2B, s0  }
0xbe: {  	[sflag:s0] =	ssyncadd.remote.s32 $0x1  }
0xbf: {  	_ =	sfence.sel $0xFFFF  }
0xc0: {  	[dreg:$0x0] =	wrdreg $0xFFFFFFFF;
	(pc) =	sbr.abs _section_cstart, $3  }
0xc1: {  	[dreg:$0x1] =	wrdreg $0xFFFFFFFF  }
0xc2: {  	_ =	task.clear_ibuf [dreg:s7], $0x2FFFF;
	_ =	strace $0x9FFFFFFF  }
0xc3: {  	(tm) =	ssettm $0x7FFFFFFF  }
tec
execute0_lowered:
.L_overlay_start_1:
0x0: {  	(tag) =	ssettag $0x1  }
0x1: {  	s0 =	rddreg [dreg:$0x0]  }
0x2: {  	s2 =	rddreg [dreg:$0x1];
	s1 =	srdreg.scid  }
0x3: {  	s11 =	stileid.u32;
	s3 =	rddreg [dreg:$0x2]  }
0x4: {  	s5 =	simm.s32 $0x0;
	s15 =	simm.s32 $0x2800;
	s16 =	simm.s32 $0x2900  }
0x5: {  	s30 =	simm.s32 $0x2880;
	s31 =	simm.s32 $0x6900;
	s18 =	simm.s32 $0xA780  }
0x6: {  	s19 =	simm.s32 $0xA380;
	s28 =	simm.s32 $0xA300;
	s4 =	smul.u32 $0x2800, s11  }
0x7: {  	s29 =	simm.s32 $0xA280;
	s17 =	simm.s32 $0x0;
	s7 =	smul.u32 $0x14000, s11  }
0x8: {  	s1 =	sand.u32 $0x1, s1;
	[smem:$0x7FF] =	sst s5;
	s20 =	smul.u32 $0x50000, s11  }
0x9: {  	s12 =	sadd.s32 $0x6C00, s0;
	s26 =	sshll.u32 s11, $0x6;
	s6 =	smul.u32 $0x140000, s1  }
0xa: {  	_ =	strace $0x8000004D;
	s8 =	sshll.u32 s1, $0x7;
	s1 =	ssub.s32 $0x2, s1  }
0xb: {  	[dreg:$0x4] =	wrdreg s12;
	s12 =	simm.s32 $0x5;
	s13 =	sor.u32 $0x1C05, s26  }
0xc: {  	s26 =	simm.s32 $0xA480;
	s9 =	sshrl.u32 s4, $0x3;
	s8 =	sadd.s32 s8, s0  }
0xd: {  	s21 =	sshrl.u32 s1, $0x1;
	s23 =	sshrl.u32 s20, $0x2;
	s20 =	simm.s32 $0xA700  }
0xe: {  	[dreg:$0x9] =	wrdreg s13;
	s10 =	sadd.s32 s9, s0;
	s6 =	sadd.s32 s7, s6  }
0xf: {  	s1 =	ssub.s32 s1, s21;
	s24 =	sadd.s32 s2, s9;
	s9 =	sadd.s32 $0xF8200, s8  }
0x10: {  	s21 =	simm.s32 $0xA680;
	s7 =	simm.s32 $0x80;
	s8 =	simm.s32 $0x2  }
0x11: {  	v0 =	vimm.s32 $0x7;
	s6 =	sshrl.u32 s6, $0x3;
	s22 =	sadd.s32 $0x1C00, s10;
	[dreg:$0x6] =	wrdreg s24  }
0x12: {  	v1 =	vimm.s32 $0x1;
	v2 =	vimm.s32 $0x0;
	v3 =	vlaneseq.u32;
	s25 =	smax.u32 s1, $0x1;
	s24 =	simm.s32 $0xA500;
	s1 =	simm.s32 $0xA880  }
.Ltmp0:
0x13: {  	vm0 =	vmmov $0x1;
	v4 =	vimm.s32 $0x2;
	v5 =	vimm.s32 $0x3;
	s10 =	simm.s32 $0x4;
	[dreg:$0x5] =	wrdreg s22;
	(pc) =	sbr.rel .LBB2_1-.Ltmp0, $4  }
0x14: {  	v6 =	vimm.s32 $0x4;
	v7 =	vimm.s32 $0x5;
	v8 =	vimm.s32 $0x6;
	s0 =	sadd.s32 s6, s0;
	s6 =	sadd.s32 s23, s3;
	[dreg:$0x8] =	wrdreg s25  }
0x15: {  	v9 =	vimm.s32 $0x8;
	v10 =	vimm.s32 $0x9;
	v11 =	vimm.s32 $0xA;
	s22 =	simm.s32 $0xA580;
	s23 =	simm.s32 $0xA600;
	s0 =	sadd.s32 $0x9400, s0  }
0x16: {  	v12 =	vimm.s32 $0xB;
	v13 =	vimm.s32 $0xC;
	v14 =	vimm.s32 $0xD;
	s25 =	simm.s32 $0xA400;
	s14 =	sshrl.u32 s6, $0x3;
	[dreg:$0x7] =	wrdreg s0  }
0x17: {  	v15 =	vimm.s32 $0xE;
	v16 =	vimm.s32 $0xF;
	v3 =	vmul.u32 $0x8, v3;
	s6 =	simm.s32 $0x3;
	s0 =	simm.s32 $0x1;
	[dreg:$0xa] =	wrdreg s14  }
.LBB2_5:
0x18: {  	[bflag:$0x0] =	sbarrier.arrive $0xFFFF  }
0x19: {  	s11 =	rddreg [dreg:$0x7]  }
0x1a: {  	s13 =	rddreg [dreg:$0x9]  }
0x1b: {  	s14 =	rddreg [dreg:$0xa]  }
0x1c: {  	[hbm:s11], [sflag:s13] =	dma.local [spmem:s14], $0x2800  }
0x1d: {  	_ =	swait.ge [sflag:s12], $0x2800  }
0x1e: {  	s17 =	rddreg [dreg:$0xb]  }
0x1f: {  	s11 =	rddreg [dreg:$0x8];
	s17 =	sadd.s32 $0x1, s17  }
0x20: {  	p0 =	sne.s32 s17, s11  }
.Ltmp1:
0x21: {  	_ = 	snop;
	(pc) =	sbr.rel @!p0 .LBB2_6-.Ltmp1, $3  }
0x22: {  	_ =	sdelay $0x1  }
0x23: {  	[sflag:s12] =	ssyncset.done $0x0  }
0x24: {  	[sflag:s12] =	ssyncadd.s32 $0xFFFFD800  }
.LBB2_1:
0x25: {  	[dreg:$0xb] =	wrdreg s17  }
0x26: {  	s11 =	rddreg [dreg:$0x5]  }
0x27: {  	[tilespmem:s5], [sflag:$0x5] =	stream.linear.gather [hbm4b:s11+s5], $0x2800, $0x38;
	[tilespmem:$0x1E900] =	vst v63  }
0x28: {  	_ =	swait.ge [sflag:s12], $0x2800  }
0x29: {  	[sflag:s12] =	ssyncset.done $0x0  }
0x2a: {  	s17 =	rddreg [dreg:$0x4];
	[sflag:s12] =	ssyncadd.s32 $0xFFFFD800  }
0x2b: {  	[spmem:s14], [sflag:s13] =	dma.local [hbm:s17], $0x2800  }
0x2c: {  	_ =	swait.ge [sflag:s12], $0x2800  }
0x2d: {  	[sflag:s12] =	ssyncset.done $0x0  }
0x2e: {  	[sflag:s12] =	ssyncadd.s32 $0xFFFFD800  }
0x2f: {  	[bflag:$0x0] =	sbarrier.arrive $0xFFFF  }
0x30: {  	s14 =	rddreg [dreg:$0x6]  }
0x31: {  	[tilespmem:s15], [sflag:$0x3] =	stream.linear.gather [hbm4b:s14+s5], $0x80, $0x38;
	[tilespmem:$0x1E900] =	vst v63  }
0x32: {  	v17 =	vld [tilespmem:$0x0];
	_ =	sdelay $0x4  }
0x33: {  	v18 =	vshll.u32 v17, $0x1  }
0x34: {  	v17 =	vand.u32 $0x7, v17;
	v18 =	vand.u32 $0xFFFFFFF0, v18  }
0x35: {  	v17 =	vor.u32 v17, v18  }
0x36: {  	v18 =	vperm.xlane v17, v2;
	_ =	sdelay $0x1  }
0x37: {  	v19 =	vperm.xlane v17, v1;
	v18 =	vadd.s32 v3, v18;
	_ =	sdelay $0x1  }
0x38: {  	v20 =	vperm.xlane v17, v4;
	v19 =	vadd.s32 v3, v19;
	_ =	sdelay $0x1  }
0x39: {  	v21 =	vperm.xlane v17, v5;
	v20 =	vadd.s32 v3, v20  }
0x3a: {  	[tilespmem:s16], [sflag:$0x1] =	stream.indirect_vreg.gather [hbm4b:s9+s5], $0x80, v18, vm0, $0xb8;
	[tilespmem:$0x1E900] =	vst v63  }
0x3b: {  	s17 =	simm.s32 $0x2980;
	v50 =	vperm.xlane v17, v6;
	v18 =	vadd.s32 v3, v21  }
0x3c: {  	[tilespmem:s17], [sflag:$0x1] =	stream.indirect_vreg.gather [hbm4b:s9+s5], $0x80, v19, vm0, $0xb8;
	[tilespmem:$0x1E900] =	vst v63  }
0x3d: {  	s13 =	simm.s32 $0x2A00;
	v51 =	vperm.xlane v17, v7;
	v19 =	vadd.s32 v3, v50  }
0x3e: {  	[tilespmem:s13], [sflag:$0x1] =	stream.indirect_vreg.gather [hbm4b:s9+s5], $0x80, v20, vm0, $0xb8;
	[tilespmem:$0x1E900] =	vst v63  }
0x3f: {  	s14 =	simm.s32 $0x2A80;
	v53 =	vperm.xlane v17, v8;
	v52 =	vadd.s32 v3, v51  }
0x40: {  	[tilespmem:s14], [sflag:$0x1] =	stream.indirect_vreg.gather [hbm4b:s9+s5], $0x80, v18, vm0, $0xb8;
	[tilespmem:$0x1E900] =	vst v63  }
0x41: {  	v54 =	vperm.xlane v17, v0;
	s17 =	simm.s32 $0x2B00;
	v18 =	vadd.s32 v3, v53  }
0x42: {  	[tilespmem:s17], [sflag:$0x1] =	stream.indirect_vreg.gather [hbm4b:s9+s5], $0x80, v19, vm0, $0xb8;
	[tilespmem:$0x1E900] =	vst v63  }
0x43: {  	v55 =	vperm.xlane v17, v9;
	s13 =	simm.s32 $0x2B80;
	v19 =	vadd.s32 v3, v54  }
0x44: {  	[tilespmem:s13], [sflag:$0x1] =	stream.indirect_vreg.gather [hbm4b:s9+s5], $0x80, v52, vm0, $0xb8;
	[tilespmem:$0x1E900] =	vst v63  }
0x45: {  	v57 =	vperm.xlane v17, v10;
	v56 =	vadd.s32 v3, v55;
	s14 =	simm.s32 $0x2C00  }
0x46: {  	[tilespmem:s14], [sflag:$0x1] =	stream.indirect_vreg.gather [hbm4b:s9+s5], $0x80, v18, vm0, $0xb8;
	[tilespmem:$0x1E900] =	vst v63  }
0x47: {  	v58 =	vperm.xlane v17, v11;
	s17 =	simm.s32 $0x2C80;
	v18 =	vadd.s32 v3, v57  }
0x48: {  	[tilespmem:s17], [sflag:$0x1] =	stream.indirect_vreg.gather [hbm4b:s9+s5], $0x80, v19, vm0, $0xb8;
	[tilespmem:$0x1E900] =	vst v63  }
0x49: {  	v59 =	vperm.xlane v17, v12;
	s13 =	simm.s32 $0x2D00;
	v19 =	vadd.s32 v3, v58  }
0x4a: {  	[tilespmem:s13], [sflag:$0x1] =	stream.indirect_vreg.gather [hbm4b:s9+s5], $0x80, v56, vm0, $0xb8;
	[tilespmem:$0x1E900] =	vst v63  }
0x4b: {  	v61 =	vperm.xlane v17, v13;
	v60 =	vadd.s32 v3, v59;
	s14 =	simm.s32 $0x2D80  }
0x4c: {  	[tilespmem:s14], [sflag:$0x1] =	stream.indirect_vreg.gather [hbm4b:s9+s5], $0x80, v18, vm0, $0xb8;
	[tilespmem:$0x1E900] =	vst v63  }
0x4d: {  	v62 =	vperm.xlane v17, v14;
	s17 =	simm.s32 $0x2E00;
	v18 =	vadd.s32 v3, v61  }
0x4e: {  	[tilespmem:s17], [sflag:$0x1] =	stream.indirect_vreg.gather [hbm4b:s9+s5], $0x80, v19, vm0, $0xb8;
	[tilespmem:$0x1E900] =	vst v63  }
0x4f: {  	v63 =	vperm.xlane v17, v15;
	s13 =	simm.s32 $0x2E80;
	v19 =	vadd.s32 v3, v62  }
0x50: {  	[tilespmem:s13], [sflag:$0x1] =	stream.indirect_vreg.gather [hbm4b:s9+s5], $0x80, v60, vm0, $0xb8;
	[tilespmem:$0x1E900] =	vst v63  }
0x51: {  	v17 =	vperm.xlane v17, v16;
	v24 =	vadd.s32 v3, v63;
	s14 =	simm.s32 $0x2F00  }
0x52: {  	[tilespmem:s14], [sflag:$0x1] =	stream.indirect_vreg.gather [hbm4b:s9+s5], $0x80, v18, vm0, $0xb8;
	[tilespmem:$0x1E900] =	vst v63  }
0x53: {  	v17 =	vadd.s32 v3, v17;
	s17 =	simm.s32 $0x2F80  }
0x54: {  	[tilespmem:s17], [sflag:$0x1] =	stream.indirect_vreg.gather [hbm4b:s9+s5], $0x80, v19, vm0, $0xb8;
	[tilespmem:$0x1E900] =	vst v63  }
0x55: {  	s13 =	simm.s32 $0x3000  }
0x56: {  	[tilespmem:s13], [sflag:$0x1] =	stream.indirect_vreg.gather [hbm4b:s9+s5], $0x80, v24, vm0, $0xb8;
	[tilespmem:$0x1E900] =	vst v63  }
0x57: {  	s14 =	simm.s32 $0x3080  }
0x58: {  	[tilespmem:s14], [sflag:$0x1] =	stream.indirect_vreg.gather [hbm4b:s9+s5], $0x80, v17, vm0, $0xb8;
	[tilespmem:$0x1E900] =	vst v63  }
0x59: {  	v17 =	vld [tilespmem:$0x10];
	_ =	sdelay $0x4  }
0x5a: {  	v18 =	vshll.u32 v17, $0x1  }
0x5b: {  	v17 =	vand.u32 $0x7, v17;
	v18 =	vand.u32 $0xFFFFFFF0, v18  }
0x5c: {  	v17 =	vor.u32 v17, v18  }
0x5d: {  	v18 =	vperm.xlane v17, v2;
	_ =	sdelay $0x1  }
0x5e: {  	v19 =	vperm.xlane v17, v1;
	v18 =	vadd.s32 v3, v18;
	_ =	sdelay $0x1  }
0x5f: {  	v25 =	vperm.xlane v17, v4;
	v19 =	vadd.s32 v3, v19;
	_ =	sdelay $0x1  }
0x60: {  	s17 =	simm.s32 $0x3100;
	v26 =	vperm.xlane v17, v5;
	v20 =	vadd.s32 v3, v25  }
0x61: {  	[tilespmem:s17], [sflag:$0x1] =	stream.indirect_vreg.gather [hbm4b:s9+s5], $0x80, v18, vm0, $0xb8;
	[tilespmem:$0x1E900] =	vst v63  }
0x62: {  	s13 =	simm.s32 $0x3180;
	v27 =	vperm.xlane v17, v6;
	v18 =	vadd.s32 v3, v26  }
0x63: {  	[tilespmem:s13], [sflag:$0x1] =	stream.indirect_vreg.gather [hbm4b:s9+s5], $0x80, v19, vm0, $0xb8;
	[tilespmem:$0x1E900] =	vst v63  }
0x64: {  	s14 =	simm.s32 $0x3200;
	v28 =	vperm.xlane v17, v7;
	v19 =	vadd.s32 v3, v27  }
0x65: {  	[tilespmem:s14], [sflag:$0x1] =	stream.indirect_vreg.gather [hbm4b:s9+s5], $0x80, v20, vm0, $0xb8;
	[tilespmem:$0x1E900] =	vst v63  }
0x66: {  	v30 =	vperm.xlane v17, v8;
	v29 =	vadd.s32 v3, v28;
	s17 =	simm.s32 $0x3280  }
0x67: {  	[tilespmem:s17], [sflag:$0x1] =	stream.indirect_vreg.gather [hbm4b:s9+s5], $0x80, v18, vm0, $0xb8;
	[tilespmem:$0x1E900] =	vst v63  }
0x68: {  	v31 =	vperm.xlane v17, v0;
	s13 =	simm.s32 $0x3300;
	v18 =	vadd.s32 v3, v30  }
0x69: {  	[tilespmem:s13], [sflag:$0x1] =	stream.indirect_vreg.gather [hbm4b:s9+s5], $0x80, v19, vm0, $0xb8;
	[tilespmem:$0x1E900] =	vst v63  }
0x6a: {  	v32 =	vperm.xlane v17, v9;
	s14 =	simm.s32 $0x3380;
	v19 =	vadd.s32 v3, v31  }
0x6b: {  	[tilespmem:s14], [sflag:$0x1] =	stream.indirect_vreg.gather [hbm4b:s9+s5], $0x80, v29, vm0, $0xb8;
	[tilespmem:$0x1E900] =	vst v63  }
0x6c: {  	v34 =	vperm.xlane v17, v10;
	v33 =	vadd.s32 v3, v32;
	s17 =	simm.s32 $0x3400  }
0x6d: {  	[tilespmem:s17], [sflag:$0x1] =	stream.indirect_vreg.gather [hbm4b:s9+s5], $0x80, v18, vm0, $0xb8;
	[tilespmem:$0x1E900] =	vst v63  }
0x6e: {  	v35 =	vperm.xlane v17, v11;
	s13 =	simm.s32 $0x3480;
	v18 =	vadd.s32 v3, v34  }
0x6f: {  	[tilespmem:s13], [sflag:$0x1] =	stream.indirect_vreg.gather [hbm4b:s9+s5], $0x80, v19, vm0, $0xb8;
	[tilespmem:$0x1E900] =	vst v63  }
0x70: {  	v36 =	vperm.xlane v17, v12;
	s14 =	simm.s32 $0x3500;
	v19 =	vadd.s32 v3, v35  }
0x71: {  	[tilespmem:s14], [sflag:$0x1] =	stream.indirect_vreg.gather [hbm4b:s9+s5], $0x80, v33, vm0, $0xb8;
	[tilespmem:$0x1E900] =	vst v63  }
0x72: {  	v38 =	vperm.xlane v17, v13;
	v37 =	vadd.s32 v3, v36;
	s17 =	simm.s32 $0x3580  }
0x73: {  	[tilespmem:s17], [sflag:$0x1] =	stream.indirect_vreg.gather [hbm4b:s9+s5], $0x80, v18, vm0, $0xb8;
	[tilespmem:$0x1E900] =	vst v63  }
0x74: {  	v39 =	vperm.xlane v17, v14;
	s13 =	simm.s32 $0x3600;
	v18 =	vadd.s32 v3, v38  }
0x75: {  	[tilespmem:s13], [sflag:$0x1] =	stream.indirect_vreg.gather [hbm4b:s9+s5], $0x80, v19, vm0, $0xb8;
	[tilespmem:$0x1E900] =	vst v63  }
0x76: {  	v40 =	vperm.xlane v17, v15;
	s14 =	simm.s32 $0x3680;
	v19 =	vadd.s32 v3, v39  }
0x77: {  	[tilespmem:s14], [sflag:$0x1] =	stream.indirect_vreg.gather [hbm4b:s9+s5], $0x80, v37, vm0, $0xb8;
	[tilespmem:$0x1E900] =	vst v63  }
0x78: {  	v17 =	vperm.xlane v17, v16;
	v41 =	vadd.s32 v3, v40;
	s17 =	simm.s32 $0x3700  }
0x79: {  	[tilespmem:s17], [sflag:$0x1] =	stream.indirect_vreg.gather [hbm4b:s9+s5], $0x80, v18, vm0, $0xb8;
	[tilespmem:$0x1E900] =	vst v63  }
0x7a: {  	v17 =	vadd.s32 v3, v17;
	s13 =	simm.s32 $0x3780  }
0x7b: {  	[tilespmem:s13], [sflag:$0x1] =	stream.indirect_vreg.gather [hbm4b:s9+s5], $0x80, v19, vm0, $0xb8;
	[tilespmem:$0x1E900] =	vst v63  }
0x7c: {  	s14 =	simm.s32 $0x3800  }
0x7d: {  	[tilespmem:s14], [sflag:$0x1] =	stream.indirect_vreg.gather [hbm4b:s9+s5], $0x80, v41, vm0, $0xb8;
	[tilespmem:$0x1E900] =	vst v63  }
0x7e: {  	s17 =	simm.s32 $0x3880  }
0x7f: {  	[tilespmem:s17], [sflag:$0x1] =	stream.indirect_vreg.gather [hbm4b:s9+s5], $0x80, v17, vm0, $0xb8;
	[tilespmem:$0x1E900] =	vst v63  }
0x80: {  	v17 =	vld [tilespmem:$0x20];
	_ =	sdelay $0x4  }
0x81: {  	v18 =	vshll.u32 v17, $0x1  }
0x82: {  	v17 =	vand.u32 $0x7, v17;
	v18 =	vand.u32 $0xFFFFFFF0, v18  }
0x83: {  	v17 =	vor.u32 v17, v18  }
0x84: {  	v18 =	vperm.xlane v17, v2;
	_ =	sdelay $0x1  }
0x85: {  	v19 =	vperm.xlane v17, v1;
	v18 =	vadd.s32 v3, v18;
	_ =	sdelay $0x1  }
0x86: {  	v42 =	vperm.xlane v17, v4;
	v19 =	vadd.s32 v3, v19;
	_ =	sdelay $0x1  }
0x87: {  	s13 =	simm.s32 $0x3900;
	v43 =	vperm.xlane v17, v5;
	v20 =	vadd.s32 v3, v42  }
0x88: {  	[tilespmem:s13], [sflag:$0x1] =	stream.indirect_vreg.gather [hbm4b:s9+s5], $0x80, v18, vm0, $0xb8;
	[tilespmem:$0x1E900] =	vst v63  }
0x89: {  	s14 =	simm.s32 $0x3980;
	v44 =	vperm.xlane v17, v6;
	v18 =	vadd.s32 v3, v43  }
0x8a: {  	[tilespmem:s14], [sflag:$0x1] =	stream.indirect_vreg.gather [hbm4b:s9+s5], $0x80, v19, vm0, $0xb8;
	[tilespmem:$0x1E900] =	vst v63  }
0x8b: {  	s17 =	simm.s32 $0x3A00;
	v45 =	vperm.xlane v17, v7;
	v19 =	vadd.s32 v3, v44  }
0x8c: {  	[tilespmem:s17], [sflag:$0x1] =	stream.indirect_vreg.gather [hbm4b:s9+s5], $0x80, v20, vm0, $0xb8;
	[tilespmem:$0x1E900] =	vst v63  }
0x8d: {  	v47 =	vperm.xlane v17, v8;
	v46 =	vadd.s32 v3, v45;
	s13 =	simm.s32 $0x3A80  }
0x8e: {  	[tilespmem:s13], [sflag:$0x1] =	stream.indirect_vreg.gather [hbm4b:s9+s5], $0x80, v18, vm0, $0xb8;
	[tilespmem:$0x1E900] =	vst v63  }
0x8f: {  	v48 =	vperm.xlane v17, v0;
	s14 =	simm.s32 $0x3B00;
	v18 =	vadd.s32 v3, v47  }
0x90: {  	[tilespmem:s14], [sflag:$0x1] =	stream.indirect_vreg.gather [hbm4b:s9+s5], $0x80, v19, vm0, $0xb8;
	[tilespmem:$0x1E900] =	vst v63  }
0x91: {  	v49 =	vperm.xlane v17, v9;
	s17 =	simm.s32 $0x3B80;
	v19 =	vadd.s32 v3, v48  }
0x92: {  	[tilespmem:s17], [sflag:$0x1] =	stream.indirect_vreg.gather [hbm4b:s9+s5], $0x80, v46, vm0, $0xb8;
	[tilespmem:$0x1E900] =	vst v63  }
0x93: {  	v51 =	vperm.xlane v17, v10;
	v50 =	vadd.s32 v3, v49;
	s13 =	simm.s32 $0x3C00  }
0x94: {  	[tilespmem:s13], [sflag:$0x1] =	stream.indirect_vreg.gather [hbm4b:s9+s5], $0x80, v18, vm0, $0xb8;
	[tilespmem:$0x1E900] =	vst v63  }
0x95: {  	v52 =	vperm.xlane v17, v11;
	s14 =	simm.s32 $0x3C80;
	v18 =	vadd.s32 v3, v51  }
0x96: {  	[tilespmem:s14], [sflag:$0x1] =	stream.indirect_vreg.gather [hbm4b:s9+s5], $0x80, v19, vm0, $0xb8;
	[tilespmem:$0x1E900] =	vst v63  }
0x97: {  	v53 =	vperm.xlane v17, v12;
	s17 =	simm.s32 $0x3D00;
	v19 =	vadd.s32 v3, v52  }
0x98: {  	[tilespmem:s17], [sflag:$0x1] =	stream.indirect_vreg.gather [hbm4b:s9+s5], $0x80, v50, vm0, $0xb8;
	[tilespmem:$0x1E900] =	vst v63  }
0x99: {  	v55 =	vperm.xlane v17, v13;
	v54 =	vadd.s32 v3, v53;
	s13 =	simm.s32 $0x3D80  }
0x9a: {  	[tilespmem:s13], [sflag:$0x1] =	stream.indirect_vreg.gather [hbm4b:s9+s5], $0x80, v18, vm0, $0xb8;
	[tilespmem:$0x1E900] =	vst v63  }
0x9b: {  	v56 =	vperm.xlane v17, v14;
	s14 =	simm.s32 $0x3E00;
	v18 =	vadd.s32 v3, v55  }
0x9c: {  	[tilespmem:s14], [sflag:$0x1] =	stream.indirect_vreg.gather [hbm4b:s9+s5], $0x80, v19, vm0, $0xb8;
	[tilespmem:$0x1E900] =	vst v63  }
0x9d: {  	v57 =	vperm.xlane v17, v15;
	s17 =	simm.s32 $0x3E80;
	v19 =	vadd.s32 v3, v56  }
0x9e: {  	[tilespmem:s17], [sflag:$0x1] =	stream.indirect_vreg.gather [hbm4b:s9+s5], $0x80, v54, vm0, $0xb8;
	[tilespmem:$0x1E900] =	vst v63  }
0x9f: {  	v17 =	vperm.xlane v17, v16;
	v58 =	vadd.s32 v3, v57;
	s13 =	simm.s32 $0x3F00  }
0xa0: {  	[tilespmem:s13], [sflag:$0x1] =	stream.indirect_vreg.gather [hbm4b:s9+s5], $0x80, v18, vm0, $0xb8;
	[tilespmem:$0x1E900] =	vst v63  }
0xa1: {  	v17 =	vadd.s32 v3, v17;
	s14 =	simm.s32 $0x3F80  }
0xa2: {  	[tilespmem:s14], [sflag:$0x1] =	stream.indirect_vreg.gather [hbm4b:s9+s5], $0x80, v19, vm0, $0xb8;
	[tilespmem:$0x1E900] =	vst v63  }
0xa3: {  	s17 =	simm.s32 $0x4000  }
0xa4: {  	[tilespmem:s17], [sflag:$0x1] =	stream.indirect_vreg.gather [hbm4b:s9+s5], $0x80, v58, vm0, $0xb8;
	[tilespmem:$0x1E900] =	vst v63  }
0xa5: {  	s13 =	simm.s32 $0x4080  }
0xa6: {  	[tilespmem:s13], [sflag:$0x1] =	stream.indirect_vreg.gather [hbm4b:s9+s5], $0x80, v17, vm0, $0xb8;
	[tilespmem:$0x1E900] =	vst v63  }
0xa7: {  	v17 =	vld [tilespmem:$0x30];
	_ =	sdelay $0x4  }
0xa8: {  	v18 =	vshll.u32 v17, $0x1  }
0xa9: {  	v17 =	vand.u32 $0x7, v17;
	v18 =	vand.u32 $0xFFFFFFF0, v18  }
0xaa: {  	v17 =	vor.u32 v17, v18  }
0xab: {  	v18 =	vperm.xlane v17, v2;
	_ =	sdelay $0x1  }
0xac: {  	v19 =	vperm.xlane v17, v1;
	v18 =	vadd.s32 v3, v18;
	_ =	sdelay $0x1  }
0xad: {  	v59 =	vperm.xlane v17, v4;
	v19 =	vadd.s32 v3, v19;
	_ =	sdelay $0x1  }
0xae: {  	s14 =	simm.s32 $0x4100;
	v60 =	vperm.xlane v17, v5;
	v20 =	vadd.s32 v3, v59  }
0xaf: {  	[tilespmem:s14], [sflag:$0x1] =	stream.indirect_vreg.gather [hbm4b:s9+s5], $0x80, v18, vm0, $0xb8;
	[tilespmem:$0x1E900] =	vst v63  }
0xb0: {  	s17 =	simm.s32 $0x4180;
	v61 =	vperm.xlane v17, v6;
	v18 =	vadd.s32 v3, v60  }
0xb1: {  	[tilespmem:s17], [sflag:$0x1] =	stream.indirect_vreg.gather [hbm4b:s9+s5], $0x80, v19, vm0, $0xb8;
	[tilespmem:$0x1E900] =	vst v63  }
0xb2: {  	s13 =	simm.s32 $0x4200;
	v62 =	vperm.xlane v17, v7;
	v19 =	vadd.s32 v3, v61  }
0xb3: {  	[tilespmem:s13], [sflag:$0x1] =	stream.indirect_vreg.gather [hbm4b:s9+s5], $0x80, v20, vm0, $0xb8;
	[tilespmem:$0x1E900] =	vst v63  }
0xb4: {  	v24 =	vperm.xlane v17, v8;
	v63 =	vadd.s32 v3, v62;
	s14 =	simm.s32 $0x4280  }
0xb5: {  	[tilespmem:s14], [sflag:$0x1] =	stream.indirect_vreg.gather [hbm4b:s9+s5], $0x80, v18, vm0, $0xb8;
	[tilespmem:$0x1E900] =	vst v63  }
0xb6: {  	v25 =	vperm.xlane v17, v0;
	s17 =	simm.s32 $0x4300;
	v18 =	vadd.s32 v3, v24  }
0xb7: {  	[tilespmem:s17], [sflag:$0x1] =	stream.indirect_vreg.gather [hbm4b:s9+s5], $0x80, v19, vm0, $0xb8;
	[tilespmem:$0x1E900] =	vst v63  }
0xb8: {  	v26 =	vperm.xlane v17, v9;
	s13 =	simm.s32 $0x4380;
	v19 =	vadd.s32 v3, v25  }
0xb9: {  	[tilespmem:s13], [sflag:$0x1] =	stream.indirect_vreg.gather [hbm4b:s9+s5], $0x80, v63, vm0, $0xb8;
	[tilespmem:$0x1E900] =	vst v63  }
0xba: {  	v28 =	vperm.xlane v17, v10;
	v27 =	vadd.s32 v3, v26;
	s14 =	simm.s32 $0x4400  }
0xbb: {  	[tilespmem:s14], [sflag:$0x1] =	stream.indirect_vreg.gather [hbm4b:s9+s5], $0x80, v18, vm0, $0xb8;
	[tilespmem:$0x1E900] =	vst v63  }
0xbc: {  	v29 =	vperm.xlane v17, v11;
	s17 =	simm.s32 $0x4480;
	v18 =	vadd.s32 v3, v28  }
0xbd: {  	[tilespmem:s17], [sflag:$0x1] =	stream.indirect_vreg.gather [hbm4b:s9+s5], $0x80, v19, vm0, $0xb8;
	[tilespmem:$0x1E900] =	vst v63  }
0xbe: {  	v30 =	vperm.xlane v17, v12;
	s13 =	simm.s32 $0x4500;
	v19 =	vadd.s32 v3, v29  }
0xbf: {  	[tilespmem:s13], [sflag:$0x1] =	stream.indirect_vreg.gather [hbm4b:s9+s5], $0x80, v27, vm0, $0xb8;
	[tilespmem:$0x1E900] =	vst v63  }
0xc0: {  	v32 =	vperm.xlane v17, v13;
	v31 =	vadd.s32 v3, v30;
	s14 =	simm.s32 $0x4580  }
0xc1: {  	[tilespmem:s14], [sflag:$0x1] =	stream.indirect_vreg.gather [hbm4b:s9+s5], $0x80, v18, vm0, $0xb8;
	[tilespmem:$0x1E900] =	vst v63  }
0xc2: {  	v33 =	vperm.xlane v17, v14;
	s17 =	simm.s32 $0x4600;
	v18 =	vadd.s32 v3, v32  }
0xc3: {  	[tilespmem:s17], [sflag:$0x1] =	stream.indirect_vreg.gather [hbm4b:s9+s5], $0x80, v19, vm0, $0xb8;
	[tilespmem:$0x1E900] =	vst v63  }
0xc4: {  	v34 =	vperm.xlane v17, v15;
	s13 =	simm.s32 $0x4680;
	v19 =	vadd.s32 v3, v33  }
0xc5: {  	[tilespmem:s13], [sflag:$0x1] =	stream.indirect_vreg.gather [hbm4b:s9+s5], $0x80, v31, vm0, $0xb8;
	[tilespmem:$0x1E900] =	vst v63  }
0xc6: {  	v17 =	vperm.xlane v17, v16;
	v35 =	vadd.s32 v3, v34;
	s14 =	simm.s32 $0x4700  }
0xc7: {  	[tilespmem:s14], [sflag:$0x1] =	stream.indirect_vreg.gather [hbm4b:s9+s5], $0x80, v18, vm0, $0xb8;
	[tilespmem:$0x1E900] =	vst v63  }
0xc8: {  	v17 =	vadd.s32 v3, v17;
	s17 =	simm.s32 $0x4780  }
0xc9: {  	[tilespmem:s17], [sflag:$0x1] =	stream.indirect_vreg.gather [hbm4b:s9+s5], $0x80, v19, vm0, $0xb8;
	[tilespmem:$0x1E900] =	vst v63  }
0xca: {  	s13 =	simm.s32 $0x4800  }
0xcb: {  	[tilespmem:s13], [sflag:$0x1] =	stream.indirect_vreg.gather [hbm4b:s9+s5], $0x80, v35, vm0, $0xb8;
	[tilespmem:$0x1E900] =	vst v63  }
0xcc: {  	s14 =	simm.s32 $0x4880  }
0xcd: {  	[tilespmem:s14], [sflag:$0x1] =	stream.indirect_vreg.gather [hbm4b:s9+s5], $0x80, v17, vm0, $0xb8;
	[tilespmem:$0x1E900] =	vst v63  }
0xce: {  	v17 =	vld [tilespmem:$0x40];
	_ =	sdelay $0x4  }
0xcf: {  	v18 =	vshll.u32 v17, $0x1  }
0xd0: {  	v17 =	vand.u32 $0x7, v17;
	v18 =	vand.u32 $0xFFFFFFF0, v18  }
0xd1: {  	v17 =	vor.u32 v17, v18  }
0xd2: {  	v18 =	vperm.xlane v17, v2;
	_ =	sdelay $0x1  }
0xd3: {  	v19 =	vperm.xlane v17, v1;
	v18 =	vadd.s32 v3, v18;
	_ =	sdelay $0x1  }
0xd4: {  	v36 =	vperm.xlane v17, v4;
	v19 =	vadd.s32 v3, v19;
	_ =	sdelay $0x1  }
0xd5: {  	s17 =	simm.s32 $0x4900;
	v37 =	vperm.xlane v17, v5;
	v20 =	vadd.s32 v3, v36  }
0xd6: {  	[tilespmem:s17], [sflag:$0x1] =	stream.indirect_vreg.gather [hbm4b:s9+s5], $0x80, v18, vm0, $0xb8;
	[tilespmem:$0x1E900] =	vst v63  }
0xd7: {  	s13 =	simm.s32 $0x4980;
	v38 =	vperm.xlane v17, v6;
	v18 =	vadd.s32 v3, v37  }
0xd8: {  	[tilespmem:s13], [sflag:$0x1] =	stream.indirect_vreg.gather [hbm4b:s9+s5], $0x80, v19, vm0, $0xb8;
	[tilespmem:$0x1E900] =	vst v63  }
0xd9: {  	s14 =	simm.s32 $0x4A00;
	v39 =	vperm.xlane v17, v7;
	v19 =	vadd.s32 v3, v38  }
0xda: {  	[tilespmem:s14], [sflag:$0x1] =	stream.indirect_vreg.gather [hbm4b:s9+s5], $0x80, v20, vm0, $0xb8;
	[tilespmem:$0x1E900] =	vst v63  }
0xdb: {  	v41 =	vperm.xlane v17, v8;
	v40 =	vadd.s32 v3, v39;
	s17 =	simm.s32 $0x4A80  }
0xdc: {  	[tilespmem:s17], [sflag:$0x1] =	stream.indirect_vreg.gather [hbm4b:s9+s5], $0x80, v18, vm0, $0xb8;
	[tilespmem:$0x1E900] =	vst v63  }
0xdd: {  	v42 =	vperm.xlane v17, v0;
	s13 =	simm.s32 $0x4B00;
	v18 =	vadd.s32 v3, v41  }
0xde: {  	[tilespmem:s13], [sflag:$0x1] =	stream.indirect_vreg.gather [hbm4b:s9+s5], $0x80, v19, vm0, $0xb8;
	[tilespmem:$0x1E900] =	vst v63  }
0xdf: {  	v43 =	vperm.xlane v17, v9;
	s14 =	simm.s32 $0x4B80;
	v19 =	vadd.s32 v3, v42  }
0xe0: {  	[tilespmem:s14], [sflag:$0x1] =	stream.indirect_vreg.gather [hbm4b:s9+s5], $0x80, v40, vm0, $0xb8;
	[tilespmem:$0x1E900] =	vst v63  }
0xe1: {  	v45 =	vperm.xlane v17, v10;
	v44 =	vadd.s32 v3, v43;
	s17 =	simm.s32 $0x4C00  }
0xe2: {  	[tilespmem:s17], [sflag:$0x1] =	stream.indirect_vreg.gather [hbm4b:s9+s5], $0x80, v18, vm0, $0xb8;
	[tilespmem:$0x1E900] =	vst v63  }
0xe3: {  	v46 =	vperm.xlane v17, v11;
	s13 =	simm.s32 $0x4C80;
	v18 =	vadd.s32 v3, v45  }
0xe4: {  	[tilespmem:s13], [sflag:$0x1] =	stream.indirect_vreg.gather [hbm4b:s9+s5], $0x80, v19, vm0, $0xb8;
	[tilespmem:$0x1E900] =	vst v63  }
0xe5: {  	v47 =	vperm.xlane v17, v12;
	s14 =	simm.s32 $0x4D00;
	v19 =	vadd.s32 v3, v46  }
0xe6: {  	[tilespmem:s14], [sflag:$0x1] =	stream.indirect_vreg.gather [hbm4b:s9+s5], $0x80, v44, vm0, $0xb8;
	[tilespmem:$0x1E900] =	vst v63  }
0xe7: {  	v49 =	vperm.xlane v17, v13;
	v48 =	vadd.s32 v3, v47;
	s17 =	simm.s32 $0x4D80  }
0xe8: {  	[tilespmem:s17], [sflag:$0x1] =	stream.indirect_vreg.gather [hbm4b:s9+s5], $0x80, v18, vm0, $0xb8;
	[tilespmem:$0x1E900] =	vst v63  }
0xe9: {  	v50 =	vperm.xlane v17, v14;
	s13 =	simm.s32 $0x4E00;
	v18 =	vadd.s32 v3, v49  }
0xea: {  	[tilespmem:s13], [sflag:$0x1] =	stream.indirect_vreg.gather [hbm4b:s9+s5], $0x80, v19, vm0, $0xb8;
	[tilespmem:$0x1E900] =	vst v63  }
0xeb: {  	v51 =	vperm.xlane v17, v15;
	s14 =	simm.s32 $0x4E80;
	v19 =	vadd.s32 v3, v50  }
0xec: {  	[tilespmem:s14], [sflag:$0x1] =	stream.indirect_vreg.gather [hbm4b:s9+s5], $0x80, v48, vm0, $0xb8;
	[tilespmem:$0x1E900] =	vst v63  }
0xed: {  	v17 =	vperm.xlane v17, v16;
	v52 =	vadd.s32 v3, v51;
	s17 =	simm.s32 $0x4F00  }
0xee: {  	[tilespmem:s17], [sflag:$0x1] =	stream.indirect_vreg.gather [hbm4b:s9+s5], $0x80, v18, vm0, $0xb8;
	[tilespmem:$0x1E900] =	vst v63  }
0xef: {  	v17 =	vadd.s32 v3, v17;
	s13 =	simm.s32 $0x4F80  }
0xf0: {  	[tilespmem:s13], [sflag:$0x1] =	stream.indirect_vreg.gather [hbm4b:s9+s5], $0x80, v19, vm0, $0xb8;
	[tilespmem:$0x1E900] =	vst v63  }
0xf1: {  	s14 =	simm.s32 $0x5000  }
0xf2: {  	[tilespmem:s14], [sflag:$0x1] =	stream.indirect_vreg.gather [hbm4b:s9+s5], $0x80, v52, vm0, $0xb8;
	[tilespmem:$0x1E900] =	vst v63  }
0xf3: {  	s17 =	simm.s32 $0x5080  }
0xf4: {  	[tilespmem:s17], [sflag:$0x1] =	stream.indirect_vreg.gather [hbm4b:s9+s5], $0x80, v17, vm0, $0xb8;
	[tilespmem:$0x1E900] =	vst v63  }
0xf5: {  	v17 =	vld [tilespmem:$0x50];
	_ =	sdelay $0x4  }
0xf6: {  	v18 =	vshll.u32 v17, $0x1  }
0xf7: {  	v17 =	vand.u32 $0x7, v17;
	v18 =	vand.u32 $0xFFFFFFF0, v18  }
0xf8: {  	v17 =	vor.u32 v17, v18  }
0xf9: {  	v18 =	vperm.xlane v17, v2;
	_ =	sdelay $0x1  }
0xfa: {  	v19 =	vperm.xlane v17, v1;
	v18 =	vadd.s32 v3, v18;
	_ =	sdelay $0x1  }
0xfb: {  	v53 =	vperm.xlane v17, v4;
	v19 =	vadd.s32 v3, v19;
	_ =	sdelay $0x1  }
0xfc: {  	s13 =	simm.s32 $0x5100;
	v54 =	vperm.xlane v17, v5;
	v20 =	vadd.s32 v3, v53  }
0xfd: {  	[tilespmem:s13], [sflag:$0x1] =	stream.indirect_vreg.gather [hbm4b:s9+s5], $0x80, v18, vm0, $0xb8;
	[tilespmem:$0x1E900] =	vst v63  }
0xfe: {  	s14 =	simm.s32 $0x5180;
	v55 =	vperm.xlane v17, v6;
	v18 =	vadd.s32 v3, v54  }
0xff: {  	[tilespmem:s14], [sflag:$0x1] =	stream.indirect_vreg.gather [hbm4b:s9+s5], $0x80, v19, vm0, $0xb8;
	[tilespmem:$0x1E900] =	vst v63  }
0x100: {  	s17 =	simm.s32 $0x5200;
	v56 =	vperm.xlane v17, v7;
	v19 =	vadd.s32 v3, v55  }
0x101: {  	[tilespmem:s17], [sflag:$0x1] =	stream.indirect_vreg.gather [hbm4b:s9+s5], $0x80, v20, vm0, $0xb8;
	[tilespmem:$0x1E900] =	vst v63  }
0x102: {  	v58 =	vperm.xlane v17, v8;
	v57 =	vadd.s32 v3, v56;
	s13 =	simm.s32 $0x5280  }
0x103: {  	[tilespmem:s13], [sflag:$0x1] =	stream.indirect_vreg.gather [hbm4b:s9+s5], $0x80, v18, vm0, $0xb8;
	[tilespmem:$0x1E900] =	vst v63  }
0x104: {  	v59 =	vperm.xlane v17, v0;
	s14 =	simm.s32 $0x5300;
	v18 =	vadd.s32 v3, v58  }
0x105: {  	[tilespmem:s14], [sflag:$0x1] =	stream.indirect_vreg.gather [hbm4b:s9+s5], $0x80, v19, vm0, $0xb8;
	[tilespmem:$0x1E900] =	vst v63  }
0x106: {  	v60 =	vperm.xlane v17, v9;
	s17 =	simm.s32 $0x5380;
	v19 =	vadd.s32 v3, v59  }
0x107: {  	[tilespmem:s17], [sflag:$0x1] =	stream.indirect_vreg.gather [hbm4b:s9+s5], $0x80, v57, vm0, $0xb8;
	[tilespmem:$0x1E900] =	vst v63  }
0x108: {  	v62 =	vperm.xlane v17, v10;
	v61 =	vadd.s32 v3, v60;
	s13 =	simm.s32 $0x5400  }
0x109: {  	[tilespmem:s13], [sflag:$0x1] =	stream.indirect_vreg.gather [hbm4b:s9+s5], $0x80, v18, vm0, $0xb8;
	[tilespmem:$0x1E900] =	vst v63  }
0x10a: {  	v63 =	vperm.xlane v17, v11;
	s14 =	simm.s32 $0x5480;
	v18 =	vadd.s32 v3, v62  }
0x10b: {  	[tilespmem:s14], [sflag:$0x1] =	stream.indirect_vreg.gather [hbm4b:s9+s5], $0x80, v19, vm0, $0xb8;
	[tilespmem:$0x1E900] =	vst v63  }
0x10c: {  	v24 =	vperm.xlane v17, v12;
	s17 =	simm.s32 $0x5500;
	v19 =	vadd.s32 v3, v63  }
0x10d: {  	[tilespmem:s17], [sflag:$0x1] =	stream.indirect_vreg.gather [hbm4b:s9+s5], $0x80, v61, vm0, $0xb8;
	[tilespmem:$0x1E900] =	vst v63  }
0x10e: {  	v26 =	vperm.xlane v17, v13;
	v25 =	vadd.s32 v3, v24;
	s13 =	simm.s32 $0x5580  }
0x10f: {  	[tilespmem:s13], [sflag:$0x1] =	stream.indirect_vreg.gather [hbm4b:s9+s5], $0x80, v18, vm0, $0xb8;
	[tilespmem:$0x1E900] =	vst v63  }
0x110: {  	v27 =	vperm.xlane v17, v14;
	s14 =	simm.s32 $0x5600;
	v18 =	vadd.s32 v3, v26  }
0x111: {  	[tilespmem:s14], [sflag:$0x1] =	stream.indirect_vreg.gather [hbm4b:s9+s5], $0x80, v19, vm0, $0xb8;
	[tilespmem:$0x1E900] =	vst v63  }
0x112: {  	v28 =	vperm.xlane v17, v15;
	s17 =	simm.s32 $0x5680;
	v19 =	vadd.s32 v3, v27  }
0x113: {  	[tilespmem:s17], [sflag:$0x1] =	stream.indirect_vreg.gather [hbm4b:s9+s5], $0x80, v25, vm0, $0xb8;
	[tilespmem:$0x1E900] =	vst v63  }
0x114: {  	v17 =	vperm.xlane v17, v16;
	v29 =	vadd.s32 v3, v28;
	s13 =	simm.s32 $0x5700  }
0x115: {  	[tilespmem:s13], [sflag:$0x1] =	stream.indirect_vreg.gather [hbm4b:s9+s5], $0x80, v18, vm0, $0xb8;
	[tilespmem:$0x1E900] =	vst v63  }
0x116: {  	v17 =	vadd.s32 v3, v17;
	s14 =	simm.s32 $0x5780  }
0x117: {  	[tilespmem:s14], [sflag:$0x1] =	stream.indirect_vreg.gather [hbm4b:s9+s5], $0x80, v19, vm0, $0xb8;
	[tilespmem:$0x1E900] =	vst v63  }
0x118: {  	s17 =	simm.s32 $0x5800  }
0x119: {  	[tilespmem:s17], [sflag:$0x1] =	stream.indirect_vreg.gather [hbm4b:s9+s5], $0x80, v29, vm0, $0xb8;
	[tilespmem:$0x1E900] =	vst v63  }
0x11a: {  	s13 =	simm.s32 $0x5880  }
0x11b: {  	[tilespmem:s13], [sflag:$0x1] =	stream.indirect_vreg.gather [hbm4b:s9+s5], $0x80, v17, vm0, $0xb8;
	[tilespmem:$0x1E900] =	vst v63  }
0x11c: {  	v17 =	vld [tilespmem:$0x60];
	_ =	sdelay $0x4  }
0x11d: {  	v18 =	vshll.u32 v17, $0x1  }
0x11e: {  	v17 =	vand.u32 $0x7, v17;
	v18 =	vand.u32 $0xFFFFFFF0, v18  }
0x11f: {  	v17 =	vor.u32 v17, v18  }
0x120: {  	v18 =	vperm.xlane v17, v2;
	_ =	sdelay $0x1  }
0x121: {  	v19 =	vperm.xlane v17, v1;
	v18 =	vadd.s32 v3, v18;
	_ =	sdelay $0x1  }
0x122: {  	v30 =	vperm.xlane v17, v4;
	v19 =	vadd.s32 v3, v19;
	_ =	sdelay $0x1  }
0x123: {  	s14 =	simm.s32 $0x5900;
	v31 =	vperm.xlane v17, v5;
	v20 =	vadd.s32 v3, v30  }
0x124: {  	[tilespmem:s14], [sflag:$0x1] =	stream.indirect_vreg.gather [hbm4b:s9+s5], $0x80, v18, vm0, $0xb8;
	[tilespmem:$0x1E900] =	vst v63  }
0x125: {  	s17 =	simm.s32 $0x5980;
	v32 =	vperm.xlane v17, v6;
	v18 =	vadd.s32 v3, v31  }
0x126: {  	[tilespmem:s17], [sflag:$0x1] =	stream.indirect_vreg.gather [hbm4b:s9+s5], $0x80, v19, vm0, $0xb8;
	[tilespmem:$0x1E900] =	vst v63  }
0x127: {  	s13 =	simm.s32 $0x5A00;
	v33 =	vperm.xlane v17, v7;
	v19 =	vadd.s32 v3, v32  }
0x128: {  	[tilespmem:s13], [sflag:$0x1] =	stream.indirect_vreg.gather [hbm4b:s9+s5], $0x80, v20, vm0, $0xb8;
	[tilespmem:$0x1E900] =	vst v63  }
0x129: {  	v35 =	vperm.xlane v17, v8;
	v34 =	vadd.s32 v3, v33;
	s14 =	simm.s32 $0x5A80  }
0x12a: {  	[tilespmem:s14], [sflag:$0x1] =	stream.indirect_vreg.gather [hbm4b:s9+s5], $0x80, v18, vm0, $0xb8;
	[tilespmem:$0x1E900] =	vst v63  }
0x12b: {  	v36 =	vperm.xlane v17, v0;
	s17 =	simm.s32 $0x5B00;
	v18 =	vadd.s32 v3, v35  }
0x12c: {  	[tilespmem:s17], [sflag:$0x1] =	stream.indirect_vreg.gather [hbm4b:s9+s5], $0x80, v19, vm0, $0xb8;
	[tilespmem:$0x1E900] =	vst v63  }
0x12d: {  	v37 =	vperm.xlane v17, v9;
	s13 =	simm.s32 $0x5B80;
	v19 =	vadd.s32 v3, v36  }
0x12e: {  	[tilespmem:s13], [sflag:$0x1] =	stream.indirect_vreg.gather [hbm4b:s9+s5], $0x80, v34, vm0, $0xb8;
	[tilespmem:$0x1E900] =	vst v63  }
0x12f: {  	v39 =	vperm.xlane v17, v10;
	v38 =	vadd.s32 v3, v37;
	s14 =	simm.s32 $0x5C00  }
0x130: {  	[tilespmem:s14], [sflag:$0x1] =	stream.indirect_vreg.gather [hbm4b:s9+s5], $0x80, v18, vm0, $0xb8;
	[tilespmem:$0x1E900] =	vst v63  }
0x131: {  	v40 =	vperm.xlane v17, v11;
	s17 =	simm.s32 $0x5C80;
	v18 =	vadd.s32 v3, v39  }
0x132: {  	[tilespmem:s17], [sflag:$0x1] =	stream.indirect_vreg.gather [hbm4b:s9+s5], $0x80, v19, vm0, $0xb8;
	[tilespmem:$0x1E900] =	vst v63  }
0x133: {  	v41 =	vperm.xlane v17, v12;
	s13 =	simm.s32 $0x5D00;
	v19 =	vadd.s32 v3, v40  }
0x134: {  	[tilespmem:s13], [sflag:$0x1] =	stream.indirect_vreg.gather [hbm4b:s9+s5], $0x80, v38, vm0, $0xb8;
	[tilespmem:$0x1E900] =	vst v63  }
0x135: {  	v43 =	vperm.xlane v17, v13;
	v42 =	vadd.s32 v3, v41;
	s14 =	simm.s32 $0x5D80  }
0x136: {  	[tilespmem:s14], [sflag:$0x1] =	stream.indirect_vreg.gather [hbm4b:s9+s5], $0x80, v18, vm0, $0xb8;
	[tilespmem:$0x1E900] =	vst v63  }
0x137: {  	v44 =	vperm.xlane v17, v14;
	s17 =	simm.s32 $0x5E00;
	v18 =	vadd.s32 v3, v43  }
0x138: {  	[tilespmem:s17], [sflag:$0x1] =	stream.indirect_vreg.gather [hbm4b:s9+s5], $0x80, v19, vm0, $0xb8;
	[tilespmem:$0x1E900] =	vst v63  }
0x139: {  	v45 =	vperm.xlane v17, v15;
	s13 =	simm.s32 $0x5E80;
	v19 =	vadd.s32 v3, v44  }
0x13a: {  	[tilespmem:s13], [sflag:$0x1] =	stream.indirect_vreg.gather [hbm4b:s9+s5], $0x80, v42, vm0, $0xb8;
	[tilespmem:$0x1E900] =	vst v63  }
0x13b: {  	v17 =	vperm.xlane v17, v16;
	v46 =	vadd.s32 v3, v45;
	s14 =	simm.s32 $0x5F00  }
0x13c: {  	[tilespmem:s14], [sflag:$0x1] =	stream.indirect_vreg.gather [hbm4b:s9+s5], $0x80, v18, vm0, $0xb8;
	[tilespmem:$0x1E900] =	vst v63  }
0x13d: {  	v17 =	vadd.s32 v3, v17;
	s17 =	simm.s32 $0x5F80  }
0x13e: {  	[tilespmem:s17], [sflag:$0x1] =	stream.indirect_vreg.gather [hbm4b:s9+s5], $0x80, v19, vm0, $0xb8;
	[tilespmem:$0x1E900] =	vst v63  }
0x13f: {  	s13 =	simm.s32 $0x6000  }
0x140: {  	[tilespmem:s13], [sflag:$0x1] =	stream.indirect_vreg.gather [hbm4b:s9+s5], $0x80, v46, vm0, $0xb8;
	[tilespmem:$0x1E900] =	vst v63  }
0x141: {  	s14 =	simm.s32 $0x6080  }
0x142: {  	[tilespmem:s14], [sflag:$0x1] =	stream.indirect_vreg.gather [hbm4b:s9+s5], $0x80, v17, vm0, $0xb8;
	[tilespmem:$0x1E900] =	vst v63  }
0x143: {  	v17 =	vld [tilespmem:$0x70];
	_ =	sdelay $0x4  }
0x144: {  	v18 =	vshll.u32 v17, $0x1  }
0x145: {  	v17 =	vand.u32 $0x7, v17;
	v18 =	vand.u32 $0xFFFFFFF0, v18  }
0x146: {  	v17 =	vor.u32 v17, v18  }
0x147: {  	v18 =	vperm.xlane v17, v2;
	_ =	sdelay $0x1  }
0x148: {  	v19 =	vperm.xlane v17, v1;
	v18 =	vadd.s32 v3, v18;
	_ =	sdelay $0x1  }
0x149: {  	v47 =	vperm.xlane v17, v4;
	v19 =	vadd.s32 v3, v19;
	_ =	sdelay $0x1  }
0x14a: {  	s17 =	simm.s32 $0x6100;
	v48 =	vperm.xlane v17, v5;
	v20 =	vadd.s32 v3, v47  }
0x14b: {  	[tilespmem:s17], [sflag:$0x1] =	stream.indirect_vreg.gather [hbm4b:s9+s5], $0x80, v18, vm0, $0xb8;
	[tilespmem:$0x1E900] =	vst v63  }
0x14c: {  	s13 =	simm.s32 $0x6180;
	v49 =	vperm.xlane v17, v6;
	v18 =	vadd.s32 v3, v48  }
0x14d: {  	[tilespmem:s13], [sflag:$0x1] =	stream.indirect_vreg.gather [hbm4b:s9+s5], $0x80, v19, vm0, $0xb8;
	[tilespmem:$0x1E900] =	vst v63  }
0x14e: {  	s14 =	simm.s32 $0x6200;
	v50 =	vperm.xlane v17, v7;
	v19 =	vadd.s32 v3, v49  }
0x14f: {  	[tilespmem:s14], [sflag:$0x1] =	stream.indirect_vreg.gather [hbm4b:s9+s5], $0x80, v20, vm0, $0xb8;
	[tilespmem:$0x1E900] =	vst v63  }
0x150: {  	v52 =	vperm.xlane v17, v8;
	v51 =	vadd.s32 v3, v50;
	s17 =	simm.s32 $0x6280  }
0x151: {  	[tilespmem:s17], [sflag:$0x1] =	stream.indirect_vreg.gather [hbm4b:s9+s5], $0x80, v18, vm0, $0xb8;
	[tilespmem:$0x1E900] =	vst v63  }
0x152: {  	v53 =	vperm.xlane v17, v0;
	s13 =	simm.s32 $0x6300;
	v18 =	vadd.s32 v3, v52  }
0x153: {  	[tilespmem:s13], [sflag:$0x1] =	stream.indirect_vreg.gather [hbm4b:s9+s5], $0x80, v19, vm0, $0xb8;
	[tilespmem:$0x1E900] =	vst v63  }
0x154: {  	v54 =	vperm.xlane v17, v9;
	s14 =	simm.s32 $0x6380;
	v19 =	vadd.s32 v3, v53  }
0x155: {  	[tilespmem:s14], [sflag:$0x1] =	stream.indirect_vreg.gather [hbm4b:s9+s5], $0x80, v51, vm0, $0xb8;
	[tilespmem:$0x1E900] =	vst v63  }
0x156: {  	v56 =	vperm.xlane v17, v10;
	v55 =	vadd.s32 v3, v54;
	s17 =	simm.s32 $0x6400  }
0x157: {  	[tilespmem:s17], [sflag:$0x1] =	stream.indirect_vreg.gather [hbm4b:s9+s5], $0x80, v18, vm0, $0xb8;
	[tilespmem:$0x1E900] =	vst v63  }
0x158: {  	v57 =	vperm.xlane v17, v11;
	s13 =	simm.s32 $0x6480;
	v18 =	vadd.s32 v3, v56  }
0x159: {  	[tilespmem:s13], [sflag:$0x1] =	stream.indirect_vreg.gather [hbm4b:s9+s5], $0x80, v19, vm0, $0xb8;
	[tilespmem:$0x1E900] =	vst v63  }
0x15a: {  	v58 =	vperm.xlane v17, v12;
	s14 =	simm.s32 $0x6500;
	v19 =	vadd.s32 v3, v57  }
0x15b: {  	[tilespmem:s14], [sflag:$0x1] =	stream.indirect_vreg.gather [hbm4b:s9+s5], $0x80, v55, vm0, $0xb8;
	[tilespmem:$0x1E900] =	vst v63  }
0x15c: {  	v60 =	vperm.xlane v17, v13;
	v59 =	vadd.s32 v3, v58;
	s17 =	simm.s32 $0x6580  }
0x15d: {  	[tilespmem:s17], [sflag:$0x1] =	stream.indirect_vreg.gather [hbm4b:s9+s5], $0x80, v18, vm0, $0xb8;
	[tilespmem:$0x1E900] =	vst v63  }
0x15e: {  	v61 =	vperm.xlane v17, v14;
	s13 =	simm.s32 $0x6600;
	v18 =	vadd.s32 v3, v60  }
0x15f: {  	[tilespmem:s13], [sflag:$0x1] =	stream.indirect_vreg.gather [hbm4b:s9+s5], $0x80, v19, vm0, $0xb8;
	[tilespmem:$0x1E900] =	vst v63  }
0x160: {  	s14 =	simm.s32 $0x6680;
	v19 =	vadd.s32 v3, v61  }
0x161: {  	v62 =	vperm.xlane v17, v15;
	[tilespmem:s14], [sflag:$0x1] =	stream.indirect_vreg.gather [hbm4b:s9+s5], $0x80, v59, vm0, $0xb8;
	[tilespmem:$0x1E900] =	vst v63  }
0x162: {  	s17 =	simm.s32 $0x6700  }
0x163: {  	v17 =	vperm.xlane v17, v16;
	v63 =	vadd.s32 v3, v62;
	[tilespmem:s17], [sflag:$0x1] =	stream.indirect_vreg.gather [hbm4b:s9+s5], $0x80, v18, vm0, $0xb8;
	[tilespmem:$0x1E900] =	vst v63  }
0x164: {  	s13 =	simm.s32 $0x6780  }
0x165: {  	v17 =	vadd.s32 v3, v17;
	[tilespmem:s13], [sflag:$0x1] =	stream.indirect_vreg.gather [hbm4b:s9+s5], $0x80, v19, vm0, $0xb8;
	[tilespmem:$0x1E900] =	vst v63  }
.Ltmp2:
0x166: {  	_ = 	snop;
	(pc) =	sbr.rel .LBB2_2-.Ltmp2, $4  }
0x167: {  	s14 =	simm.s32 $0x6800  }
0x168: {  	[tilespmem:s14], [sflag:$0x1] =	stream.indirect_vreg.gather [hbm4b:s9+s5], $0x80, v63, vm0, $0xb8;
	[tilespmem:$0x1E900] =	vst v63  }
0x169: {  	s11 =	simm.s32 $0xC0;
	s17 =	simm.s32 $0x6880;
	s13 =	simm.s32 $0x0  }
0x16a: {  	[tilespmem:s17], [sflag:$0x1] =	stream.indirect_vreg.gather [hbm4b:s9+s5], $0x80, v17, vm0, $0xb8;
	[tilespmem:$0x1E900] =	vst v63  }
.LBB2_4:
0x16b: {  	_ =	swait.ge [sflag:s8], $0x4000  }
0x16c: {  	[sflag:s8] =	ssyncset.done $0x0  }
0x16d: {  	[sflag:s8] =	ssyncadd.s32 $0xFFFFC000  }
0x16e: {  	s13 =	sadd.s32 $0x100, s13;
	_ =	swait.ge [sflag:s10], $0x80  }
0x16f: {  	p0 =	sne.s32 s13, $0x2800;
	[sflag:s10] =	ssyncset.done $0x0  }
.Ltmp3:
0x170: {  	[sflag:s10] =	ssyncadd.s32 $0xFFFFFF80;
	(pc) =	sbr.rel @!p0 .LBB2_5-.Ltmp3, $4  }
0x171: {  	[spmem:s3] =	stream.indirect.scatter.add.f32 [tilespmem:s31], [sflag:$0x5], $0x80, s30, s7, $0xb8;
	[tilespmem:$0x1E900] =	vst v63  }
0x172: {  	_ =	swait.ge [sflag:s12], $0x4000  }
0x173: {  	[sflag:s12] =	ssyncset.done $0x0  }
0x174: {  	s11 =	sadd.s32 $0x100, s11;
	[sflag:s12] =	ssyncadd.s32 $0xFFFFC000  }
.LBB2_2:
0x175: {  	s14 =	sand.u32 $0x3C00, s13;
	s17 =	sadd.s32 $0x80, s13  }
0x176: {  	s14 =	sadd.s32 s4, s14;
	s17 =	sand.u32 $0x380, s17  }
0x177: {  	s14 =	sor.u32 s14, s17  }
0x178: {  	s14 =	sshrl.u32 s14, $0x3  }
0x179: {  	s14 =	sadd.s32 s2, s14  }
0x17a: {  	[tilespmem:s30], [sflag:$0x4] =	stream.linear.gather [hbm4b:s14+s5], $0x80, $0x38;
	[tilespmem:$0x1E900] =	vst v63  }
0x17b: {  	v17 =	vld [tilespmem:s11+$0xFFFFFFC0];
	_ =	sdelay $0x4  }
0x17c: {  	v18 =	vshll.u32 v17, $0x1  }
0x17d: {  	v17 =	vand.u32 $0x7, v17;
	v18 =	vand.u32 $0xFFFFFFF0, v18  }
0x17e: {  	v17 =	vor.u32 v17, v18  }
0x17f: {  	v18 =	vperm.xlane v17, v2;
	_ =	sdelay $0x1  }
0x180: {  	v19 =	vperm.xlane v17, v1;
	v18 =	vadd.s32 v3, v18;
	_ =	sdelay $0x1  }
0x181: {  	v20 =	vperm.xlane v17, v4;
	v19 =	vadd.s32 v3, v19;
	_ =	sdelay $0x1  }
0x182: {  	v21 =	vperm.xlane v17, v5;
	v20 =	vadd.s32 v3, v20  }
0x183: {  	[tilespmem:s31], [sflag:$0x2] =	stream.indirect_vreg.gather [hbm4b:s9+s5], $0x80, v18, vm0, $0xb8;
	[tilespmem:$0x1E900] =	vst v63  }
0x184: {  	s17 =	simm.s32 $0x6980;
	v50 =	vperm.xlane v17, v6;
	v18 =	vadd.s32 v3, v21  }
0x185: {  	[tilespmem:s17], [sflag:$0x2] =	stream.indirect_vreg.gather [hbm4b:s9+s5], $0x80, v19, vm0, $0xb8;
	[tilespmem:$0x1E900] =	vst v63  }
0x186: {  	v51 =	vperm.xlane v17, v7;
	v19 =	vadd.s32 v3, v50;
	s17 =	simm.s32 $0x6A00  }
0x187: {  	[tilespmem:s17], [sflag:$0x2] =	stream.indirect_vreg.gather [hbm4b:s9+s5], $0x80, v20, vm0, $0xb8;
	[tilespmem:$0x1E900] =	vst v63  }
0x188: {  	v53 =	vperm.xlane v17, v8;
	v52 =	vadd.s32 v3, v51;
	s17 =	simm.s32 $0x6A80  }
0x189: {  	[tilespmem:s17], [sflag:$0x2] =	stream.indirect_vreg.gather [hbm4b:s9+s5], $0x80, v18, vm0, $0xb8;
	[tilespmem:$0x1E900] =	vst v63  }
0x18a: {  	v54 =	vperm.xlane v17, v0;
	v18 =	vadd.s32 v3, v53;
	s17 =	simm.s32 $0x6B00  }
0x18b: {  	[tilespmem:s17], [sflag:$0x2] =	stream.indirect_vreg.gather [hbm4b:s9+s5], $0x80, v19, vm0, $0xb8;
	[tilespmem:$0x1E900] =	vst v63  }
0x18c: {  	v55 =	vperm.xlane v17, v9;
	v19 =	vadd.s32 v3, v54;
	s17 =	simm.s32 $0x6B80  }
0x18d: {  	[tilespmem:s17], [sflag:$0x2] =	stream.indirect_vreg.gather [hbm4b:s9+s5], $0x80, v52, vm0, $0xb8;
	[tilespmem:$0x1E900] =	vst v63  }
0x18e: {  	v57 =	vperm.xlane v17, v10;
	v56 =	vadd.s32 v3, v55;
	s17 =	simm.s32 $0x6C00  }
0x18f: {  	[tilespmem:s17], [sflag:$0x2] =	stream.indirect_vreg.gather [hbm4b:s9+s5], $0x80, v18, vm0, $0xb8;
	[tilespmem:$0x1E900] =	vst v63  }
0x190: {  	v58 =	vperm.xlane v17, v11;
	v18 =	vadd.s32 v3, v57;
	s17 =	simm.s32 $0x6C80  }
0x191: {  	[tilespmem:s17], [sflag:$0x2] =	stream.indirect_vreg.gather [hbm4b:s9+s5], $0x80, v19, vm0, $0xb8;
	[tilespmem:$0x1E900] =	vst v63  }
0x192: {  	v59 =	vperm.xlane v17, v12;
	v19 =	vadd.s32 v3, v58;
	s17 =	simm.s32 $0x6D00  }
0x193: {  	[tilespmem:s17], [sflag:$0x2] =	stream.indirect_vreg.gather [hbm4b:s9+s5], $0x80, v56, vm0, $0xb8;
	[tilespmem:$0x1E900] =	vst v63  }
0x194: {  	v61 =	vperm.xlane v17, v13;
	v60 =	vadd.s32 v3, v59;
	s17 =	simm.s32 $0x6D80  }
0x195: {  	[tilespmem:s17], [sflag:$0x2] =	stream.indirect_vreg.gather [hbm4b:s9+s5], $0x80, v18, vm0, $0xb8;
	[tilespmem:$0x1E900] =	vst v63  }
0x196: {  	v62 =	vperm.xlane v17, v14;
	v18 =	vadd.s32 v3, v61;
	s17 =	simm.s32 $0x6E00  }
0x197: {  	[tilespmem:s17], [sflag:$0x2] =	stream.indirect_vreg.gather [hbm4b:s9+s5], $0x80, v19, vm0, $0xb8;
	[tilespmem:$0x1E900] =	vst v63  }
0x198: {  	v63 =	vperm.xlane v17, v15;
	v19 =	vadd.s32 v3, v62;
	s17 =	simm.s32 $0x6E80  }
0x199: {  	[tilespmem:s17], [sflag:$0x2] =	stream.indirect_vreg.gather [hbm4b:s9+s5], $0x80, v60, vm0, $0xb8;
	[tilespmem:$0x1E900] =	vst v63  }
0x19a: {  	v17 =	vperm.xlane v17, v16;
	v24 =	vadd.s32 v3, v63;
	s17 =	simm.s32 $0x6F00  }
0x19b: {  	[tilespmem:s17], [sflag:$0x2] =	stream.indirect_vreg.gather [hbm4b:s9+s5], $0x80, v18, vm0, $0xb8;
	[tilespmem:$0x1E900] =	vst v63  }
0x19c: {  	v17 =	vadd.s32 v3, v17;
	s17 =	simm.s32 $0x6F80  }
0x19d: {  	[tilespmem:s17], [sflag:$0x2] =	stream.indirect_vreg.gather [hbm4b:s9+s5], $0x80, v19, vm0, $0xb8;
	[tilespmem:$0x1E900] =	vst v63  }
0x19e: {  	s17 =	simm.s32 $0x7000  }
0x19f: {  	[tilespmem:s17], [sflag:$0x2] =	stream.indirect_vreg.gather [hbm4b:s9+s5], $0x80, v24, vm0, $0xb8;
	[tilespmem:$0x1E900] =	vst v63  }
0x1a0: {  	s17 =	simm.s32 $0x7080  }
0x1a1: {  	[tilespmem:s17], [sflag:$0x2] =	stream.indirect_vreg.gather [hbm4b:s9+s5], $0x80, v17, vm0, $0xb8;
	[tilespmem:$0x1E900] =	vst v63  }
0x1a2: {  	v17 =	vld [tilespmem:s11+$0xFFFFFFD0];
	_ =	sdelay $0x4  }
0x1a3: {  	v18 =	vshll.u32 v17, $0x1  }
0x1a4: {  	v17 =	vand.u32 $0x7, v17;
	v18 =	vand.u32 $0xFFFFFFF0, v18  }
0x1a5: {  	v17 =	vor.u32 v17, v18  }
0x1a6: {  	v18 =	vperm.xlane v17, v2;
	_ =	sdelay $0x1  }
0x1a7: {  	v19 =	vperm.xlane v17, v1;
	v18 =	vadd.s32 v3, v18;
	_ =	sdelay $0x1  }
0x1a8: {  	v25 =	vperm.xlane v17, v4;
	v19 =	vadd.s32 v3, v19;
	_ =	sdelay $0x1  }
0x1a9: {  	s17 =	simm.s32 $0x7100;
	v26 =	vperm.xlane v17, v5;
	v20 =	vadd.s32 v3, v25  }
0x1aa: {  	[tilespmem:s17], [sflag:$0x2] =	stream.indirect_vreg.gather [hbm4b:s9+s5], $0x80, v18, vm0, $0xb8;
	[tilespmem:$0x1E900] =	vst v63  }
0x1ab: {  	v27 =	vperm.xlane v17, v6;
	v18 =	vadd.s32 v3, v26;
	s17 =	simm.s32 $0x7180  }
0x1ac: {  	[tilespmem:s17], [sflag:$0x2] =	stream.indirect_vreg.gather [hbm4b:s9+s5], $0x80, v19, vm0, $0xb8;
	[tilespmem:$0x1E900] =	vst v63  }
0x1ad: {  	v28 =	vperm.xlane v17, v7;
	v19 =	vadd.s32 v3, v27;
	s17 =	simm.s32 $0x7200  }
0x1ae: {  	[tilespmem:s17], [sflag:$0x2] =	stream.indirect_vreg.gather [hbm4b:s9+s5], $0x80, v20, vm0, $0xb8;
	[tilespmem:$0x1E900] =	vst v63  }
0x1af: {  	v30 =	vperm.xlane v17, v8;
	v29 =	vadd.s32 v3, v28;
	s17 =	simm.s32 $0x7280  }
0x1b0: {  	[tilespmem:s17], [sflag:$0x2] =	stream.indirect_vreg.gather [hbm4b:s9+s5], $0x80, v18, vm0, $0xb8;
	[tilespmem:$0x1E900] =	vst v63  }
0x1b1: {  	v31 =	vperm.xlane v17, v0;
	v18 =	vadd.s32 v3, v30;
	s17 =	simm.s32 $0x7300  }
0x1b2: {  	[tilespmem:s17], [sflag:$0x2] =	stream.indirect_vreg.gather [hbm4b:s9+s5], $0x80, v19, vm0, $0xb8;
	[tilespmem:$0x1E900] =	vst v63  }
0x1b3: {  	v32 =	vperm.xlane v17, v9;
	v19 =	vadd.s32 v3, v31;
	s17 =	simm.s32 $0x7380  }
0x1b4: {  	[tilespmem:s17], [sflag:$0x2] =	stream.indirect_vreg.gather [hbm4b:s9+s5], $0x80, v29, vm0, $0xb8;
	[tilespmem:$0x1E900] =	vst v63  }
0x1b5: {  	v34 =	vperm.xlane v17, v10;
	v33 =	vadd.s32 v3, v32;
	s17 =	simm.s32 $0x7400  }
0x1b6: {  	[tilespmem:s17], [sflag:$0x2] =	stream.indirect_vreg.gather [hbm4b:s9+s5], $0x80, v18, vm0, $0xb8;
	[tilespmem:$0x1E900] =	vst v63  }
0x1b7: {  	v35 =	vperm.xlane v17, v11;
	v18 =	vadd.s32 v3, v34;
	s17 =	simm.s32 $0x7480  }
0x1b8: {  	[tilespmem:s17], [sflag:$0x2] =	stream.indirect_vreg.gather [hbm4b:s9+s5], $0x80, v19, vm0, $0xb8;
	[tilespmem:$0x1E900] =	vst v63  }
0x1b9: {  	v36 =	vperm.xlane v17, v12;
	v19 =	vadd.s32 v3, v35;
	s17 =	simm.s32 $0x7500  }
0x1ba: {  	[tilespmem:s17], [sflag:$0x2] =	stream.indirect_vreg.gather [hbm4b:s9+s5], $0x80, v33, vm0, $0xb8;
	[tilespmem:$0x1E900] =	vst v63  }
0x1bb: {  	v38 =	vperm.xlane v17, v13;
	v37 =	vadd.s32 v3, v36;
	s17 =	simm.s32 $0x7580  }
0x1bc: {  	[tilespmem:s17], [sflag:$0x2] =	stream.indirect_vreg.gather [hbm4b:s9+s5], $0x80, v18, vm0, $0xb8;
	[tilespmem:$0x1E900] =	vst v63  }
0x1bd: {  	v39 =	vperm.xlane v17, v14;
	v18 =	vadd.s32 v3, v38;
	s17 =	simm.s32 $0x7600  }
0x1be: {  	[tilespmem:s17], [sflag:$0x2] =	stream.indirect_vreg.gather [hbm4b:s9+s5], $0x80, v19, vm0, $0xb8;
	[tilespmem:$0x1E900] =	vst v63  }
0x1bf: {  	v40 =	vperm.xlane v17, v15;
	v19 =	vadd.s32 v3, v39;
	s17 =	simm.s32 $0x7680  }
0x1c0: {  	[tilespmem:s17], [sflag:$0x2] =	stream.indirect_vreg.gather [hbm4b:s9+s5], $0x80, v37, vm0, $0xb8;
	[tilespmem:$0x1E900] =	vst v63  }
0x1c1: {  	v17 =	vperm.xlane v17, v16;
	v41 =	vadd.s32 v3, v40;
	s17 =	simm.s32 $0x7700  }
0x1c2: {  	[tilespmem:s17], [sflag:$0x2] =	stream.indirect_vreg.gather [hbm4b:s9+s5], $0x80, v18, vm0, $0xb8;
	[tilespmem:$0x1E900] =	vst v63  }
0x1c3: {  	v17 =	vadd.s32 v3, v17;
	s17 =	simm.s32 $0x7780  }
0x1c4: {  	[tilespmem:s17], [sflag:$0x2] =	stream.indirect_vreg.gather [hbm4b:s9+s5], $0x80, v19, vm0, $0xb8;
	[tilespmem:$0x1E900] =	vst v63  }
0x1c5: {  	s17 =	simm.s32 $0x7800  }
0x1c6: {  	[tilespmem:s17], [sflag:$0x2] =	stream.indirect_vreg.gather [hbm4b:s9+s5], $0x80, v41, vm0, $0xb8;
	[tilespmem:$0x1E900] =	vst v63  }
0x1c7: {  	s17 =	simm.s32 $0x7880  }
0x1c8: {  	[tilespmem:s17], [sflag:$0x2] =	stream.indirect_vreg.gather [hbm4b:s9+s5], $0x80, v17, vm0, $0xb8;
	[tilespmem:$0x1E900] =	vst v63  }
0x1c9: {  	v17 =	vld [tilespmem:s11+$0xFFFFFFE0];
	_ =	sdelay $0x4  }
0x1ca: {  	v18 =	vshll.u32 v17, $0x1  }
0x1cb: {  	v17 =	vand.u32 $0x7, v17;
	v18 =	vand.u32 $0xFFFFFFF0, v18  }
0x1cc: {  	v17 =	vor.u32 v17, v18  }
0x1cd: {  	v18 =	vperm.xlane v17, v2;
	_ =	sdelay $0x1  }
0x1ce: {  	v19 =	vperm.xlane v17, v1;
	v18 =	vadd.s32 v3, v18;
	_ =	sdelay $0x1  }
0x1cf: {  	v42 =	vperm.xlane v17, v4;
	v19 =	vadd.s32 v3, v19;
	_ =	sdelay $0x1  }
0x1d0: {  	s17 =	simm.s32 $0x7900;
	v43 =	vperm.xlane v17, v5;
	v20 =	vadd.s32 v3, v42  }
0x1d1: {  	[tilespmem:s17], [sflag:$0x2] =	stream.indirect_vreg.gather [hbm4b:s9+s5], $0x80, v18, vm0, $0xb8;
	[tilespmem:$0x1E900] =	vst v63  }
0x1d2: {  	v44 =	vperm.xlane v17, v6;
	v18 =	vadd.s32 v3, v43;
	s17 =	simm.s32 $0x7980  }
0x1d3: {  	[tilespmem:s17], [sflag:$0x2] =	stream.indirect_vreg.gather [hbm4b:s9+s5], $0x80, v19, vm0, $0xb8;
	[tilespmem:$0x1E900] =	vst v63  }
0x1d4: {  	v45 =	vperm.xlane v17, v7;
	v19 =	vadd.s32 v3, v44;
	s17 =	simm.s32 $0x7A00  }
0x1d5: {  	[tilespmem:s17], [sflag:$0x2] =	stream.indirect_vreg.gather [hbm4b:s9+s5], $0x80, v20, vm0, $0xb8;
	[tilespmem:$0x1E900] =	vst v63  }
0x1d6: {  	v47 =	vperm.xlane v17, v8;
	v46 =	vadd.s32 v3, v45;
	s17 =	simm.s32 $0x7A80  }
0x1d7: {  	[tilespmem:s17], [sflag:$0x2] =	stream.indirect_vreg.gather [hbm4b:s9+s5], $0x80, v18, vm0, $0xb8;
	[tilespmem:$0x1E900] =	vst v63  }
0x1d8: {  	v48 =	vperm.xlane v17, v0;
	v18 =	vadd.s32 v3, v47;
	s17 =	simm.s32 $0x7B00  }
0x1d9: {  	[tilespmem:s17], [sflag:$0x2] =	stream.indirect_vreg.gather [hbm4b:s9+s5], $0x80, v19, vm0, $0xb8;
	[tilespmem:$0x1E900] =	vst v63  }
0x1da: {  	v49 =	vperm.xlane v17, v9;
	v19 =	vadd.s32 v3, v48;
	s17 =	simm.s32 $0x7B80  }
0x1db: {  	[tilespmem:s17], [sflag:$0x2] =	stream.indirect_vreg.gather [hbm4b:s9+s5], $0x80, v46, vm0, $0xb8;
	[tilespmem:$0x1E900] =	vst v63  }
0x1dc: {  	v51 =	vperm.xlane v17, v10;
	v50 =	vadd.s32 v3, v49;
	s17 =	simm.s32 $0x7C00  }
0x1dd: {  	[tilespmem:s17], [sflag:$0x2] =	stream.indirect_vreg.gather [hbm4b:s9+s5], $0x80, v18, vm0, $0xb8;
	[tilespmem:$0x1E900] =	vst v63  }
0x1de: {  	v52 =	vperm.xlane v17, v11;
	v18 =	vadd.s32 v3, v51;
	s17 =	simm.s32 $0x7C80  }
0x1df: {  	[tilespmem:s17], [sflag:$0x2] =	stream.indirect_vreg.gather [hbm4b:s9+s5], $0x80, v19, vm0, $0xb8;
	[tilespmem:$0x1E900] =	vst v63  }
0x1e0: {  	v53 =	vperm.xlane v17, v12;
	v19 =	vadd.s32 v3, v52;
	s17 =	simm.s32 $0x7D00  }
0x1e1: {  	[tilespmem:s17], [sflag:$0x2] =	stream.indirect_vreg.gather [hbm4b:s9+s5], $0x80, v50, vm0, $0xb8;
	[tilespmem:$0x1E900] =	vst v63  }
0x1e2: {  	v55 =	vperm.xlane v17, v13;
	v54 =	vadd.s32 v3, v53;
	s17 =	simm.s32 $0x7D80  }
0x1e3: {  	[tilespmem:s17], [sflag:$0x2] =	stream.indirect_vreg.gather [hbm4b:s9+s5], $0x80, v18, vm0, $0xb8;
	[tilespmem:$0x1E900] =	vst v63  }
0x1e4: {  	v56 =	vperm.xlane v17, v14;
	v18 =	vadd.s32 v3, v55;
	s17 =	simm.s32 $0x7E00  }
0x1e5: {  	[tilespmem:s17], [sflag:$0x2] =	stream.indirect_vreg.gather [hbm4b:s9+s5], $0x80, v19, vm0, $0xb8;
	[tilespmem:$0x1E900] =	vst v63  }
0x1e6: {  	v57 =	vperm.xlane v17, v15;
	v19 =	vadd.s32 v3, v56;
	s17 =	simm.s32 $0x7E80  }
0x1e7: {  	[tilespmem:s17], [sflag:$0x2] =	stream.indirect_vreg.gather [hbm4b:s9+s5], $0x80, v54, vm0, $0xb8;
	[tilespmem:$0x1E900] =	vst v63  }
0x1e8: {  	v17 =	vperm.xlane v17, v16;
	v58 =	vadd.s32 v3, v57;
	s17 =	simm.s32 $0x7F00  }
0x1e9: {  	[tilespmem:s17], [sflag:$0x2] =	stream.indirect_vreg.gather [hbm4b:s9+s5], $0x80, v18, vm0, $0xb8;
	[tilespmem:$0x1E900] =	vst v63  }
0x1ea: {  	v17 =	vadd.s32 v3, v17;
	s17 =	simm.s32 $0x7F80  }
0x1eb: {  	[tilespmem:s17], [sflag:$0x2] =	stream.indirect_vreg.gather [hbm4b:s9+s5], $0x80, v19, vm0, $0xb8;
	[tilespmem:$0x1E900] =	vst v63  }
0x1ec: {  	s17 =	simm.s32 $0x8000  }
0x1ed: {  	[tilespmem:s17], [sflag:$0x2] =	stream.indirect_vreg.gather [hbm4b:s9+s5], $0x80, v58, vm0, $0xb8;
	[tilespmem:$0x1E900] =	vst v63  }
0x1ee: {  	s17 =	simm.s32 $0x8080  }
0x1ef: {  	[tilespmem:s17], [sflag:$0x2] =	stream.indirect_vreg.gather [hbm4b:s9+s5], $0x80, v17, vm0, $0xb8;
	[tilespmem:$0x1E900] =	vst v63  }
0x1f0: {  	v17 =	vld [tilespmem:s11+$0xFFFFFFF0];
	_ =	sdelay $0x4  }
0x1f1: {  	v18 =	vshll.u32 v17, $0x1  }
0x1f2: {  	v17 =	vand.u32 $0x7, v17;
	v18 =	vand.u32 $0xFFFFFFF0, v18  }
0x1f3: {  	v17 =	vor.u32 v17, v18  }
0x1f4: {  	v18 =	vperm.xlane v17, v2;
	_ =	sdelay $0x1  }
0x1f5: {  	v19 =	vperm.xlane v17, v1;
	v18 =	vadd.s32 v3, v18;
	_ =	sdelay $0x1  }
0x1f6: {  	v59 =	vperm.xlane v17, v4;
	v19 =	vadd.s32 v3, v19;
	_ =	sdelay $0x1  }
0x1f7: {  	s17 =	simm.s32 $0x8100;
	v60 =	vperm.xlane v17, v5;
	v20 =	vadd.s32 v3, v59  }
0x1f8: {  	[tilespmem:s17], [sflag:$0x2] =	stream.indirect_vreg.gather [hbm4b:s9+s5], $0x80, v18, vm0, $0xb8;
	[tilespmem:$0x1E900] =	vst v63  }
0x1f9: {  	v61 =	vperm.xlane v17, v6;
	v18 =	vadd.s32 v3, v60;
	s17 =	simm.s32 $0x8180  }
0x1fa: {  	[tilespmem:s17], [sflag:$0x2] =	stream.indirect_vreg.gather [hbm4b:s9+s5], $0x80, v19, vm0, $0xb8;
	[tilespmem:$0x1E900] =	vst v63  }
0x1fb: {  	v62 =	vperm.xlane v17, v7;
	v19 =	vadd.s32 v3, v61;
	s17 =	simm.s32 $0x8200  }
0x1fc: {  	[tilespmem:s17], [sflag:$0x2] =	stream.indirect_vreg.gather [hbm4b:s9+s5], $0x80, v20, vm0, $0xb8;
	[tilespmem:$0x1E900] =	vst v63  }
0x1fd: {  	v24 =	vperm.xlane v17, v8;
	v63 =	vadd.s32 v3, v62;
	s17 =	simm.s32 $0x8280  }
0x1fe: {  	[tilespmem:s17], [sflag:$0x2] =	stream.indirect_vreg.gather [hbm4b:s9+s5], $0x80, v18, vm0, $0xb8;
	[tilespmem:$0x1E900] =	vst v63  }
0x1ff: {  	v25 =	vperm.xlane v17, v0;
	v18 =	vadd.s32 v3, v24;
	s17 =	simm.s32 $0x8300  }
0x200: {  	[tilespmem:s17], [sflag:$0x2] =	stream.indirect_vreg.gather [hbm4b:s9+s5], $0x80, v19, vm0, $0xb8;
	[tilespmem:$0x1E900] =	vst v63  }
0x201: {  	v26 =	vperm.xlane v17, v9;
	v19 =	vadd.s32 v3, v25;
	s17 =	simm.s32 $0x8380  }
0x202: {  	[tilespmem:s17], [sflag:$0x2] =	stream.indirect_vreg.gather [hbm4b:s9+s5], $0x80, v63, vm0, $0xb8;
	[tilespmem:$0x1E900] =	vst v63  }
0x203: {  	v28 =	vperm.xlane v17, v10;
	v27 =	vadd.s32 v3, v26;
	s17 =	simm.s32 $0x8400  }
0x204: {  	[tilespmem:s17], [sflag:$0x2] =	stream.indirect_vreg.gather [hbm4b:s9+s5], $0x80, v18, vm0, $0xb8;
	[tilespmem:$0x1E900] =	vst v63  }
0x205: {  	v29 =	vperm.xlane v17, v11;
	v18 =	vadd.s32 v3, v28;
	s17 =	simm.s32 $0x8480  }
0x206: {  	[tilespmem:s17], [sflag:$0x2] =	stream.indirect_vreg.gather [hbm4b:s9+s5], $0x80, v19, vm0, $0xb8;
	[tilespmem:$0x1E900] =	vst v63  }
0x207: {  	v30 =	vperm.xlane v17, v12;
	v19 =	vadd.s32 v3, v29;
	s17 =	simm.s32 $0x8500  }
0x208: {  	[tilespmem:s17], [sflag:$0x2] =	stream.indirect_vreg.gather [hbm4b:s9+s5], $0x80, v27, vm0, $0xb8;
	[tilespmem:$0x1E900] =	vst v63  }
0x209: {  	v32 =	vperm.xlane v17, v13;
	v31 =	vadd.s32 v3, v30;
	s17 =	simm.s32 $0x8580  }
0x20a: {  	[tilespmem:s17], [sflag:$0x2] =	stream.indirect_vreg.gather [hbm4b:s9+s5], $0x80, v18, vm0, $0xb8;
	[tilespmem:$0x1E900] =	vst v63  }
0x20b: {  	v33 =	vperm.xlane v17, v14;
	v18 =	vadd.s32 v3, v32;
	s17 =	simm.s32 $0x8600  }
0x20c: {  	[tilespmem:s17], [sflag:$0x2] =	stream.indirect_vreg.gather [hbm4b:s9+s5], $0x80, v19, vm0, $0xb8;
	[tilespmem:$0x1E900] =	vst v63  }
0x20d: {  	v34 =	vperm.xlane v17, v15;
	v19 =	vadd.s32 v3, v33;
	s17 =	simm.s32 $0x8680  }
0x20e: {  	[tilespmem:s17], [sflag:$0x2] =	stream.indirect_vreg.gather [hbm4b:s9+s5], $0x80, v31, vm0, $0xb8;
	[tilespmem:$0x1E900] =	vst v63  }
0x20f: {  	v17 =	vperm.xlane v17, v16;
	v35 =	vadd.s32 v3, v34;
	s17 =	simm.s32 $0x8700  }
0x210: {  	[tilespmem:s17], [sflag:$0x2] =	stream.indirect_vreg.gather [hbm4b:s9+s5], $0x80, v18, vm0, $0xb8;
	[tilespmem:$0x1E900] =	vst v63  }
0x211: {  	v17 =	vadd.s32 v3, v17;
	s17 =	simm.s32 $0x8780  }
0x212: {  	[tilespmem:s17], [sflag:$0x2] =	stream.indirect_vreg.gather [hbm4b:s9+s5], $0x80, v19, vm0, $0xb8;
	[tilespmem:$0x1E900] =	vst v63  }
0x213: {  	s17 =	simm.s32 $0x8800  }
0x214: {  	[tilespmem:s17], [sflag:$0x2] =	stream.indirect_vreg.gather [hbm4b:s9+s5], $0x80, v35, vm0, $0xb8;
	[tilespmem:$0x1E900] =	vst v63  }
0x215: {  	s17 =	simm.s32 $0x8880  }
0x216: {  	[tilespmem:s17], [sflag:$0x2] =	stream.indirect_vreg.gather [hbm4b:s9+s5], $0x80, v17, vm0, $0xb8;
	[tilespmem:$0x1E900] =	vst v63  }
0x217: {  	v17 =	vld [tilespmem:s11+$0x0];
	_ =	sdelay $0x4  }
0x218: {  	v18 =	vshll.u32 v17, $0x1  }
0x219: {  	v17 =	vand.u32 $0x7, v17;
	v18 =	vand.u32 $0xFFFFFFF0, v18  }
0x21a: {  	v17 =	vor.u32 v17, v18  }
0x21b: {  	v18 =	vperm.xlane v17, v2;
	_ =	sdelay $0x1  }
0x21c: {  	v19 =	vperm.xlane v17, v1;
	v18 =	vadd.s32 v3, v18;
	_ =	sdelay $0x1  }
0x21d: {  	v36 =	vperm.xlane v17, v4;
	v19 =	vadd.s32 v3, v19;
	_ =	sdelay $0x1  }
0x21e: {  	s17 =	simm.s32 $0x8900;
	v37 =	vperm.xlane v17, v5;
	v20 =	vadd.s32 v3, v36  }
0x21f: {  	[tilespmem:s17], [sflag:$0x2] =	stream.indirect_vreg.gather [hbm4b:s9+s5], $0x80, v18, vm0, $0xb8;
	[tilespmem:$0x1E900] =	vst v63  }
0x220: {  	v38 =	vperm.xlane v17, v6;
	v18 =	vadd.s32 v3, v37;
	s17 =	simm.s32 $0x8980  }
0x221: {  	[tilespmem:s17], [sflag:$0x2] =	stream.indirect_vreg.gather [hbm4b:s9+s5], $0x80, v19, vm0, $0xb8;
	[tilespmem:$0x1E900] =	vst v63  }
0x222: {  	v39 =	vperm.xlane v17, v7;
	v19 =	vadd.s32 v3, v38;
	s17 =	simm.s32 $0x8A00  }
0x223: {  	[tilespmem:s17], [sflag:$0x2] =	stream.indirect_vreg.gather [hbm4b:s9+s5], $0x80, v20, vm0, $0xb8;
	[tilespmem:$0x1E900] =	vst v63  }
0x224: {  	v41 =	vperm.xlane v17, v8;
	v40 =	vadd.s32 v3, v39;
	s17 =	simm.s32 $0x8A80  }
0x225: {  	[tilespmem:s17], [sflag:$0x2] =	stream.indirect_vreg.gather [hbm4b:s9+s5], $0x80, v18, vm0, $0xb8;
	[tilespmem:$0x1E900] =	vst v63  }
0x226: {  	v42 =	vperm.xlane v17, v0;
	v18 =	vadd.s32 v3, v41;
	s17 =	simm.s32 $0x8B00  }
0x227: {  	[tilespmem:s17], [sflag:$0x2] =	stream.indirect_vreg.gather [hbm4b:s9+s5], $0x80, v19, vm0, $0xb8;
	[tilespmem:$0x1E900] =	vst v63  }
0x228: {  	v43 =	vperm.xlane v17, v9;
	v19 =	vadd.s32 v3, v42;
	s17 =	simm.s32 $0x8B80  }
0x229: {  	[tilespmem:s17], [sflag:$0x2] =	stream.indirect_vreg.gather [hbm4b:s9+s5], $0x80, v40, vm0, $0xb8;
	[tilespmem:$0x1E900] =	vst v63  }
0x22a: {  	v45 =	vperm.xlane v17, v10;
	v44 =	vadd.s32 v3, v43;
	s17 =	simm.s32 $0x8C00  }
0x22b: {  	[tilespmem:s17], [sflag:$0x2] =	stream.indirect_vreg.gather [hbm4b:s9+s5], $0x80, v18, vm0, $0xb8;
	[tilespmem:$0x1E900] =	vst v63  }
0x22c: {  	v46 =	vperm.xlane v17, v11;
	v18 =	vadd.s32 v3, v45;
	s17 =	simm.s32 $0x8C80  }
0x22d: {  	[tilespmem:s17], [sflag:$0x2] =	stream.indirect_vreg.gather [hbm4b:s9+s5], $0x80, v19, vm0, $0xb8;
	[tilespmem:$0x1E900] =	vst v63  }
0x22e: {  	v47 =	vperm.xlane v17, v12;
	v19 =	vadd.s32 v3, v46;
	s17 =	simm.s32 $0x8D00  }
0x22f: {  	[tilespmem:s17], [sflag:$0x2] =	stream.indirect_vreg.gather [hbm4b:s9+s5], $0x80, v44, vm0, $0xb8;
	[tilespmem:$0x1E900] =	vst v63  }
0x230: {  	v49 =	vperm.xlane v17, v13;
	v48 =	vadd.s32 v3, v47;
	s17 =	simm.s32 $0x8D80  }
0x231: {  	[tilespmem:s17], [sflag:$0x2] =	stream.indirect_vreg.gather [hbm4b:s9+s5], $0x80, v18, vm0, $0xb8;
	[tilespmem:$0x1E900] =	vst v63  }
0x232: {  	v50 =	vperm.xlane v17, v14;
	v18 =	vadd.s32 v3, v49;
	s17 =	simm.s32 $0x8E00  }
0x233: {  	[tilespmem:s17], [sflag:$0x2] =	stream.indirect_vreg.gather [hbm4b:s9+s5], $0x80, v19, vm0, $0xb8;
	[tilespmem:$0x1E900] =	vst v63  }
0x234: {  	v51 =	vperm.xlane v17, v15;
	v19 =	vadd.s32 v3, v50;
	s17 =	simm.s32 $0x8E80  }
0x235: {  	[tilespmem:s17], [sflag:$0x2] =	stream.indirect_vreg.gather [hbm4b:s9+s5], $0x80, v48, vm0, $0xb8;
	[tilespmem:$0x1E900] =	vst v63  }
0x236: {  	v17 =	vperm.xlane v17, v16;
	v52 =	vadd.s32 v3, v51;
	s17 =	simm.s32 $0x8F00  }
0x237: {  	[tilespmem:s17], [sflag:$0x2] =	stream.indirect_vreg.gather [hbm4b:s9+s5], $0x80, v18, vm0, $0xb8;
	[tilespmem:$0x1E900] =	vst v63  }
0x238: {  	v17 =	vadd.s32 v3, v17;
	s17 =	simm.s32 $0x8F80  }
0x239: {  	[tilespmem:s17], [sflag:$0x2] =	stream.indirect_vreg.gather [hbm4b:s9+s5], $0x80, v19, vm0, $0xb8;
	[tilespmem:$0x1E900] =	vst v63  }
0x23a: {  	s17 =	simm.s32 $0x9000  }
0x23b: {  	[tilespmem:s17], [sflag:$0x2] =	stream.indirect_vreg.gather [hbm4b:s9+s5], $0x80, v52, vm0, $0xb8;
	[tilespmem:$0x1E900] =	vst v63  }
0x23c: {  	s17 =	simm.s32 $0x9080  }
0x23d: {  	[tilespmem:s17], [sflag:$0x2] =	stream.indirect_vreg.gather [hbm4b:s9+s5], $0x80, v17, vm0, $0xb8;
	[tilespmem:$0x1E900] =	vst v63  }
0x23e: {  	v17 =	vld [tilespmem:s11+$0x10];
	_ =	sdelay $0x4  }
0x23f: {  	v18 =	vshll.u32 v17, $0x1  }
0x240: {  	v17 =	vand.u32 $0x7, v17;
	v18 =	vand.u32 $0xFFFFFFF0, v18  }
0x241: {  	v17 =	vor.u32 v17, v18  }
0x242: {  	v18 =	vperm.xlane v17, v2;
	_ =	sdelay $0x1  }
0x243: {  	v19 =	vperm.xlane v17, v1;
	v18 =	vadd.s32 v3, v18;
	_ =	sdelay $0x1  }
0x244: {  	v53 =	vperm.xlane v17, v4;
	v19 =	vadd.s32 v3, v19;
	_ =	sdelay $0x1  }
0x245: {  	s17 =	simm.s32 $0x9100;
	v54 =	vperm.xlane v17, v5;
	v20 =	vadd.s32 v3, v53  }
0x246: {  	[tilespmem:s17], [sflag:$0x2] =	stream.indirect_vreg.gather [hbm4b:s9+s5], $0x80, v18, vm0, $0xb8;
	[tilespmem:$0x1E900] =	vst v63  }
0x247: {  	v55 =	vperm.xlane v17, v6;
	v18 =	vadd.s32 v3, v54;
	s17 =	simm.s32 $0x9180  }
0x248: {  	[tilespmem:s17], [sflag:$0x2] =	stream.indirect_vreg.gather [hbm4b:s9+s5], $0x80, v19, vm0, $0xb8;
	[tilespmem:$0x1E900] =	vst v63  }
0x249: {  	v56 =	vperm.xlane v17, v7;
	v19 =	vadd.s32 v3, v55;
	s17 =	simm.s32 $0x9200  }
0x24a: {  	[tilespmem:s17], [sflag:$0x2] =	stream.indirect_vreg.gather [hbm4b:s9+s5], $0x80, v20, vm0, $0xb8;
	[tilespmem:$0x1E900] =	vst v63  }
0x24b: {  	v58 =	vperm.xlane v17, v8;
	v57 =	vadd.s32 v3, v56;
	s17 =	simm.s32 $0x9280  }
0x24c: {  	[tilespmem:s17], [sflag:$0x2] =	stream.indirect_vreg.gather [hbm4b:s9+s5], $0x80, v18, vm0, $0xb8;
	[tilespmem:$0x1E900] =	vst v63  }
0x24d: {  	v59 =	vperm.xlane v17, v0;
	v18 =	vadd.s32 v3, v58;
	s17 =	simm.s32 $0x9300  }
0x24e: {  	[tilespmem:s17], [sflag:$0x2] =	stream.indirect_vreg.gather [hbm4b:s9+s5], $0x80, v19, vm0, $0xb8;
	[tilespmem:$0x1E900] =	vst v63  }
0x24f: {  	v60 =	vperm.xlane v17, v9;
	v19 =	vadd.s32 v3, v59;
	s17 =	simm.s32 $0x9380  }
0x250: {  	[tilespmem:s17], [sflag:$0x2] =	stream.indirect_vreg.gather [hbm4b:s9+s5], $0x80, v57, vm0, $0xb8;
	[tilespmem:$0x1E900] =	vst v63  }
0x251: {  	v62 =	vperm.xlane v17, v10;
	v61 =	vadd.s32 v3, v60;
	s17 =	simm.s32 $0x9400  }
0x252: {  	[tilespmem:s17], [sflag:$0x2] =	stream.indirect_vreg.gather [hbm4b:s9+s5], $0x80, v18, vm0, $0xb8;
	[tilespmem:$0x1E900] =	vst v63  }
0x253: {  	v63 =	vperm.xlane v17, v11;
	v18 =	vadd.s32 v3, v62;
	s17 =	simm.s32 $0x9480  }
0x254: {  	[tilespmem:s17], [sflag:$0x2] =	stream.indirect_vreg.gather [hbm4b:s9+s5], $0x80, v19, vm0, $0xb8;
	[tilespmem:$0x1E900] =	vst v63  }
0x255: {  	v24 =	vperm.xlane v17, v12;
	v19 =	vadd.s32 v3, v63;
	s17 =	simm.s32 $0x9500  }
0x256: {  	[tilespmem:s17], [sflag:$0x2] =	stream.indirect_vreg.gather [hbm4b:s9+s5], $0x80, v61, vm0, $0xb8;
	[tilespmem:$0x1E900] =	vst v63  }
0x257: {  	v26 =	vperm.xlane v17, v13;
	v25 =	vadd.s32 v3, v24;
	s17 =	simm.s32 $0x9580  }
0x258: {  	[tilespmem:s17], [sflag:$0x2] =	stream.indirect_vreg.gather [hbm4b:s9+s5], $0x80, v18, vm0, $0xb8;
	[tilespmem:$0x1E900] =	vst v63  }
0x259: {  	v27 =	vperm.xlane v17, v14;
	v18 =	vadd.s32 v3, v26;
	s17 =	simm.s32 $0x9600  }
0x25a: {  	[tilespmem:s17], [sflag:$0x2] =	stream.indirect_vreg.gather [hbm4b:s9+s5], $0x80, v19, vm0, $0xb8;
	[tilespmem:$0x1E900] =	vst v63  }
0x25b: {  	v28 =	vperm.xlane v17, v15;
	v19 =	vadd.s32 v3, v27;
	s17 =	simm.s32 $0x9680  }
0x25c: {  	[tilespmem:s17], [sflag:$0x2] =	stream.indirect_vreg.gather [hbm4b:s9+s5], $0x80, v25, vm0, $0xb8;
	[tilespmem:$0x1E900] =	vst v63  }
0x25d: {  	v17 =	vperm.xlane v17, v16;
	v29 =	vadd.s32 v3, v28;
	s17 =	simm.s32 $0x9700  }
0x25e: {  	[tilespmem:s17], [sflag:$0x2] =	stream.indirect_vreg.gather [hbm4b:s9+s5], $0x80, v18, vm0, $0xb8;
	[tilespmem:$0x1E900] =	vst v63  }
0x25f: {  	v17 =	vadd.s32 v3, v17;
	s17 =	simm.s32 $0x9780  }
0x260: {  	[tilespmem:s17], [sflag:$0x2] =	stream.indirect_vreg.gather [hbm4b:s9+s5], $0x80, v19, vm0, $0xb8;
	[tilespmem:$0x1E900] =	vst v63  }
0x261: {  	s17 =	simm.s32 $0x9800  }
0x262: {  	[tilespmem:s17], [sflag:$0x2] =	stream.indirect_vreg.gather [hbm4b:s9+s5], $0x80, v29, vm0, $0xb8;
	[tilespmem:$0x1E900] =	vst v63  }
0x263: {  	s17 =	simm.s32 $0x9880  }
0x264: {  	[tilespmem:s17], [sflag:$0x2] =	stream.indirect_vreg.gather [hbm4b:s9+s5], $0x80, v17, vm0, $0xb8;
	[tilespmem:$0x1E900] =	vst v63  }
0x265: {  	v17 =	vld [tilespmem:s11+$0x20];
	_ =	sdelay $0x4  }
0x266: {  	v18 =	vshll.u32 v17, $0x1  }
0x267: {  	v17 =	vand.u32 $0x7, v17;
	v18 =	vand.u32 $0xFFFFFFF0, v18  }
0x268: {  	v17 =	vor.u32 v17, v18  }
0x269: {  	v18 =	vperm.xlane v17, v2;
	_ =	sdelay $0x1  }
0x26a: {  	v19 =	vperm.xlane v17, v1;
	v18 =	vadd.s32 v3, v18;
	_ =	sdelay $0x1  }
0x26b: {  	v30 =	vperm.xlane v17, v4;
	v19 =	vadd.s32 v3, v19;
	_ =	sdelay $0x1  }
0x26c: {  	s17 =	simm.s32 $0x9900;
	v31 =	vperm.xlane v17, v5;
	v20 =	vadd.s32 v3, v30  }
0x26d: {  	[tilespmem:s17], [sflag:$0x2] =	stream.indirect_vreg.gather [hbm4b:s9+s5], $0x80, v18, vm0, $0xb8;
	[tilespmem:$0x1E900] =	vst v63  }
0x26e: {  	v32 =	vperm.xlane v17, v6;
	v18 =	vadd.s32 v3, v31;
	s17 =	simm.s32 $0x9980  }
0x26f: {  	[tilespmem:s17], [sflag:$0x2] =	stream.indirect_vreg.gather [hbm4b:s9+s5], $0x80, v19, vm0, $0xb8;
	[tilespmem:$0x1E900] =	vst v63  }
0x270: {  	v33 =	vperm.xlane v17, v7;
	v19 =	vadd.s32 v3, v32;
	s17 =	simm.s32 $0x9A00  }
0x271: {  	[tilespmem:s17], [sflag:$0x2] =	stream.indirect_vreg.gather [hbm4b:s9+s5], $0x80, v20, vm0, $0xb8;
	[tilespmem:$0x1E900] =	vst v63  }
0x272: {  	v35 =	vperm.xlane v17, v8;
	v34 =	vadd.s32 v3, v33;
	s17 =	simm.s32 $0x9A80  }
0x273: {  	[tilespmem:s17], [sflag:$0x2] =	stream.indirect_vreg.gather [hbm4b:s9+s5], $0x80, v18, vm0, $0xb8;
	[tilespmem:$0x1E900] =	vst v63  }
0x274: {  	v36 =	vperm.xlane v17, v0;
	v18 =	vadd.s32 v3, v35;
	s17 =	simm.s32 $0x9B00  }
0x275: {  	[tilespmem:s17], [sflag:$0x2] =	stream.indirect_vreg.gather [hbm4b:s9+s5], $0x80, v19, vm0, $0xb8;
	[tilespmem:$0x1E900] =	vst v63  }
0x276: {  	v37 =	vperm.xlane v17, v9;
	v19 =	vadd.s32 v3, v36;
	s17 =	simm.s32 $0x9B80  }
0x277: {  	[tilespmem:s17], [sflag:$0x2] =	stream.indirect_vreg.gather [hbm4b:s9+s5], $0x80, v34, vm0, $0xb8;
	[tilespmem:$0x1E900] =	vst v63  }
0x278: {  	v39 =	vperm.xlane v17, v10;
	v38 =	vadd.s32 v3, v37;
	s17 =	simm.s32 $0x9C00  }
0x279: {  	[tilespmem:s17], [sflag:$0x2] =	stream.indirect_vreg.gather [hbm4b:s9+s5], $0x80, v18, vm0, $0xb8;
	[tilespmem:$0x1E900] =	vst v63  }
0x27a: {  	v40 =	vperm.xlane v17, v11;
	v18 =	vadd.s32 v3, v39;
	s17 =	simm.s32 $0x9C80  }
0x27b: {  	[tilespmem:s17], [sflag:$0x2] =	stream.indirect_vreg.gather [hbm4b:s9+s5], $0x80, v19, vm0, $0xb8;
	[tilespmem:$0x1E900] =	vst v63  }
0x27c: {  	v41 =	vperm.xlane v17, v12;
	v19 =	vadd.s32 v3, v40;
	s17 =	simm.s32 $0x9D00  }
0x27d: {  	[tilespmem:s17], [sflag:$0x2] =	stream.indirect_vreg.gather [hbm4b:s9+s5], $0x80, v38, vm0, $0xb8;
	[tilespmem:$0x1E900] =	vst v63  }
0x27e: {  	v43 =	vperm.xlane v17, v13;
	v42 =	vadd.s32 v3, v41;
	s17 =	simm.s32 $0x9D80  }
0x27f: {  	[tilespmem:s17], [sflag:$0x2] =	stream.indirect_vreg.gather [hbm4b:s9+s5], $0x80, v18, vm0, $0xb8;
	[tilespmem:$0x1E900] =	vst v63  }
0x280: {  	v44 =	vperm.xlane v17, v14;
	v18 =	vadd.s32 v3, v43;
	s17 =	simm.s32 $0x9E00  }
0x281: {  	[tilespmem:s17], [sflag:$0x2] =	stream.indirect_vreg.gather [hbm4b:s9+s5], $0x80, v19, vm0, $0xb8;
	[tilespmem:$0x1E900] =	vst v63  }
0x282: {  	v45 =	vperm.xlane v17, v15;
	v19 =	vadd.s32 v3, v44;
	s17 =	simm.s32 $0x9E80  }
0x283: {  	[tilespmem:s17], [sflag:$0x2] =	stream.indirect_vreg.gather [hbm4b:s9+s5], $0x80, v42, vm0, $0xb8;
	[tilespmem:$0x1E900] =	vst v63  }
0x284: {  	v17 =	vperm.xlane v17, v16;
	v46 =	vadd.s32 v3, v45;
	s17 =	simm.s32 $0x9F00  }
0x285: {  	[tilespmem:s17], [sflag:$0x2] =	stream.indirect_vreg.gather [hbm4b:s9+s5], $0x80, v18, vm0, $0xb8;
	[tilespmem:$0x1E900] =	vst v63  }
0x286: {  	v17 =	vadd.s32 v3, v17;
	s17 =	simm.s32 $0x9F80  }
0x287: {  	[tilespmem:s17], [sflag:$0x2] =	stream.indirect_vreg.gather [hbm4b:s9+s5], $0x80, v19, vm0, $0xb8;
	[tilespmem:$0x1E900] =	vst v63  }
0x288: {  	s17 =	simm.s32 $0xA000  }
0x289: {  	[tilespmem:s17], [sflag:$0x2] =	stream.indirect_vreg.gather [hbm4b:s9+s5], $0x80, v46, vm0, $0xb8;
	[tilespmem:$0x1E900] =	vst v63  }
0x28a: {  	s17 =	simm.s32 $0xA080  }
0x28b: {  	[tilespmem:s17], [sflag:$0x2] =	stream.indirect_vreg.gather [hbm4b:s9+s5], $0x80, v17, vm0, $0xb8;
	[tilespmem:$0x1E900] =	vst v63  }
0x28c: {  	v17 =	vld [tilespmem:s11+$0x30];
	_ =	sdelay $0x4  }
0x28d: {  	v18 =	vshll.u32 v17, $0x1  }
0x28e: {  	v17 =	vand.u32 $0x7, v17;
	v18 =	vand.u32 $0xFFFFFFF0, v18  }
0x28f: {  	v17 =	vor.u32 v17, v18  }
0x290: {  	v18 =	vperm.xlane v17, v2;
	_ =	sdelay $0x1  }
0x291: {  	v19 =	vperm.xlane v17, v1;
	v18 =	vadd.s32 v3, v18;
	_ =	sdelay $0x1  }
0x292: {  	v47 =	vperm.xlane v17, v4;
	v19 =	vadd.s32 v3, v19;
	_ =	sdelay $0x1  }
0x293: {  	s17 =	simm.s32 $0xA100;
	v48 =	vperm.xlane v17, v5;
	v20 =	vadd.s32 v3, v47  }
0x294: {  	[tilespmem:s17], [sflag:$0x2] =	stream.indirect_vreg.gather [hbm4b:s9+s5], $0x80, v18, vm0, $0xb8;
	[tilespmem:$0x1E900] =	vst v63  }
0x295: {  	v49 =	vperm.xlane v17, v6;
	v18 =	vadd.s32 v3, v48;
	s17 =	simm.s32 $0xA180  }
0x296: {  	[tilespmem:s17], [sflag:$0x2] =	stream.indirect_vreg.gather [hbm4b:s9+s5], $0x80, v19, vm0, $0xb8;
	[tilespmem:$0x1E900] =	vst v63  }
0x297: {  	v50 =	vperm.xlane v17, v7;
	v19 =	vadd.s32 v3, v49;
	s17 =	simm.s32 $0xA200  }
0x298: {  	[tilespmem:s17], [sflag:$0x2] =	stream.indirect_vreg.gather [hbm4b:s9+s5], $0x80, v20, vm0, $0xb8;
	[tilespmem:$0x1E900] =	vst v63  }
0x299: {  	v52 =	vperm.xlane v17, v8;
	v51 =	vadd.s32 v3, v50  }
0x29a: {  	[tilespmem:s29], [sflag:$0x2] =	stream.indirect_vreg.gather [hbm4b:s9+s5], $0x80, v18, vm0, $0xb8;
	[tilespmem:$0x1E900] =	vst v63  }
0x29b: {  	v53 =	vperm.xlane v17, v0;
	v18 =	vadd.s32 v3, v52  }
0x29c: {  	[tilespmem:s28], [sflag:$0x2] =	stream.indirect_vreg.gather [hbm4b:s9+s5], $0x80, v19, vm0, $0xb8;
	[tilespmem:$0x1E900] =	vst v63  }
0x29d: {  	v54 =	vperm.xlane v17, v9;
	v19 =	vadd.s32 v3, v53  }
0x29e: {  	[tilespmem:s19], [sflag:$0x2] =	stream.indirect_vreg.gather [hbm4b:s9+s5], $0x80, v51, vm0, $0xb8;
	[tilespmem:$0x1E900] =	vst v63  }
0x29f: {  	v56 =	vperm.xlane v17, v10;
	v55 =	vadd.s32 v3, v54  }
0x2a0: {  	[tilespmem:s25], [sflag:$0x2] =	stream.indirect_vreg.gather [hbm4b:s9+s5], $0x80, v18, vm0, $0xb8;
	[tilespmem:$0x1E900] =	vst v63  }
0x2a1: {  	v57 =	vperm.xlane v17, v11;
	v18 =	vadd.s32 v3, v56  }
0x2a2: {  	[tilespmem:s26], [sflag:$0x2] =	stream.indirect_vreg.gather [hbm4b:s9+s5], $0x80, v19, vm0, $0xb8;
	[tilespmem:$0x1E900] =	vst v63  }
0x2a3: {  	v58 =	vperm.xlane v17, v12;
	v19 =	vadd.s32 v3, v57  }
0x2a4: {  	[tilespmem:s24], [sflag:$0x2] =	stream.indirect_vreg.gather [hbm4b:s9+s5], $0x80, v55, vm0, $0xb8;
	[tilespmem:$0x1E900] =	vst v63  }
0x2a5: {  	v60 =	vperm.xlane v17, v13;
	v59 =	vadd.s32 v3, v58  }
0x2a6: {  	[tilespmem:s22], [sflag:$0x2] =	stream.indirect_vreg.gather [hbm4b:s9+s5], $0x80, v18, vm0, $0xb8;
	[tilespmem:$0x1E900] =	vst v63  }
0x2a7: {  	v61 =	vperm.xlane v17, v14;
	v18 =	vadd.s32 v3, v60  }
0x2a8: {  	[tilespmem:s23], [sflag:$0x2] =	stream.indirect_vreg.gather [hbm4b:s9+s5], $0x80, v19, vm0, $0xb8;
	[tilespmem:$0x1E900] =	vst v63  }
0x2a9: {  	v62 =	vperm.xlane v17, v15;
	v19 =	vadd.s32 v3, v61  }
0x2aa: {  	[tilespmem:s21], [sflag:$0x2] =	stream.indirect_vreg.gather [hbm4b:s9+s5], $0x80, v59, vm0, $0xb8;
	[tilespmem:$0x1E900] =	vst v63  }
0x2ab: {  	v17 =	vperm.xlane v17, v16;
	v63 =	vadd.s32 v3, v62  }
0x2ac: {  	[tilespmem:s20], [sflag:$0x2] =	stream.indirect_vreg.gather [hbm4b:s9+s5], $0x80, v18, vm0, $0xb8;
	[tilespmem:$0x1E900] =	vst v63  }
0x2ad: {  	v17 =	vadd.s32 v3, v17  }
0x2ae: {  	[tilespmem:s18], [sflag:$0x2] =	stream.indirect_vreg.gather [hbm4b:s9+s5], $0x80, v19, vm0, $0xb8;
	[tilespmem:$0x1E900] =	vst v63  }
0x2af: {  	s17 =	simm.s32 $0xA800  }
0x2b0: {  	[tilespmem:s17], [sflag:$0x2] =	stream.indirect_vreg.gather [hbm4b:s9+s5], $0x80, v63, vm0, $0xb8;
	[tilespmem:$0x1E900] =	vst v63  }
0x2b1: {  	_ = 	snop  }
0x2b2: {  	[tilespmem:s1], [sflag:$0x2] =	stream.indirect_vreg.gather [hbm4b:s9+s5], $0x80, v17, vm0, $0xb8;
	[tilespmem:$0x1E900] =	vst v63  }
0x2b3: {  	_ =	swait.ge [sflag:s0], $0x4000  }
0x2b4: {  	[sflag:s0] =	ssyncset.done $0x0  }
0x2b5: {  	[sflag:s0] =	ssyncadd.s32 $0xFFFFC000  }
0x2b6: {  	_ =	swait.ge [sflag:s6], $0x80  }
0x2b7: {  	p0 =	seq.s32 s13, $0x2700;
	[sflag:s6] =	ssyncset.done $0x0  }
.Ltmp4:
0x2b8: {  	[sflag:s6] =	ssyncadd.s32 $0xFFFFFF80;
	(pc) =	sbr.rel @p0 .LBB2_4-.Ltmp4, $4  }
0x2b9: {  	[spmem:s3] =	stream.indirect.scatter.add.f32 [tilespmem:s16], [sflag:$0x5], $0x80, s15, s7, $0xb8;
	[tilespmem:$0x1E900] =	vst v63  }
0x2ba: {  	_ =	swait.ge [sflag:s12], $0x4000  }
0x2bb: {  	[sflag:s12] =	ssyncset.done $0x0  }
0x2bc: {  	[sflag:s12] =	ssyncadd.s32 $0xFFFFC000  }
0x2bd: {  	s14 =	sadd.s32 $0x100, s13  }
0x2be: {  	s17 =	sand.u32 $0x7C00, s14  }
0x2bf: {  	s14 =	sand.u32 $0x300, s14;
	s17 =	sadd.s32 s4, s17  }
0x2c0: {  	s14 =	sor.u32 s14, s17  }
0x2c1: {  	s14 =	sshrl.u32 s14, $0x3  }
0x2c2: {  	s14 =	sadd.s32 s2, s14  }
0x2c3: {  	[tilespmem:s15], [sflag:$0x3] =	stream.linear.gather [hbm4b:s14+s5], $0x80, $0x38;
	[tilespmem:$0x1E900] =	vst v63  }
0x2c4: {  	v17 =	vld [tilespmem:s11+$0x40];
	_ =	sdelay $0x4  }
0x2c5: {  	v18 =	vshll.u32 v17, $0x1  }
0x2c6: {  	v17 =	vand.u32 $0x7, v17;
	v18 =	vand.u32 $0xFFFFFFF0, v18  }
0x2c7: {  	v17 =	vor.u32 v17, v18  }
0x2c8: {  	v18 =	vperm.xlane v17, v2;
	_ =	sdelay $0x1  }
0x2c9: {  	v19 =	vperm.xlane v17, v1;
	v18 =	vadd.s32 v3, v18;
	_ =	sdelay $0x1  }
0x2ca: {  	v20 =	vperm.xlane v17, v4;
	v19 =	vadd.s32 v3, v19;
	_ =	sdelay $0x1  }
0x2cb: {  	v21 =	vperm.xlane v17, v5;
	v20 =	vadd.s32 v3, v20  }
0x2cc: {  	[tilespmem:s16], [sflag:$0x1] =	stream.indirect_vreg.gather [hbm4b:s9+s5], $0x80, v18, vm0, $0xb8;
	[tilespmem:$0x1E900] =	vst v63  }
0x2cd: {  	s17 =	simm.s32 $0x2980;
	v50 =	vperm.xlane v17, v6;
	v18 =	vadd.s32 v3, v21  }
0x2ce: {  	[tilespmem:s17], [sflag:$0x1] =	stream.indirect_vreg.gather [hbm4b:s9+s5], $0x80, v19, vm0, $0xb8;
	[tilespmem:$0x1E900] =	vst v63  }
0x2cf: {  	v51 =	vperm.xlane v17, v7;
	v19 =	vadd.s32 v3, v50;
	s17 =	simm.s32 $0x2A00  }
0x2d0: {  	[tilespmem:s17], [sflag:$0x1] =	stream.indirect_vreg.gather [hbm4b:s9+s5], $0x80, v20, vm0, $0xb8;
	[tilespmem:$0x1E900] =	vst v63  }
0x2d1: {  	v53 =	vperm.xlane v17, v8;
	v52 =	vadd.s32 v3, v51;
	s17 =	simm.s32 $0x2A80  }
0x2d2: {  	[tilespmem:s17], [sflag:$0x1] =	stream.indirect_vreg.gather [hbm4b:s9+s5], $0x80, v18, vm0, $0xb8;
	[tilespmem:$0x1E900] =	vst v63  }
0x2d3: {  	v54 =	vperm.xlane v17, v0;
	v18 =	vadd.s32 v3, v53;
	s17 =	simm.s32 $0x2B00  }
0x2d4: {  	[tilespmem:s17], [sflag:$0x1] =	stream.indirect_vreg.gather [hbm4b:s9+s5], $0x80, v19, vm0, $0xb8;
	[tilespmem:$0x1E900] =	vst v63  }
0x2d5: {  	v55 =	vperm.xlane v17, v9;
	v19 =	vadd.s32 v3, v54;
	s17 =	simm.s32 $0x2B80  }
0x2d6: {  	[tilespmem:s17], [sflag:$0x1] =	stream.indirect_vreg.gather [hbm4b:s9+s5], $0x80, v52, vm0, $0xb8;
	[tilespmem:$0x1E900] =	vst v63  }
0x2d7: {  	v57 =	vperm.xlane v17, v10;
	v56 =	vadd.s32 v3, v55;
	s17 =	simm.s32 $0x2C00  }
0x2d8: {  	[tilespmem:s17], [sflag:$0x1] =	stream.indirect_vreg.gather [hbm4b:s9+s5], $0x80, v18, vm0, $0xb8;
	[tilespmem:$0x1E900] =	vst v63  }
0x2d9: {  	v58 =	vperm.xlane v17, v11;
	v18 =	vadd.s32 v3, v57;
	s17 =	simm.s32 $0x2C80  }
0x2da: {  	[tilespmem:s17], [sflag:$0x1] =	stream.indirect_vreg.gather [hbm4b:s9+s5], $0x80, v19, vm0, $0xb8;
	[tilespmem:$0x1E900] =	vst v63  }
0x2db: {  	v59 =	vperm.xlane v17, v12;
	v19 =	vadd.s32 v3, v58;
	s17 =	simm.s32 $0x2D00  }
0x2dc: {  	[tilespmem:s17], [sflag:$0x1] =	stream.indirect_vreg.gather [hbm4b:s9+s5], $0x80, v56, vm0, $0xb8;
	[tilespmem:$0x1E900] =	vst v63  }
0x2dd: {  	v61 =	vperm.xlane v17, v13;
	v60 =	vadd.s32 v3, v59;
	s17 =	simm.s32 $0x2D80  }
0x2de: {  	[tilespmem:s17], [sflag:$0x1] =	stream.indirect_vreg.gather [hbm4b:s9+s5], $0x80, v18, vm0, $0xb8;
	[tilespmem:$0x1E900] =	vst v63  }
0x2df: {  	v62 =	vperm.xlane v17, v14;
	v18 =	vadd.s32 v3, v61;
	s17 =	simm.s32 $0x2E00  }
0x2e0: {  	[tilespmem:s17], [sflag:$0x1] =	stream.indirect_vreg.gather [hbm4b:s9+s5], $0x80, v19, vm0, $0xb8;
	[tilespmem:$0x1E900] =	vst v63  }
0x2e1: {  	v63 =	vperm.xlane v17, v15;
	v19 =	vadd.s32 v3, v62;
	s17 =	simm.s32 $0x2E80  }
0x2e2: {  	[tilespmem:s17], [sflag:$0x1] =	stream.indirect_vreg.gather [hbm4b:s9+s5], $0x80, v60, vm0, $0xb8;
	[tilespmem:$0x1E900] =	vst v63  }
0x2e3: {  	v17 =	vperm.xlane v17, v16;
	v24 =	vadd.s32 v3, v63;
	s17 =	simm.s32 $0x2F00  }
0x2e4: {  	[tilespmem:s17], [sflag:$0x1] =	stream.indirect_vreg.gather [hbm4b:s9+s5], $0x80, v18, vm0, $0xb8;
	[tilespmem:$0x1E900] =	vst v63  }
0x2e5: {  	v17 =	vadd.s32 v3, v17;
	s17 =	simm.s32 $0x2F80  }
0x2e6: {  	[tilespmem:s17], [sflag:$0x1] =	stream.indirect_vreg.gather [hbm4b:s9+s5], $0x80, v19, vm0, $0xb8;
	[tilespmem:$0x1E900] =	vst v63  }
0x2e7: {  	s17 =	simm.s32 $0x3000  }
0x2e8: {  	[tilespmem:s17], [sflag:$0x1] =	stream.indirect_vreg.gather [hbm4b:s9+s5], $0x80, v24, vm0, $0xb8;
	[tilespmem:$0x1E900] =	vst v63  }
0x2e9: {  	s17 =	simm.s32 $0x3080  }
0x2ea: {  	[tilespmem:s17], [sflag:$0x1] =	stream.indirect_vreg.gather [hbm4b:s9+s5], $0x80, v17, vm0, $0xb8;
	[tilespmem:$0x1E900] =	vst v63  }
0x2eb: {  	v17 =	vld [tilespmem:s11+$0x50];
	_ =	sdelay $0x4  }
0x2ec: {  	v18 =	vshll.u32 v17, $0x1  }
0x2ed: {  	v17 =	vand.u32 $0x7, v17;
	v18 =	vand.u32 $0xFFFFFFF0, v18  }
0x2ee: {  	v17 =	vor.u32 v17, v18  }
0x2ef: {  	v18 =	vperm.xlane v17, v2;
	_ =	sdelay $0x1  }
0x2f0: {  	v19 =	vperm.xlane v17, v1;
	v18 =	vadd.s32 v3, v18;
	_ =	sdelay $0x1  }
0x2f1: {  	v25 =	vperm.xlane v17, v4;
	v19 =	vadd.s32 v3, v19;
	_ =	sdelay $0x1  }
0x2f2: {  	s17 =	simm.s32 $0x3100;
	v26 =	vperm.xlane v17, v5;
	v20 =	vadd.s32 v3, v25  }
0x2f3: {  	[tilespmem:s17], [sflag:$0x1] =	stream.indirect_vreg.gather [hbm4b:s9+s5], $0x80, v18, vm0, $0xb8;
	[tilespmem:$0x1E900] =	vst v63  }
0x2f4: {  	v27 =	vperm.xlane v17, v6;
	v18 =	vadd.s32 v3, v26;
	s17 =	simm.s32 $0x3180  }
0x2f5: {  	[tilespmem:s17], [sflag:$0x1] =	stream.indirect_vreg.gather [hbm4b:s9+s5], $0x80, v19, vm0, $0xb8;
	[tilespmem:$0x1E900] =	vst v63  }
0x2f6: {  	v28 =	vperm.xlane v17, v7;
	v19 =	vadd.s32 v3, v27;
	s17 =	simm.s32 $0x3200  }
0x2f7: {  	[tilespmem:s17], [sflag:$0x1] =	stream.indirect_vreg.gather [hbm4b:s9+s5], $0x80, v20, vm0, $0xb8;
	[tilespmem:$0x1E900] =	vst v63  }
0x2f8: {  	v30 =	vperm.xlane v17, v8;
	v29 =	vadd.s32 v3, v28;
	s17 =	simm.s32 $0x3280  }
0x2f9: {  	[tilespmem:s17], [sflag:$0x1] =	stream.indirect_vreg.gather [hbm4b:s9+s5], $0x80, v18, vm0, $0xb8;
	[tilespmem:$0x1E900] =	vst v63  }
0x2fa: {  	v31 =	vperm.xlane v17, v0;
	v18 =	vadd.s32 v3, v30;
	s17 =	simm.s32 $0x3300  }
0x2fb: {  	[tilespmem:s17], [sflag:$0x1] =	stream.indirect_vreg.gather [hbm4b:s9+s5], $0x80, v19, vm0, $0xb8;
	[tilespmem:$0x1E900] =	vst v63  }
0x2fc: {  	v32 =	vperm.xlane v17, v9;
	v19 =	vadd.s32 v3, v31;
	s17 =	simm.s32 $0x3380  }
0x2fd: {  	[tilespmem:s17], [sflag:$0x1] =	stream.indirect_vreg.gather [hbm4b:s9+s5], $0x80, v29, vm0, $0xb8;
	[tilespmem:$0x1E900] =	vst v63  }
0x2fe: {  	v34 =	vperm.xlane v17, v10;
	v33 =	vadd.s32 v3, v32;
	s17 =	simm.s32 $0x3400  }
0x2ff: {  	[tilespmem:s17], [sflag:$0x1] =	stream.indirect_vreg.gather [hbm4b:s9+s5], $0x80, v18, vm0, $0xb8;
	[tilespmem:$0x1E900] =	vst v63  }
0x300: {  	v35 =	vperm.xlane v17, v11;
	v18 =	vadd.s32 v3, v34;
	s17 =	simm.s32 $0x3480  }
0x301: {  	[tilespmem:s17], [sflag:$0x1] =	stream.indirect_vreg.gather [hbm4b:s9+s5], $0x80, v19, vm0, $0xb8;
	[tilespmem:$0x1E900] =	vst v63  }
0x302: {  	v36 =	vperm.xlane v17, v12;
	v19 =	vadd.s32 v3, v35;
	s17 =	simm.s32 $0x3500  }
0x303: {  	[tilespmem:s17], [sflag:$0x1] =	stream.indirect_vreg.gather [hbm4b:s9+s5], $0x80, v33, vm0, $0xb8;
	[tilespmem:$0x1E900] =	vst v63  }
0x304: {  	v38 =	vperm.xlane v17, v13;
	v37 =	vadd.s32 v3, v36;
	s17 =	simm.s32 $0x3580  }
0x305: {  	[tilespmem:s17], [sflag:$0x1] =	stream.indirect_vreg.gather [hbm4b:s9+s5], $0x80, v18, vm0, $0xb8;
	[tilespmem:$0x1E900] =	vst v63  }
0x306: {  	v39 =	vperm.xlane v17, v14;
	v18 =	vadd.s32 v3, v38;
	s17 =	simm.s32 $0x3600  }
0x307: {  	[tilespmem:s17], [sflag:$0x1] =	stream.indirect_vreg.gather [hbm4b:s9+s5], $0x80, v19, vm0, $0xb8;
	[tilespmem:$0x1E900] =	vst v63  }
0x308: {  	v40 =	vperm.xlane v17, v15;
	v19 =	vadd.s32 v3, v39;
	s17 =	simm.s32 $0x3680  }
0x309: {  	[tilespmem:s17], [sflag:$0x1] =	stream.indirect_vreg.gather [hbm4b:s9+s5], $0x80, v37, vm0, $0xb8;
	[tilespmem:$0x1E900] =	vst v63  }
0x30a: {  	v17 =	vperm.xlane v17, v16;
	v41 =	vadd.s32 v3, v40;
	s17 =	simm.s32 $0x3700  }
0x30b: {  	[tilespmem:s17], [sflag:$0x1] =	stream.indirect_vreg.gather [hbm4b:s9+s5], $0x80, v18, vm0, $0xb8;
	[tilespmem:$0x1E900] =	vst v63  }
0x30c: {  	v17 =	vadd.s32 v3, v17;
	s17 =	simm.s32 $0x3780  }
0x30d: {  	[tilespmem:s17], [sflag:$0x1] =	stream.indirect_vreg.gather [hbm4b:s9+s5], $0x80, v19, vm0, $0xb8;
	[tilespmem:$0x1E900] =	vst v63  }
0x30e: {  	s17 =	simm.s32 $0x3800  }
0x30f: {  	[tilespmem:s17], [sflag:$0x1] =	stream.indirect_vreg.gather [hbm4b:s9+s5], $0x80, v41, vm0, $0xb8;
	[tilespmem:$0x1E900] =	vst v63  }
0x310: {  	s17 =	simm.s32 $0x3880  }
0x311: {  	[tilespmem:s17], [sflag:$0x1] =	stream.indirect_vreg.gather [hbm4b:s9+s5], $0x80, v17, vm0, $0xb8;
	[tilespmem:$0x1E900] =	vst v63  }
0x312: {  	v17 =	vld [tilespmem:s11+$0x60];
	_ =	sdelay $0x4  }
0x313: {  	v18 =	vshll.u32 v17, $0x1  }
0x314: {  	v17 =	vand.u32 $0x7, v17;
	v18 =	vand.u32 $0xFFFFFFF0, v18  }
0x315: {  	v17 =	vor.u32 v17, v18  }
0x316: {  	v18 =	vperm.xlane v17, v2;
	_ =	sdelay $0x1  }
0x317: {  	v19 =	vperm.xlane v17, v1;
	v18 =	vadd.s32 v3, v18;
	_ =	sdelay $0x1  }
0x318: {  	v42 =	vperm.xlane v17, v4;
	v19 =	vadd.s32 v3, v19;
	_ =	sdelay $0x1  }
0x319: {  	s17 =	simm.s32 $0x3900;
	v43 =	vperm.xlane v17, v5;
	v20 =	vadd.s32 v3, v42  }
0x31a: {  	[tilespmem:s17], [sflag:$0x1] =	stream.indirect_vreg.gather [hbm4b:s9+s5], $0x80, v18, vm0, $0xb8;
	[tilespmem:$0x1E900] =	vst v63  }
0x31b: {  	v44 =	vperm.xlane v17, v6;
	v18 =	vadd.s32 v3, v43;
	s17 =	simm.s32 $0x3980  }
0x31c: {  	[tilespmem:s17], [sflag:$0x1] =	stream.indirect_vreg.gather [hbm4b:s9+s5], $0x80, v19, vm0, $0xb8;
	[tilespmem:$0x1E900] =	vst v63  }
0x31d: {  	v45 =	vperm.xlane v17, v7;
	v19 =	vadd.s32 v3, v44;
	s17 =	simm.s32 $0x3A00  }
0x31e: {  	[tilespmem:s17], [sflag:$0x1] =	stream.indirect_vreg.gather [hbm4b:s9+s5], $0x80, v20, vm0, $0xb8;
	[tilespmem:$0x1E900] =	vst v63  }
0x31f: {  	v47 =	vperm.xlane v17, v8;
	v46 =	vadd.s32 v3, v45;
	s17 =	simm.s32 $0x3A80  }
0x320: {  	[tilespmem:s17], [sflag:$0x1] =	stream.indirect_vreg.gather [hbm4b:s9+s5], $0x80, v18, vm0, $0xb8;
	[tilespmem:$0x1E900] =	vst v63  }
0x321: {  	v48 =	vperm.xlane v17, v0;
	v18 =	vadd.s32 v3, v47;
	s17 =	simm.s32 $0x3B00  }
0x322: {  	[tilespmem:s17], [sflag:$0x1] =	stream.indirect_vreg.gather [hbm4b:s9+s5], $0x80, v19, vm0, $0xb8;
	[tilespmem:$0x1E900] =	vst v63  }
0x323: {  	v49 =	vperm.xlane v17, v9;
	v19 =	vadd.s32 v3, v48;
	s17 =	simm.s32 $0x3B80  }
0x324: {  	[tilespmem:s17], [sflag:$0x1] =	stream.indirect_vreg.gather [hbm4b:s9+s5], $0x80, v46, vm0, $0xb8;
	[tilespmem:$0x1E900] =	vst v63  }
0x325: {  	v51 =	vperm.xlane v17, v10;
	v50 =	vadd.s32 v3, v49;
	s17 =	simm.s32 $0x3C00  }
0x326: {  	[tilespmem:s17], [sflag:$0x1] =	stream.indirect_vreg.gather [hbm4b:s9+s5], $0x80, v18, vm0, $0xb8;
	[tilespmem:$0x1E900] =	vst v63  }
0x327: {  	v52 =	vperm.xlane v17, v11;
	v18 =	vadd.s32 v3, v51;
	s17 =	simm.s32 $0x3C80  }
0x328: {  	[tilespmem:s17], [sflag:$0x1] =	stream.indirect_vreg.gather [hbm4b:s9+s5], $0x80, v19, vm0, $0xb8;
	[tilespmem:$0x1E900] =	vst v63  }
0x329: {  	v53 =	vperm.xlane v17, v12;
	v19 =	vadd.s32 v3, v52;
	s17 =	simm.s32 $0x3D00  }
0x32a: {  	[tilespmem:s17], [sflag:$0x1] =	stream.indirect_vreg.gather [hbm4b:s9+s5], $0x80, v50, vm0, $0xb8;
	[tilespmem:$0x1E900] =	vst v63  }
0x32b: {  	v55 =	vperm.xlane v17, v13;
	v54 =	vadd.s32 v3, v53;
	s17 =	simm.s32 $0x3D80  }
0x32c: {  	[tilespmem:s17], [sflag:$0x1] =	stream.indirect_vreg.gather [hbm4b:s9+s5], $0x80, v18, vm0, $0xb8;
	[tilespmem:$0x1E900] =	vst v63  }
0x32d: {  	v56 =	vperm.xlane v17, v14;
	v18 =	vadd.s32 v3, v55;
	s17 =	simm.s32 $0x3E00  }
0x32e: {  	[tilespmem:s17], [sflag:$0x1] =	stream.indirect_vreg.gather [hbm4b:s9+s5], $0x80, v19, vm0, $0xb8;
	[tilespmem:$0x1E900] =	vst v63  }
0x32f: {  	v57 =	vperm.xlane v17, v15;
	v19 =	vadd.s32 v3, v56;
	s17 =	simm.s32 $0x3E80  }
0x330: {  	[tilespmem:s17], [sflag:$0x1] =	stream.indirect_vreg.gather [hbm4b:s9+s5], $0x80, v54, vm0, $0xb8;
	[tilespmem:$0x1E900] =	vst v63  }
0x331: {  	v17 =	vperm.xlane v17, v16;
	v58 =	vadd.s32 v3, v57;
	s17 =	simm.s32 $0x3F00  }
0x332: {  	[tilespmem:s17], [sflag:$0x1] =	stream.indirect_vreg.gather [hbm4b:s9+s5], $0x80, v18, vm0, $0xb8;
	[tilespmem:$0x1E900] =	vst v63  }
0x333: {  	v17 =	vadd.s32 v3, v17;
	s17 =	simm.s32 $0x3F80  }
0x334: {  	[tilespmem:s17], [sflag:$0x1] =	stream.indirect_vreg.gather [hbm4b:s9+s5], $0x80, v19, vm0, $0xb8;
	[tilespmem:$0x1E900] =	vst v63  }
0x335: {  	s17 =	simm.s32 $0x4000  }
0x336: {  	[tilespmem:s17], [sflag:$0x1] =	stream.indirect_vreg.gather [hbm4b:s9+s5], $0x80, v58, vm0, $0xb8;
	[tilespmem:$0x1E900] =	vst v63  }
0x337: {  	s17 =	simm.s32 $0x4080  }
0x338: {  	[tilespmem:s17], [sflag:$0x1] =	stream.indirect_vreg.gather [hbm4b:s9+s5], $0x80, v17, vm0, $0xb8;
	[tilespmem:$0x1E900] =	vst v63  }
0x339: {  	v17 =	vld [tilespmem:s11+$0x70];
	_ =	sdelay $0x4  }
0x33a: {  	v18 =	vshll.u32 v17, $0x1  }
0x33b: {  	v17 =	vand.u32 $0x7, v17;
	v18 =	vand.u32 $0xFFFFFFF0, v18  }
0x33c: {  	v17 =	vor.u32 v17, v18  }
0x33d: {  	v18 =	vperm.xlane v17, v2;
	_ =	sdelay $0x1  }
0x33e: {  	v19 =	vperm.xlane v17, v1;
	v18 =	vadd.s32 v3, v18;
	_ =	sdelay $0x1  }
0x33f: {  	v59 =	vperm.xlane v17, v4;
	v19 =	vadd.s32 v3, v19;
	_ =	sdelay $0x1  }
0x340: {  	s17 =	simm.s32 $0x4100;
	v60 =	vperm.xlane v17, v5;
	v20 =	vadd.s32 v3, v59  }
0x341: {  	[tilespmem:s17], [sflag:$0x1] =	stream.indirect_vreg.gather [hbm4b:s9+s5], $0x80, v18, vm0, $0xb8;
	[tilespmem:$0x1E900] =	vst v63  }
0x342: {  	v61 =	vperm.xlane v17, v6;
	v18 =	vadd.s32 v3, v60;
	s17 =	simm.s32 $0x4180  }
0x343: {  	[tilespmem:s17], [sflag:$0x1] =	stream.indirect_vreg.gather [hbm4b:s9+s5], $0x80, v19, vm0, $0xb8;
	[tilespmem:$0x1E900] =	vst v63  }
0x344: {  	v62 =	vperm.xlane v17, v7;
	v19 =	vadd.s32 v3, v61;
	s17 =	simm.s32 $0x4200  }
0x345: {  	[tilespmem:s17], [sflag:$0x1] =	stream.indirect_vreg.gather [hbm4b:s9+s5], $0x80, v20, vm0, $0xb8;
	[tilespmem:$0x1E900] =	vst v63  }
0x346: {  	v24 =	vperm.xlane v17, v8;
	v63 =	vadd.s32 v3, v62;
	s17 =	simm.s32 $0x4280  }
0x347: {  	[tilespmem:s17], [sflag:$0x1] =	stream.indirect_vreg.gather [hbm4b:s9+s5], $0x80, v18, vm0, $0xb8;
	[tilespmem:$0x1E900] =	vst v63  }
0x348: {  	v25 =	vperm.xlane v17, v0;
	v18 =	vadd.s32 v3, v24;
	s17 =	simm.s32 $0x4300  }
0x349: {  	[tilespmem:s17], [sflag:$0x1] =	stream.indirect_vreg.gather [hbm4b:s9+s5], $0x80, v19, vm0, $0xb8;
	[tilespmem:$0x1E900] =	vst v63  }
0x34a: {  	v26 =	vperm.xlane v17, v9;
	v19 =	vadd.s32 v3, v25;
	s17 =	simm.s32 $0x4380  }
0x34b: {  	[tilespmem:s17], [sflag:$0x1] =	stream.indirect_vreg.gather [hbm4b:s9+s5], $0x80, v63, vm0, $0xb8;
	[tilespmem:$0x1E900] =	vst v63  }
0x34c: {  	v28 =	vperm.xlane v17, v10;
	v27 =	vadd.s32 v3, v26;
	s17 =	simm.s32 $0x4400  }
0x34d: {  	[tilespmem:s17], [sflag:$0x1] =	stream.indirect_vreg.gather [hbm4b:s9+s5], $0x80, v18, vm0, $0xb8;
	[tilespmem:$0x1E900] =	vst v63  }
0x34e: {  	v29 =	vperm.xlane v17, v11;
	v18 =	vadd.s32 v3, v28;
	s17 =	simm.s32 $0x4480  }
0x34f: {  	[tilespmem:s17], [sflag:$0x1] =	stream.indirect_vreg.gather [hbm4b:s9+s5], $0x80, v19, vm0, $0xb8;
	[tilespmem:$0x1E900] =	vst v63  }
0x350: {  	v30 =	vperm.xlane v17, v12;
	v19 =	vadd.s32 v3, v29;
	s17 =	simm.s32 $0x4500  }
0x351: {  	[tilespmem:s17], [sflag:$0x1] =	stream.indirect_vreg.gather [hbm4b:s9+s5], $0x80, v27, vm0, $0xb8;
	[tilespmem:$0x1E900] =	vst v63  }
0x352: {  	v32 =	vperm.xlane v17, v13;
	v31 =	vadd.s32 v3, v30;
	s17 =	simm.s32 $0x4580  }
0x353: {  	[tilespmem:s17], [sflag:$0x1] =	stream.indirect_vreg.gather [hbm4b:s9+s5], $0x80, v18, vm0, $0xb8;
	[tilespmem:$0x1E900] =	vst v63  }
0x354: {  	v33 =	vperm.xlane v17, v14;
	v18 =	vadd.s32 v3, v32;
	s17 =	simm.s32 $0x4600  }
0x355: {  	[tilespmem:s17], [sflag:$0x1] =	stream.indirect_vreg.gather [hbm4b:s9+s5], $0x80, v19, vm0, $0xb8;
	[tilespmem:$0x1E900] =	vst v63  }
0x356: {  	v34 =	vperm.xlane v17, v15;
	v19 =	vadd.s32 v3, v33;
	s17 =	simm.s32 $0x4680  }
0x357: {  	[tilespmem:s17], [sflag:$0x1] =	stream.indirect_vreg.gather [hbm4b:s9+s5], $0x80, v31, vm0, $0xb8;
	[tilespmem:$0x1E900] =	vst v63  }
0x358: {  	v17 =	vperm.xlane v17, v16;
	v35 =	vadd.s32 v3, v34;
	s17 =	simm.s32 $0x4700  }
0x359: {  	[tilespmem:s17], [sflag:$0x1] =	stream.indirect_vreg.gather [hbm4b:s9+s5], $0x80, v18, vm0, $0xb8;
	[tilespmem:$0x1E900] =	vst v63  }
0x35a: {  	v17 =	vadd.s32 v3, v17;
	s17 =	simm.s32 $0x4780  }
0x35b: {  	[tilespmem:s17], [sflag:$0x1] =	stream.indirect_vreg.gather [hbm4b:s9+s5], $0x80, v19, vm0, $0xb8;
	[tilespmem:$0x1E900] =	vst v63  }
0x35c: {  	s17 =	simm.s32 $0x4800  }
0x35d: {  	[tilespmem:s17], [sflag:$0x1] =	stream.indirect_vreg.gather [hbm4b:s9+s5], $0x80, v35, vm0, $0xb8;
	[tilespmem:$0x1E900] =	vst v63  }
0x35e: {  	s17 =	simm.s32 $0x4880  }
0x35f: {  	[tilespmem:s17], [sflag:$0x1] =	stream.indirect_vreg.gather [hbm4b:s9+s5], $0x80, v17, vm0, $0xb8;
	[tilespmem:$0x1E900] =	vst v63  }
0x360: {  	v17 =	vld [tilespmem:s11+$0x80];
	_ =	sdelay $0x4  }
0x361: {  	v18 =	vshll.u32 v17, $0x1  }
0x362: {  	v17 =	vand.u32 $0x7, v17;
	v18 =	vand.u32 $0xFFFFFFF0, v18  }
0x363: {  	v17 =	vor.u32 v17, v18  }
0x364: {  	v18 =	vperm.xlane v17, v2;
	_ =	sdelay $0x1  }
0x365: {  	v19 =	vperm.xlane v17, v1;
	v18 =	vadd.s32 v3, v18;
	_ =	sdelay $0x1  }
0x366: {  	v36 =	vperm.xlane v17, v4;
	v19 =	vadd.s32 v3, v19;
	_ =	sdelay $0x1  }
0x367: {  	s17 =	simm.s32 $0x4900;
	v37 =	vperm.xlane v17, v5;
	v20 =	vadd.s32 v3, v36  }
0x368: {  	[tilespmem:s17], [sflag:$0x1] =	stream.indirect_vreg.gather [hbm4b:s9+s5], $0x80, v18, vm0, $0xb8;
	[tilespmem:$0x1E900] =	vst v63  }
0x369: {  	v38 =	vperm.xlane v17, v6;
	v18 =	vadd.s32 v3, v37;
	s17 =	simm.s32 $0x4980  }
0x36a: {  	[tilespmem:s17], [sflag:$0x1] =	stream.indirect_vreg.gather [hbm4b:s9+s5], $0x80, v19, vm0, $0xb8;
	[tilespmem:$0x1E900] =	vst v63  }
0x36b: {  	v39 =	vperm.xlane v17, v7;
	v19 =	vadd.s32 v3, v38;
	s17 =	simm.s32 $0x4A00  }
0x36c: {  	[tilespmem:s17], [sflag:$0x1] =	stream.indirect_vreg.gather [hbm4b:s9+s5], $0x80, v20, vm0, $0xb8;
	[tilespmem:$0x1E900] =	vst v63  }
0x36d: {  	v41 =	vperm.xlane v17, v8;
	v40 =	vadd.s32 v3, v39;
	s17 =	simm.s32 $0x4A80  }
0x36e: {  	[tilespmem:s17], [sflag:$0x1] =	stream.indirect_vreg.gather [hbm4b:s9+s5], $0x80, v18, vm0, $0xb8;
	[tilespmem:$0x1E900] =	vst v63  }
0x36f: {  	v42 =	vperm.xlane v17, v0;
	v18 =	vadd.s32 v3, v41;
	s17 =	simm.s32 $0x4B00  }
0x370: {  	[tilespmem:s17], [sflag:$0x1] =	stream.indirect_vreg.gather [hbm4b:s9+s5], $0x80, v19, vm0, $0xb8;
	[tilespmem:$0x1E900] =	vst v63  }
0x371: {  	v43 =	vperm.xlane v17, v9;
	v19 =	vadd.s32 v3, v42;
	s17 =	simm.s32 $0x4B80  }
0x372: {  	[tilespmem:s17], [sflag:$0x1] =	stream.indirect_vreg.gather [hbm4b:s9+s5], $0x80, v40, vm0, $0xb8;
	[tilespmem:$0x1E900] =	vst v63  }
0x373: {  	v45 =	vperm.xlane v17, v10;
	v44 =	vadd.s32 v3, v43;
	s17 =	simm.s32 $0x4C00  }
0x374: {  	[tilespmem:s17], [sflag:$0x1] =	stream.indirect_vreg.gather [hbm4b:s9+s5], $0x80, v18, vm0, $0xb8;
	[tilespmem:$0x1E900] =	vst v63  }
0x375: {  	v46 =	vperm.xlane v17, v11;
	v18 =	vadd.s32 v3, v45;
	s17 =	simm.s32 $0x4C80  }
0x376: {  	[tilespmem:s17], [sflag:$0x1] =	stream.indirect_vreg.gather [hbm4b:s9+s5], $0x80, v19, vm0, $0xb8;
	[tilespmem:$0x1E900] =	vst v63  }
0x377: {  	v47 =	vperm.xlane v17, v12;
	v19 =	vadd.s32 v3, v46;
	s17 =	simm.s32 $0x4D00  }
0x378: {  	[tilespmem:s17], [sflag:$0x1] =	stream.indirect_vreg.gather [hbm4b:s9+s5], $0x80, v44, vm0, $0xb8;
	[tilespmem:$0x1E900] =	vst v63  }
0x379: {  	v49 =	vperm.xlane v17, v13;
	v48 =	vadd.s32 v3, v47;
	s17 =	simm.s32 $0x4D80  }
0x37a: {  	[tilespmem:s17], [sflag:$0x1] =	stream.indirect_vreg.gather [hbm4b:s9+s5], $0x80, v18, vm0, $0xb8;
	[tilespmem:$0x1E900] =	vst v63  }
0x37b: {  	v50 =	vperm.xlane v17, v14;
	v18 =	vadd.s32 v3, v49;
	s17 =	simm.s32 $0x4E00  }
0x37c: {  	[tilespmem:s17], [sflag:$0x1] =	stream.indirect_vreg.gather [hbm4b:s9+s5], $0x80, v19, vm0, $0xb8;
	[tilespmem:$0x1E900] =	vst v63  }
0x37d: {  	v51 =	vperm.xlane v17, v15;
	v19 =	vadd.s32 v3, v50;
	s17 =	simm.s32 $0x4E80  }
0x37e: {  	[tilespmem:s17], [sflag:$0x1] =	stream.indirect_vreg.gather [hbm4b:s9+s5], $0x80, v48, vm0, $0xb8;
	[tilespmem:$0x1E900] =	vst v63  }
0x37f: {  	v17 =	vperm.xlane v17, v16;
	v52 =	vadd.s32 v3, v51;
	s17 =	simm.s32 $0x4F00  }
0x380: {  	[tilespmem:s17], [sflag:$0x1] =	stream.indirect_vreg.gather [hbm4b:s9+s5], $0x80, v18, vm0, $0xb8;
	[tilespmem:$0x1E900] =	vst v63  }
0x381: {  	v17 =	vadd.s32 v3, v17;
	s17 =	simm.s32 $0x4F80  }
0x382: {  	[tilespmem:s17], [sflag:$0x1] =	stream.indirect_vreg.gather [hbm4b:s9+s5], $0x80, v19, vm0, $0xb8;
	[tilespmem:$0x1E900] =	vst v63  }
0x383: {  	s17 =	simm.s32 $0x5000  }
0x384: {  	[tilespmem:s17], [sflag:$0x1] =	stream.indirect_vreg.gather [hbm4b:s9+s5], $0x80, v52, vm0, $0xb8;
	[tilespmem:$0x1E900] =	vst v63  }
0x385: {  	s17 =	simm.s32 $0x5080  }
0x386: {  	[tilespmem:s17], [sflag:$0x1] =	stream.indirect_vreg.gather [hbm4b:s9+s5], $0x80, v17, vm0, $0xb8;
	[tilespmem:$0x1E900] =	vst v63  }
0x387: {  	v17 =	vld [tilespmem:s11+$0x90];
	_ =	sdelay $0x4  }
0x388: {  	v18 =	vshll.u32 v17, $0x1  }
0x389: {  	v17 =	vand.u32 $0x7, v17;
	v18 =	vand.u32 $0xFFFFFFF0, v18  }
0x38a: {  	v17 =	vor.u32 v17, v18  }
0x38b: {  	v18 =	vperm.xlane v17, v2;
	_ =	sdelay $0x1  }
0x38c: {  	v19 =	vperm.xlane v17, v1;
	v18 =	vadd.s32 v3, v18;
	_ =	sdelay $0x1  }
0x38d: {  	v53 =	vperm.xlane v17, v4;
	v19 =	vadd.s32 v3, v19;
	_ =	sdelay $0x1  }
0x38e: {  	s17 =	simm.s32 $0x5100;
	v54 =	vperm.xlane v17, v5;
	v20 =	vadd.s32 v3, v53  }
0x38f: {  	[tilespmem:s17], [sflag:$0x1] =	stream.indirect_vreg.gather [hbm4b:s9+s5], $0x80, v18, vm0, $0xb8;
	[tilespmem:$0x1E900] =	vst v63  }
0x390: {  	v55 =	vperm.xlane v17, v6;
	v18 =	vadd.s32 v3, v54;
	s17 =	simm.s32 $0x5180  }
0x391: {  	[tilespmem:s17], [sflag:$0x1] =	stream.indirect_vreg.gather [hbm4b:s9+s5], $0x80, v19, vm0, $0xb8;
	[tilespmem:$0x1E900] =	vst v63  }
0x392: {  	v56 =	vperm.xlane v17, v7;
	v19 =	vadd.s32 v3, v55;
	s17 =	simm.s32 $0x5200  }
0x393: {  	[tilespmem:s17], [sflag:$0x1] =	stream.indirect_vreg.gather [hbm4b:s9+s5], $0x80, v20, vm0, $0xb8;
	[tilespmem:$0x1E900] =	vst v63  }
0x394: {  	v58 =	vperm.xlane v17, v8;
	v57 =	vadd.s32 v3, v56;
	s17 =	simm.s32 $0x5280  }
0x395: {  	[tilespmem:s17], [sflag:$0x1] =	stream.indirect_vreg.gather [hbm4b:s9+s5], $0x80, v18, vm0, $0xb8;
	[tilespmem:$0x1E900] =	vst v63  }
0x396: {  	v59 =	vperm.xlane v17, v0;
	v18 =	vadd.s32 v3, v58;
	s17 =	simm.s32 $0x5300  }
0x397: {  	[tilespmem:s17], [sflag:$0x1] =	stream.indirect_vreg.gather [hbm4b:s9+s5], $0x80, v19, vm0, $0xb8;
	[tilespmem:$0x1E900] =	vst v63  }
0x398: {  	v60 =	vperm.xlane v17, v9;
	v19 =	vadd.s32 v3, v59;
	s17 =	simm.s32 $0x5380  }
0x399: {  	[tilespmem:s17], [sflag:$0x1] =	stream.indirect_vreg.gather [hbm4b:s9+s5], $0x80, v57, vm0, $0xb8;
	[tilespmem:$0x1E900] =	vst v63  }
0x39a: {  	v62 =	vperm.xlane v17, v10;
	v61 =	vadd.s32 v3, v60;
	s17 =	simm.s32 $0x5400  }
0x39b: {  	[tilespmem:s17], [sflag:$0x1] =	stream.indirect_vreg.gather [hbm4b:s9+s5], $0x80, v18, vm0, $0xb8;
	[tilespmem:$0x1E900] =	vst v63  }
0x39c: {  	v63 =	vperm.xlane v17, v11;
	v18 =	vadd.s32 v3, v62;
	s17 =	simm.s32 $0x5480  }
0x39d: {  	[tilespmem:s17], [sflag:$0x1] =	stream.indirect_vreg.gather [hbm4b:s9+s5], $0x80, v19, vm0, $0xb8;
	[tilespmem:$0x1E900] =	vst v63  }
0x39e: {  	v24 =	vperm.xlane v17, v12;
	v19 =	vadd.s32 v3, v63;
	s17 =	simm.s32 $0x5500  }
0x39f: {  	[tilespmem:s17], [sflag:$0x1] =	stream.indirect_vreg.gather [hbm4b:s9+s5], $0x80, v61, vm0, $0xb8;
	[tilespmem:$0x1E900] =	vst v63  }
0x3a0: {  	v26 =	vperm.xlane v17, v13;
	v25 =	vadd.s32 v3, v24;
	s17 =	simm.s32 $0x5580  }
0x3a1: {  	[tilespmem:s17], [sflag:$0x1] =	stream.indirect_vreg.gather [hbm4b:s9+s5], $0x80, v18, vm0, $0xb8;
	[tilespmem:$0x1E900] =	vst v63  }
0x3a2: {  	v27 =	vperm.xlane v17, v14;
	v18 =	vadd.s32 v3, v26;
	s17 =	simm.s32 $0x5600  }
0x3a3: {  	[tilespmem:s17], [sflag:$0x1] =	stream.indirect_vreg.gather [hbm4b:s9+s5], $0x80, v19, vm0, $0xb8;
	[tilespmem:$0x1E900] =	vst v63  }
0x3a4: {  	v28 =	vperm.xlane v17, v15;
	v19 =	vadd.s32 v3, v27;
	s17 =	simm.s32 $0x5680  }
0x3a5: {  	[tilespmem:s17], [sflag:$0x1] =	stream.indirect_vreg.gather [hbm4b:s9+s5], $0x80, v25, vm0, $0xb8;
	[tilespmem:$0x1E900] =	vst v63  }
0x3a6: {  	v17 =	vperm.xlane v17, v16;
	v29 =	vadd.s32 v3, v28;
	s17 =	simm.s32 $0x5700  }
0x3a7: {  	[tilespmem:s17], [sflag:$0x1] =	stream.indirect_vreg.gather [hbm4b:s9+s5], $0x80, v18, vm0, $0xb8;
	[tilespmem:$0x1E900] =	vst v63  }
0x3a8: {  	v17 =	vadd.s32 v3, v17;
	s17 =	simm.s32 $0x5780  }
0x3a9: {  	[tilespmem:s17], [sflag:$0x1] =	stream.indirect_vreg.gather [hbm4b:s9+s5], $0x80, v19, vm0, $0xb8;
	[tilespmem:$0x1E900] =	vst v63  }
0x3aa: {  	s17 =	simm.s32 $0x5800  }
0x3ab: {  	[tilespmem:s17], [sflag:$0x1] =	stream.indirect_vreg.gather [hbm4b:s9+s5], $0x80, v29, vm0, $0xb8;
	[tilespmem:$0x1E900] =	vst v63  }
0x3ac: {  	s17 =	simm.s32 $0x5880  }
0x3ad: {  	[tilespmem:s17], [sflag:$0x1] =	stream.indirect_vreg.gather [hbm4b:s9+s5], $0x80, v17, vm0, $0xb8;
	[tilespmem:$0x1E900] =	vst v63  }
0x3ae: {  	v17 =	vld [tilespmem:s11+$0xA0];
	_ =	sdelay $0x4  }
0x3af: {  	v18 =	vshll.u32 v17, $0x1  }
0x3b0: {  	v17 =	vand.u32 $0x7, v17;
	v18 =	vand.u32 $0xFFFFFFF0, v18  }
0x3b1: {  	v17 =	vor.u32 v17, v18  }
0x3b2: {  	v18 =	vperm.xlane v17, v2;
	_ =	sdelay $0x1  }
0x3b3: {  	v19 =	vperm.xlane v17, v1;
	v18 =	vadd.s32 v3, v18;
	_ =	sdelay $0x1  }
0x3b4: {  	v30 =	vperm.xlane v17, v4;
	v19 =	vadd.s32 v3, v19;
	_ =	sdelay $0x1  }
0x3b5: {  	s17 =	simm.s32 $0x5900;
	v31 =	vperm.xlane v17, v5;
	v20 =	vadd.s32 v3, v30  }
0x3b6: {  	[tilespmem:s17], [sflag:$0x1] =	stream.indirect_vreg.gather [hbm4b:s9+s5], $0x80, v18, vm0, $0xb8;
	[tilespmem:$0x1E900] =	vst v63  }
0x3b7: {  	v32 =	vperm.xlane v17, v6;
	v18 =	vadd.s32 v3, v31;
	s17 =	simm.s32 $0x5980  }
0x3b8: {  	[tilespmem:s17], [sflag:$0x1] =	stream.indirect_vreg.gather [hbm4b:s9+s5], $0x80, v19, vm0, $0xb8;
	[tilespmem:$0x1E900] =	vst v63  }
0x3b9: {  	v33 =	vperm.xlane v17, v7;
	v19 =	vadd.s32 v3, v32;
	s17 =	simm.s32 $0x5A00  }
0x3ba: {  	[tilespmem:s17], [sflag:$0x1] =	stream.indirect_vreg.gather [hbm4b:s9+s5], $0x80, v20, vm0, $0xb8;
	[tilespmem:$0x1E900] =	vst v63  }
0x3bb: {  	v35 =	vperm.xlane v17, v8;
	v34 =	vadd.s32 v3, v33;
	s17 =	simm.s32 $0x5A80  }
0x3bc: {  	[tilespmem:s17], [sflag:$0x1] =	stream.indirect_vreg.gather [hbm4b:s9+s5], $0x80, v18, vm0, $0xb8;
	[tilespmem:$0x1E900] =	vst v63  }
0x3bd: {  	v36 =	vperm.xlane v17, v0;
	v18 =	vadd.s32 v3, v35;
	s17 =	simm.s32 $0x5B00  }
0x3be: {  	[tilespmem:s17], [sflag:$0x1] =	stream.indirect_vreg.gather [hbm4b:s9+s5], $0x80, v19, vm0, $0xb8;
	[tilespmem:$0x1E900] =	vst v63  }
0x3bf: {  	v37 =	vperm.xlane v17, v9;
	v19 =	vadd.s32 v3, v36;
	s17 =	simm.s32 $0x5B80  }
0x3c0: {  	[tilespmem:s17], [sflag:$0x1] =	stream.indirect_vreg.gather [hbm4b:s9+s5], $0x80, v34, vm0, $0xb8;
	[tilespmem:$0x1E900] =	vst v63  }
0x3c1: {  	v39 =	vperm.xlane v17, v10;
	v38 =	vadd.s32 v3, v37;
	s17 =	simm.s32 $0x5C00  }
0x3c2: {  	[tilespmem:s17], [sflag:$0x1] =	stream.indirect_vreg.gather [hbm4b:s9+s5], $0x80, v18, vm0, $0xb8;
	[tilespmem:$0x1E900] =	vst v63  }
0x3c3: {  	v40 =	vperm.xlane v17, v11;
	v18 =	vadd.s32 v3, v39;
	s17 =	simm.s32 $0x5C80  }
0x3c4: {  	[tilespmem:s17], [sflag:$0x1] =	stream.indirect_vreg.gather [hbm4b:s9+s5], $0x80, v19, vm0, $0xb8;
	[tilespmem:$0x1E900] =	vst v63  }
0x3c5: {  	v41 =	vperm.xlane v17, v12;
	v19 =	vadd.s32 v3, v40;
	s17 =	simm.s32 $0x5D00  }
0x3c6: {  	[tilespmem:s17], [sflag:$0x1] =	stream.indirect_vreg.gather [hbm4b:s9+s5], $0x80, v38, vm0, $0xb8;
	[tilespmem:$0x1E900] =	vst v63  }
0x3c7: {  	v43 =	vperm.xlane v17, v13;
	v42 =	vadd.s32 v3, v41;
	s17 =	simm.s32 $0x5D80  }
0x3c8: {  	[tilespmem:s17], [sflag:$0x1] =	stream.indirect_vreg.gather [hbm4b:s9+s5], $0x80, v18, vm0, $0xb8;
	[tilespmem:$0x1E900] =	vst v63  }
0x3c9: {  	v44 =	vperm.xlane v17, v14;
	v18 =	vadd.s32 v3, v43;
	s17 =	simm.s32 $0x5E00  }
0x3ca: {  	[tilespmem:s17], [sflag:$0x1] =	stream.indirect_vreg.gather [hbm4b:s9+s5], $0x80, v19, vm0, $0xb8;
	[tilespmem:$0x1E900] =	vst v63  }
0x3cb: {  	v45 =	vperm.xlane v17, v15;
	v19 =	vadd.s32 v3, v44;
	s17 =	simm.s32 $0x5E80  }
0x3cc: {  	[tilespmem:s17], [sflag:$0x1] =	stream.indirect_vreg.gather [hbm4b:s9+s5], $0x80, v42, vm0, $0xb8;
	[tilespmem:$0x1E900] =	vst v63  }
0x3cd: {  	v17 =	vperm.xlane v17, v16;
	v46 =	vadd.s32 v3, v45;
	s17 =	simm.s32 $0x5F00  }
0x3ce: {  	[tilespmem:s17], [sflag:$0x1] =	stream.indirect_vreg.gather [hbm4b:s9+s5], $0x80, v18, vm0, $0xb8;
	[tilespmem:$0x1E900] =	vst v63  }
0x3cf: {  	v17 =	vadd.s32 v3, v17;
	s17 =	simm.s32 $0x5F80  }
0x3d0: {  	[tilespmem:s17], [sflag:$0x1] =	stream.indirect_vreg.gather [hbm4b:s9+s5], $0x80, v19, vm0, $0xb8;
	[tilespmem:$0x1E900] =	vst v63  }
0x3d1: {  	s17 =	simm.s32 $0x6000  }
0x3d2: {  	[tilespmem:s17], [sflag:$0x1] =	stream.indirect_vreg.gather [hbm4b:s9+s5], $0x80, v46, vm0, $0xb8;
	[tilespmem:$0x1E900] =	vst v63  }
0x3d3: {  	s17 =	simm.s32 $0x6080  }
0x3d4: {  	[tilespmem:s17], [sflag:$0x1] =	stream.indirect_vreg.gather [hbm4b:s9+s5], $0x80, v17, vm0, $0xb8;
	[tilespmem:$0x1E900] =	vst v63  }
0x3d5: {  	v17 =	vld [tilespmem:s11+$0xB0];
	_ =	sdelay $0x4  }
0x3d6: {  	v18 =	vshll.u32 v17, $0x1  }
0x3d7: {  	v17 =	vand.u32 $0x7, v17;
	v18 =	vand.u32 $0xFFFFFFF0, v18  }
0x3d8: {  	v17 =	vor.u32 v17, v18  }
0x3d9: {  	v18 =	vperm.xlane v17, v2;
	_ =	sdelay $0x1  }
0x3da: {  	v19 =	vperm.xlane v17, v1;
	v18 =	vadd.s32 v3, v18;
	_ =	sdelay $0x1  }
0x3db: {  	v47 =	vperm.xlane v17, v4;
	v19 =	vadd.s32 v3, v19;
	_ =	sdelay $0x1  }
0x3dc: {  	s17 =	simm.s32 $0x6100;
	v48 =	vperm.xlane v17, v5;
	v20 =	vadd.s32 v3, v47  }
0x3dd: {  	[tilespmem:s17], [sflag:$0x1] =	stream.indirect_vreg.gather [hbm4b:s9+s5], $0x80, v18, vm0, $0xb8;
	[tilespmem:$0x1E900] =	vst v63  }
0x3de: {  	v49 =	vperm.xlane v17, v6;
	v18 =	vadd.s32 v3, v48;
	s17 =	simm.s32 $0x6180  }
0x3df: {  	[tilespmem:s17], [sflag:$0x1] =	stream.indirect_vreg.gather [hbm4b:s9+s5], $0x80, v19, vm0, $0xb8;
	[tilespmem:$0x1E900] =	vst v63  }
0x3e0: {  	v50 =	vperm.xlane v17, v7;
	v19 =	vadd.s32 v3, v49;
	s17 =	simm.s32 $0x6200  }
0x3e1: {  	[tilespmem:s17], [sflag:$0x1] =	stream.indirect_vreg.gather [hbm4b:s9+s5], $0x80, v20, vm0, $0xb8;
	[tilespmem:$0x1E900] =	vst v63  }
0x3e2: {  	v52 =	vperm.xlane v17, v8;
	v51 =	vadd.s32 v3, v50;
	s17 =	simm.s32 $0x6280  }
0x3e3: {  	[tilespmem:s17], [sflag:$0x1] =	stream.indirect_vreg.gather [hbm4b:s9+s5], $0x80, v18, vm0, $0xb8;
	[tilespmem:$0x1E900] =	vst v63  }
0x3e4: {  	v53 =	vperm.xlane v17, v0;
	v18 =	vadd.s32 v3, v52;
	s17 =	simm.s32 $0x6300  }
0x3e5: {  	[tilespmem:s17], [sflag:$0x1] =	stream.indirect_vreg.gather [hbm4b:s9+s5], $0x80, v19, vm0, $0xb8;
	[tilespmem:$0x1E900] =	vst v63  }
0x3e6: {  	v54 =	vperm.xlane v17, v9;
	v19 =	vadd.s32 v3, v53;
	s17 =	simm.s32 $0x6380  }
0x3e7: {  	[tilespmem:s17], [sflag:$0x1] =	stream.indirect_vreg.gather [hbm4b:s9+s5], $0x80, v51, vm0, $0xb8;
	[tilespmem:$0x1E900] =	vst v63  }
0x3e8: {  	v56 =	vperm.xlane v17, v10;
	v55 =	vadd.s32 v3, v54;
	s17 =	simm.s32 $0x6400  }
0x3e9: {  	[tilespmem:s17], [sflag:$0x1] =	stream.indirect_vreg.gather [hbm4b:s9+s5], $0x80, v18, vm0, $0xb8;
	[tilespmem:$0x1E900] =	vst v63  }
0x3ea: {  	v57 =	vperm.xlane v17, v11;
	v18 =	vadd.s32 v3, v56;
	s17 =	simm.s32 $0x6480  }
0x3eb: {  	[tilespmem:s17], [sflag:$0x1] =	stream.indirect_vreg.gather [hbm4b:s9+s5], $0x80, v19, vm0, $0xb8;
	[tilespmem:$0x1E900] =	vst v63  }
0x3ec: {  	v58 =	vperm.xlane v17, v12;
	v19 =	vadd.s32 v3, v57;
	s17 =	simm.s32 $0x6500  }
0x3ed: {  	[tilespmem:s17], [sflag:$0x1] =	stream.indirect_vreg.gather [hbm4b:s9+s5], $0x80, v55, vm0, $0xb8;
	[tilespmem:$0x1E900] =	vst v63  }
0x3ee: {  	v60 =	vperm.xlane v17, v13;
	v59 =	vadd.s32 v3, v58;
	s17 =	simm.s32 $0x6580  }
0x3ef: {  	[tilespmem:s17], [sflag:$0x1] =	stream.indirect_vreg.gather [hbm4b:s9+s5], $0x80, v18, vm0, $0xb8;
	[tilespmem:$0x1E900] =	vst v63  }
0x3f0: {  	v61 =	vperm.xlane v17, v14;
	v18 =	vadd.s32 v3, v60;
	s17 =	simm.s32 $0x6600  }
0x3f1: {  	[tilespmem:s17], [sflag:$0x1] =	stream.indirect_vreg.gather [hbm4b:s9+s5], $0x80, v19, vm0, $0xb8;
	[tilespmem:$0x1E900] =	vst v63  }
0x3f2: {  	v19 =	vadd.s32 v3, v61;
	s17 =	simm.s32 $0x6680  }
0x3f3: {  	v62 =	vperm.xlane v17, v15;
	[tilespmem:s17], [sflag:$0x1] =	stream.indirect_vreg.gather [hbm4b:s9+s5], $0x80, v59, vm0, $0xb8;
	[tilespmem:$0x1E900] =	vst v63  }
0x3f4: {  	s17 =	simm.s32 $0x6700  }
0x3f5: {  	v17 =	vperm.xlane v17, v16;
	v63 =	vadd.s32 v3, v62;
	[tilespmem:s17], [sflag:$0x1] =	stream.indirect_vreg.gather [hbm4b:s9+s5], $0x80, v18, vm0, $0xb8;
	[tilespmem:$0x1E900] =	vst v63  }
0x3f6: {  	s17 =	simm.s32 $0x6780  }
0x3f7: {  	v17 =	vadd.s32 v3, v17;
	[tilespmem:s17], [sflag:$0x1] =	stream.indirect_vreg.gather [hbm4b:s9+s5], $0x80, v19, vm0, $0xb8;
	[tilespmem:$0x1E900] =	vst v63  }
.Ltmp5:
0x3f8: {  	_ = 	snop;
	(pc) =	sbr.rel .LBB2_4-.Ltmp5, $4  }
0x3f9: {  	s17 =	simm.s32 $0x6800  }
0x3fa: {  	[tilespmem:s17], [sflag:$0x1] =	stream.indirect_vreg.gather [hbm4b:s9+s5], $0x80, v63, vm0, $0xb8;
	[tilespmem:$0x1E900] =	vst v63  }
0x3fb: {  	s17 =	simm.s32 $0x6880  }
0x3fc: {  	[tilespmem:s17], [sflag:$0x1] =	stream.indirect_vreg.gather [hbm4b:s9+s5], $0x80, v17, vm0, $0xb8;
	[tilespmem:$0x1E900] =	vst v63  }
.LBB2_6:
0x3fd: {  	_ =	sfence.sel $0x180000  }
0x3fe: {  	[bflag:$0x0] =	sbarrier.arrive $0xFFFF  }
0x3ff: {  	_ =	strace $0x9000004D  }
0x400: {  	s0 =	stileid.u32;
	[bflag:$0x2] =	sbarrier.arrive $0xFFFF  }
0x401: {  	p0 =	sne.s32 s0, $0x0;
	s0 =	rddreg [dreg:$0x3]  }
0x402: {  	s0 =	sadd.s32 @!p0 $0x100000, s0  }
0x403: {  	[sflag:s0] =	ssyncadd.tile.s32 @!p0 $0x1;
	_ =	shalt  }
.Lfunc_end2:
_tile_overlayer_lowered:
.L_overlay_start_2:
0x404: {  	(tag) =	ssettag $0x2  }
0x405: {  	s0 =	rddreg [dreg:$0x0];
	s2 =	stileid.u32  }
0x406: {  	s1 =	rddreg [dreg:$0x1];
	p0 =	sne.s32 s2, $0x0  }
0x407: {  	s3 =	rddreg [dreg:$0x2];
	[bflag:$0x3] =	sbarrier.arrive $0xFFFF;
	s2 =	simm.s32 @!p0 $0x1C05  }
0x408: {  	[timem:s3], [sflag:s2] =	dma.local @!p0 [hbm:s0], s1  }
0x409: {  	s0 =	simm.s32 @!p0 $0x5  }
0x40a: {  	_ =	swait.ge @!p0 [sflag:s0], s1  }
0x40b: {  	s1 =	ssub.s32 @!p0 $0x0, s1;
	[sflag:s0] =	ssyncset.done @!p0 $0x0  }
0x40c: {  	[sflag:s0] =	ssyncadd.s32 @!p0 s1  }
0x40d: {  	[bflag:$0x3] =	sbarrier.arrive $0xFFFF  }
0x40e: {  	_ =	shalt  }

// kernel: kernel.9.cloned.1.call-start
scs
__scs_entry_jumppad:
0x0: {  	(pc) =	sbr.rel $0x88, $3  }
0x1: {  	(tag) =	ssettag $0x0;
	lr =	simm.s32 $0x1  }
0x2: {  	[smem:$0x3F9B] =	sst lr;
	_ =	strace $0xD0000000  }
0x3: {  	_ = 	snop  }
0x4: {  	_ = 	snop  }
0x5: {  	_ = 	snop  }
0x6: {  	_ = 	snop  }
0x7: {  	_ = 	snop  }
__scs_overlays_trampoline_lowered:
0x8: {  	[smem:$0x3FAA] =	sst s0  }
0x9: {  	[smem:$0x3FAB] =	sst s1  }
0xa: {  	[smem:$0x3FAC] =	sst s2  }
0xb: {  	[smem:$0x3FAD] =	sst s3  }
0xc: {  	[smem:$0x3FAE] =	sst s4  }
0xd: {  	[smem:$0x3FAF] =	sst s5  }
0xe: {  	[smem:$0x3FB0] =	sst s6  }
0xf: {  	[smem:$0x3FB1] =	sst s7  }
0x10: {  	[smem:$0x3FB2] =	sst s8  }
0x11: {  	[smem:$0x3FB3] =	sst s9;
	s0 =	simm.s32 @!p0 $0x0  }
0x12: {  	s1 =	sld [smem:$0x3F99];
	s0 =	simm.s32 @p0 $0x1  }
0x13: {  	[smem:$0x3FB4] =	sst s0;
	s0 =	simm.s32 @!p1 $0x0  }
0x14: {  	s2 =	sld [smem:$0x3F98];
	s0 =	simm.s32 @p1 $0x1  }
0x15: {  	[smem:$0x3FB5] =	sst s0;
	s0 =	simm.s32 @!p2 $0x0  }
0x16: {  	s3 =	sld [smem:$0x3FDB];
	s0 =	simm.s32 @p2 $0x1  }
0x17: {  	s4 =	simm.s32 $0x1BF5;
	[smem:$0x3FB7] =	sst s0  }
0x18: {  	s0 =	sld [smem:$0x3F9A];
	_ =	swait.ge [sflag:s4], $0x0  }
0x19: {  	s7 =	sld [smem:$0x3F9B]  }
0x1a: {  	s8 =	sadd.s32 $0xFFFFE003, lr  }
0x1b: {  	s9 =	sadd.s32 $0xFFFFFEF7, lr;
	s5 =	simm.s32 $0xFFFFFFFF;
	p2 =	slt.u32 s8, $0xFFFFF086  }
0x1c: {  	p1 =	slt.u32 s9, $0xF7A;
	s5 =	simm.s32 @!p2 $0x0  }
0x1d: {  	s5 =	simm.s32 @p1 $0x1;
	p0 =	seq.s32 s7, s2  }
0x1e: {  	s7 =	smul.u32 @!p0 $0xF7A, s2;
	p2 =	seq.s32 @!p0 s5, $0x0  }
0x1f: {  	s9 =	smul.u32 $0xF7A, s1;
	s8 =	simm.s32 @!p0 $0x1BF5;
	p2 =	por !p2, p0  }
0x20: {  	[sflag:s8] =	ssyncset.s32 @!p0 $0xFFFFF086;
	s6 =	sadd.s32 @!p0 s3, s7;
	s7 =	simm.s32 @!p0 $0x108  }
0x21: {  	s3 =	sadd.s32 s3, s9;
	s6 =	sadd.s32 @!p0 $0x88, s6;
	s7 =	simm.s32 @p2 $0x1082  }
0x22: {  	[simem:s7], [sflag:s8] =	dma.local @!p0 [hbm:s6], $0xF7A  }
0x23: {  	s9 =	sor.u32 $0xD0000000, s2;
	s6 =	simm.s32 $0x108;
	_ =	swait.ge @!p0 [sflag:s8], $0x0  }
0x24: {  	s3 =	sadd.s32 $0x88, s3;
	s6 =	simm.s32 @!p1 $0x1082;
	[sflag:s4] =	ssyncset.s32 $0xFFFFF086  }
0x25: {  	[simem:s6], [sflag:s4] =	dma.local [hbm:s3], $0xF7A  }
0x26: {  	[smem:$0x3F9B] =	sst s1;
	(tag) =	ssettag s2;
	_ =	strace s9  }
0x27: {  	s1 =	sld [smem:$0x3FAB]  }
0x28: {  	s2 =	sld [smem:$0x3FAC]  }
0x29: {  	s4 =	sld [smem:$0x3FAE]  }
0x2a: {  	p0 =	seq.s32 s5, $0x0;
	s5 =	sld [smem:$0x3FAF]  }
0x2b: {  	s6 =	sld [smem:$0x3FB0]  }
0x2c: {  	s7 =	sld [smem:$0x3FB1]  }
0x2d: {  	s3 =	simm.s32 $0x108;
	s8 =	sld [smem:$0x3FB2]  }
0x2e: {  	s3 =	simm.s32 @!p0 $0x1082;
	s9 =	sld [smem:$0x3FB3]  }
0x2f: {  	lr =	sadd.s32 s0, s3;
	s0 =	sld [smem:$0x3FAA]  }
0x30: {  	s3 =	sld [smem:$0x3FAD]  }
0x31: {  	[smem:$0x3FB6] =	sst s10  }
0x32: {  	s10 =	sld [smem:$0x3FB4];
	_ =	sdelay $0x3  }
0x33: {  	p0 =	seq.s32 s10, $0x1;
	s10 =	sld [smem:$0x3FB6];
	_ =	sdelay $0x3  }
0x34: {  	[smem:$0x3FB6] =	sst s10  }
0x35: {  	s10 =	sld [smem:$0x3FB5];
	_ =	sdelay $0x3  }
0x36: {  	p1 =	seq.s32 s10, $0x1;
	s10 =	sld [smem:$0x3FB6];
	_ =	sdelay $0x3  }
0x37: {  	[smem:$0x3FB6] =	sst s10  }
0x38: {  	s10 =	sld [smem:$0x3FB7]  }
0x39: {  	_ = 	snop;
	(pc) =	sbr.ind lr, $3  }
0x3a: {  	_ = 	snop  }
0x3b: {  	_ = 	snop  }
0x3c: {  	p2 =	seq.s32 s10, $0x1;
	s10 =	sld [smem:$0x3FB6]  }
0x3d: {  	_ =	shalt  }
0x3e: {  	_ =	shalt  }
0x3f: {  	_ =	shalt  }
0x40: {  	_ =	shalt  }
0x41: {  	_ =	shalt  }
0x42: {  	_ =	shalt  }
0x43: {  	_ =	shalt  }
0x44: {  	_ =	shalt  }
0x45: {  	_ =	shalt  }
0x46: {  	_ =	shalt  }
0x47: {  	_ =	shalt  }
0x48: {  	_ =	shalt  }
0x49: {  	_ =	shalt  }
0x4a: {  	_ =	shalt  }
0x4b: {  	_ =	shalt  }
0x4c: {  	_ =	shalt  }
0x4d: {  	_ =	shalt  }
0x4e: {  	_ =	shalt  }
0x4f: {  	_ =	shalt  }
0x50: {  	_ =	shalt  }
0x51: {  	_ =	shalt  }
0x52: {  	_ =	shalt  }
0x53: {  	_ =	shalt  }
0x54: {  	_ =	shalt  }
0x55: {  	_ =	shalt  }
0x56: {  	_ =	shalt  }
0x57: {  	_ =	shalt  }
0x58: {  	_ =	shalt  }
0x59: {  	_ =	shalt  }
0x5a: {  	_ =	shalt  }
0x5b: {  	_ =	shalt  }
0x5c: {  	_ =	shalt  }
0x5d: {  	_ =	shalt  }
0x5e: {  	_ =	shalt  }
0x5f: {  	_ =	shalt  }
0x60: {  	_ =	shalt  }
0x61: {  	_ =	shalt  }
0x62: {  	_ =	shalt  }
0x63: {  	_ =	shalt  }
0x64: {  	_ =	shalt  }
0x65: {  	_ =	shalt  }
0x66: {  	_ =	shalt  }
0x67: {  	_ =	shalt  }
0x68: {  	_ =	shalt  }
0x69: {  	_ =	shalt  }
0x6a: {  	_ =	shalt  }
0x6b: {  	_ =	shalt  }
0x6c: {  	_ =	shalt  }
0x6d: {  	_ =	shalt  }
0x6e: {  	_ =	shalt  }
0x6f: {  	_ =	shalt  }
0x70: {  	_ =	shalt  }
0x71: {  	_ =	shalt  }
0x72: {  	_ =	shalt  }
0x73: {  	_ =	shalt  }
0x74: {  	_ =	shalt  }
0x75: {  	_ =	shalt  }
0x76: {  	_ =	shalt  }
0x77: {  	_ =	shalt  }
0x78: {  	_ =	shalt  }
0x79: {  	_ =	shalt  }
0x7a: {  	_ =	shalt  }
0x7b: {  	_ =	shalt  }
0x7c: {  	_ =	shalt  }
0x7d: {  	_ =	shalt  }
0x7e: {  	_ =	shalt  }
0x7f: {  	_ =	shalt  }
0x80: {  	_ =	shalt  }
0x81: {  	_ =	shalt  }
0x82: {  	_ =	shalt  }
0x83: {  	_ =	shalt  }
0x84: {  	_ =	shalt  }
0x85: {  	_ =	shalt  }
0x86: {  	_ =	shalt  }
0x87: {  	_ =	shalt  }
.Lfunc_end0:
.L_simem_size_0:
called_computation_lowered:
.L_overlay_start_0:
0x88: {  	s2 =	sld [smem:$0x3FD9]  }
0x89: {  	s3 =	sld [smem:$0x3FFE];
	_ =	sdelay $0x1  }
0x8a: {  	s1 =	srdreg.scid  }
0x8b: {  	s0 =	sand.u32 $0x1, s1  }
0x8c: {  	s17 =	sshll.u32 s0, $0xA;
	s2 =	sadd.s32 s3, s2  }
0x8d: {  	s2 =	sadd.s32 s2, s17  }
0x8e: {  	[smem:$0x3FC2] =	sst s2  }
0x8f: {  	_ = 	snop  }
0x90: {  	s2 =	sld [smem:$0x3FD0];
	(tm) =	ssettm $0x1  }
0x91: {  	s18 =	sld [smem:$0x3FFB];
	_ =	sdelay $0x3  }
0x92: {  	_ =	strace s18  }
0x93: {  	s3 =	sld [smem:$0x3FFC];
	_ =	sdelay $0x3  }
0x94: {  	_ =	strace s3  }
0x95: {  	s3 =	sld [smem:$0x3FFD];
	_ =	sdelay $0x3  }
0x96: {  	_ =	strace s3  }
0x97: {  	_ =	strace $0x8FFFFFFF  }
0x98: {  	s19 =	sld [smem:$0x3FDB];
	_ =	sdelay $0x1  }
0x99: {  	s4 =	simm.s32 $_scs_section_size  }
0x9a: {  	s5 =	simm.s32 $_size__tile_overlayer_lowered;
	s6 =	simm.s32 $_tile_overlayer_lowered  }
0x9b: {  	s22 =	simm.s32 $0x1BFF;
	s21 =	sshll.u32 s6, $0x1;
	s3 =	sadd.s32 s4, s19  }
0x9c: {  	s7 =	simm.s32 $0x0;
	s20 =	sshll.u32 s5, $0x1;
	s5 =	sadd.s32 s21, s3  }
0x9d: {  	[timem:s7], [sflag:s22] =	dma.local [hbm:s5], s20  }
0x9e: {  	_ =	swait.ge [sflag:s22], s20  }
0x9f: {  	s4 =	ssub.s32 $0x0, s20;
	[sflag:s22] =	ssyncset.done $0x0  }
0xa0: {  	[sflag:s22] =	ssyncadd.s32 s4;
	_ =	sdelay $0x1  }
0xa1: {  	s23 =	simm.s32 $0x1B8B  }
0xa2: {  	_ =	swait.ge [sflag:s23], $0x1  }
0xa3: {  	[sflag:s23] =	ssyncset.done $0x0  }
0xa4: {  	s25 =	simm.s32 $0x1B8E;
	s24 =	sld [smem:$0x3FFE];
	[sflag:s23] =	ssyncadd.s32 $0xFFFFFFFF  }
0xa5: {  	s26 =	simm.s32 $execute0_lowered;
	[smem:$0x3FD2] =	sst s25  }
0xa6: {  	s5 =	sshll.u32 s26, $0x1;
	_ =	strace $0x80000046;
	[dreg:$0x1] =	wrdreg $0xFFFFFFFF  }
0xa7: {  	s28 =	simm.s32 $_size_execute0_lowered;
	s3 =	sadd.s32 s3, s5;
	[dreg:$0x0] =	wrdreg $0x0  }
0xa8: {  	s5 =	sshll.u32 s28, $0x1;
	[dreg:$0x2] =	wrdreg s3  }
0xa9: {  	[dreg:$0x3] =	wrdreg s5  }
0xaa: {  	[dreg:$0x4] =	wrdreg $0xC0  }
0xab: {  	_ =	task [dreg:s7], $0x5FFFF  }
0xac: {  	[dreg:$0x1] =	wrdreg $0xFFFFFFFF  }
0xad: {  	[dreg:$0x0] =	wrdreg $0x60  }
0xae: {  	[dreg:$0x2] =	wrdreg s24  }
0xaf: {  	[dreg:$0x3] =	wrdreg s2  }
0xb0: {  	[dreg:$0x4] =	wrdreg $0x29000  }
0xb1: {  	[dreg:$0x5] =	wrdreg $0x2B800  }
0xb2: {  	[dreg:$0x6] =	wrdreg $0x9  }
0xb3: {  	_ =	task.clear_ibuf [dreg:s7], $0x7FFFF;
	_ =	strace $0x90000046  }
0xb4: {  	s29 =	simm.s32 $0x9;
	_ =	strace $0x80000048  }
0xb5: {  	_ =	swait.ge [sflag:s29], $0x1  }
0xb6: {  	[sflag:s29] =	ssyncadd.s32 $0xFFFFFFFF  }
0xb7: {  	_ =	strace $0x90000048  }
0xb8: {  	_ =	sfence  }
0xb9: {  	s30 =	sld [smem:$0x0];
	_ =	sdelay $0x2  }
0xba: {  	s31 =	sshll.u32 s1, $0xD;
	s1 =	sshrl.u32 s1, $0x2  }
0xbb: {  	s3 =	sand.u32 $0x4000, s31;
	s1 =	sadd.s32 s1, s30  }
0xbc: {  	s0 =	sor.u32 s3, s0;
	s1 =	sshll.u32 s1, $0x11  }
0xbd: {  	s0 =	sor.u32 s1, s0  }
0xbe: {  	s0 =	sadd.s32 $0x8F2B, s0  }
0xbf: {  	[sflag:s0] =	ssyncadd.remote.s32 $0x1  }
0xc0: {  	_ =	sfence.sel $0xFFFF  }
0xc1: {  	[dreg:$0x0] =	wrdreg $0xFFFFFFFF;
	(pc) =	sbr.abs _section_cstart, $3  }
0xc2: {  	[dreg:$0x1] =	wrdreg $0xFFFFFFFF  }
0xc3: {  	_ =	task.clear_ibuf [dreg:s7], $0x2FFFF;
	_ =	strace $0x9FFFFFFF  }
0xc4: {  	(tm) =	ssettm $0x7FFFFFFF  }
0xc5: {  	_ =	shalt  }
tec
execute0_lowered:
.L_overlay_start_1:
0x0: {  	(tag) =	ssettag $0x1  }
0x1: {  	s9 =	rddreg [dreg:$0x0]  }
0x2: {  	s0 =	srdreg.scid;
	s10 =	rddreg [dreg:$0x1]  }
0x3: {  	s4 =	simm.s32 $0x1;
	s3 =	rddreg [dreg:$0x3];
	s6 =	simm.s32 $0x1400  }
0x4: {  	s18 =	simm.s32 $0x2880;
	s19 =	simm.s32 $0x20;
	s20 =	simm.s32 $0x10  }
0x5: {  	s21 =	simm.s32 $0x0;
	s8 =	sand.u32 $0x1, s0;
	s0 =	stileid.u32  }
0x6: {  	s1 =	sshll.u32 s8, $0x4;
	s2 =	sand.u32 $0x1, s0;
	s7 =	smul.u32 $0x500, s0  }
0x7: {  	s12 =	sshll.u32 s8, $0x7;
	s8 =	ssub.s32 $0x2, s8;
	s14 =	smul.u32 $0x280, s0  }
0x8: {  	s31 =	sshll.u32 s0, $0x6;
	s1 =	sor.u32 s0, s1;
	p0 =	seq.s32 s2, $0x1  }
0x9: {  	s2 =	rddreg [dreg:$0x2];
	s30 =	sshrl.u32 s8, $0x1;
	p1 =	seq.s32 s1, $0x0  }
0xa: {  	s5 =	sshrl.u32 s1, $0x1;
	s1 =	rddreg [dreg:$0x4];
	p1 =	por !p1, !p0  }
0xb: {  	s6 =	simm.s32 @!p0 $0x0;
	s12 =	sor.u32 s12, s7;
	p1 =	por !p1, !p1  }
0xc: {  	s7 =	sadd.s32 $0x6C00, s9;
	s15 =	ssub.s32 s8, s30;
	s4 =	simm.s32 @!p1 $0x0  }
0xd: {  	s16 =	sadd.s32 s14, s2;
	s17 =	sadd.s32 s14, s3;
	s5 =	ssub.s32 s5, s4  }
0xe: {  	s12 =	sshrl.u32 s12, $0x3;
	s4 =	simm.s32 $0x0;
	s5 =	smul.u32 $0x2800, s5  }
0xf: {  	s14 =	sshrl.u32 s16, $0x3;
	s16 =	simm.s32 $0x80;
	[smem:$0x7FF] =	sst s4  }
0x10: {  	s12 =	sadd.s32 s12, s9;
	_ =	strace $0x80000047;
	s6 =	sadd.s32 s6, s5  }
0x11: {  	s5 =	simm.s32 $0x1;
	s11 =	sshrl.u32 s6, $0x3;
	s6 =	simm.s32 $0x1400  }
0x12: {  	s13 =	sadd.s32 s11, s9;
	s9 =	sadd.s32 s10, s11;
	s10 =	sadd.s32 $0x6E00, s12  }
0x13: {  	s11 =	sadd.s32 $0x7800, s12;
	s12 =	smax.u32 s15, $0x1;
	s15 =	sshrl.u32 s17, $0x3  }
0x14: {  	v0 =	vimm.f32 $1.000000000e+00;
	v1 =	vimm.f32 $0.0e+00;
	s17 =	simm.s32 $0x2800;
	s8 =	sadd.s32 $0x1C00, s13;
	s13 =	sor.u32 $0x1C01, s31  }
.LBB2_1:
0x15: {  	[tilespmem:s4], [sflag:$0x1] =	stream.linear.gather [hbm4b:s8+s4], $0x1400, $0x38;
	[tilespmem:$0x2E00] =	vst v63  }
0x16: {  	_ =	swait.ge [sflag:s5], $0x1400  }
0x17: {  	[sflag:s5] =	ssyncset.done $0x0  }
0x18: {  	[sflag:s5] =	ssyncadd.s32 $0xFFFFEC00  }
0x19: {  	[tilespmem:s6], [sflag:$0x1] =	stream.linear.gather [hbm4b:s9+s4], $0x1400, $0x38;
	[tilespmem:$0x2E00] =	vst v63  }
0x1a: {  	_ =	swait.ge [sflag:s5], $0x1400  }
0x1b: {  	[sflag:s5] =	ssyncset.done $0x0  }
0x1c: {  	[sflag:s5] =	ssyncadd.s32 $0xFFFFEC00  }
0x1d: {  	[spmem:s14], [sflag:s13] =	dma.local [hbm:s7], $0x50  }
0x1e: {  	_ =	swait.ge [sflag:s5], $0x50  }
0x1f: {  	[sflag:s5] =	ssyncset.done $0x0  }
0x20: {  	[sflag:s5] =	ssyncadd.s32 $0xFFFFFFB0  }
0x21: {  	[spmem:s15], [sflag:s13] =	dma.local [hbm:s7], $0x50  }
0x22: {  	_ =	swait.ge [sflag:s5], $0x50  }
0x23: {  	[sflag:s5] =	ssyncset.done $0x0  }
0x24: {  	[sflag:s5] =	ssyncadd.s32 $0xFFFFFFB0  }
0x25: {  	[tilespmem:$0x2800] =	vst v0  }
0x26: {  	[tilespmem:$0x2810] =	vst v0  }
0x27: {  	[tilespmem:$0x2820] =	vst v0  }
0x28: {  	[tilespmem:$0x2830] =	vst v0  }
0x29: {  	[tilespmem:$0x2840] =	vst v0  }
0x2a: {  	[tilespmem:$0x2850] =	vst v0  }
0x2b: {  	[tilespmem:$0x2860] =	vst v0  }
0x2c: {  	[tilespmem:$0x2870] =	vst v0  }
0x2d: {  	s22 =	simm.s32 $0x0;
	[bflag:$0x0] =	sbarrier.arrive $0xFFFF  }
0x2e: {  	v2 =	vld [tilespmem:s22+$0x0]  }
0x2f: {  	v3 =	vld [tilespmem:s22+$0x1400];
	_ =	sdelay $0x4  }
0x30: {  	vm0 =	veq.s32 v2, v3  }
0x31: {  	v2 =	vsel vm0, $0x3F800000, v1  }
0x32: {  	[tilespmem:$0x2880] =	vst v2  }
0x33: {  	v2 =	vld [tilespmem:s22+$0x10]  }
0x34: {  	v3 =	vld [tilespmem:s22+$0x1410];
	_ =	sdelay $0x4  }
0x35: {  	vm9 =	veq.s32 v2, v3  }
0x36: {  	v2 =	vsel vm9, $0x3F800000, v1  }
0x37: {  	[tilespmem:$0x2890] =	vst v2  }
0x38: {  	v2 =	vld [tilespmem:s22+$0x20]  }
0x39: {  	v3 =	vld [tilespmem:s22+$0x1420];
	_ =	sdelay $0x4  }
0x3a: {  	vm10 =	veq.s32 v2, v3  }
0x3b: {  	v2 =	vsel vm10, $0x3F800000, v1  }
0x3c: {  	[tilespmem:$0x28A0] =	vst v2  }
0x3d: {  	v2 =	vld [tilespmem:s22+$0x30]  }
0x3e: {  	v3 =	vld [tilespmem:s22+$0x1430];
	_ =	sdelay $0x4  }
0x3f: {  	vm11 =	veq.s32 v2, v3  }
0x40: {  	v2 =	vsel vm11, $0x3F800000, v1  }
0x41: {  	[tilespmem:$0x28B0] =	vst v2  }
0x42: {  	v2 =	vld [tilespmem:s22+$0x40]  }
0x43: {  	v3 =	vld [tilespmem:s22+$0x1440];
	_ =	sdelay $0x4  }
0x44: {  	vm12 =	veq.s32 v2, v3  }
0x45: {  	v2 =	vsel vm12, $0x3F800000, v1  }
0x46: {  	[tilespmem:$0x28C0] =	vst v2  }
0x47: {  	v2 =	vld [tilespmem:s22+$0x50]  }
0x48: {  	v3 =	vld [tilespmem:s22+$0x1450];
	_ =	sdelay $0x4  }
0x49: {  	vm13 =	veq.s32 v2, v3  }
0x4a: {  	v2 =	vsel vm13, $0x3F800000, v1  }
0x4b: {  	[tilespmem:$0x28D0] =	vst v2  }
0x4c: {  	v2 =	vld [tilespmem:s22+$0x60]  }
0x4d: {  	v3 =	vld [tilespmem:s22+$0x1460];
	_ =	sdelay $0x4  }
0x4e: {  	vm14 =	veq.s32 v2, v3  }
0x4f: {  	v2 =	vsel vm14, $0x3F800000, v1  }
0x50: {  	[tilespmem:$0x28E0] =	vst v2  }
0x51: {  	v2 =	vld [tilespmem:s22+$0x70]  }
0x52: {  	v3 =	vld [tilespmem:s22+$0x1470];
	_ =	sdelay $0x4  }
0x53: {  	vm15 =	veq.s32 v2, v3  }
0x54: {  	s24 =	simm.s32 $0x1400;
	s22 =	simm.s32 $0x200;
	v2 =	vsel vm15, $0x3F800000, v1  }
.LBB2_2:
0x55: {  	p0 =	sne.s32 s22, $0x4E00;
	[tilespmem:$0x28F0] =	vst v2;
	s23 =	smov.u32 s22;
	s22 =	sadd.s32 $0x200, s22  }
0x56: {  	[spmem:s2] =	stream.indirect.scatter.add.f32 [tilespmem:s17], [sflag:$0x1], $0x1, s24, s16, $0xb8;
	[tilespmem:$0x2E00] =	vst v63  }
0x57: {  	_ =	swait.ge [sflag:s5], $0x80  }
0x58: {  	[sflag:s5] =	ssyncset.done $0x0  }
0x59: {  	[sflag:s5] =	ssyncadd.s32 $0xFFFFFF80  }
0x5a: {  	[spmem:s3] =	stream.indirect.scatter.add.f32 [tilespmem:s18], [sflag:$0x1], $0x1, s24, s16, $0xb8;
	[tilespmem:$0x2E00] =	vst v63  }
0x5b: {  	_ =	swait.ge [sflag:s5], $0x80  }
0x5c: {  	[sflag:s5] =	ssyncset.done $0x0  }
0x5d: {  	s23 =	sshra.s32 s23, $0x2;
	[sflag:s5] =	ssyncadd.s32 $0xFFFFFF80  }
0x5e: {  	v2 =	vld [tilespmem:s23+$0x0]  }
0x5f: {  	v3 =	vld [tilespmem:s23+$0x1400];
	_ =	sdelay $0x4  }
0x60: {  	vm0 =	veq.s32 v2, v3  }
0x61: {  	v2 =	vsel vm0, $0x3F800000, v1  }
0x62: {  	[tilespmem:$0x2880] =	vst v2  }
0x63: {  	v2 =	vld [tilespmem:s23+$0x10]  }
0x64: {  	v3 =	vld [tilespmem:s23+$0x1410];
	_ =	sdelay $0x4  }
0x65: {  	vm0 =	veq.s32 v2, v3  }
0x66: {  	v2 =	vsel vm0, $0x3F800000, v1  }
0x67: {  	[tilespmem:$0x2890] =	vst v2  }
0x68: {  	v2 =	vld [tilespmem:s23+$0x20]  }
0x69: {  	v3 =	vld [tilespmem:s23+$0x1420];
	_ =	sdelay $0x4  }
0x6a: {  	vm0 =	veq.s32 v2, v3  }
0x6b: {  	v2 =	vsel vm0, $0x3F800000, v1  }
0x6c: {  	[tilespmem:$0x28A0] =	vst v2  }
0x6d: {  	v2 =	vld [tilespmem:s23+$0x30]  }
0x6e: {  	v3 =	vld [tilespmem:s23+$0x1430];
	_ =	sdelay $0x4  }
0x6f: {  	vm0 =	veq.s32 v2, v3  }
0x70: {  	v2 =	vsel vm0, $0x3F800000, v1  }
0x71: {  	[tilespmem:$0x28B0] =	vst v2  }
0x72: {  	v2 =	vld [tilespmem:s23+$0x40]  }
0x73: {  	v3 =	vld [tilespmem:s23+$0x1440];
	_ =	sdelay $0x4  }
0x74: {  	vm0 =	veq.s32 v2, v3  }
0x75: {  	v2 =	vsel vm0, $0x3F800000, v1  }
0x76: {  	[tilespmem:$0x28C0] =	vst v2  }
0x77: {  	v2 =	vld [tilespmem:s23+$0x50]  }
0x78: {  	v3 =	vld [tilespmem:s23+$0x1450];
	_ =	sdelay $0x4  }
0x79: {  	vm0 =	veq.s32 v2, v3  }
0x7a: {  	v2 =	vsel vm0, $0x3F800000, v1  }
0x7b: {  	[tilespmem:$0x28D0] =	vst v2  }
0x7c: {  	v2 =	vld [tilespmem:s23+$0x60]  }
0x7d: {  	v3 =	vld [tilespmem:s23+$0x1460];
	_ =	sdelay $0x4  }
0x7e: {  	vm0 =	veq.s32 v2, v3  }
0x7f: {  	v2 =	vsel vm0, $0x3F800000, v1  }
0x80: {  	[tilespmem:$0x28E0] =	vst v2  }
0x81: {  	s24 =	sadd.s32 $0x1400, s23;
	v2 =	vld [tilespmem:s23+$0x70]  }
0x82: {  	v3 =	vld [tilespmem:s23+$0x1470];
	_ =	sdelay $0x1  }
.Ltmp0:
0x83: {  	(pc) =	sbr.rel @p0 .LBB2_2-.Ltmp0, $3  }
0x84: {  	_ =	sdelay $0x1  }
0x85: {  	vm0 =	veq.s32 v2, v3  }
0x86: {  	v2 =	vsel vm0, $0x3F800000, v1  }
0x87: {  	[tilespmem:$0x28F0] =	vst v2  }
0x88: {  	[spmem:s2] =	stream.indirect.scatter.add.f32 [tilespmem:s17], [sflag:$0x1], $0x1, s24, s16, $0xb8;
	[tilespmem:$0x2E00] =	vst v63  }
0x89: {  	_ =	swait.ge [sflag:s5], $0x80  }
0x8a: {  	[sflag:s5] =	ssyncset.done $0x0  }
0x8b: {  	[sflag:s5] =	ssyncadd.s32 $0xFFFFFF80  }
0x8c: {  	[spmem:s3] =	stream.indirect.scatter.add.f32 [tilespmem:s18], [sflag:$0x1], $0x1, s24, s16, $0xb8;
	[tilespmem:$0x2E00] =	vst v63  }
0x8d: {  	_ =	swait.ge [sflag:s5], $0x80  }
0x8e: {  	[sflag:s5] =	ssyncset.done $0x0  }
0x8f: {  	[sflag:s5] =	ssyncadd.s32 $0xFFFFFF80  }
0x90: {  	[bflag:$0x0] =	sbarrier.arrive $0xFFFF  }
0x91: {  	[hbm:s10@s19], [sflag:s13] =	dma.strided [spmem:s14@s20], $0x50, s5, $0x10   }
0x92: {  	s21 =	sadd.s32 $0x1, s21;
	_ =	swait.ge [sflag:s5], $0x50  }
0x93: {  	p0 =	sne.s32 s21, s12;
	[sflag:s5] =	ssyncset.done $0x0  }
.Ltmp1:
0x94: {  	[sflag:s5] =	ssyncadd.s32 $0xFFFFFFB0;
	(pc) =	sbr.rel @p0 .LBB2_1-.Ltmp1, $4  }
0x95: {  	[hbm:s11@s19], [sflag:s13] =	dma.strided [spmem:s15@s20], $0x50, s5, $0x10   }
0x96: {  	_ =	swait.ge [sflag:s5], $0x50  }
0x97: {  	[sflag:s5] =	ssyncset.done $0x0  }
0x98: {  	[sflag:s5] =	ssyncadd.s32 $0xFFFFFFB0  }
0x99: {  	_ =	sfence.sel $0x180000  }
0x9a: {  	[bflag:$0x0] =	sbarrier.arrive $0xFFFF  }
0x9b: {  	p0 =	sne.s32 s0, $0x0;
	_ =	strace $0x90000047  }
0x9c: {  	s0 =	sadd.s32 @!p0 $0x100000, s1;
	[bflag:$0x2] =	sbarrier.arrive $0xFFFF  }
0x9d: {  	[sflag:s0] =	ssyncadd.tile.s32 @!p0 $0x1;
	_ =	shalt  }
.Lfunc_end2:
_tile_overlayer_lowered:
.L_overlay_start_2:
0x9e: {  	(tag) =	ssettag $0x2  }
0x9f: {  	s0 =	rddreg [dreg:$0x0];
	s2 =	stileid.u32  }
0xa0: {  	s1 =	rddreg [dreg:$0x1];
	p0 =	sne.s32 s2, $0x0  }
0xa1: {  	s3 =	rddreg [dreg:$0x2];
	[bflag:$0x3] =	sbarrier.arrive $0xFFFF;
	s2 =	simm.s32 @!p0 $0x1C01  }
0xa2: {  	[timem:s3], [sflag:s2] =	dma.local @!p0 [hbm:s0], s1  }
0xa3: {  	s0 =	simm.s32 @!p0 $0x1  }
0xa4: {  	_ =	swait.ge @!p0 [sflag:s0], s1  }
0xa5: {  	s1 =	ssub.s32 @!p0 $0x0, s1;
	[sflag:s0] =	ssyncset.done @!p0 $0x0  }
0xa6: {  	[sflag:s0] =	ssyncadd.s32 @!p0 s1  }
0xa7: {  	[bflag:$0x3] =	sbarrier.arrive $0xFFFF  }
0xa8: {  	_ =	shalt  }

</sc_bundles>
